<compile_context>
chip_gen: v7x
topology: tpu7x:2x2x1
jax: 0.10.2.dev20260603
libtpu: 0.0.44.dev20260713+nightly
codegen_flags: <defaults>
</compile_context>

<pallas_src>
import functools

import jax
import jax.numpy as jnp
from jax import lax
from jax.experimental import pallas as pl
from jax.experimental.pallas import tpu as pltpu
from jax.experimental.pallas import tpu_sc as plsc


def _build_gather(batch, hist, V, D, b_per_w, chunk, nbuf, n_groups, NC):
    mesh = plsc.VectorSubcoreMesh(core_axis_name="c", subcore_axis_name="s")
    B = batch * hist

    rows_per_chunk = chunk // hist
    scratch = (
        [pltpu.VMEM((chunk,), jnp.int32) for _ in range(nbuf)]
        + [pltpu.VMEM((chunk, D), jnp.float32) for _ in range(nbuf)]
        + [pltpu.VMEM((rows_per_chunk, hist), jnp.int32) for _ in range(nbuf)]
        + [pltpu.SemaphoreType.DMA for _ in range(3 * nbuf)]
    )

    @functools.partial(
        pl.kernel,
        mesh=mesh,
        out_type=jax.ShapeDtypeStruct((batch, hist, D), jnp.float32),
        scratch_types=scratch,
        compiler_params=pltpu.CompilerParams(use_tc_tiling_on_sc=False),
    )
    def gather_kernel(x_hbm2, table_hbm, out_hbm3, *bufs):
        idx_v = bufs[:nbuf]
        rows_v = bufs[nbuf:2 * nbuf]
        xrow_v = bufs[2 * nbuf:3 * nbuf]
        isem = bufs[3 * nbuf:4 * nbuf]
        gsem = bufs[4 * nbuf:5 * nbuf]
        osem = bufs[5 * nbuf:6 * nbuf]

        wid = lax.axis_index("s") * NC + lax.axis_index("c")
        base = wid * b_per_w
        xrow0 = wid * (b_per_w // hist)

        col_starts = list(range(0, hist - 15, 16))
        if col_starts[-1] != hist - 16:
            col_starts.append(hist - 16)

        def start_idx(c, b):
            pltpu.async_copy(
                x_hbm2.at[pl.ds(xrow0 + c * rows_per_chunk, rows_per_chunk), :],
                xrow_v[b], isem[b])

        def wait_idx(b):
            pltpu.make_async_copy(
                x_hbm2.at[pl.ds(xrow0, rows_per_chunk), :],
                xrow_v[b], isem[b]).wait()

        def compact_idx(b):
            for r in range(rows_per_chunk):
                for c in col_starts:
                    idx_v[b][pl.ds(r * hist + c, 16)] = (
                        xrow_v[b][r, pl.ds(c, 16)])

        def start_gather(b):
            pltpu.async_copy(table_hbm.at[idx_v[b]], rows_v[b], gsem[b])

        def wait_gather(b):
            pltpu.make_async_copy(table_hbm.at[idx_v[b]], rows_v[b],
                                  gsem[b]).wait()

        def start_out(c, b):
            for r in range(rows_per_chunk):
                pltpu.async_copy(
                    rows_v[b].at[pl.ds(r * hist, hist), :],
                    out_hbm3.at[xrow0 + c * rows_per_chunk + r],
                    osem[b])

        def wait_out(b):
            pltpu.make_async_copy(table_hbm.at[pl.ds(0, chunk), :],
                                  rows_v[b], osem[b]).wait()

        start_idx(0, 0)

        def body(g, carry):
            c0 = g * nbuf
            for b in range(1, nbuf):
                start_idx(c0 + b, b)
            for b in range(nbuf):
                wait_idx(b)
                compact_idx(b)

                @pl.when(g > 0)
                def _():
                    wait_out(b)

                start_gather(b)
            for b in range(nbuf):
                wait_gather(b)
                start_out(c0 + b, b)
                if b == 0:
                    @pl.when(g < n_groups - 1)
                    def _():
                        start_idx(c0 + nbuf, 0)
            return carry

        lax.fori_loop(0, n_groups, body, 0)
        for b in range(nbuf):
            wait_out(b)

    return gather_kernel


def kernel(x, table):
    batch, hist = x.shape
    V, D = table.shape
    B = batch * hist

    info = plsc.get_sparse_core_info()
    NC, NS = info.num_cores, info.num_subcores
    NW = NC * NS
    b_per_w = B // NW
    chunk = 800
    nbuf = 4
    n_groups = b_per_w // (chunk * nbuf)

    return _build_gather(batch, hist, V, D, b_per_w, chunk, nbuf,
                         n_groups, NC)(x, table)

# --- scband reference (transcript-rebuilt; emitter-appended) ---
"""Pipeline reference for scband-type-embedding-33208687133090 (READ-ONLY COPY).

The authoritative reference and input builder live on the scoring server;
editing this copy changes nothing except your own understanding.
"""

import jax, jax.numpy as jnp
import numpy as np

TYPE_NUM = 1000000
TYPE_DIM = 32
BATCH = 16384
HIST = 50

def setup_inputs(seed: int = 0) -> dict:
    key = jax.random.key(seed)
    k1, k2 = jax.random.split(key)
    x = jax.random.randint(k1, (BATCH, HIST), 0, TYPE_NUM, dtype=jnp.int64 if jax.config.jax_enable_x64 else jnp.int32)
    table = jax.random.normal(k2, (TYPE_NUM, TYPE_DIM), dtype=jnp.float32)
    return {"x": x, "table": table}

def reference(x, table):
    # nn.Embedding forward: row gather from the embedding table
    return jnp.take(table, x, axis=0)

if __name__ == "__main__":
    import jax
    _d = setup_inputs()
    print(jax.jit(kernel)(*tuple(_d.values())))

</pallas_src>

<mosaic_0001>
#map = affine_map<(d0, d1) -> (0, 0)>
#map1 = affine_map<(d0, d1) -> (0, 0, 0)>
module attributes {stable_mosaic.version = 14 : i64} {
  func.func @gather_kernel(%arg0: i32, %arg1: i32, %arg2: memref<16384x50xi32, #tpu.memory_space<hbm>>, %arg3: memref<1000000x32xf32, #tpu.memory_space<hbm>>, %arg4: memref<16384x50x32xf32, #tpu.memory_space<hbm>>, %arg5: memref<800xi32, #tpu.memory_space<vmem>>, %arg6: memref<800xi32, #tpu.memory_space<vmem>>, %arg7: memref<800xi32, #tpu.memory_space<vmem>>, %arg8: memref<800xi32, #tpu.memory_space<vmem>>, %arg9: memref<800x32xf32, #tpu.memory_space<vmem>>, %arg10: memref<800x32xf32, #tpu.memory_space<vmem>>, %arg11: memref<800x32xf32, #tpu.memory_space<vmem>>, %arg12: memref<800x32xf32, #tpu.memory_space<vmem>>, %arg13: memref<16x50xi32, #tpu.memory_space<vmem>>, %arg14: memref<16x50xi32, #tpu.memory_space<vmem>>, %arg15: memref<16x50xi32, #tpu.memory_space<vmem>>, %arg16: memref<16x50xi32, #tpu.memory_space<vmem>>, %arg17: memref<!tpu.dma_semaphore, #tpu.memory_space<semaphore_mem>>, %arg18: memref<!tpu.dma_semaphore, #tpu.memory_space<semaphore_mem>>, %arg19: memref<!tpu.dma_semaphore, #tpu.memory_space<semaphore_mem>>, %arg20: memref<!tpu.dma_semaphore, #tpu.memory_space<semaphore_mem>>, %arg21: memref<!tpu.dma_semaphore, #tpu.memory_space<semaphore_mem>>, %arg22: memref<!tpu.dma_semaphore, #tpu.memory_space<semaphore_mem>>, %arg23: memref<!tpu.dma_semaphore, #tpu.memory_space<semaphore_mem>>, %arg24: memref<!tpu.dma_semaphore, #tpu.memory_space<semaphore_mem>>, %arg25: memref<!tpu.dma_semaphore, #tpu.memory_space<semaphore_mem>>, %arg26: memref<!tpu.dma_semaphore, #tpu.memory_space<semaphore_mem>>, %arg27: memref<!tpu.dma_semaphore, #tpu.memory_space<semaphore_mem>>, %arg28: memref<!tpu.dma_semaphore, #tpu.memory_space<semaphore_mem>>) attributes {dimension_semantics = [#tpu.dimension_semantics<core_parallel>, #tpu.dimension_semantics<subcore_parallel>], iteration_bounds = array<i64: 2, 16>, scalar_prefetch = 0 : i64, scratch_operands = 24 : i64, tpu.core_type = #tpu.core_type<sc_vector_subcore>, window_params = [{transform_indices = #map}, {transform_indices = #map}, {transform_indices = #map1}]} {
    %mul3A = arith.constant 2 : i32
    %mul3A_0 = arith.muli %arg1, %mul3A : i32
    %add3A = arith.addi %mul3A_0, %arg0 : i32
    %mul3A_1 = arith.constant 25600 : i32
    %mul3A_2 = arith.muli %add3A, %mul3A_1 : i32
    %mul3A_3 = arith.constant 512 : i32
    %mul3A_4 = arith.muli %add3A, %mul3A_3 : i32
    %add3A_5 = arith.constant 0 : i32
    %add3A_6 = arith.addi %mul3A_4, %add3A_5 : i32
    %dma_start3A = arith.constant 0 : i32
    %dma_start3A_7 = tpu.memref_slice %arg2[%add3A_6, %dma_start3A] : memref<16384x50xi32, #tpu.memory_space<hbm>> -> memref<16x50xi32, #tpu.memory_space<hbm>>
    %dma_start3A_8 = arith.constant 0 : i32
    %dma_start3A_9 = tpu.memref_slice %arg2[%add3A_6, %dma_start3A_8] : memref<16384x50xi32, #tpu.memory_space<hbm>> -> memref<16x50xi32, #tpu.memory_space<hbm>>
    tpu.enqueue_dma source(%dma_start3A_9 : memref<16x50xi32, #tpu.memory_space<hbm>>) target(%arg13 : memref<16x50xi32, #tpu.memory_space<vmem>>) target_semaphore(%arg17 : memref<!tpu.dma_semaphore, #tpu.memory_space<semaphore_mem>>)
    %scan3A = arith.constant 0 : i32
    %scan3A_10 = arith.constant 0 : i32
    %scan3A_11 = arith.constant 8 : i32
    %scan3A_12 = arith.addi %scan3A_10, %scan3A_11 : i32
    %scan3A_13 = arith.constant 1 : i32
    scf.for %scan3A_38 = %scan3A_10 to %scan3A_12 step %scan3A_13  : i32 {
      %mul3A_39 = arith.constant 4 : i32
      %mul3A_40 = arith.muli %scan3A_38, %mul3A_39 : i32
      %add3A_41 = arith.constant 1 : i32
      %add3A_42 = arith.addi %mul3A_40, %add3A_41 : i32
      %mul3A_43 = arith.constant 16 : i32
      %mul3A_44 = arith.muli %add3A_42, %mul3A_43 : i32
      %add3A_45 = arith.addi %mul3A_4, %mul3A_44 : i32
      %dma_start3A_46 = arith.constant 0 : i32
      %dma_start3A_47 = tpu.memref_slice %arg2[%add3A_45, %dma_start3A_46] : memref<16384x50xi32, #tpu.memory_space<hbm>> -> memref<16x50xi32, #tpu.memory_space<hbm>>
      %dma_start3A_48 = arith.constant 0 : i32
      %dma_start3A_49 = tpu.memref_slice %arg2[%add3A_45, %dma_start3A_48] : memref<16384x50xi32, #tpu.memory_space<hbm>> -> memref<16x50xi32, #tpu.memory_space<hbm>>
      tpu.enqueue_dma source(%dma_start3A_49 : memref<16x50xi32, #tpu.memory_space<hbm>>) target(%arg14 : memref<16x50xi32, #tpu.memory_space<vmem>>) target_semaphore(%arg18 : memref<!tpu.dma_semaphore, #tpu.memory_space<semaphore_mem>>)
      %add3A_50 = arith.constant 2 : i32
      %add3A_51 = arith.addi %mul3A_40, %add3A_50 : i32
      %mul3A_52 = arith.constant 16 : i32
      %mul3A_53 = arith.muli %add3A_51, %mul3A_52 : i32
      %add3A_54 = arith.addi %mul3A_4, %mul3A_53 : i32
      %dma_start3A_55 = arith.constant 0 : i32
      %dma_start3A_56 = tpu.memref_slice %arg2[%add3A_54, %dma_start3A_55] : memref<16384x50xi32, #tpu.memory_space<hbm>> -> memref<16x50xi32, #tpu.memory_space<hbm>>
      %dma_start3A_57 = arith.constant 0 : i32
      %dma_start3A_58 = tpu.memref_slice %arg2[%add3A_54, %dma_start3A_57] : memref<16384x50xi32, #tpu.memory_space<hbm>> -> memref<16x50xi32, #tpu.memory_space<hbm>>
      tpu.enqueue_dma source(%dma_start3A_58 : memref<16x50xi32, #tpu.memory_space<hbm>>) target(%arg15 : memref<16x50xi32, #tpu.memory_space<vmem>>) target_semaphore(%arg19 : memref<!tpu.dma_semaphore, #tpu.memory_space<semaphore_mem>>)
      %add3A_59 = arith.constant 3 : i32
      %add3A_60 = arith.addi %mul3A_40, %add3A_59 : i32
      %mul3A_61 = arith.constant 16 : i32
      %mul3A_62 = arith.muli %add3A_60, %mul3A_61 : i32
      %add3A_63 = arith.addi %mul3A_4, %mul3A_62 : i32
      %dma_start3A_64 = arith.constant 0 : i32
      %dma_start3A_65 = tpu.memref_slice %arg2[%add3A_63, %dma_start3A_64] : memref<16384x50xi32, #tpu.memory_space<hbm>> -> memref<16x50xi32, #tpu.memory_space<hbm>>
      %dma_start3A_66 = arith.constant 0 : i32
      %dma_start3A_67 = tpu.memref_slice %arg2[%add3A_63, %dma_start3A_66] : memref<16384x50xi32, #tpu.memory_space<hbm>> -> memref<16x50xi32, #tpu.memory_space<hbm>>
      tpu.enqueue_dma source(%dma_start3A_67 : memref<16x50xi32, #tpu.memory_space<hbm>>) target(%arg16 : memref<16x50xi32, #tpu.memory_space<vmem>>) target_semaphore(%arg20 : memref<!tpu.dma_semaphore, #tpu.memory_space<semaphore_mem>>)
      %dma_wait3A_68 = arith.constant 0 : i32
      %dma_wait3A_69 = tpu.memref_slice %arg2[%mul3A_4, %dma_wait3A_68] : memref<16384x50xi32, #tpu.memory_space<hbm>> -> memref<16x50xi32, #tpu.memory_space<hbm>>
      %dma_wait3A_70 = arith.constant 0 : i32
      %dma_wait3A_71 = tpu.memref_slice %arg2[%mul3A_4, %dma_wait3A_70] : memref<16384x50xi32, #tpu.memory_space<hbm>> -> memref<16x50xi32, #tpu.memory_space<hbm>>
      tpu.wait_dma2 semaphore(%arg17 : memref<!tpu.dma_semaphore, #tpu.memory_space<semaphore_mem>>) src(%dma_wait3A_71 : memref<16x50xi32, #tpu.memory_space<hbm>>) dst(%arg13 : memref<16x50xi32, #tpu.memory_space<vmem>>)
      %get3A = arith.constant 0 : i32
      %get3A_72 = arith.index_cast %get3A : i32 to index
      %get3A_73 = arith.constant 0 : index
      %get3A_74 = tpu.vector_load %arg13[%get3A_72, %get3A_73] {strides = array<i32>} : memref<16x50xi32, #tpu.memory_space<vmem>>, vector<1x16xi32>,
      %get3A_75 = vector.shape_cast %get3A_74 : vector<1x16xi32> to vector<16xi32>
      %swap3A = arith.constant 0 : index
      %swap3A_76 = tpu.vector_load %arg5[%swap3A] {strides = array<i32>} : memref<800xi32, #tpu.memory_space<vmem>>, vector<16xi32>,
      %swap3A_77 = vector.shape_cast %swap3A_76 : vector<16xi32> to vector<16xi32>
      %swap3A_78 = vector.shape_cast %get3A_75 : vector<16xi32> to vector<16xi32>
      tpu.vector_store %arg5[%swap3A], %swap3A_78 {strides = array<i32>} : memref<800xi32, #tpu.memory_space<vmem>>, vector<16xi32>,
      %get3A_79 = arith.constant 0 : i32
      %get3A_80 = arith.index_cast %get3A_79 : i32 to index
      %get3A_81 = arith.constant 16 : index
      %get3A_82 = tpu.vector_load %arg13[%get3A_80, %get3A_81] {strides = array<i32>} : memref<16x50xi32, #tpu.memory_space<vmem>>, vector<1x16xi32>,
      %get3A_83 = vector.shape_cast %get3A_82 : vector<1x16xi32> to vector<16xi32>
      %swap3A_84 = arith.constant 16 : index
      %swap3A_85 = tpu.vector_load %arg5[%swap3A_84] {strides = array<i32>} : memref<800xi32, #tpu.memory_space<vmem>>, vector<16xi32>,
      %swap3A_86 = vector.shape_cast %swap3A_85 : vector<16xi32> to vector<16xi32>
      %swap3A_87 = vector.shape_cast %get3A_83 : vector<16xi32> to vector<16xi32>
      tpu.vector_store %arg5[%swap3A_84], %swap3A_87 {strides = array<i32>} : memref<800xi32, #tpu.memory_space<vmem>>, vector<16xi32>,
      %get3A_88 = arith.constant 0 : i32
      %get3A_89 = arith.index_cast %get3A_88 : i32 to index
      %get3A_90 = arith.constant 32 : index
      %get3A_91 = tpu.vector_load %arg13[%get3A_89, %get3A_90] {strides = array<i32>} : memref<16x50xi32, #tpu.memory_space<vmem>>, vector<1x16xi32>,
      %get3A_92 = vector.shape_cast %get3A_91 : vector<1x16xi32> to vector<16xi32>
      %swap3A_93 = arith.constant 32 : index
      %swap3A_94 = tpu.vector_load %arg5[%swap3A_93] {strides = array<i32>} : memref<800xi32, #tpu.memory_space<vmem>>, vector<16xi32>,
      %swap3A_95 = vector.shape_cast %swap3A_94 : vector<16xi32> to vector<16xi32>
      %swap3A_96 = vector.shape_cast %get3A_92 : vector<16xi32> to vector<16xi32>
      tpu.vector_store %arg5[%swap3A_93], %swap3A_96 {strides = array<i32>} : memref<800xi32, #tpu.memory_space<vmem>>, vector<16xi32>,
      %get3A_97 = arith.constant 0 : i32
      %get3A_98 = arith.index_cast %get3A_97 : i32 to index
      %get3A_99 = arith.constant 34 : index
      %get3A_100 = tpu.vector_load %arg13[%get3A_98, %get3A_99] {strides = array<i32>} : memref<16x50xi32, #tpu.memory_space<vmem>>, vector<1x16xi32>,
      %get3A_101 = vector.shape_cast %get3A_100 : vector<1x16xi32> to vector<16xi32>
      %swap3A_102 = arith.constant 34 : index
      %swap3A_103 = tpu.vector_load %arg5[%swap3A_102] {strides = array<i32>} : memref<800xi32, #tpu.memory_space<vmem>>, vector<16xi32>,
      %swap3A_104 = vector.shape_cast %swap3A_103 : vector<16xi32> to vector<16xi32>
      %swap3A_105 = vector.shape_cast %get3A_101 : vector<16xi32> to vector<16xi32>
      tpu.vector_store %arg5[%swap3A_102], %swap3A_105 {strides = array<i32>} : memref<800xi32, #tpu.memory_space<vmem>>, vector<16xi32>,
      %get3A_106 = arith.constant 1 : i32
      %get3A_107 = arith.index_cast %get3A_106 : i32 to index
      %get3A_108 = arith.constant 0 : index
      %get3A_109 = tpu.vector_load %arg13[%get3A_107, %get3A_108] {strides = array<i32>} : memref<16x50xi32, #tpu.memory_space<vmem>>, vector<1x16xi32>,
      %get3A_110 = vector.shape_cast %get3A_109 : vector<1x16xi32> to vector<16xi32>
      %swap3A_111 = arith.constant 50 : index
      %swap3A_112 = tpu.vector_load %arg5[%swap3A_111] {strides = array<i32>} : memref<800xi32, #tpu.memory_space<vmem>>, vector<16xi32>,
      %swap3A_113 = vector.shape_cast %swap3A_112 : vector<16xi32> to vector<16xi32>
      %swap3A_114 = vector.shape_cast %get3A_110 : vector<16xi32> to vector<16xi32>
      tpu.vector_store %arg5[%swap3A_111], %swap3A_114 {strides = array<i32>} : memref<800xi32, #tpu.memory_space<vmem>>, vector<16xi32>,
      %get3A_115 = arith.constant 1 : i32
      %get3A_116 = arith.index_cast %get3A_115 : i32 to index
      %get3A_117 = arith.constant 16 : index
      %get3A_118 = tpu.vector_load %arg13[%get3A_116, %get3A_117] {strides = array<i32>} : memref<16x50xi32, #tpu.memory_space<vmem>>, vector<1x16xi32>,
      %get3A_119 = vector.shape_cast %get3A_118 : vector<1x16xi32> to vector<16xi32>
      %swap3A_120 = arith.constant 66 : index
      %swap3A_121 = tpu.vector_load %arg5[%swap3A_120] {strides = array<i32>} : memref<800xi32, #tpu.memory_space<vmem>>, vector<16xi32>,
      %swap3A_122 = vector.shape_cast %swap3A_121 : vector<16xi32> to vector<16xi32>
      %swap3A_123 = vector.shape_cast %get3A_119 : vector<16xi32> to vector<16xi32>
      tpu.vector_store %arg5[%swap3A_120], %swap3A_123 {strides = array<i32>} : memref<800xi32, #tpu.memory_space<vmem>>, vector<16xi32>,
      %get3A_124 = arith.constant 1 : i32
      %get3A_125 = arith.index_cast %get3A_124 : i32 to index
      %get3A_126 = arith.constant 32 : index
      %get3A_127 = tpu.vector_load %arg13[%get3A_125, %get3A_126] {strides = array<i32>} : memref<16x50xi32, #tpu.memory_space<vmem>>, vector<1x16xi32>,
      %get3A_128 = vector.shape_cast %get3A_127 : vector<1x16xi32> to vector<16xi32>
      %swap3A_129 = arith.constant 82 : index
      %swap3A_130 = tpu.vector_load %arg5[%swap3A_129] {strides = array<i32>} : memref<800xi32, #tpu.memory_space<vmem>>, vector<16xi32>,
      %swap3A_131 = vector.shape_cast %swap3A_130 : vector<16xi32> to vector<16xi32>
      %swap3A_132 = vector.shape_cast %get3A_128 : vector<16xi32> to vector<16xi32>
      tpu.vector_store %arg5[%swap3A_129], %swap3A_132 {strides = array<i32>} : memref<800xi32, #tpu.memory_space<vmem>>, vector<16xi32>,
      %get3A_133 = arith.constant 1 : i32
      %get3A_134 = arith.index_cast %get3A_133 : i32 to index
      %get3A_135 = arith.constant 34 : index
      %get3A_136 = tpu.vector_load %arg13[%get3A_134, %get3A_135] {strides = array<i32>} : memref<16x50xi32, #tpu.memory_space<vmem>>, vector<1x16xi32>,
      %get3A_137 = vector.shape_cast %get3A_136 : vector<1x16xi32> to vector<16xi32>
      %swap3A_138 = arith.constant 84 : index
      %swap3A_139 = tpu.vector_load %arg5[%swap3A_138] {strides = array<i32>} : memref<800xi32, #tpu.memory_space<vmem>>, vector<16xi32>,
      %swap3A_140 = vector.shape_cast %swap3A_139 : vector<16xi32> to vector<16xi32>
      %swap3A_141 = vector.shape_cast %get3A_137 : vector<16xi32> to vector<16xi32>
      tpu.vector_store %arg5[%swap3A_138], %swap3A_141 {strides = array<i32>} : memref<800xi32, #tpu.memory_space<vmem>>, vector<16xi32>,
      %get3A_142 = arith.constant 2 : i32
      %get3A_143 = arith.index_cast %get3A_142 : i32 to index
      %get3A_144 = arith.constant 0 : index
      %get3A_145 = tpu.vector_load %arg13[%get3A_143, %get3A_144] {strides = array<i32>} : memref<16x50xi32, #tpu.memory_space<vmem>>, vector<1x16xi32>,
      %get3A_146 = vector.shape_cast %get3A_145 : vector<1x16xi32> to vector<16xi32>
      %swap3A_147 = arith.constant 100 : index
      %swap3A_148 = tpu.vector_load %arg5[%swap3A_147] {strides = array<i32>} : memref<800xi32, #tpu.memory_space<vmem>>, vector<16xi32>,
      %swap3A_149 = vector.shape_cast %swap3A_148 : vector<16xi32> to vector<16xi32>
      %swap3A_150 = vector.shape_cast %get3A_146 : vector<16xi32> to vector<16xi32>
      tpu.vector_store %arg5[%swap3A_147], %swap3A_150 {strides = array<i32>} : memref<800xi32, #tpu.memory_space<vmem>>, vector<16xi32>,
      %get3A_151 = arith.constant 2 : i32
      %get3A_152 = arith.index_cast %get3A_151 : i32 to index
      %get3A_153 = arith.constant 16 : index
      %get3A_154 = tpu.vector_load %arg13[%get3A_152, %get3A_153] {strides = array<i32>} : memref<16x50xi32, #tpu.memory_space<vmem>>, vector<1x16xi32>,
      %get3A_155 = vector.shape_cast %get3A_154 : vector<1x16xi32> to vector<16xi32>
      %swap3A_156 = arith.constant 116 : index
      %swap3A_157 = tpu.vector_load %arg5[%swap3A_156] {strides = array<i32>} : memref<800xi32, #tpu.memory_space<vmem>>, vector<16xi32>,
      %swap3A_158 = vector.shape_cast %swap3A_157 : vector<16xi32> to vector<16xi32>
      %swap3A_159 = vector.shape_cast %get3A_155 : vector<16xi32> to vector<16xi32>
      tpu.vector_store %arg5[%swap3A_156], %swap3A_159 {strides = array<i32>} : memref<800xi32, #tpu.memory_space<vmem>>, vector<16xi32>,
      %get3A_160 = arith.constant 2 : i32
      %get3A_161 = arith.index_cast %get3A_160 : i32 to index
      %get3A_162 = arith.constant 32 : index
      %get3A_163 = tpu.vector_load %arg13[%get3A_161, %get3A_162] {strides = array<i32>} : memref<16x50xi32, #tpu.memory_space<vmem>>, vector<1x16xi32>,
      %get3A_164 = vector.shape_cast %get3A_163 : vector<1x16xi32> to vector<16xi32>
      %swap3A_165 = arith.constant 132 : index
      %swap3A_166 = tpu.vector_load %arg5[%swap3A_165] {strides = array<i32>} : memref<800xi32, #tpu.memory_space<vmem>>, vector<16xi32>,
      %swap3A_167 = vector.shape_cast %swap3A_166 : vector<16xi32> to vector<16xi32>
      %swap3A_168 = vector.shape_cast %get3A_164 : vector<16xi32> to vector<16xi32>
      tpu.vector_store %arg5[%swap3A_165], %swap3A_168 {strides = array<i32>} : memref<800xi32, #tpu.memory_space<vmem>>, vector<16xi32>,
      %get3A_169 = arith.constant 2 : i32
      %get3A_170 = arith.index_cast %get3A_169 : i32 to index
      %get3A_171 = arith.constant 34 : index
      %get3A_172 = tpu.vector_load %arg13[%get3A_170, %get3A_171] {strides = array<i32>} : memref<16x50xi32, #tpu.memory_space<vmem>>, vector<1x16xi32>,
      %get3A_173 = vector.shape_cast %get3A_172 : vector<1x16xi32> to vector<16xi32>
      %swap3A_174 = arith.constant 134 : index
      %swap3A_175 = tpu.vector_load %arg5[%swap3A_174] {strides = array<i32>} : memref<800xi32, #tpu.memory_space<vmem>>, vector<16xi32>,
      %swap3A_176 = vector.shape_cast %swap3A_175 : vector<16xi32> to vector<16xi32>
      %swap3A_177 = vector.shape_cast %get3A_173 : vector<16xi32> to vector<16xi32>
      tpu.vector_store %arg5[%swap3A_174], %swap3A_177 {strides = array<i32>} : memref<800xi32, #tpu.memory_space<vmem>>, vector<16xi32>,
      %get3A_178 = arith.constant 3 : i32
      %get3A_179 = arith.index_cast %get3A_178 : i32 to index
      %get3A_180 = arith.constant 0 : index
      %get3A_181 = tpu.vector_load %arg13[%get3A_179, %get3A_180] {strides = array<i32>} : memref<16x50xi32, #tpu.memory_space<vmem>>, vector<1x16xi32>,
      %get3A_182 = vector.shape_cast %get3A_181 : vector<1x16xi32> to vector<16xi32>
      %swap3A_183 = arith.constant 150 : index
      %swap3A_184 = tpu.vector_load %arg5[%swap3A_183] {strides = array<i32>} : memref<800xi32, #tpu.memory_space<vmem>>, vector<16xi32>,
      %swap3A_185 = vector.shape_cast %swap3A_184 : vector<16xi32> to vector<16xi32>
      %swap3A_186 = vector.shape_cast %get3A_182 : vector<16xi32> to vector<16xi32>
      tpu.vector_store %arg5[%swap3A_183], %swap3A_186 {strides = array<i32>} : memref<800xi32, #tpu.memory_space<vmem>>, vector<16xi32>,
      %get3A_187 = arith.constant 3 : i32
      %get3A_188 = arith.index_cast %get3A_187 : i32 to index
      %get3A_189 = arith.constant 16 : index
      %get3A_190 = tpu.vector_load %arg13[%get3A_188, %get3A_189] {strides = array<i32>} : memref<16x50xi32, #tpu.memory_space<vmem>>, vector<1x16xi32>,
      %get3A_191 = vector.shape_cast %get3A_190 : vector<1x16xi32> to vector<16xi32>
      %swap3A_192 = arith.constant 166 : index
      %swap3A_193 = tpu.vector_load %arg5[%swap3A_192] {strides = array<i32>} : memref<800xi32, #tpu.memory_space<vmem>>, vector<16xi32>,
      %swap3A_194 = vector.shape_cast %swap3A_193 : vector<16xi32> to vector<16xi32>
      %swap3A_195 = vector.shape_cast %get3A_191 : vector<16xi32> to vector<16xi32>
      tpu.vector_store %arg5[%swap3A_192], %swap3A_195 {strides = array<i32>} : memref<800xi32, #tpu.memory_space<vmem>>, vector<16xi32>,
      %get3A_196 = arith.constant 3 : i32
      %get3A_197 = arith.index_cast %get3A_196 : i32 to index
      %get3A_198 = arith.constant 32 : index
      %get3A_199 = tpu.vector_load %arg13[%get3A_197, %get3A_198] {strides = array<i32>} : memref<16x50xi32, #tpu.memory_space<vmem>>, vector<1x16xi32>,
      %get3A_200 = vector.shape_cast %get3A_199 : vector<1x16xi32> to vector<16xi32>
      %swap3A_201 = arith.constant 182 : index
      %swap3A_202 = tpu.vector_load %arg5[%swap3A_201] {strides = array<i32>} : memref<800xi32, #tpu.memory_space<vmem>>, vector<16xi32>,
      %swap3A_203 = vector.shape_cast %swap3A_202 : vector<16xi32> to vector<16xi32>
      %swap3A_204 = vector.shape_cast %get3A_200 : vector<16xi32> to vector<16xi32>
      tpu.vector_store %arg5[%swap3A_201], %swap3A_204 {strides = array<i32>} : memref<800xi32, #tpu.memory_space<vmem>>, vector<16xi32>,
      %get3A_205 = arith.constant 3 : i32
      %get3A_206 = arith.index_cast %get3A_205 : i32 to index
      %get3A_207 = arith.constant 34 : index
      %get3A_208 = tpu.vector_load %arg13[%get3A_206, %get3A_207] {strides = array<i32>} : memref<16x50xi32, #tpu.memory_space<vmem>>, vector<1x16xi32>,
      %get3A_209 = vector.shape_cast %get3A_208 : vector<1x16xi32> to vector<16xi32>
      %swap3A_210 = arith.constant 184 : index
      %swap3A_211 = tpu.vector_load %arg5[%swap3A_210] {strides = array<i32>} : memref<800xi32, #tpu.memory_space<vmem>>, vector<16xi32>,
      %swap3A_212 = vector.shape_cast %swap3A_211 : vector<16xi32> to vector<16xi32>
      %swap3A_213 = vector.shape_cast %get3A_209 : vector<16xi32> to vector<16xi32>
      tpu.vector_store %arg5[%swap3A_210], %swap3A_213 {strides = array<i32>} : memref<800xi32, #tpu.memory_space<vmem>>, vector<16xi32>,
      %get3A_214 = arith.constant 4 : i32
      %get3A_215 = arith.index_cast %get3A_214 : i32 to index
      %get3A_216 = arith.constant 0 : index
      %get3A_217 = tpu.vector_load %arg13[%get3A_215, %get3A_216] {strides = array<i32>} : memref<16x50xi32, #tpu.memory_space<vmem>>, vector<1x16xi32>,
      %get3A_218 = vector.shape_cast %get3A_217 : vector<1x16xi32> to vector<16xi32>
      %swap3A_219 = arith.constant 200 : index
      %swap3A_220 = tpu.vector_load %arg5[%swap3A_219] {strides = array<i32>} : memref<800xi32, #tpu.memory_space<vmem>>, vector<16xi32>,
      %swap3A_221 = vector.shape_cast %swap3A_220 : vector<16xi32> to vector<16xi32>
      %swap3A_222 = vector.shape_cast %get3A_218 : vector<16xi32> to vector<16xi32>
      tpu.vector_store %arg5[%swap3A_219], %swap3A_222 {strides = array<i32>} : memref<800xi32, #tpu.memory_space<vmem>>, vector<16xi32>,
      %get3A_223 = arith.constant 4 : i32
      %get3A_224 = arith.index_cast %get3A_223 : i32 to index
      %get3A_225 = arith.constant 16 : index
      %get3A_226 = tpu.vector_load %arg13[%get3A_224, %get3A_225] {strides = array<i32>} : memref<16x50xi32, #tpu.memory_space<vmem>>, vector<1x16xi32>,
      %get3A_227 = vector.shape_cast %get3A_226 : vector<1x16xi32> to vector<16xi32>
      %swap3A_228 = arith.constant 216 : index
      %swap3A_229 = tpu.vector_load %arg5[%swap3A_228] {strides = array<i32>} : memref<800xi32, #tpu.memory_space<vmem>>, vector<16xi32>,
      %swap3A_230 = vector.shape_cast %swap3A_229 : vector<16xi32> to vector<16xi32>
      %swap3A_231 = vector.shape_cast %get3A_227 : vector<16xi32> to vector<16xi32>
      tpu.vector_store %arg5[%swap3A_228], %swap3A_231 {strides = array<i32>} : memref<800xi32, #tpu.memory_space<vmem>>, vector<16xi32>,
      %get3A_232 = arith.constant 4 : i32
      %get3A_233 = arith.index_cast %get3A_232 : i32 to index
      %get3A_234 = arith.constant 32 : index
      %get3A_235 = tpu.vector_load %arg13[%get3A_233, %get3A_234] {strides = array<i32>} : memref<16x50xi32, #tpu.memory_space<vmem>>, vector<1x16xi32>,
      %get3A_236 = vector.shape_cast %get3A_235 : vector<1x16xi32> to vector<16xi32>
      %swap3A_237 = arith.constant 232 : index
      %swap3A_238 = tpu.vector_load %arg5[%swap3A_237] {strides = array<i32>} : memref<800xi32, #tpu.memory_space<vmem>>, vector<16xi32>,
      %swap3A_239 = vector.shape_cast %swap3A_238 : vector<16xi32> to vector<16xi32>
      %swap3A_240 = vector.shape_cast %get3A_236 : vector<16xi32> to vector<16xi32>
      tpu.vector_store %arg5[%swap3A_237], %swap3A_240 {strides = array<i32>} : memref<800xi32, #tpu.memory_space<vmem>>, vector<16xi32>,
      %get3A_241 = arith.constant 4 : i32
      %get3A_242 = arith.index_cast %get3A_241 : i32 to index
      %get3A_243 = arith.constant 34 : index
      %get3A_244 = tpu.vector_load %arg13[%get3A_242, %get3A_243] {strides = array<i32>} : memref<16x50xi32, #tpu.memory_space<vmem>>, vector<1x16xi32>,
      %get3A_245 = vector.shape_cast %get3A_244 : vector<1x16xi32> to vector<16xi32>
      %swap3A_246 = arith.constant 234 : index
      %swap3A_247 = tpu.vector_load %arg5[%swap3A_246] {strides = array<i32>} : memref<800xi32, #tpu.memory_space<vmem>>, vector<16xi32>,
      %swap3A_248 = vector.shape_cast %swap3A_247 : vector<16xi32> to vector<16xi32>
      %swap3A_249 = vector.shape_cast %get3A_245 : vector<16xi32> to vector<16xi32>
      tpu.vector_store %arg5[%swap3A_246], %swap3A_249 {strides = array<i32>} : memref<800xi32, #tpu.memory_space<vmem>>, vector<16xi32>,
      %get3A_250 = arith.constant 5 : i32
      %get3A_251 = arith.index_cast %get3A_250 : i32 to index
      %get3A_252 = arith.constant 0 : index
      %get3A_253 = tpu.vector_load %arg13[%get3A_251, %get3A_252] {strides = array<i32>} : memref<16x50xi32, #tpu.memory_space<vmem>>, vector<1x16xi32>,
      %get3A_254 = vector.shape_cast %get3A_253 : vector<1x16xi32> to vector<16xi32>
      %swap3A_255 = arith.constant 250 : index
      %swap3A_256 = tpu.vector_load %arg5[%swap3A_255] {strides = array<i32>} : memref<800xi32, #tpu.memory_space<vmem>>, vector<16xi32>,
      %swap3A_257 = vector.shape_cast %swap3A_256 : vector<16xi32> to vector<16xi32>
      %swap3A_258 = vector.shape_cast %get3A_254 : vector<16xi32> to vector<16xi32>
      tpu.vector_store %arg5[%swap3A_255], %swap3A_258 {strides = array<i32>} : memref<800xi32, #tpu.memory_space<vmem>>, vector<16xi32>,
      %get3A_259 = arith.constant 5 : i32
      %get3A_260 = arith.index_cast %get3A_259 : i32 to index
      %get3A_261 = arith.constant 16 : index
      %get3A_262 = tpu.vector_load %arg13[%get3A_260, %get3A_261] {strides = array<i32>} : memref<16x50xi32, #tpu.memory_space<vmem>>, vector<1x16xi32>,
      %get3A_263 = vector.shape_cast %get3A_262 : vector<1x16xi32> to vector<16xi32>
      %swap3A_264 = arith.constant 266 : index
      %swap3A_265 = tpu.vector_load %arg5[%swap3A_264] {strides = array<i32>} : memref<800xi32, #tpu.memory_space<vmem>>, vector<16xi32>,
      %swap3A_266 = vector.shape_cast %swap3A_265 : vector<16xi32> to vector<16xi32>
      %swap3A_267 = vector.shape_cast %get3A_263 : vector<16xi32> to vector<16xi32>
      tpu.vector_store %arg5[%swap3A_264], %swap3A_267 {strides = array<i32>} : memref<800xi32, #tpu.memory_space<vmem>>, vector<16xi32>,
      %get3A_268 = arith.constant 5 : i32
      %get3A_269 = arith.index_cast %get3A_268 : i32 to index
      %get3A_270 = arith.constant 32 : index
      %get3A_271 = tpu.vector_load %arg13[%get3A_269, %get3A_270] {strides = array<i32>} : memref<16x50xi32, #tpu.memory_space<vmem>>, vector<1x16xi32>,
      %get3A_272 = vector.shape_cast %get3A_271 : vector<1x16xi32> to vector<16xi32>
      %swap3A_273 = arith.constant 282 : index
      %swap3A_274 = tpu.vector_load %arg5[%swap3A_273] {strides = array<i32>} : memref<800xi32, #tpu.memory_space<vmem>>, vector<16xi32>,
      %swap3A_275 = vector.shape_cast %swap3A_274 : vector<16xi32> to vector<16xi32>
      %swap3A_276 = vector.shape_cast %get3A_272 : vector<16xi32> to vector<16xi32>
      tpu.vector_store %arg5[%swap3A_273], %swap3A_276 {strides = array<i32>} : memref<800xi32, #tpu.memory_space<vmem>>, vector<16xi32>,
      %get3A_277 = arith.constant 5 : i32
      %get3A_278 = arith.index_cast %get3A_277 : i32 to index
      %get3A_279 = arith.constant 34 : index
      %get3A_280 = tpu.vector_load %arg13[%get3A_278, %get3A_279] {strides = array<i32>} : memref<16x50xi32, #tpu.memory_space<vmem>>, vector<1x16xi32>,
      %get3A_281 = vector.shape_cast %get3A_280 : vector<1x16xi32> to vector<16xi32>
      %swap3A_282 = arith.constant 284 : index
      %swap3A_283 = tpu.vector_load %arg5[%swap3A_282] {strides = array<i32>} : memref<800xi32, #tpu.memory_space<vmem>>, vector<16xi32>,
      %swap3A_284 = vector.shape_cast %swap3A_283 : vector<16xi32> to vector<16xi32>
      %swap3A_285 = vector.shape_cast %get3A_281 : vector<16xi32> to vector<16xi32>
      tpu.vector_store %arg5[%swap3A_282], %swap3A_285 {strides = array<i32>} : memref<800xi32, #tpu.memory_space<vmem>>, vector<16xi32>,
      %get3A_286 = arith.constant 6 : i32
      %get3A_287 = arith.index_cast %get3A_286 : i32 to index
      %get3A_288 = arith.constant 0 : index
      %get3A_289 = tpu.vector_load %arg13[%get3A_287, %get3A_288] {strides = array<i32>} : memref<16x50xi32, #tpu.memory_space<vmem>>, vector<1x16xi32>,
      %get3A_290 = vector.shape_cast %get3A_289 : vector<1x16xi32> to vector<16xi32>
      %swap3A_291 = arith.constant 300 : index
      %swap3A_292 = tpu.vector_load %arg5[%swap3A_291] {strides = array<i32>} : memref<800xi32, #tpu.memory_space<vmem>>, vector<16xi32>,
      %swap3A_293 = vector.shape_cast %swap3A_292 : vector<16xi32> to vector<16xi32>
      %swap3A_294 = vector.shape_cast %get3A_290 : vector<16xi32> to vector<16xi32>
      tpu.vector_store %arg5[%swap3A_291], %swap3A_294 {strides = array<i32>} : memref<800xi32, #tpu.memory_space<vmem>>, vector<16xi32>,
      %get3A_295 = arith.constant 6 : i32
      %get3A_296 = arith.index_cast %get3A_295 : i32 to index
      %get3A_297 = arith.constant 16 : index
      %get3A_298 = tpu.vector_load %arg13[%get3A_296, %get3A_297] {strides = array<i32>} : memref<16x50xi32, #tpu.memory_space<vmem>>, vector<1x16xi32>,
      %get3A_299 = vector.shape_cast %get3A_298 : vector<1x16xi32> to vector<16xi32>
      %swap3A_300 = arith.constant 316 : index
      %swap3A_301 = tpu.vector_load %arg5[%swap3A_300] {strides = array<i32>} : memref<800xi32, #tpu.memory_space<vmem>>, vector<16xi32>,
      %swap3A_302 = vector.shape_cast %swap3A_301 : vector<16xi32> to vector<16xi32>
      %swap3A_303 = vector.shape_cast %get3A_299 : vector<16xi32> to vector<16xi32>
      tpu.vector_store %arg5[%swap3A_300], %swap3A_303 {strides = array<i32>} : memref<800xi32, #tpu.memory_space<vmem>>, vector<16xi32>,
      %get3A_304 = arith.constant 6 : i32
      %get3A_305 = arith.index_cast %get3A_304 : i32 to index
      %get3A_306 = arith.constant 32 : index
      %get3A_307 = tpu.vector_load %arg13[%get3A_305, %get3A_306] {strides = array<i32>} : memref<16x50xi32, #tpu.memory_space<vmem>>, vector<1x16xi32>,
      %get3A_308 = vector.shape_cast %get3A_307 : vector<1x16xi32> to vector<16xi32>
      %swap3A_309 = arith.constant 332 : index
      %swap3A_310 = tpu.vector_load %arg5[%swap3A_309] {strides = array<i32>} : memref<800xi32, #tpu.memory_space<vmem>>, vector<16xi32>,
      %swap3A_311 = vector.shape_cast %swap3A_310 : vector<16xi32> to vector<16xi32>
      %swap3A_312 = vector.shape_cast %get3A_308 : vector<16xi32> to vector<16xi32>
      tpu.vector_store %arg5[%swap3A_309], %swap3A_312 {strides = array<i32>} : memref<800xi32, #tpu.memory_space<vmem>>, vector<16xi32>,
      %get3A_313 = arith.constant 6 : i32
      %get3A_314 = arith.index_cast %get3A_313 : i32 to index
      %get3A_315 = arith.constant 34 : index
      %get3A_316 = tpu.vector_load %arg13[%get3A_314, %get3A_315] {strides = array<i32>} : memref<16x50xi32, #tpu.memory_space<vmem>>, vector<1x16xi32>,
      %get3A_317 = vector.shape_cast %get3A_316 : vector<1x16xi32> to vector<16xi32>
      %swap3A_318 = arith.constant 334 : index
      %swap3A_319 = tpu.vector_load %arg5[%swap3A_318] {strides = array<i32>} : memref<800xi32, #tpu.memory_space<vmem>>, vector<16xi32>,
      %swap3A_320 = vector.shape_cast %swap3A_319 : vector<16xi32> to vector<16xi32>
      %swap3A_321 = vector.shape_cast %get3A_317 : vector<16xi32> to vector<16xi32>
      tpu.vector_store %arg5[%swap3A_318], %swap3A_321 {strides = array<i32>} : memref<800xi32, #tpu.memory_space<vmem>>, vector<16xi32>,
      %get3A_322 = arith.constant 7 : i32
      %get3A_323 = arith.index_cast %get3A_322 : i32 to index
      %get3A_324 = arith.constant 0 : index
      %get3A_325 = tpu.vector_load %arg13[%get3A_323, %get3A_324] {strides = array<i32>} : memref<16x50xi32, #tpu.memory_space<vmem>>, vector<1x16xi32>,
      %get3A_326 = vector.shape_cast %get3A_325 : vector<1x16xi32> to vector<16xi32>
      %swap3A_327 = arith.constant 350 : index
      %swap3A_328 = tpu.vector_load %arg5[%swap3A_327] {strides = array<i32>} : memref<800xi32, #tpu.memory_space<vmem>>, vector<16xi32>,
      %swap3A_329 = vector.shape_cast %swap3A_328 : vector<16xi32> to vector<16xi32>
      %swap3A_330 = vector.shape_cast %get3A_326 : vector<16xi32> to vector<16xi32>
      tpu.vector_store %arg5[%swap3A_327], %swap3A_330 {strides = array<i32>} : memref<800xi32, #tpu.memory_space<vmem>>, vector<16xi32>,
      %get3A_331 = arith.constant 7 : i32
      %get3A_332 = arith.index_cast %get3A_331 : i32 to index
      %get3A_333 = arith.constant 16 : index
      %get3A_334 = tpu.vector_load %arg13[%get3A_332, %get3A_333] {strides = array<i32>} : memref<16x50xi32, #tpu.memory_space<vmem>>, vector<1x16xi32>,
      %get3A_335 = vector.shape_cast %get3A_334 : vector<1x16xi32> to vector<16xi32>
      %swap3A_336 = arith.constant 366 : index
      %swap3A_337 = tpu.vector_load %arg5[%swap3A_336] {strides = array<i32>} : memref<800xi32, #tpu.memory_space<vmem>>, vector<16xi32>,
      %swap3A_338 = vector.shape_cast %swap3A_337 : vector<16xi32> to vector<16xi32>
      %swap3A_339 = vector.shape_cast %get3A_335 : vector<16xi32> to vector<16xi32>
      tpu.vector_store %arg5[%swap3A_336], %swap3A_339 {strides = array<i32>} : memref<800xi32, #tpu.memory_space<vmem>>, vector<16xi32>,
      %get3A_340 = arith.constant 7 : i32
      %get3A_341 = arith.index_cast %get3A_340 : i32 to index
      %get3A_342 = arith.constant 32 : index
      %get3A_343 = tpu.vector_load %arg13[%get3A_341, %get3A_342] {strides = array<i32>} : memref<16x50xi32, #tpu.memory_space<vmem>>, vector<1x16xi32>,
      %get3A_344 = vector.shape_cast %get3A_343 : vector<1x16xi32> to vector<16xi32>
      %swap3A_345 = arith.constant 382 : index
      %swap3A_346 = tpu.vector_load %arg5[%swap3A_345] {strides = array<i32>} : memref<800xi32, #tpu.memory_space<vmem>>, vector<16xi32>,
      %swap3A_347 = vector.shape_cast %swap3A_346 : vector<16xi32> to vector<16xi32>
      %swap3A_348 = vector.shape_cast %get3A_344 : vector<16xi32> to vector<16xi32>
      tpu.vector_store %arg5[%swap3A_345], %swap3A_348 {strides = array<i32>} : memref<800xi32, #tpu.memory_space<vmem>>, vector<16xi32>,
      %get3A_349 = arith.constant 7 : i32
      %get3A_350 = arith.index_cast %get3A_349 : i32 to index
      %get3A_351 = arith.constant 34 : index
      %get3A_352 = tpu.vector_load %arg13[%get3A_350, %get3A_351] {strides = array<i32>} : memref<16x50xi32, #tpu.memory_space<vmem>>, vector<1x16xi32>,
      %get3A_353 = vector.shape_cast %get3A_352 : vector<1x16xi32> to vector<16xi32>
      %swap3A_354 = arith.constant 384 : index
      %swap3A_355 = tpu.vector_load %arg5[%swap3A_354] {strides = array<i32>} : memref<800xi32, #tpu.memory_space<vmem>>, vector<16xi32>,
      %swap3A_356 = vector.shape_cast %swap3A_355 : vector<16xi32> to vector<16xi32>
      %swap3A_357 = vector.shape_cast %get3A_353 : vector<16xi32> to vector<16xi32>
      tpu.vector_store %arg5[%swap3A_354], %swap3A_357 {strides = array<i32>} : memref<800xi32, #tpu.memory_space<vmem>>, vector<16xi32>,
      %get3A_358 = arith.constant 8 : i32
      %get3A_359 = arith.index_cast %get3A_358 : i32 to index
      %get3A_360 = arith.constant 0 : index
      %get3A_361 = tpu.vector_load %arg13[%get3A_359, %get3A_360] {strides = array<i32>} : memref<16x50xi32, #tpu.memory_space<vmem>>, vector<1x16xi32>,
      %get3A_362 = vector.shape_cast %get3A_361 : vector<1x16xi32> to vector<16xi32>
      %swap3A_363 = arith.constant 400 : index
      %swap3A_364 = tpu.vector_load %arg5[%swap3A_363] {strides = array<i32>} : memref<800xi32, #tpu.memory_space<vmem>>, vector<16xi32>,
      %swap3A_365 = vector.shape_cast %swap3A_364 : vector<16xi32> to vector<16xi32>
      %swap3A_366 = vector.shape_cast %get3A_362 : vector<16xi32> to vector<16xi32>
      tpu.vector_store %arg5[%swap3A_363], %swap3A_366 {strides = array<i32>} : memref<800xi32, #tpu.memory_space<vmem>>, vector<16xi32>,
      %get3A_367 = arith.constant 8 : i32
      %get3A_368 = arith.index_cast %get3A_367 : i32 to index
      %get3A_369 = arith.constant 16 : index
      %get3A_370 = tpu.vector_load %arg13[%get3A_368, %get3A_369] {strides = array<i32>} : memref<16x50xi32, #tpu.memory_space<vmem>>, vector<1x16xi32>,
      %get3A_371 = vector.shape_cast %get3A_370 : vector<1x16xi32> to vector<16xi32>
      %swap3A_372 = arith.constant 416 : index
      %swap3A_373 = tpu.vector_load %arg5[%swap3A_372] {strides = array<i32>} : memref<800xi32, #tpu.memory_space<vmem>>, vector<16xi32>,
      %swap3A_374 = vector.shape_cast %swap3A_373 : vector<16xi32> to vector<16xi32>
      %swap3A_375 = vector.shape_cast %get3A_371 : vector<16xi32> to vector<16xi32>
      tpu.vector_store %arg5[%swap3A_372], %swap3A_375 {strides = array<i32>} : memref<800xi32, #tpu.memory_space<vmem>>, vector<16xi32>,
      %get3A_376 = arith.constant 8 : i32
      %get3A_377 = arith.index_cast %get3A_376 : i32 to index
      %get3A_378 = arith.constant 32 : index
      %get3A_379 = tpu.vector_load %arg13[%get3A_377, %get3A_378] {strides = array<i32>} : memref<16x50xi32, #tpu.memory_space<vmem>>, vector<1x16xi32>,
      %get3A_380 = vector.shape_cast %get3A_379 : vector<1x16xi32> to vector<16xi32>
      %swap3A_381 = arith.constant 432 : index
      %swap3A_382 = tpu.vector_load %arg5[%swap3A_381] {strides = array<i32>} : memref<800xi32, #tpu.memory_space<vmem>>, vector<16xi32>,
      %swap3A_383 = vector.shape_cast %swap3A_382 : vector<16xi32> to vector<16xi32>
      %swap3A_384 = vector.shape_cast %get3A_380 : vector<16xi32> to vector<16xi32>
      tpu.vector_store %arg5[%swap3A_381], %swap3A_384 {strides = array<i32>} : memref<800xi32, #tpu.memory_space<vmem>>, vector<16xi32>,
      %get3A_385 = arith.constant 8 : i32
      %get3A_386 = arith.index_cast %get3A_385 : i32 to index
      %get3A_387 = arith.constant 34 : index
      %get3A_388 = tpu.vector_load %arg13[%get3A_386, %get3A_387] {strides = array<i32>} : memref<16x50xi32, #tpu.memory_space<vmem>>, vector<1x16xi32>,
      %get3A_389 = vector.shape_cast %get3A_388 : vector<1x16xi32> to vector<16xi32>
      %swap3A_390 = arith.constant 434 : index
      %swap3A_391 = tpu.vector_load %arg5[%swap3A_390] {strides = array<i32>} : memref<800xi32, #tpu.memory_space<vmem>>, vector<16xi32>,
      %swap3A_392 = vector.shape_cast %swap3A_391 : vector<16xi32> to vector<16xi32>
      %swap3A_393 = vector.shape_cast %get3A_389 : vector<16xi32> to vector<16xi32>
      tpu.vector_store %arg5[%swap3A_390], %swap3A_393 {strides = array<i32>} : memref<800xi32, #tpu.memory_space<vmem>>, vector<16xi32>,
      %get3A_394 = arith.constant 9 : i32
      %get3A_395 = arith.index_cast %get3A_394 : i32 to index
      %get3A_396 = arith.constant 0 : index
      %get3A_397 = tpu.vector_load %arg13[%get3A_395, %get3A_396] {strides = array<i32>} : memref<16x50xi32, #tpu.memory_space<vmem>>, vector<1x16xi32>,
      %get3A_398 = vector.shape_cast %get3A_397 : vector<1x16xi32> to vector<16xi32>
      %swap3A_399 = arith.constant 450 : index
      %swap3A_400 = tpu.vector_load %arg5[%swap3A_399] {strides = array<i32>} : memref<800xi32, #tpu.memory_space<vmem>>, vector<16xi32>,
      %swap3A_401 = vector.shape_cast %swap3A_400 : vector<16xi32> to vector<16xi32>
      %swap3A_402 = vector.shape_cast %get3A_398 : vector<16xi32> to vector<16xi32>
      tpu.vector_store %arg5[%swap3A_399], %swap3A_402 {strides = array<i32>} : memref<800xi32, #tpu.memory_space<vmem>>, vector<16xi32>,
      %get3A_403 = arith.constant 9 : i32
      %get3A_404 = arith.index_cast %get3A_403 : i32 to index
      %get3A_405 = arith.constant 16 : index
      %get3A_406 = tpu.vector_load %arg13[%get3A_404, %get3A_405] {strides = array<i32>} : memref<16x50xi32, #tpu.memory_space<vmem>>, vector<1x16xi32>,
      %get3A_407 = vector.shape_cast %get3A_406 : vector<1x16xi32> to vector<16xi32>
      %swap3A_408 = arith.constant 466 : index
      %swap3A_409 = tpu.vector_load %arg5[%swap3A_408] {strides = array<i32>} : memref<800xi32, #tpu.memory_space<vmem>>, vector<16xi32>,
      %swap3A_410 = vector.shape_cast %swap3A_409 : vector<16xi32> to vector<16xi32>
      %swap3A_411 = vector.shape_cast %get3A_407 : vector<16xi32> to vector<16xi32>
      tpu.vector_store %arg5[%swap3A_408], %swap3A_411 {strides = array<i32>} : memref<800xi32, #tpu.memory_space<vmem>>, vector<16xi32>,
      %get3A_412 = arith.constant 9 : i32
      %get3A_413 = arith.index_cast %get3A_412 : i32 to index
      %get3A_414 = arith.constant 32 : index
      %get3A_415 = tpu.vector_load %arg13[%get3A_413, %get3A_414] {strides = array<i32>} : memref<16x50xi32, #tpu.memory_space<vmem>>, vector<1x16xi32>,
      %get3A_416 = vector.shape_cast %get3A_415 : vector<1x16xi32> to vector<16xi32>
      %swap3A_417 = arith.constant 482 : index
      %swap3A_418 = tpu.vector_load %arg5[%swap3A_417] {strides = array<i32>} : memref<800xi32, #tpu.memory_space<vmem>>, vector<16xi32>,
      %swap3A_419 = vector.shape_cast %swap3A_418 : vector<16xi32> to vector<16xi32>
      %swap3A_420 = vector.shape_cast %get3A_416 : vector<16xi32> to vector<16xi32>
      tpu.vector_store %arg5[%swap3A_417], %swap3A_420 {strides = array<i32>} : memref<800xi32, #tpu.memory_space<vmem>>, vector<16xi32>,
      %get3A_421 = arith.constant 9 : i32
      %get3A_422 = arith.index_cast %get3A_421 : i32 to index
      %get3A_423 = arith.constant 34 : index
      %get3A_424 = tpu.vector_load %arg13[%get3A_422, %get3A_423] {strides = array<i32>} : memref<16x50xi32, #tpu.memory_space<vmem>>, vector<1x16xi32>,
      %get3A_425 = vector.shape_cast %get3A_424 : vector<1x16xi32> to vector<16xi32>
      %swap3A_426 = arith.constant 484 : index
      %swap3A_427 = tpu.vector_load %arg5[%swap3A_426] {strides = array<i32>} : memref<800xi32, #tpu.memory_space<vmem>>, vector<16xi32>,
      %swap3A_428 = vector.shape_cast %swap3A_427 : vector<16xi32> to vector<16xi32>
      %swap3A_429 = vector.shape_cast %get3A_425 : vector<16xi32> to vector<16xi32>
      tpu.vector_store %arg5[%swap3A_426], %swap3A_429 {strides = array<i32>} : memref<800xi32, #tpu.memory_space<vmem>>, vector<16xi32>,
      %get3A_430 = arith.constant 10 : i32
      %get3A_431 = arith.index_cast %get3A_430 : i32 to index
      %get3A_432 = arith.constant 0 : index
      %get3A_433 = tpu.vector_load %arg13[%get3A_431, %get3A_432] {strides = array<i32>} : memref<16x50xi32, #tpu.memory_space<vmem>>, vector<1x16xi32>,
      %get3A_434 = vector.shape_cast %get3A_433 : vector<1x16xi32> to vector<16xi32>
      %swap3A_435 = arith.constant 500 : index
      %swap3A_436 = tpu.vector_load %arg5[%swap3A_435] {strides = array<i32>} : memref<800xi32, #tpu.memory_space<vmem>>, vector<16xi32>,
      %swap3A_437 = vector.shape_cast %swap3A_436 : vector<16xi32> to vector<16xi32>
      %swap3A_438 = vector.shape_cast %get3A_434 : vector<16xi32> to vector<16xi32>
      tpu.vector_store %arg5[%swap3A_435], %swap3A_438 {strides = array<i32>} : memref<800xi32, #tpu.memory_space<vmem>>, vector<16xi32>,
      %get3A_439 = arith.constant 10 : i32
      %get3A_440 = arith.index_cast %get3A_439 : i32 to index
      %get3A_441 = arith.constant 16 : index
      %get3A_442 = tpu.vector_load %arg13[%get3A_440, %get3A_441] {strides = array<i32>} : memref<16x50xi32, #tpu.memory_space<vmem>>, vector<1x16xi32>,
      %get3A_443 = vector.shape_cast %get3A_442 : vector<1x16xi32> to vector<16xi32>
      %swap3A_444 = arith.constant 516 : index
      %swap3A_445 = tpu.vector_load %arg5[%swap3A_444] {strides = array<i32>} : memref<800xi32, #tpu.memory_space<vmem>>, vector<16xi32>,
      %swap3A_446 = vector.shape_cast %swap3A_445 : vector<16xi32> to vector<16xi32>
      %swap3A_447 = vector.shape_cast %get3A_443 : vector<16xi32> to vector<16xi32>
      tpu.vector_store %arg5[%swap3A_444], %swap3A_447 {strides = array<i32>} : memref<800xi32, #tpu.memory_space<vmem>>, vector<16xi32>,
      %get3A_448 = arith.constant 10 : i32
      %get3A_449 = arith.index_cast %get3A_448 : i32 to index
      %get3A_450 = arith.constant 32 : index
      %get3A_451 = tpu.vector_load %arg13[%get3A_449, %get3A_450] {strides = array<i32>} : memref<16x50xi32, #tpu.memory_space<vmem>>, vector<1x16xi32>,
      %get3A_452 = vector.shape_cast %get3A_451 : vector<1x16xi32> to vector<16xi32>
      %swap3A_453 = arith.constant 532 : index
      %swap3A_454 = tpu.vector_load %arg5[%swap3A_453] {strides = array<i32>} : memref<800xi32, #tpu.memory_space<vmem>>, vector<16xi32>,
      %swap3A_455 = vector.shape_cast %swap3A_454 : vector<16xi32> to vector<16xi32>
      %swap3A_456 = vector.shape_cast %get3A_452 : vector<16xi32> to vector<16xi32>
      tpu.vector_store %arg5[%swap3A_453], %swap3A_456 {strides = array<i32>} : memref<800xi32, #tpu.memory_space<vmem>>, vector<16xi32>,
      %get3A_457 = arith.constant 10 : i32
      %get3A_458 = arith.index_cast %get3A_457 : i32 to index
      %get3A_459 = arith.constant 34 : index
      %get3A_460 = tpu.vector_load %arg13[%get3A_458, %get3A_459] {strides = array<i32>} : memref<16x50xi32, #tpu.memory_space<vmem>>, vector<1x16xi32>,
      %get3A_461 = vector.shape_cast %get3A_460 : vector<1x16xi32> to vector<16xi32>
      %swap3A_462 = arith.constant 534 : index
      %swap3A_463 = tpu.vector_load %arg5[%swap3A_462] {strides = array<i32>} : memref<800xi32, #tpu.memory_space<vmem>>, vector<16xi32>,
      %swap3A_464 = vector.shape_cast %swap3A_463 : vector<16xi32> to vector<16xi32>
      %swap3A_465 = vector.shape_cast %get3A_461 : vector<16xi32> to vector<16xi32>
      tpu.vector_store %arg5[%swap3A_462], %swap3A_465 {strides = array<i32>} : memref<800xi32, #tpu.memory_space<vmem>>, vector<16xi32>,
      %get3A_466 = arith.constant 11 : i32
      %get3A_467 = arith.index_cast %get3A_466 : i32 to index
      %get3A_468 = arith.constant 0 : index
      %get3A_469 = tpu.vector_load %arg13[%get3A_467, %get3A_468] {strides = array<i32>} : memref<16x50xi32, #tpu.memory_space<vmem>>, vector<1x16xi32>,
      %get3A_470 = vector.shape_cast %get3A_469 : vector<1x16xi32> to vector<16xi32>
      %swap3A_471 = arith.constant 550 : index
      %swap3A_472 = tpu.vector_load %arg5[%swap3A_471] {strides = array<i32>} : memref<800xi32, #tpu.memory_space<vmem>>, vector<16xi32>,
      %swap3A_473 = vector.shape_cast %swap3A_472 : vector<16xi32> to vector<16xi32>
      %swap3A_474 = vector.shape_cast %get3A_470 : vector<16xi32> to vector<16xi32>
      tpu.vector_store %arg5[%swap3A_471], %swap3A_474 {strides = array<i32>} : memref<800xi32, #tpu.memory_space<vmem>>, vector<16xi32>,
      %get3A_475 = arith.constant 11 : i32
      %get3A_476 = arith.index_cast %get3A_475 : i32 to index
      %get3A_477 = arith.constant 16 : index
      %get3A_478 = tpu.vector_load %arg13[%get3A_476, %get3A_477] {strides = array<i32>} : memref<16x50xi32, #tpu.memory_space<vmem>>, vector<1x16xi32>,
      %get3A_479 = vector.shape_cast %get3A_478 : vector<1x16xi32> to vector<16xi32>
      %swap3A_480 = arith.constant 566 : index
      %swap3A_481 = tpu.vector_load %arg5[%swap3A_480] {strides = array<i32>} : memref<800xi32, #tpu.memory_space<vmem>>, vector<16xi32>,
      %swap3A_482 = vector.shape_cast %swap3A_481 : vector<16xi32> to vector<16xi32>
      %swap3A_483 = vector.shape_cast %get3A_479 : vector<16xi32> to vector<16xi32>
      tpu.vector_store %arg5[%swap3A_480], %swap3A_483 {strides = array<i32>} : memref<800xi32, #tpu.memory_space<vmem>>, vector<16xi32>,
      %get3A_484 = arith.constant 11 : i32
      %get3A_485 = arith.index_cast %get3A_484 : i32 to index
      %get3A_486 = arith.constant 32 : index
      %get3A_487 = tpu.vector_load %arg13[%get3A_485, %get3A_486] {strides = array<i32>} : memref<16x50xi32, #tpu.memory_space<vmem>>, vector<1x16xi32>,
      %get3A_488 = vector.shape_cast %get3A_487 : vector<1x16xi32> to vector<16xi32>
      %swap3A_489 = arith.constant 582 : index
      %swap3A_490 = tpu.vector_load %arg5[%swap3A_489] {strides = array<i32>} : memref<800xi32, #tpu.memory_space<vmem>>, vector<16xi32>,
      %swap3A_491 = vector.shape_cast %swap3A_490 : vector<16xi32> to vector<16xi32>
      %swap3A_492 = vector.shape_cast %get3A_488 : vector<16xi32> to vector<16xi32>
      tpu.vector_store %arg5[%swap3A_489], %swap3A_492 {strides = array<i32>} : memref<800xi32, #tpu.memory_space<vmem>>, vector<16xi32>,
      %get3A_493 = arith.constant 11 : i32
      %get3A_494 = arith.index_cast %get3A_493 : i32 to index
      %get3A_495 = arith.constant 34 : index
      %get3A_496 = tpu.vector_load %arg13[%get3A_494, %get3A_495] {strides = array<i32>} : memref<16x50xi32, #tpu.memory_space<vmem>>, vector<1x16xi32>,
      %get3A_497 = vector.shape_cast %get3A_496 : vector<1x16xi32> to vector<16xi32>
      %swap3A_498 = arith.constant 584 : index
      %swap3A_499 = tpu.vector_load %arg5[%swap3A_498] {strides = array<i32>} : memref<800xi32, #tpu.memory_space<vmem>>, vector<16xi32>,
      %swap3A_500 = vector.shape_cast %swap3A_499 : vector<16xi32> to vector<16xi32>
      %swap3A_501 = vector.shape_cast %get3A_497 : vector<16xi32> to vector<16xi32>
      tpu.vector_store %arg5[%swap3A_498], %swap3A_501 {strides = array<i32>} : memref<800xi32, #tpu.memory_space<vmem>>, vector<16xi32>,
      %get3A_502 = arith.constant 12 : i32
      %get3A_503 = arith.index_cast %get3A_502 : i32 to index
      %get3A_504 = arith.constant 0 : index
      %get3A_505 = tpu.vector_load %arg13[%get3A_503, %get3A_504] {strides = array<i32>} : memref<16x50xi32, #tpu.memory_space<vmem>>, vector<1x16xi32>,
      %get3A_506 = vector.shape_cast %get3A_505 : vector<1x16xi32> to vector<16xi32>
      %swap3A_507 = arith.constant 600 : index
      %swap3A_508 = tpu.vector_load %arg5[%swap3A_507] {strides = array<i32>} : memref<800xi32, #tpu.memory_space<vmem>>, vector<16xi32>,
      %swap3A_509 = vector.shape_cast %swap3A_508 : vector<16xi32> to vector<16xi32>
      %swap3A_510 = vector.shape_cast %get3A_506 : vector<16xi32> to vector<16xi32>
      tpu.vector_store %arg5[%swap3A_507], %swap3A_510 {strides = array<i32>} : memref<800xi32, #tpu.memory_space<vmem>>, vector<16xi32>,
      %get3A_511 = arith.constant 12 : i32
      %get3A_512 = arith.index_cast %get3A_511 : i32 to index
      %get3A_513 = arith.constant 16 : index
      %get3A_514 = tpu.vector_load %arg13[%get3A_512, %get3A_513] {strides = array<i32>} : memref<16x50xi32, #tpu.memory_space<vmem>>, vector<1x16xi32>,
      %get3A_515 = vector.shape_cast %get3A_514 : vector<1x16xi32> to vector<16xi32>
      %swap3A_516 = arith.constant 616 : index
      %swap3A_517 = tpu.vector_load %arg5[%swap3A_516] {strides = array<i32>} : memref<800xi32, #tpu.memory_space<vmem>>, vector<16xi32>,
      %swap3A_518 = vector.shape_cast %swap3A_517 : vector<16xi32> to vector<16xi32>
      %swap3A_519 = vector.shape_cast %get3A_515 : vector<16xi32> to vector<16xi32>
      tpu.vector_store %arg5[%swap3A_516], %swap3A_519 {strides = array<i32>} : memref<800xi32, #tpu.memory_space<vmem>>, vector<16xi32>,
      %get3A_520 = arith.constant 12 : i32
      %get3A_521 = arith.index_cast %get3A_520 : i32 to index
      %get3A_522 = arith.constant 32 : index
      %get3A_523 = tpu.vector_load %arg13[%get3A_521, %get3A_522] {strides = array<i32>} : memref<16x50xi32, #tpu.memory_space<vmem>>, vector<1x16xi32>,
      %get3A_524 = vector.shape_cast %get3A_523 : vector<1x16xi32> to vector<16xi32>
      %swap3A_525 = arith.constant 632 : index
      %swap3A_526 = tpu.vector_load %arg5[%swap3A_525] {strides = array<i32>} : memref<800xi32, #tpu.memory_space<vmem>>, vector<16xi32>,
      %swap3A_527 = vector.shape_cast %swap3A_526 : vector<16xi32> to vector<16xi32>
      %swap3A_528 = vector.shape_cast %get3A_524 : vector<16xi32> to vector<16xi32>
      tpu.vector_store %arg5[%swap3A_525], %swap3A_528 {strides = array<i32>} : memref<800xi32, #tpu.memory_space<vmem>>, vector<16xi32>,
      %get3A_529 = arith.constant 12 : i32
      %get3A_530 = arith.index_cast %get3A_529 : i32 to index
      %get3A_531 = arith.constant 34 : index
      %get3A_532 = tpu.vector_load %arg13[%get3A_530, %get3A_531] {strides = array<i32>} : memref<16x50xi32, #tpu.memory_space<vmem>>, vector<1x16xi32>,
      %get3A_533 = vector.shape_cast %get3A_532 : vector<1x16xi32> to vector<16xi32>
      %swap3A_534 = arith.constant 634 : index
      %swap3A_535 = tpu.vector_load %arg5[%swap3A_534] {strides = array<i32>} : memref<800xi32, #tpu.memory_space<vmem>>, vector<16xi32>,
      %swap3A_536 = vector.shape_cast %swap3A_535 : vector<16xi32> to vector<16xi32>
      %swap3A_537 = vector.shape_cast %get3A_533 : vector<16xi32> to vector<16xi32>
      tpu.vector_store %arg5[%swap3A_534], %swap3A_537 {strides = array<i32>} : memref<800xi32, #tpu.memory_space<vmem>>, vector<16xi32>,
      %get3A_538 = arith.constant 13 : i32
      %get3A_539 = arith.index_cast %get3A_538 : i32 to index
      %get3A_540 = arith.constant 0 : index
      %get3A_541 = tpu.vector_load %arg13[%get3A_539, %get3A_540] {strides = array<i32>} : memref<16x50xi32, #tpu.memory_space<vmem>>, vector<1x16xi32>,
      %get3A_542 = vector.shape_cast %get3A_541 : vector<1x16xi32> to vector<16xi32>
      %swap3A_543 = arith.constant 650 : index
      %swap3A_544 = tpu.vector_load %arg5[%swap3A_543] {strides = array<i32>} : memref<800xi32, #tpu.memory_space<vmem>>, vector<16xi32>,
      %swap3A_545 = vector.shape_cast %swap3A_544 : vector<16xi32> to vector<16xi32>
      %swap3A_546 = vector.shape_cast %get3A_542 : vector<16xi32> to vector<16xi32>
      tpu.vector_store %arg5[%swap3A_543], %swap3A_546 {strides = array<i32>} : memref<800xi32, #tpu.memory_space<vmem>>, vector<16xi32>,
      %get3A_547 = arith.constant 13 : i32
      %get3A_548 = arith.index_cast %get3A_547 : i32 to index
      %get3A_549 = arith.constant 16 : index
      %get3A_550 = tpu.vector_load %arg13[%get3A_548, %get3A_549] {strides = array<i32>} : memref<16x50xi32, #tpu.memory_space<vmem>>, vector<1x16xi32>,
      %get3A_551 = vector.shape_cast %get3A_550 : vector<1x16xi32> to vector<16xi32>
      %swap3A_552 = arith.constant 666 : index
      %swap3A_553 = tpu.vector_load %arg5[%swap3A_552] {strides = array<i32>} : memref<800xi32, #tpu.memory_space<vmem>>, vector<16xi32>,
      %swap3A_554 = vector.shape_cast %swap3A_553 : vector<16xi32> to vector<16xi32>
      %swap3A_555 = vector.shape_cast %get3A_551 : vector<16xi32> to vector<16xi32>
      tpu.vector_store %arg5[%swap3A_552], %swap3A_555 {strides = array<i32>} : memref<800xi32, #tpu.memory_space<vmem>>, vector<16xi32>,
      %get3A_556 = arith.constant 13 : i32
      %get3A_557 = arith.index_cast %get3A_556 : i32 to index
      %get3A_558 = arith.constant 32 : index
      %get3A_559 = tpu.vector_load %arg13[%get3A_557, %get3A_558] {strides = array<i32>} : memref<16x50xi32, #tpu.memory_space<vmem>>, vector<1x16xi32>,
      %get3A_560 = vector.shape_cast %get3A_559 : vector<1x16xi32> to vector<16xi32>
      %swap3A_561 = arith.constant 682 : index
      %swap3A_562 = tpu.vector_load %arg5[%swap3A_561] {strides = array<i32>} : memref<800xi32, #tpu.memory_space<vmem>>, vector<16xi32>,
      %swap3A_563 = vector.shape_cast %swap3A_562 : vector<16xi32> to vector<16xi32>
      %swap3A_564 = vector.shape_cast %get3A_560 : vector<16xi32> to vector<16xi32>
      tpu.vector_store %arg5[%swap3A_561], %swap3A_564 {strides = array<i32>} : memref<800xi32, #tpu.memory_space<vmem>>, vector<16xi32>,
      %get3A_565 = arith.constant 13 : i32
      %get3A_566 = arith.index_cast %get3A_565 : i32 to index
      %get3A_567 = arith.constant 34 : index
      %get3A_568 = tpu.vector_load %arg13[%get3A_566, %get3A_567] {strides = array<i32>} : memref<16x50xi32, #tpu.memory_space<vmem>>, vector<1x16xi32>,
      %get3A_569 = vector.shape_cast %get3A_568 : vector<1x16xi32> to vector<16xi32>
      %swap3A_570 = arith.constant 684 : index
      %swap3A_571 = tpu.vector_load %arg5[%swap3A_570] {strides = array<i32>} : memref<800xi32, #tpu.memory_space<vmem>>, vector<16xi32>,
      %swap3A_572 = vector.shape_cast %swap3A_571 : vector<16xi32> to vector<16xi32>
      %swap3A_573 = vector.shape_cast %get3A_569 : vector<16xi32> to vector<16xi32>
      tpu.vector_store %arg5[%swap3A_570], %swap3A_573 {strides = array<i32>} : memref<800xi32, #tpu.memory_space<vmem>>, vector<16xi32>,
      %get3A_574 = arith.constant 14 : i32
      %get3A_575 = arith.index_cast %get3A_574 : i32 to index
      %get3A_576 = arith.constant 0 : index
      %get3A_577 = tpu.vector_load %arg13[%get3A_575, %get3A_576] {strides = array<i32>} : memref<16x50xi32, #tpu.memory_space<vmem>>, vector<1x16xi32>,
      %get3A_578 = vector.shape_cast %get3A_577 : vector<1x16xi32> to vector<16xi32>
      %swap3A_579 = arith.constant 700 : index
      %swap3A_580 = tpu.vector_load %arg5[%swap3A_579] {strides = array<i32>} : memref<800xi32, #tpu.memory_space<vmem>>, vector<16xi32>,
      %swap3A_581 = vector.shape_cast %swap3A_580 : vector<16xi32> to vector<16xi32>
      %swap3A_582 = vector.shape_cast %get3A_578 : vector<16xi32> to vector<16xi32>
      tpu.vector_store %arg5[%swap3A_579], %swap3A_582 {strides = array<i32>} : memref<800xi32, #tpu.memory_space<vmem>>, vector<16xi32>,
      %get3A_583 = arith.constant 14 : i32
      %get3A_584 = arith.index_cast %get3A_583 : i32 to index
      %get3A_585 = arith.constant 16 : index
      %get3A_586 = tpu.vector_load %arg13[%get3A_584, %get3A_585] {strides = array<i32>} : memref<16x50xi32, #tpu.memory_space<vmem>>, vector<1x16xi32>,
      %get3A_587 = vector.shape_cast %get3A_586 : vector<1x16xi32> to vector<16xi32>
      %swap3A_588 = arith.constant 716 : index
      %swap3A_589 = tpu.vector_load %arg5[%swap3A_588] {strides = array<i32>} : memref<800xi32, #tpu.memory_space<vmem>>, vector<16xi32>,
      %swap3A_590 = vector.shape_cast %swap3A_589 : vector<16xi32> to vector<16xi32>
      %swap3A_591 = vector.shape_cast %get3A_587 : vector<16xi32> to vector<16xi32>
      tpu.vector_store %arg5[%swap3A_588], %swap3A_591 {strides = array<i32>} : memref<800xi32, #tpu.memory_space<vmem>>, vector<16xi32>,
      %get3A_592 = arith.constant 14 : i32
      %get3A_593 = arith.index_cast %get3A_592 : i32 to index
      %get3A_594 = arith.constant 32 : index
      %get3A_595 = tpu.vector_load %arg13[%get3A_593, %get3A_594] {strides = array<i32>} : memref<16x50xi32, #tpu.memory_space<vmem>>, vector<1x16xi32>,
      %get3A_596 = vector.shape_cast %get3A_595 : vector<1x16xi32> to vector<16xi32>
      %swap3A_597 = arith.constant 732 : index
      %swap3A_598 = tpu.vector_load %arg5[%swap3A_597] {strides = array<i32>} : memref<800xi32, #tpu.memory_space<vmem>>, vector<16xi32>,
      %swap3A_599 = vector.shape_cast %swap3A_598 : vector<16xi32> to vector<16xi32>
      %swap3A_600 = vector.shape_cast %get3A_596 : vector<16xi32> to vector<16xi32>
      tpu.vector_store %arg5[%swap3A_597], %swap3A_600 {strides = array<i32>} : memref<800xi32, #tpu.memory_space<vmem>>, vector<16xi32>,
      %get3A_601 = arith.constant 14 : i32
      %get3A_602 = arith.index_cast %get3A_601 : i32 to index
      %get3A_603 = arith.constant 34 : index
      %get3A_604 = tpu.vector_load %arg13[%get3A_602, %get3A_603] {strides = array<i32>} : memref<16x50xi32, #tpu.memory_space<vmem>>, vector<1x16xi32>,
      %get3A_605 = vector.shape_cast %get3A_604 : vector<1x16xi32> to vector<16xi32>
      %swap3A_606 = arith.constant 734 : index
      %swap3A_607 = tpu.vector_load %arg5[%swap3A_606] {strides = array<i32>} : memref<800xi32, #tpu.memory_space<vmem>>, vector<16xi32>,
      %swap3A_608 = vector.shape_cast %swap3A_607 : vector<16xi32> to vector<16xi32>
      %swap3A_609 = vector.shape_cast %get3A_605 : vector<16xi32> to vector<16xi32>
      tpu.vector_store %arg5[%swap3A_606], %swap3A_609 {strides = array<i32>} : memref<800xi32, #tpu.memory_space<vmem>>, vector<16xi32>,
      %get3A_610 = arith.constant 15 : i32
      %get3A_611 = arith.index_cast %get3A_610 : i32 to index
      %get3A_612 = arith.constant 0 : index
      %get3A_613 = tpu.vector_load %arg13[%get3A_611, %get3A_612] {strides = array<i32>} : memref<16x50xi32, #tpu.memory_space<vmem>>, vector<1x16xi32>,
      %get3A_614 = vector.shape_cast %get3A_613 : vector<1x16xi32> to vector<16xi32>
      %swap3A_615 = arith.constant 750 : index
      %swap3A_616 = tpu.vector_load %arg5[%swap3A_615] {strides = array<i32>} : memref<800xi32, #tpu.memory_space<vmem>>, vector<16xi32>,
      %swap3A_617 = vector.shape_cast %swap3A_616 : vector<16xi32> to vector<16xi32>
      %swap3A_618 = vector.shape_cast %get3A_614 : vector<16xi32> to vector<16xi32>
      tpu.vector_store %arg5[%swap3A_615], %swap3A_618 {strides = array<i32>} : memref<800xi32, #tpu.memory_space<vmem>>, vector<16xi32>,
      %get3A_619 = arith.constant 15 : i32
      %get3A_620 = arith.index_cast %get3A_619 : i32 to index
      %get3A_621 = arith.constant 16 : index
      %get3A_622 = tpu.vector_load %arg13[%get3A_620, %get3A_621] {strides = array<i32>} : memref<16x50xi32, #tpu.memory_space<vmem>>, vector<1x16xi32>,
      %get3A_623 = vector.shape_cast %get3A_622 : vector<1x16xi32> to vector<16xi32>
      %swap3A_624 = arith.constant 766 : index
      %swap3A_625 = tpu.vector_load %arg5[%swap3A_624] {strides = array<i32>} : memref<800xi32, #tpu.memory_space<vmem>>, vector<16xi32>,
      %swap3A_626 = vector.shape_cast %swap3A_625 : vector<16xi32> to vector<16xi32>
      %swap3A_627 = vector.shape_cast %get3A_623 : vector<16xi32> to vector<16xi32>
      tpu.vector_store %arg5[%swap3A_624], %swap3A_627 {strides = array<i32>} : memref<800xi32, #tpu.memory_space<vmem>>, vector<16xi32>,
      %get3A_628 = arith.constant 15 : i32
      %get3A_629 = arith.index_cast %get3A_628 : i32 to index
      %get3A_630 = arith.constant 32 : index
      %get3A_631 = tpu.vector_load %arg13[%get3A_629, %get3A_630] {strides = array<i32>} : memref<16x50xi32, #tpu.memory_space<vmem>>, vector<1x16xi32>,
      %get3A_632 = vector.shape_cast %get3A_631 : vector<1x16xi32> to vector<16xi32>
      %swap3A_633 = arith.constant 782 : index
      %swap3A_634 = tpu.vector_load %arg5[%swap3A_633] {strides = array<i32>} : memref<800xi32, #tpu.memory_space<vmem>>, vector<16xi32>,
      %swap3A_635 = vector.shape_cast %swap3A_634 : vector<16xi32> to vector<16xi32>
      %swap3A_636 = vector.shape_cast %get3A_632 : vector<16xi32> to vector<16xi32>
      tpu.vector_store %arg5[%swap3A_633], %swap3A_636 {strides = array<i32>} : memref<800xi32, #tpu.memory_space<vmem>>, vector<16xi32>,
      %get3A_637 = arith.constant 15 : i32
      %get3A_638 = arith.index_cast %get3A_637 : i32 to index
      %get3A_639 = arith.constant 34 : index
      %get3A_640 = tpu.vector_load %arg13[%get3A_638, %get3A_639] {strides = array<i32>} : memref<16x50xi32, #tpu.memory_space<vmem>>, vector<1x16xi32>,
      %get3A_641 = vector.shape_cast %get3A_640 : vector<1x16xi32> to vector<16xi32>
      %swap3A_642 = arith.constant 784 : index
      %swap3A_643 = tpu.vector_load %arg5[%swap3A_642] {strides = array<i32>} : memref<800xi32, #tpu.memory_space<vmem>>, vector<16xi32>,
      %swap3A_644 = vector.shape_cast %swap3A_643 : vector<16xi32> to vector<16xi32>
      %swap3A_645 = vector.shape_cast %get3A_641 : vector<16xi32> to vector<16xi32>
      tpu.vector_store %arg5[%swap3A_642], %swap3A_645 {strides = array<i32>} : memref<800xi32, #tpu.memory_space<vmem>>, vector<16xi32>,
      %gt3A = arith.constant 0 : i32
      %gt3A_646 = arith.cmpi sgt, %scan3A_38, %gt3A : i32
      %convert_element_type3A = arith.extui %gt3A_646 : i1 to i32
      %cond3A = arith.constant 0 : i32
      %cond3A_647 = arith.cmpi ne, %convert_element_type3A, %cond3A : i32
      scf.if %cond3A_647 {
        %dma_wait3A_3655 = arith.constant 0 : i32
        %dma_wait3A_3656 = arith.constant 0 : i32
        %dma_wait3A_3657 = tpu.memref_slice %arg3[%dma_wait3A_3655, %dma_wait3A_3656] : memref<1000000x32xf32, #tpu.memory_space<hbm>> -> memref<800x32xf32, #tpu.memory_space<hbm>>
        %dma_wait3A_3658 = arith.constant 0 : i32
        %dma_wait3A_3659 = arith.constant 0 : i32
        %dma_wait3A_3660 = tpu.memref_slice %arg3[%dma_wait3A_3658, %dma_wait3A_3659] : memref<1000000x32xf32, #tpu.memory_space<hbm>> -> memref<800x32xf32, #tpu.memory_space<hbm>>
        tpu.wait_dma2 semaphore(%arg25 : memref<!tpu.dma_semaphore, #tpu.memory_space<semaphore_mem>>) src(%dma_wait3A_3660 : memref<800x32xf32, #tpu.memory_space<hbm>>) dst(%arg9 : memref<800x32xf32, #tpu.memory_space<vmem>>)
      } else {
      }
      %dma_start3A_648 = arith.constant 0 : i32
      %dma_start3A_649 = arith.constant 0 : i32
      %dma_start3A_650 = tpu.memref_slice %arg3[%dma_start3A_648, %dma_start3A_649] : memref<1000000x32xf32, #tpu.memory_space<hbm>> -> memref<1000000x32xf32, #tpu.memory_space<hbm>>
      tpu.enqueue_indirect_dma source(%dma_start3A_650 : memref<1000000x32xf32, #tpu.memory_space<hbm>>) target(%arg9 : memref<800x32xf32, #tpu.memory_space<vmem>>) offsets(%arg5 : memref<800xi32, #tpu.memory_space<vmem>>) semaphore(%arg21 : memref<!tpu.dma_semaphore, #tpu.memory_space<semaphore_mem>>)
      %dma_wait3A_651 = arith.constant 0 : i32
      %dma_wait3A_652 = tpu.memref_slice %arg2[%mul3A_4, %dma_wait3A_651] : memref<16384x50xi32, #tpu.memory_space<hbm>> -> memref<16x50xi32, #tpu.memory_space<hbm>>
      %dma_wait3A_653 = arith.constant 0 : i32
      %dma_wait3A_654 = tpu.memref_slice %arg2[%mul3A_4, %dma_wait3A_653] : memref<16384x50xi32, #tpu.memory_space<hbm>> -> memref<16x50xi32, #tpu.memory_space<hbm>>
      tpu.wait_dma2 semaphore(%arg18 : memref<!tpu.dma_semaphore, #tpu.memory_space<semaphore_mem>>) src(%dma_wait3A_654 : memref<16x50xi32, #tpu.memory_space<hbm>>) dst(%arg14 : memref<16x50xi32, #tpu.memory_space<vmem>>)
      %get3A_655 = arith.constant 0 : i32
      %get3A_656 = arith.index_cast %get3A_655 : i32 to index
      %get3A_657 = arith.constant 0 : index
      %get3A_658 = tpu.vector_load %arg14[%get3A_656, %get3A_657] {strides = array<i32>} : memref<16x50xi32, #tpu.memory_space<vmem>>, vector<1x16xi32>,
      %get3A_659 = vector.shape_cast %get3A_658 : vector<1x16xi32> to vector<16xi32>
      %swap3A_660 = arith.constant 0 : index
      %swap3A_661 = tpu.vector_load %arg6[%swap3A_660] {strides = array<i32>} : memref<800xi32, #tpu.memory_space<vmem>>, vector<16xi32>,
      %swap3A_662 = vector.shape_cast %swap3A_661 : vector<16xi32> to vector<16xi32>
      %swap3A_663 = vector.shape_cast %get3A_659 : vector<16xi32> to vector<16xi32>
      tpu.vector_store %arg6[%swap3A_660], %swap3A_663 {strides = array<i32>} : memref<800xi32, #tpu.memory_space<vmem>>, vector<16xi32>,
      %get3A_664 = arith.constant 0 : i32
      %get3A_665 = arith.index_cast %get3A_664 : i32 to index
      %get3A_666 = arith.constant 16 : index
      %get3A_667 = tpu.vector_load %arg14[%get3A_665, %get3A_666] {strides = array<i32>} : memref<16x50xi32, #tpu.memory_space<vmem>>, vector<1x16xi32>,
      %get3A_668 = vector.shape_cast %get3A_667 : vector<1x16xi32> to vector<16xi32>
      %swap3A_669 = arith.constant 16 : index
      %swap3A_670 = tpu.vector_load %arg6[%swap3A_669] {strides = array<i32>} : memref<800xi32, #tpu.memory_space<vmem>>, vector<16xi32>,
      %swap3A_671 = vector.shape_cast %swap3A_670 : vector<16xi32> to vector<16xi32>
      %swap3A_672 = vector.shape_cast %get3A_668 : vector<16xi32> to vector<16xi32>
      tpu.vector_store %arg6[%swap3A_669], %swap3A_672 {strides = array<i32>} : memref<800xi32, #tpu.memory_space<vmem>>, vector<16xi32>,
      %get3A_673 = arith.constant 0 : i32
      %get3A_674 = arith.index_cast %get3A_673 : i32 to index
      %get3A_675 = arith.constant 32 : index
      %get3A_676 = tpu.vector_load %arg14[%get3A_674, %get3A_675] {strides = array<i32>} : memref<16x50xi32, #tpu.memory_space<vmem>>, vector<1x16xi32>,
      %get3A_677 = vector.shape_cast %get3A_676 : vector<1x16xi32> to vector<16xi32>
      %swap3A_678 = arith.constant 32 : index
      %swap3A_679 = tpu.vector_load %arg6[%swap3A_678] {strides = array<i32>} : memref<800xi32, #tpu.memory_space<vmem>>, vector<16xi32>,
      %swap3A_680 = vector.shape_cast %swap3A_679 : vector<16xi32> to vector<16xi32>
      %swap3A_681 = vector.shape_cast %get3A_677 : vector<16xi32> to vector<16xi32>
      tpu.vector_store %arg6[%swap3A_678], %swap3A_681 {strides = array<i32>} : memref<800xi32, #tpu.memory_space<vmem>>, vector<16xi32>,
      %get3A_682 = arith.constant 0 : i32
      %get3A_683 = arith.index_cast %get3A_682 : i32 to index
      %get3A_684 = arith.constant 34 : index
      %get3A_685 = tpu.vector_load %arg14[%get3A_683, %get3A_684] {strides = array<i32>} : memref<16x50xi32, #tpu.memory_space<vmem>>, vector<1x16xi32>,
      %get3A_686 = vector.shape_cast %get3A_685 : vector<1x16xi32> to vector<16xi32>
      %swap3A_687 = arith.constant 34 : index
      %swap3A_688 = tpu.vector_load %arg6[%swap3A_687] {strides = array<i32>} : memref<800xi32, #tpu.memory_space<vmem>>, vector<16xi32>,
      %swap3A_689 = vector.shape_cast %swap3A_688 : vector<16xi32> to vector<16xi32>
      %swap3A_690 = vector.shape_cast %get3A_686 : vector<16xi32> to vector<16xi32>
      tpu.vector_store %arg6[%swap3A_687], %swap3A_690 {strides = array<i32>} : memref<800xi32, #tpu.memory_space<vmem>>, vector<16xi32>,
      %get3A_691 = arith.constant 1 : i32
      %get3A_692 = arith.index_cast %get3A_691 : i32 to index
      %get3A_693 = arith.constant 0 : index
      %get3A_694 = tpu.vector_load %arg14[%get3A_692, %get3A_693] {strides = array<i32>} : memref<16x50xi32, #tpu.memory_space<vmem>>, vector<1x16xi32>,
      %get3A_695 = vector.shape_cast %get3A_694 : vector<1x16xi32> to vector<16xi32>
      %swap3A_696 = arith.constant 50 : index
      %swap3A_697 = tpu.vector_load %arg6[%swap3A_696] {strides = array<i32>} : memref<800xi32, #tpu.memory_space<vmem>>, vector<16xi32>,
      %swap3A_698 = vector.shape_cast %swap3A_697 : vector<16xi32> to vector<16xi32>
      %swap3A_699 = vector.shape_cast %get3A_695 : vector<16xi32> to vector<16xi32>
      tpu.vector_store %arg6[%swap3A_696], %swap3A_699 {strides = array<i32>} : memref<800xi32, #tpu.memory_space<vmem>>, vector<16xi32>,
      %get3A_700 = arith.constant 1 : i32
      %get3A_701 = arith.index_cast %get3A_700 : i32 to index
      %get3A_702 = arith.constant 16 : index
      %get3A_703 = tpu.vector_load %arg14[%get3A_701, %get3A_702] {strides = array<i32>} : memref<16x50xi32, #tpu.memory_space<vmem>>, vector<1x16xi32>,
      %get3A_704 = vector.shape_cast %get3A_703 : vector<1x16xi32> to vector<16xi32>
      %swap3A_705 = arith.constant 66 : index
      %swap3A_706 = tpu.vector_load %arg6[%swap3A_705] {strides = array<i32>} : memref<800xi32, #tpu.memory_space<vmem>>, vector<16xi32>,
      %swap3A_707 = vector.shape_cast %swap3A_706 : vector<16xi32> to vector<16xi32>
      %swap3A_708 = vector.shape_cast %get3A_704 : vector<16xi32> to vector<16xi32>
      tpu.vector_store %arg6[%swap3A_705], %swap3A_708 {strides = array<i32>} : memref<800xi32, #tpu.memory_space<vmem>>, vector<16xi32>,
      %get3A_709 = arith.constant 1 : i32
      %get3A_710 = arith.index_cast %get3A_709 : i32 to index
      %get3A_711 = arith.constant 32 : index
      %get3A_712 = tpu.vector_load %arg14[%get3A_710, %get3A_711] {strides = array<i32>} : memref<16x50xi32, #tpu.memory_space<vmem>>, vector<1x16xi32>,
      %get3A_713 = vector.shape_cast %get3A_712 : vector<1x16xi32> to vector<16xi32>
      %swap3A_714 = arith.constant 82 : index
      %swap3A_715 = tpu.vector_load %arg6[%swap3A_714] {strides = array<i32>} : memref<800xi32, #tpu.memory_space<vmem>>, vector<16xi32>,
      %swap3A_716 = vector.shape_cast %swap3A_715 : vector<16xi32> to vector<16xi32>
      %swap3A_717 = vector.shape_cast %get3A_713 : vector<16xi32> to vector<16xi32>
      tpu.vector_store %arg6[%swap3A_714], %swap3A_717 {strides = array<i32>} : memref<800xi32, #tpu.memory_space<vmem>>, vector<16xi32>,
      %get3A_718 = arith.constant 1 : i32
      %get3A_719 = arith.index_cast %get3A_718 : i32 to index
      %get3A_720 = arith.constant 34 : index
      %get3A_721 = tpu.vector_load %arg14[%get3A_719, %get3A_720] {strides = array<i32>} : memref<16x50xi32, #tpu.memory_space<vmem>>, vector<1x16xi32>,
      %get3A_722 = vector.shape_cast %get3A_721 : vector<1x16xi32> to vector<16xi32>
      %swap3A_723 = arith.constant 84 : index
      %swap3A_724 = tpu.vector_load %arg6[%swap3A_723] {strides = array<i32>} : memref<800xi32, #tpu.memory_space<vmem>>, vector<16xi32>,
      %swap3A_725 = vector.shape_cast %swap3A_724 : vector<16xi32> to vector<16xi32>
      %swap3A_726 = vector.shape_cast %get3A_722 : vector<16xi32> to vector<16xi32>
      tpu.vector_store %arg6[%swap3A_723], %swap3A_726 {strides = array<i32>} : memref<800xi32, #tpu.memory_space<vmem>>, vector<16xi32>,
      %get3A_727 = arith.constant 2 : i32
      %get3A_728 = arith.index_cast %get3A_727 : i32 to index
      %get3A_729 = arith.constant 0 : index
      %get3A_730 = tpu.vector_load %arg14[%get3A_728, %get3A_729] {strides = array<i32>} : memref<16x50xi32, #tpu.memory_space<vmem>>, vector<1x16xi32>,
      %get3A_731 = vector.shape_cast %get3A_730 : vector<1x16xi32> to vector<16xi32>
      %swap3A_732 = arith.constant 100 : index
      %swap3A_733 = tpu.vector_load %arg6[%swap3A_732] {strides = array<i32>} : memref<800xi32, #tpu.memory_space<vmem>>, vector<16xi32>,
      %swap3A_734 = vector.shape_cast %swap3A_733 : vector<16xi32> to vector<16xi32>
      %swap3A_735 = vector.shape_cast %get3A_731 : vector<16xi32> to vector<16xi32>
      tpu.vector_store %arg6[%swap3A_732], %swap3A_735 {strides = array<i32>} : memref<800xi32, #tpu.memory_space<vmem>>, vector<16xi32>,
      %get3A_736 = arith.constant 2 : i32
      %get3A_737 = arith.index_cast %get3A_736 : i32 to index
      %get3A_738 = arith.constant 16 : index
      %get3A_739 = tpu.vector_load %arg14[%get3A_737, %get3A_738] {strides = array<i32>} : memref<16x50xi32, #tpu.memory_space<vmem>>, vector<1x16xi32>,
      %get3A_740 = vector.shape_cast %get3A_739 : vector<1x16xi32> to vector<16xi32>
      %swap3A_741 = arith.constant 116 : index
      %swap3A_742 = tpu.vector_load %arg6[%swap3A_741] {strides = array<i32>} : memref<800xi32, #tpu.memory_space<vmem>>, vector<16xi32>,
      %swap3A_743 = vector.shape_cast %swap3A_742 : vector<16xi32> to vector<16xi32>
      %swap3A_744 = vector.shape_cast %get3A_740 : vector<16xi32> to vector<16xi32>
      tpu.vector_store %arg6[%swap3A_741], %swap3A_744 {strides = array<i32>} : memref<800xi32, #tpu.memory_space<vmem>>, vector<16xi32>,
      %get3A_745 = arith.constant 2 : i32
      %get3A_746 = arith.index_cast %get3A_745 : i32 to index
      %get3A_747 = arith.constant 32 : index
      %get3A_748 = tpu.vector_load %arg14[%get3A_746, %get3A_747] {strides = array<i32>} : memref<16x50xi32, #tpu.memory_space<vmem>>, vector<1x16xi32>,
      %get3A_749 = vector.shape_cast %get3A_748 : vector<1x16xi32> to vector<16xi32>
      %swap3A_750 = arith.constant 132 : index
      %swap3A_751 = tpu.vector_load %arg6[%swap3A_750] {strides = array<i32>} : memref<800xi32, #tpu.memory_space<vmem>>, vector<16xi32>,
      %swap3A_752 = vector.shape_cast %swap3A_751 : vector<16xi32> to vector<16xi32>
      %swap3A_753 = vector.shape_cast %get3A_749 : vector<16xi32> to vector<16xi32>
      tpu.vector_store %arg6[%swap3A_750], %swap3A_753 {strides = array<i32>} : memref<800xi32, #tpu.memory_space<vmem>>, vector<16xi32>,
      %get3A_754 = arith.constant 2 : i32
      %get3A_755 = arith.index_cast %get3A_754 : i32 to index
      %get3A_756 = arith.constant 34 : index
      %get3A_757 = tpu.vector_load %arg14[%get3A_755, %get3A_756] {strides = array<i32>} : memref<16x50xi32, #tpu.memory_space<vmem>>, vector<1x16xi32>,
      %get3A_758 = vector.shape_cast %get3A_757 : vector<1x16xi32> to vector<16xi32>
      %swap3A_759 = arith.constant 134 : index
      %swap3A_760 = tpu.vector_load %arg6[%swap3A_759] {strides = array<i32>} : memref<800xi32, #tpu.memory_space<vmem>>, vector<16xi32>,
      %swap3A_761 = vector.shape_cast %swap3A_760 : vector<16xi32> to vector<16xi32>
      %swap3A_762 = vector.shape_cast %get3A_758 : vector<16xi32> to vector<16xi32>
      tpu.vector_store %arg6[%swap3A_759], %swap3A_762 {strides = array<i32>} : memref<800xi32, #tpu.memory_space<vmem>>, vector<16xi32>,
      %get3A_763 = arith.constant 3 : i32
      %get3A_764 = arith.index_cast %get3A_763 : i32 to index
      %get3A_765 = arith.constant 0 : index
      %get3A_766 = tpu.vector_load %arg14[%get3A_764, %get3A_765] {strides = array<i32>} : memref<16x50xi32, #tpu.memory_space<vmem>>, vector<1x16xi32>,
      %get3A_767 = vector.shape_cast %get3A_766 : vector<1x16xi32> to vector<16xi32>
      %swap3A_768 = arith.constant 150 : index
      %swap3A_769 = tpu.vector_load %arg6[%swap3A_768] {strides = array<i32>} : memref<800xi32, #tpu.memory_space<vmem>>, vector<16xi32>,
      %swap3A_770 = vector.shape_cast %swap3A_769 : vector<16xi32> to vector<16xi32>
      %swap3A_771 = vector.shape_cast %get3A_767 : vector<16xi32> to vector<16xi32>
      tpu.vector_store %arg6[%swap3A_768], %swap3A_771 {strides = array<i32>} : memref<800xi32, #tpu.memory_space<vmem>>, vector<16xi32>,
      %get3A_772 = arith.constant 3 : i32
      %get3A_773 = arith.index_cast %get3A_772 : i32 to index
      %get3A_774 = arith.constant 16 : index
      %get3A_775 = tpu.vector_load %arg14[%get3A_773, %get3A_774] {strides = array<i32>} : memref<16x50xi32, #tpu.memory_space<vmem>>, vector<1x16xi32>,
      %get3A_776 = vector.shape_cast %get3A_775 : vector<1x16xi32> to vector<16xi32>
      %swap3A_777 = arith.constant 166 : index
      %swap3A_778 = tpu.vector_load %arg6[%swap3A_777] {strides = array<i32>} : memref<800xi32, #tpu.memory_space<vmem>>, vector<16xi32>,
      %swap3A_779 = vector.shape_cast %swap3A_778 : vector<16xi32> to vector<16xi32>
      %swap3A_780 = vector.shape_cast %get3A_776 : vector<16xi32> to vector<16xi32>
      tpu.vector_store %arg6[%swap3A_777], %swap3A_780 {strides = array<i32>} : memref<800xi32, #tpu.memory_space<vmem>>, vector<16xi32>,
      %get3A_781 = arith.constant 3 : i32
      %get3A_782 = arith.index_cast %get3A_781 : i32 to index
      %get3A_783 = arith.constant 32 : index
      %get3A_784 = tpu.vector_load %arg14[%get3A_782, %get3A_783] {strides = array<i32>} : memref<16x50xi32, #tpu.memory_space<vmem>>, vector<1x16xi32>,
      %get3A_785 = vector.shape_cast %get3A_784 : vector<1x16xi32> to vector<16xi32>
      %swap3A_786 = arith.constant 182 : index
      %swap3A_787 = tpu.vector_load %arg6[%swap3A_786] {strides = array<i32>} : memref<800xi32, #tpu.memory_space<vmem>>, vector<16xi32>,
      %swap3A_788 = vector.shape_cast %swap3A_787 : vector<16xi32> to vector<16xi32>
      %swap3A_789 = vector.shape_cast %get3A_785 : vector<16xi32> to vector<16xi32>
      tpu.vector_store %arg6[%swap3A_786], %swap3A_789 {strides = array<i32>} : memref<800xi32, #tpu.memory_space<vmem>>, vector<16xi32>,
      %get3A_790 = arith.constant 3 : i32
      %get3A_791 = arith.index_cast %get3A_790 : i32 to index
      %get3A_792 = arith.constant 34 : index
      %get3A_793 = tpu.vector_load %arg14[%get3A_791, %get3A_792] {strides = array<i32>} : memref<16x50xi32, #tpu.memory_space<vmem>>, vector<1x16xi32>,
      %get3A_794 = vector.shape_cast %get3A_793 : vector<1x16xi32> to vector<16xi32>
      %swap3A_795 = arith.constant 184 : index
      %swap3A_796 = tpu.vector_load %arg6[%swap3A_795] {strides = array<i32>} : memref<800xi32, #tpu.memory_space<vmem>>, vector<16xi32>,
      %swap3A_797 = vector.shape_cast %swap3A_796 : vector<16xi32> to vector<16xi32>
      %swap3A_798 = vector.shape_cast %get3A_794 : vector<16xi32> to vector<16xi32>
      tpu.vector_store %arg6[%swap3A_795], %swap3A_798 {strides = array<i32>} : memref<800xi32, #tpu.memory_space<vmem>>, vector<16xi32>,
      %get3A_799 = arith.constant 4 : i32
      %get3A_800 = arith.index_cast %get3A_799 : i32 to index
      %get3A_801 = arith.constant 0 : index
      %get3A_802 = tpu.vector_load %arg14[%get3A_800, %get3A_801] {strides = array<i32>} : memref<16x50xi32, #tpu.memory_space<vmem>>, vector<1x16xi32>,
      %get3A_803 = vector.shape_cast %get3A_802 : vector<1x16xi32> to vector<16xi32>
      %swap3A_804 = arith.constant 200 : index
      %swap3A_805 = tpu.vector_load %arg6[%swap3A_804] {strides = array<i32>} : memref<800xi32, #tpu.memory_space<vmem>>, vector<16xi32>,
      %swap3A_806 = vector.shape_cast %swap3A_805 : vector<16xi32> to vector<16xi32>
      %swap3A_807 = vector.shape_cast %get3A_803 : vector<16xi32> to vector<16xi32>
      tpu.vector_store %arg6[%swap3A_804], %swap3A_807 {strides = array<i32>} : memref<800xi32, #tpu.memory_space<vmem>>, vector<16xi32>,
      %get3A_808 = arith.constant 4 : i32
      %get3A_809 = arith.index_cast %get3A_808 : i32 to index
      %get3A_810 = arith.constant 16 : index
      %get3A_811 = tpu.vector_load %arg14[%get3A_809, %get3A_810] {strides = array<i32>} : memref<16x50xi32, #tpu.memory_space<vmem>>, vector<1x16xi32>,
      %get3A_812 = vector.shape_cast %get3A_811 : vector<1x16xi32> to vector<16xi32>
      %swap3A_813 = arith.constant 216 : index
      %swap3A_814 = tpu.vector_load %arg6[%swap3A_813] {strides = array<i32>} : memref<800xi32, #tpu.memory_space<vmem>>, vector<16xi32>,
      %swap3A_815 = vector.shape_cast %swap3A_814 : vector<16xi32> to vector<16xi32>
      %swap3A_816 = vector.shape_cast %get3A_812 : vector<16xi32> to vector<16xi32>
      tpu.vector_store %arg6[%swap3A_813], %swap3A_816 {strides = array<i32>} : memref<800xi32, #tpu.memory_space<vmem>>, vector<16xi32>,
      %get3A_817 = arith.constant 4 : i32
      %get3A_818 = arith.index_cast %get3A_817 : i32 to index
      %get3A_819 = arith.constant 32 : index
      %get3A_820 = tpu.vector_load %arg14[%get3A_818, %get3A_819] {strides = array<i32>} : memref<16x50xi32, #tpu.memory_space<vmem>>, vector<1x16xi32>,
      %get3A_821 = vector.shape_cast %get3A_820 : vector<1x16xi32> to vector<16xi32>
      %swap3A_822 = arith.constant 232 : index
      %swap3A_823 = tpu.vector_load %arg6[%swap3A_822] {strides = array<i32>} : memref<800xi32, #tpu.memory_space<vmem>>, vector<16xi32>,
      %swap3A_824 = vector.shape_cast %swap3A_823 : vector<16xi32> to vector<16xi32>
      %swap3A_825 = vector.shape_cast %get3A_821 : vector<16xi32> to vector<16xi32>
      tpu.vector_store %arg6[%swap3A_822], %swap3A_825 {strides = array<i32>} : memref<800xi32, #tpu.memory_space<vmem>>, vector<16xi32>,
      %get3A_826 = arith.constant 4 : i32
      %get3A_827 = arith.index_cast %get3A_826 : i32 to index
      %get3A_828 = arith.constant 34 : index
      %get3A_829 = tpu.vector_load %arg14[%get3A_827, %get3A_828] {strides = array<i32>} : memref<16x50xi32, #tpu.memory_space<vmem>>, vector<1x16xi32>,
      %get3A_830 = vector.shape_cast %get3A_829 : vector<1x16xi32> to vector<16xi32>
      %swap3A_831 = arith.constant 234 : index
      %swap3A_832 = tpu.vector_load %arg6[%swap3A_831] {strides = array<i32>} : memref<800xi32, #tpu.memory_space<vmem>>, vector<16xi32>,
      %swap3A_833 = vector.shape_cast %swap3A_832 : vector<16xi32> to vector<16xi32>
      %swap3A_834 = vector.shape_cast %get3A_830 : vector<16xi32> to vector<16xi32>
      tpu.vector_store %arg6[%swap3A_831], %swap3A_834 {strides = array<i32>} : memref<800xi32, #tpu.memory_space<vmem>>, vector<16xi32>,
      %get3A_835 = arith.constant 5 : i32
      %get3A_836 = arith.index_cast %get3A_835 : i32 to index
      %get3A_837 = arith.constant 0 : index
      %get3A_838 = tpu.vector_load %arg14[%get3A_836, %get3A_837] {strides = array<i32>} : memref<16x50xi32, #tpu.memory_space<vmem>>, vector<1x16xi32>,
      %get3A_839 = vector.shape_cast %get3A_838 : vector<1x16xi32> to vector<16xi32>
      %swap3A_840 = arith.constant 250 : index
      %swap3A_841 = tpu.vector_load %arg6[%swap3A_840] {strides = array<i32>} : memref<800xi32, #tpu.memory_space<vmem>>, vector<16xi32>,
      %swap3A_842 = vector.shape_cast %swap3A_841 : vector<16xi32> to vector<16xi32>
      %swap3A_843 = vector.shape_cast %get3A_839 : vector<16xi32> to vector<16xi32>
      tpu.vector_store %arg6[%swap3A_840], %swap3A_843 {strides = array<i32>} : memref<800xi32, #tpu.memory_space<vmem>>, vector<16xi32>,
      %get3A_844 = arith.constant 5 : i32
      %get3A_845 = arith.index_cast %get3A_844 : i32 to index
      %get3A_846 = arith.constant 16 : index
      %get3A_847 = tpu.vector_load %arg14[%get3A_845, %get3A_846] {strides = array<i32>} : memref<16x50xi32, #tpu.memory_space<vmem>>, vector<1x16xi32>,
      %get3A_848 = vector.shape_cast %get3A_847 : vector<1x16xi32> to vector<16xi32>
      %swap3A_849 = arith.constant 266 : index
      %swap3A_850 = tpu.vector_load %arg6[%swap3A_849] {strides = array<i32>} : memref<800xi32, #tpu.memory_space<vmem>>, vector<16xi32>,
      %swap3A_851 = vector.shape_cast %swap3A_850 : vector<16xi32> to vector<16xi32>
      %swap3A_852 = vector.shape_cast %get3A_848 : vector<16xi32> to vector<16xi32>
      tpu.vector_store %arg6[%swap3A_849], %swap3A_852 {strides = array<i32>} : memref<800xi32, #tpu.memory_space<vmem>>, vector<16xi32>,
      %get3A_853 = arith.constant 5 : i32
      %get3A_854 = arith.index_cast %get3A_853 : i32 to index
      %get3A_855 = arith.constant 32 : index
      %get3A_856 = tpu.vector_load %arg14[%get3A_854, %get3A_855] {strides = array<i32>} : memref<16x50xi32, #tpu.memory_space<vmem>>, vector<1x16xi32>,
      %get3A_857 = vector.shape_cast %get3A_856 : vector<1x16xi32> to vector<16xi32>
      %swap3A_858 = arith.constant 282 : index
      %swap3A_859 = tpu.vector_load %arg6[%swap3A_858] {strides = array<i32>} : memref<800xi32, #tpu.memory_space<vmem>>, vector<16xi32>,
      %swap3A_860 = vector.shape_cast %swap3A_859 : vector<16xi32> to vector<16xi32>
      %swap3A_861 = vector.shape_cast %get3A_857 : vector<16xi32> to vector<16xi32>
      tpu.vector_store %arg6[%swap3A_858], %swap3A_861 {strides = array<i32>} : memref<800xi32, #tpu.memory_space<vmem>>, vector<16xi32>,
      %get3A_862 = arith.constant 5 : i32
      %get3A_863 = arith.index_cast %get3A_862 : i32 to index
      %get3A_864 = arith.constant 34 : index
      %get3A_865 = tpu.vector_load %arg14[%get3A_863, %get3A_864] {strides = array<i32>} : memref<16x50xi32, #tpu.memory_space<vmem>>, vector<1x16xi32>,
      %get3A_866 = vector.shape_cast %get3A_865 : vector<1x16xi32> to vector<16xi32>
      %swap3A_867 = arith.constant 284 : index
      %swap3A_868 = tpu.vector_load %arg6[%swap3A_867] {strides = array<i32>} : memref<800xi32, #tpu.memory_space<vmem>>, vector<16xi32>,
      %swap3A_869 = vector.shape_cast %swap3A_868 : vector<16xi32> to vector<16xi32>
      %swap3A_870 = vector.shape_cast %get3A_866 : vector<16xi32> to vector<16xi32>
      tpu.vector_store %arg6[%swap3A_867], %swap3A_870 {strides = array<i32>} : memref<800xi32, #tpu.memory_space<vmem>>, vector<16xi32>,
      %get3A_871 = arith.constant 6 : i32
      %get3A_872 = arith.index_cast %get3A_871 : i32 to index
      %get3A_873 = arith.constant 0 : index
      %get3A_874 = tpu.vector_load %arg14[%get3A_872, %get3A_873] {strides = array<i32>} : memref<16x50xi32, #tpu.memory_space<vmem>>, vector<1x16xi32>,
      %get3A_875 = vector.shape_cast %get3A_874 : vector<1x16xi32> to vector<16xi32>
      %swap3A_876 = arith.constant 300 : index
      %swap3A_877 = tpu.vector_load %arg6[%swap3A_876] {strides = array<i32>} : memref<800xi32, #tpu.memory_space<vmem>>, vector<16xi32>,
      %swap3A_878 = vector.shape_cast %swap3A_877 : vector<16xi32> to vector<16xi32>
      %swap3A_879 = vector.shape_cast %get3A_875 : vector<16xi32> to vector<16xi32>
      tpu.vector_store %arg6[%swap3A_876], %swap3A_879 {strides = array<i32>} : memref<800xi32, #tpu.memory_space<vmem>>, vector<16xi32>,
      %get3A_880 = arith.constant 6 : i32
      %get3A_881 = arith.index_cast %get3A_880 : i32 to index
      %get3A_882 = arith.constant 16 : index
      %get3A_883 = tpu.vector_load %arg14[%get3A_881, %get3A_882] {strides = array<i32>} : memref<16x50xi32, #tpu.memory_space<vmem>>, vector<1x16xi32>,
      %get3A_884 = vector.shape_cast %get3A_883 : vector<1x16xi32> to vector<16xi32>
      %swap3A_885 = arith.constant 316 : index
      %swap3A_886 = tpu.vector_load %arg6[%swap3A_885] {strides = array<i32>} : memref<800xi32, #tpu.memory_space<vmem>>, vector<16xi32>,
      %swap3A_887 = vector.shape_cast %swap3A_886 : vector<16xi32> to vector<16xi32>
      %swap3A_888 = vector.shape_cast %get3A_884 : vector<16xi32> to vector<16xi32>
      tpu.vector_store %arg6[%swap3A_885], %swap3A_888 {strides = array<i32>} : memref<800xi32, #tpu.memory_space<vmem>>, vector<16xi32>,
      %get3A_889 = arith.constant 6 : i32
      %get3A_890 = arith.index_cast %get3A_889 : i32 to index
      %get3A_891 = arith.constant 32 : index
      %get3A_892 = tpu.vector_load %arg14[%get3A_890, %get3A_891] {strides = array<i32>} : memref<16x50xi32, #tpu.memory_space<vmem>>, vector<1x16xi32>,
      %get3A_893 = vector.shape_cast %get3A_892 : vector<1x16xi32> to vector<16xi32>
      %swap3A_894 = arith.constant 332 : index
      %swap3A_895 = tpu.vector_load %arg6[%swap3A_894] {strides = array<i32>} : memref<800xi32, #tpu.memory_space<vmem>>, vector<16xi32>,
      %swap3A_896 = vector.shape_cast %swap3A_895 : vector<16xi32> to vector<16xi32>
      %swap3A_897 = vector.shape_cast %get3A_893 : vector<16xi32> to vector<16xi32>
      tpu.vector_store %arg6[%swap3A_894], %swap3A_897 {strides = array<i32>} : memref<800xi32, #tpu.memory_space<vmem>>, vector<16xi32>,
      %get3A_898 = arith.constant 6 : i32
      %get3A_899 = arith.index_cast %get3A_898 : i32 to index
      %get3A_900 = arith.constant 34 : index
      %get3A_901 = tpu.vector_load %arg14[%get3A_899, %get3A_900] {strides = array<i32>} : memref<16x50xi32, #tpu.memory_space<vmem>>, vector<1x16xi32>,
      %get3A_902 = vector.shape_cast %get3A_901 : vector<1x16xi32> to vector<16xi32>
      %swap3A_903 = arith.constant 334 : index
      %swap3A_904 = tpu.vector_load %arg6[%swap3A_903] {strides = array<i32>} : memref<800xi32, #tpu.memory_space<vmem>>, vector<16xi32>,
      %swap3A_905 = vector.shape_cast %swap3A_904 : vector<16xi32> to vector<16xi32>
      %swap3A_906 = vector.shape_cast %get3A_902 : vector<16xi32> to vector<16xi32>
      tpu.vector_store %arg6[%swap3A_903], %swap3A_906 {strides = array<i32>} : memref<800xi32, #tpu.memory_space<vmem>>, vector<16xi32>,
      %get3A_907 = arith.constant 7 : i32
      %get3A_908 = arith.index_cast %get3A_907 : i32 to index
      %get3A_909 = arith.constant 0 : index
      %get3A_910 = tpu.vector_load %arg14[%get3A_908, %get3A_909] {strides = array<i32>} : memref<16x50xi32, #tpu.memory_space<vmem>>, vector<1x16xi32>,
      %get3A_911 = vector.shape_cast %get3A_910 : vector<1x16xi32> to vector<16xi32>
      %swap3A_912 = arith.constant 350 : index
      %swap3A_913 = tpu.vector_load %arg6[%swap3A_912] {strides = array<i32>} : memref<800xi32, #tpu.memory_space<vmem>>, vector<16xi32>,
      %swap3A_914 = vector.shape_cast %swap3A_913 : vector<16xi32> to vector<16xi32>
      %swap3A_915 = vector.shape_cast %get3A_911 : vector<16xi32> to vector<16xi32>
      tpu.vector_store %arg6[%swap3A_912], %swap3A_915 {strides = array<i32>} : memref<800xi32, #tpu.memory_space<vmem>>, vector<16xi32>,
      %get3A_916 = arith.constant 7 : i32
      %get3A_917 = arith.index_cast %get3A_916 : i32 to index
      %get3A_918 = arith.constant 16 : index
      %get3A_919 = tpu.vector_load %arg14[%get3A_917, %get3A_918] {strides = array<i32>} : memref<16x50xi32, #tpu.memory_space<vmem>>, vector<1x16xi32>,
      %get3A_920 = vector.shape_cast %get3A_919 : vector<1x16xi32> to vector<16xi32>
      %swap3A_921 = arith.constant 366 : index
      %swap3A_922 = tpu.vector_load %arg6[%swap3A_921] {strides = array<i32>} : memref<800xi32, #tpu.memory_space<vmem>>, vector<16xi32>,
      %swap3A_923 = vector.shape_cast %swap3A_922 : vector<16xi32> to vector<16xi32>
      %swap3A_924 = vector.shape_cast %get3A_920 : vector<16xi32> to vector<16xi32>
      tpu.vector_store %arg6[%swap3A_921], %swap3A_924 {strides = array<i32>} : memref<800xi32, #tpu.memory_space<vmem>>, vector<16xi32>,
      %get3A_925 = arith.constant 7 : i32
      %get3A_926 = arith.index_cast %get3A_925 : i32 to index
      %get3A_927 = arith.constant 32 : index
      %get3A_928 = tpu.vector_load %arg14[%get3A_926, %get3A_927] {strides = array<i32>} : memref<16x50xi32, #tpu.memory_space<vmem>>, vector<1x16xi32>,
      %get3A_929 = vector.shape_cast %get3A_928 : vector<1x16xi32> to vector<16xi32>
      %swap3A_930 = arith.constant 382 : index
      %swap3A_931 = tpu.vector_load %arg6[%swap3A_930] {strides = array<i32>} : memref<800xi32, #tpu.memory_space<vmem>>, vector<16xi32>,
      %swap3A_932 = vector.shape_cast %swap3A_931 : vector<16xi32> to vector<16xi32>
      %swap3A_933 = vector.shape_cast %get3A_929 : vector<16xi32> to vector<16xi32>
      tpu.vector_store %arg6[%swap3A_930], %swap3A_933 {strides = array<i32>} : memref<800xi32, #tpu.memory_space<vmem>>, vector<16xi32>,
      %get3A_934 = arith.constant 7 : i32
      %get3A_935 = arith.index_cast %get3A_934 : i32 to index
      %get3A_936 = arith.constant 34 : index
      %get3A_937 = tpu.vector_load %arg14[%get3A_935, %get3A_936] {strides = array<i32>} : memref<16x50xi32, #tpu.memory_space<vmem>>, vector<1x16xi32>,
      %get3A_938 = vector.shape_cast %get3A_937 : vector<1x16xi32> to vector<16xi32>
      %swap3A_939 = arith.constant 384 : index
      %swap3A_940 = tpu.vector_load %arg6[%swap3A_939] {strides = array<i32>} : memref<800xi32, #tpu.memory_space<vmem>>, vector<16xi32>,
      %swap3A_941 = vector.shape_cast %swap3A_940 : vector<16xi32> to vector<16xi32>
      %swap3A_942 = vector.shape_cast %get3A_938 : vector<16xi32> to vector<16xi32>
      tpu.vector_store %arg6[%swap3A_939], %swap3A_942 {strides = array<i32>} : memref<800xi32, #tpu.memory_space<vmem>>, vector<16xi32>,
      %get3A_943 = arith.constant 8 : i32
      %get3A_944 = arith.index_cast %get3A_943 : i32 to index
      %get3A_945 = arith.constant 0 : index
      %get3A_946 = tpu.vector_load %arg14[%get3A_944, %get3A_945] {strides = array<i32>} : memref<16x50xi32, #tpu.memory_space<vmem>>, vector<1x16xi32>,
      %get3A_947 = vector.shape_cast %get3A_946 : vector<1x16xi32> to vector<16xi32>
      %swap3A_948 = arith.constant 400 : index
      %swap3A_949 = tpu.vector_load %arg6[%swap3A_948] {strides = array<i32>} : memref<800xi32, #tpu.memory_space<vmem>>, vector<16xi32>,
      %swap3A_950 = vector.shape_cast %swap3A_949 : vector<16xi32> to vector<16xi32>
      %swap3A_951 = vector.shape_cast %get3A_947 : vector<16xi32> to vector<16xi32>
      tpu.vector_store %arg6[%swap3A_948], %swap3A_951 {strides = array<i32>} : memref<800xi32, #tpu.memory_space<vmem>>, vector<16xi32>,
      %get3A_952 = arith.constant 8 : i32
      %get3A_953 = arith.index_cast %get3A_952 : i32 to index
      %get3A_954 = arith.constant 16 : index
      %get3A_955 = tpu.vector_load %arg14[%get3A_953, %get3A_954] {strides = array<i32>} : memref<16x50xi32, #tpu.memory_space<vmem>>, vector<1x16xi32>,
      %get3A_956 = vector.shape_cast %get3A_955 : vector<1x16xi32> to vector<16xi32>
      %swap3A_957 = arith.constant 416 : index
      %swap3A_958 = tpu.vector_load %arg6[%swap3A_957] {strides = array<i32>} : memref<800xi32, #tpu.memory_space<vmem>>, vector<16xi32>,
      %swap3A_959 = vector.shape_cast %swap3A_958 : vector<16xi32> to vector<16xi32>
      %swap3A_960 = vector.shape_cast %get3A_956 : vector<16xi32> to vector<16xi32>
      tpu.vector_store %arg6[%swap3A_957], %swap3A_960 {strides = array<i32>} : memref<800xi32, #tpu.memory_space<vmem>>, vector<16xi32>,
      %get3A_961 = arith.constant 8 : i32
      %get3A_962 = arith.index_cast %get3A_961 : i32 to index
      %get3A_963 = arith.constant 32 : index
      %get3A_964 = tpu.vector_load %arg14[%get3A_962, %get3A_963] {strides = array<i32>} : memref<16x50xi32, #tpu.memory_space<vmem>>, vector<1x16xi32>,
      %get3A_965 = vector.shape_cast %get3A_964 : vector<1x16xi32> to vector<16xi32>
      %swap3A_966 = arith.constant 432 : index
      %swap3A_967 = tpu.vector_load %arg6[%swap3A_966] {strides = array<i32>} : memref<800xi32, #tpu.memory_space<vmem>>, vector<16xi32>,
      %swap3A_968 = vector.shape_cast %swap3A_967 : vector<16xi32> to vector<16xi32>
      %swap3A_969 = vector.shape_cast %get3A_965 : vector<16xi32> to vector<16xi32>
      tpu.vector_store %arg6[%swap3A_966], %swap3A_969 {strides = array<i32>} : memref<800xi32, #tpu.memory_space<vmem>>, vector<16xi32>,
      %get3A_970 = arith.constant 8 : i32
      %get3A_971 = arith.index_cast %get3A_970 : i32 to index
      %get3A_972 = arith.constant 34 : index
      %get3A_973 = tpu.vector_load %arg14[%get3A_971, %get3A_972] {strides = array<i32>} : memref<16x50xi32, #tpu.memory_space<vmem>>, vector<1x16xi32>,
      %get3A_974 = vector.shape_cast %get3A_973 : vector<1x16xi32> to vector<16xi32>
      %swap3A_975 = arith.constant 434 : index
      %swap3A_976 = tpu.vector_load %arg6[%swap3A_975] {strides = array<i32>} : memref<800xi32, #tpu.memory_space<vmem>>, vector<16xi32>,
      %swap3A_977 = vector.shape_cast %swap3A_976 : vector<16xi32> to vector<16xi32>
      %swap3A_978 = vector.shape_cast %get3A_974 : vector<16xi32> to vector<16xi32>
      tpu.vector_store %arg6[%swap3A_975], %swap3A_978 {strides = array<i32>} : memref<800xi32, #tpu.memory_space<vmem>>, vector<16xi32>,
      %get3A_979 = arith.constant 9 : i32
      %get3A_980 = arith.index_cast %get3A_979 : i32 to index
      %get3A_981 = arith.constant 0 : index
      %get3A_982 = tpu.vector_load %arg14[%get3A_980, %get3A_981] {strides = array<i32>} : memref<16x50xi32, #tpu.memory_space<vmem>>, vector<1x16xi32>,
      %get3A_983 = vector.shape_cast %get3A_982 : vector<1x16xi32> to vector<16xi32>
      %swap3A_984 = arith.constant 450 : index
      %swap3A_985 = tpu.vector_load %arg6[%swap3A_984] {strides = array<i32>} : memref<800xi32, #tpu.memory_space<vmem>>, vector<16xi32>,
      %swap3A_986 = vector.shape_cast %swap3A_985 : vector<16xi32> to vector<16xi32>
      %swap3A_987 = vector.shape_cast %get3A_983 : vector<16xi32> to vector<16xi32>
      tpu.vector_store %arg6[%swap3A_984], %swap3A_987 {strides = array<i32>} : memref<800xi32, #tpu.memory_space<vmem>>, vector<16xi32>,
      %get3A_988 = arith.constant 9 : i32
      %get3A_989 = arith.index_cast %get3A_988 : i32 to index
      %get3A_990 = arith.constant 16 : index
      %get3A_991 = tpu.vector_load %arg14[%get3A_989, %get3A_990] {strides = array<i32>} : memref<16x50xi32, #tpu.memory_space<vmem>>, vector<1x16xi32>,
      %get3A_992 = vector.shape_cast %get3A_991 : vector<1x16xi32> to vector<16xi32>
      %swap3A_993 = arith.constant 466 : index
      %swap3A_994 = tpu.vector_load %arg6[%swap3A_993] {strides = array<i32>} : memref<800xi32, #tpu.memory_space<vmem>>, vector<16xi32>,
      %swap3A_995 = vector.shape_cast %swap3A_994 : vector<16xi32> to vector<16xi32>
      %swap3A_996 = vector.shape_cast %get3A_992 : vector<16xi32> to vector<16xi32>
      tpu.vector_store %arg6[%swap3A_993], %swap3A_996 {strides = array<i32>} : memref<800xi32, #tpu.memory_space<vmem>>, vector<16xi32>,
      %get3A_997 = arith.constant 9 : i32
      %get3A_998 = arith.index_cast %get3A_997 : i32 to index
      %get3A_999 = arith.constant 32 : index
      %get3A_1000 = tpu.vector_load %arg14[%get3A_998, %get3A_999] {strides = array<i32>} : memref<16x50xi32, #tpu.memory_space<vmem>>, vector<1x16xi32>,
      %get3A_1001 = vector.shape_cast %get3A_1000 : vector<1x16xi32> to vector<16xi32>
      %swap3A_1002 = arith.constant 482 : index
      %swap3A_1003 = tpu.vector_load %arg6[%swap3A_1002] {strides = array<i32>} : memref<800xi32, #tpu.memory_space<vmem>>, vector<16xi32>,
      %swap3A_1004 = vector.shape_cast %swap3A_1003 : vector<16xi32> to vector<16xi32>
      %swap3A_1005 = vector.shape_cast %get3A_1001 : vector<16xi32> to vector<16xi32>
      tpu.vector_store %arg6[%swap3A_1002], %swap3A_1005 {strides = array<i32>} : memref<800xi32, #tpu.memory_space<vmem>>, vector<16xi32>,
      %get3A_1006 = arith.constant 9 : i32
      %get3A_1007 = arith.index_cast %get3A_1006 : i32 to index
      %get3A_1008 = arith.constant 34 : index
      %get3A_1009 = tpu.vector_load %arg14[%get3A_1007, %get3A_1008] {strides = array<i32>} : memref<16x50xi32, #tpu.memory_space<vmem>>, vector<1x16xi32>,
      %get3A_1010 = vector.shape_cast %get3A_1009 : vector<1x16xi32> to vector<16xi32>
      %swap3A_1011 = arith.constant 484 : index
      %swap3A_1012 = tpu.vector_load %arg6[%swap3A_1011] {strides = array<i32>} : memref<800xi32, #tpu.memory_space<vmem>>, vector<16xi32>,
      %swap3A_1013 = vector.shape_cast %swap3A_1012 : vector<16xi32> to vector<16xi32>
      %swap3A_1014 = vector.shape_cast %get3A_1010 : vector<16xi32> to vector<16xi32>
      tpu.vector_store %arg6[%swap3A_1011], %swap3A_1014 {strides = array<i32>} : memref<800xi32, #tpu.memory_space<vmem>>, vector<16xi32>,
      %get3A_1015 = arith.constant 10 : i32
      %get3A_1016 = arith.index_cast %get3A_1015 : i32 to index
      %get3A_1017 = arith.constant 0 : index
      %get3A_1018 = tpu.vector_load %arg14[%get3A_1016, %get3A_1017] {strides = array<i32>} : memref<16x50xi32, #tpu.memory_space<vmem>>, vector<1x16xi32>,
      %get3A_1019 = vector.shape_cast %get3A_1018 : vector<1x16xi32> to vector<16xi32>
      %swap3A_1020 = arith.constant 500 : index
      %swap3A_1021 = tpu.vector_load %arg6[%swap3A_1020] {strides = array<i32>} : memref<800xi32, #tpu.memory_space<vmem>>, vector<16xi32>,
      %swap3A_1022 = vector.shape_cast %swap3A_1021 : vector<16xi32> to vector<16xi32>
      %swap3A_1023 = vector.shape_cast %get3A_1019 : vector<16xi32> to vector<16xi32>
      tpu.vector_store %arg6[%swap3A_1020], %swap3A_1023 {strides = array<i32>} : memref<800xi32, #tpu.memory_space<vmem>>, vector<16xi32>,
      %get3A_1024 = arith.constant 10 : i32
      %get3A_1025 = arith.index_cast %get3A_1024 : i32 to index
      %get3A_1026 = arith.constant 16 : index
      %get3A_1027 = tpu.vector_load %arg14[%get3A_1025, %get3A_1026] {strides = array<i32>} : memref<16x50xi32, #tpu.memory_space<vmem>>, vector<1x16xi32>,
      %get3A_1028 = vector.shape_cast %get3A_1027 : vector<1x16xi32> to vector<16xi32>
      %swap3A_1029 = arith.constant 516 : index
      %swap3A_1030 = tpu.vector_load %arg6[%swap3A_1029] {strides = array<i32>} : memref<800xi32, #tpu.memory_space<vmem>>, vector<16xi32>,
      %swap3A_1031 = vector.shape_cast %swap3A_1030 : vector<16xi32> to vector<16xi32>
      %swap3A_1032 = vector.shape_cast %get3A_1028 : vector<16xi32> to vector<16xi32>
      tpu.vector_store %arg6[%swap3A_1029], %swap3A_1032 {strides = array<i32>} : memref<800xi32, #tpu.memory_space<vmem>>, vector<16xi32>,
      %get3A_1033 = arith.constant 10 : i32
      %get3A_1034 = arith.index_cast %get3A_1033 : i32 to index
      %get3A_1035 = arith.constant 32 : index
      %get3A_1036 = tpu.vector_load %arg14[%get3A_1034, %get3A_1035] {strides = array<i32>} : memref<16x50xi32, #tpu.memory_space<vmem>>, vector<1x16xi32>,
      %get3A_1037 = vector.shape_cast %get3A_1036 : vector<1x16xi32> to vector<16xi32>
      %swap3A_1038 = arith.constant 532 : index
      %swap3A_1039 = tpu.vector_load %arg6[%swap3A_1038] {strides = array<i32>} : memref<800xi32, #tpu.memory_space<vmem>>, vector<16xi32>,
      %swap3A_1040 = vector.shape_cast %swap3A_1039 : vector<16xi32> to vector<16xi32>
      %swap3A_1041 = vector.shape_cast %get3A_1037 : vector<16xi32> to vector<16xi32>
      tpu.vector_store %arg6[%swap3A_1038], %swap3A_1041 {strides = array<i32>} : memref<800xi32, #tpu.memory_space<vmem>>, vector<16xi32>,
      %get3A_1042 = arith.constant 10 : i32
      %get3A_1043 = arith.index_cast %get3A_1042 : i32 to index
      %get3A_1044 = arith.constant 34 : index
      %get3A_1045 = tpu.vector_load %arg14[%get3A_1043, %get3A_1044] {strides = array<i32>} : memref<16x50xi32, #tpu.memory_space<vmem>>, vector<1x16xi32>,
      %get3A_1046 = vector.shape_cast %get3A_1045 : vector<1x16xi32> to vector<16xi32>
      %swap3A_1047 = arith.constant 534 : index
      %swap3A_1048 = tpu.vector_load %arg6[%swap3A_1047] {strides = array<i32>} : memref<800xi32, #tpu.memory_space<vmem>>, vector<16xi32>,
      %swap3A_1049 = vector.shape_cast %swap3A_1048 : vector<16xi32> to vector<16xi32>
      %swap3A_1050 = vector.shape_cast %get3A_1046 : vector<16xi32> to vector<16xi32>
      tpu.vector_store %arg6[%swap3A_1047], %swap3A_1050 {strides = array<i32>} : memref<800xi32, #tpu.memory_space<vmem>>, vector<16xi32>,
      %get3A_1051 = arith.constant 11 : i32
      %get3A_1052 = arith.index_cast %get3A_1051 : i32 to index
      %get3A_1053 = arith.constant 0 : index
      %get3A_1054 = tpu.vector_load %arg14[%get3A_1052, %get3A_1053] {strides = array<i32>} : memref<16x50xi32, #tpu.memory_space<vmem>>, vector<1x16xi32>,
      %get3A_1055 = vector.shape_cast %get3A_1054 : vector<1x16xi32> to vector<16xi32>
      %swap3A_1056 = arith.constant 550 : index
      %swap3A_1057 = tpu.vector_load %arg6[%swap3A_1056] {strides = array<i32>} : memref<800xi32, #tpu.memory_space<vmem>>, vector<16xi32>,
      %swap3A_1058 = vector.shape_cast %swap3A_1057 : vector<16xi32> to vector<16xi32>
      %swap3A_1059 = vector.shape_cast %get3A_1055 : vector<16xi32> to vector<16xi32>
      tpu.vector_store %arg6[%swap3A_1056], %swap3A_1059 {strides = array<i32>} : memref<800xi32, #tpu.memory_space<vmem>>, vector<16xi32>,
      %get3A_1060 = arith.constant 11 : i32
      %get3A_1061 = arith.index_cast %get3A_1060 : i32 to index
      %get3A_1062 = arith.constant 16 : index
      %get3A_1063 = tpu.vector_load %arg14[%get3A_1061, %get3A_1062] {strides = array<i32>} : memref<16x50xi32, #tpu.memory_space<vmem>>, vector<1x16xi32>,
      %get3A_1064 = vector.shape_cast %get3A_1063 : vector<1x16xi32> to vector<16xi32>
      %swap3A_1065 = arith.constant 566 : index
      %swap3A_1066 = tpu.vector_load %arg6[%swap3A_1065] {strides = array<i32>} : memref<800xi32, #tpu.memory_space<vmem>>, vector<16xi32>,
      %swap3A_1067 = vector.shape_cast %swap3A_1066 : vector<16xi32> to vector<16xi32>
      %swap3A_1068 = vector.shape_cast %get3A_1064 : vector<16xi32> to vector<16xi32>
      tpu.vector_store %arg6[%swap3A_1065], %swap3A_1068 {strides = array<i32>} : memref<800xi32, #tpu.memory_space<vmem>>, vector<16xi32>,
      %get3A_1069 = arith.constant 11 : i32
      %get3A_1070 = arith.index_cast %get3A_1069 : i32 to index
      %get3A_1071 = arith.constant 32 : index
      %get3A_1072 = tpu.vector_load %arg14[%get3A_1070, %get3A_1071] {strides = array<i32>} : memref<16x50xi32, #tpu.memory_space<vmem>>, vector<1x16xi32>,
      %get3A_1073 = vector.shape_cast %get3A_1072 : vector<1x16xi32> to vector<16xi32>
      %swap3A_1074 = arith.constant 582 : index
      %swap3A_1075 = tpu.vector_load %arg6[%swap3A_1074] {strides = array<i32>} : memref<800xi32, #tpu.memory_space<vmem>>, vector<16xi32>,
      %swap3A_1076 = vector.shape_cast %swap3A_1075 : vector<16xi32> to vector<16xi32>
      %swap3A_1077 = vector.shape_cast %get3A_1073 : vector<16xi32> to vector<16xi32>
      tpu.vector_store %arg6[%swap3A_1074], %swap3A_1077 {strides = array<i32>} : memref<800xi32, #tpu.memory_space<vmem>>, vector<16xi32>,
      %get3A_1078 = arith.constant 11 : i32
      %get3A_1079 = arith.index_cast %get3A_1078 : i32 to index
      %get3A_1080 = arith.constant 34 : index
      %get3A_1081 = tpu.vector_load %arg14[%get3A_1079, %get3A_1080] {strides = array<i32>} : memref<16x50xi32, #tpu.memory_space<vmem>>, vector<1x16xi32>,
      %get3A_1082 = vector.shape_cast %get3A_1081 : vector<1x16xi32> to vector<16xi32>
      %swap3A_1083 = arith.constant 584 : index
      %swap3A_1084 = tpu.vector_load %arg6[%swap3A_1083] {strides = array<i32>} : memref<800xi32, #tpu.memory_space<vmem>>, vector<16xi32>,
      %swap3A_1085 = vector.shape_cast %swap3A_1084 : vector<16xi32> to vector<16xi32>
      %swap3A_1086 = vector.shape_cast %get3A_1082 : vector<16xi32> to vector<16xi32>
      tpu.vector_store %arg6[%swap3A_1083], %swap3A_1086 {strides = array<i32>} : memref<800xi32, #tpu.memory_space<vmem>>, vector<16xi32>,
      %get3A_1087 = arith.constant 12 : i32
      %get3A_1088 = arith.index_cast %get3A_1087 : i32 to index
      %get3A_1089 = arith.constant 0 : index
      %get3A_1090 = tpu.vector_load %arg14[%get3A_1088, %get3A_1089] {strides = array<i32>} : memref<16x50xi32, #tpu.memory_space<vmem>>, vector<1x16xi32>,
      %get3A_1091 = vector.shape_cast %get3A_1090 : vector<1x16xi32> to vector<16xi32>
      %swap3A_1092 = arith.constant 600 : index
      %swap3A_1093 = tpu.vector_load %arg6[%swap3A_1092] {strides = array<i32>} : memref<800xi32, #tpu.memory_space<vmem>>, vector<16xi32>,
      %swap3A_1094 = vector.shape_cast %swap3A_1093 : vector<16xi32> to vector<16xi32>
      %swap3A_1095 = vector.shape_cast %get3A_1091 : vector<16xi32> to vector<16xi32>
      tpu.vector_store %arg6[%swap3A_1092], %swap3A_1095 {strides = array<i32>} : memref<800xi32, #tpu.memory_space<vmem>>, vector<16xi32>,
      %get3A_1096 = arith.constant 12 : i32
      %get3A_1097 = arith.index_cast %get3A_1096 : i32 to index
      %get3A_1098 = arith.constant 16 : index
      %get3A_1099 = tpu.vector_load %arg14[%get3A_1097, %get3A_1098] {strides = array<i32>} : memref<16x50xi32, #tpu.memory_space<vmem>>, vector<1x16xi32>,
      %get3A_1100 = vector.shape_cast %get3A_1099 : vector<1x16xi32> to vector<16xi32>
      %swap3A_1101 = arith.constant 616 : index
      %swap3A_1102 = tpu.vector_load %arg6[%swap3A_1101] {strides = array<i32>} : memref<800xi32, #tpu.memory_space<vmem>>, vector<16xi32>,
      %swap3A_1103 = vector.shape_cast %swap3A_1102 : vector<16xi32> to vector<16xi32>
      %swap3A_1104 = vector.shape_cast %get3A_1100 : vector<16xi32> to vector<16xi32>
      tpu.vector_store %arg6[%swap3A_1101], %swap3A_1104 {strides = array<i32>} : memref<800xi32, #tpu.memory_space<vmem>>, vector<16xi32>,
      %get3A_1105 = arith.constant 12 : i32
      %get3A_1106 = arith.index_cast %get3A_1105 : i32 to index
      %get3A_1107 = arith.constant 32 : index
      %get3A_1108 = tpu.vector_load %arg14[%get3A_1106, %get3A_1107] {strides = array<i32>} : memref<16x50xi32, #tpu.memory_space<vmem>>, vector<1x16xi32>,
      %get3A_1109 = vector.shape_cast %get3A_1108 : vector<1x16xi32> to vector<16xi32>
      %swap3A_1110 = arith.constant 632 : index
      %swap3A_1111 = tpu.vector_load %arg6[%swap3A_1110] {strides = array<i32>} : memref<800xi32, #tpu.memory_space<vmem>>, vector<16xi32>,
      %swap3A_1112 = vector.shape_cast %swap3A_1111 : vector<16xi32> to vector<16xi32>
      %swap3A_1113 = vector.shape_cast %get3A_1109 : vector<16xi32> to vector<16xi32>
      tpu.vector_store %arg6[%swap3A_1110], %swap3A_1113 {strides = array<i32>} : memref<800xi32, #tpu.memory_space<vmem>>, vector<16xi32>,
      %get3A_1114 = arith.constant 12 : i32
      %get3A_1115 = arith.index_cast %get3A_1114 : i32 to index
      %get3A_1116 = arith.constant 34 : index
      %get3A_1117 = tpu.vector_load %arg14[%get3A_1115, %get3A_1116] {strides = array<i32>} : memref<16x50xi32, #tpu.memory_space<vmem>>, vector<1x16xi32>,
      %get3A_1118 = vector.shape_cast %get3A_1117 : vector<1x16xi32> to vector<16xi32>
      %swap3A_1119 = arith.constant 634 : index
      %swap3A_1120 = tpu.vector_load %arg6[%swap3A_1119] {strides = array<i32>} : memref<800xi32, #tpu.memory_space<vmem>>, vector<16xi32>,
      %swap3A_1121 = vector.shape_cast %swap3A_1120 : vector<16xi32> to vector<16xi32>
      %swap3A_1122 = vector.shape_cast %get3A_1118 : vector<16xi32> to vector<16xi32>
      tpu.vector_store %arg6[%swap3A_1119], %swap3A_1122 {strides = array<i32>} : memref<800xi32, #tpu.memory_space<vmem>>, vector<16xi32>,
      %get3A_1123 = arith.constant 13 : i32
      %get3A_1124 = arith.index_cast %get3A_1123 : i32 to index
      %get3A_1125 = arith.constant 0 : index
      %get3A_1126 = tpu.vector_load %arg14[%get3A_1124, %get3A_1125] {strides = array<i32>} : memref<16x50xi32, #tpu.memory_space<vmem>>, vector<1x16xi32>,
      %get3A_1127 = vector.shape_cast %get3A_1126 : vector<1x16xi32> to vector<16xi32>
      %swap3A_1128 = arith.constant 650 : index
      %swap3A_1129 = tpu.vector_load %arg6[%swap3A_1128] {strides = array<i32>} : memref<800xi32, #tpu.memory_space<vmem>>, vector<16xi32>,
      %swap3A_1130 = vector.shape_cast %swap3A_1129 : vector<16xi32> to vector<16xi32>
      %swap3A_1131 = vector.shape_cast %get3A_1127 : vector<16xi32> to vector<16xi32>
      tpu.vector_store %arg6[%swap3A_1128], %swap3A_1131 {strides = array<i32>} : memref<800xi32, #tpu.memory_space<vmem>>, vector<16xi32>,
      %get3A_1132 = arith.constant 13 : i32
      %get3A_1133 = arith.index_cast %get3A_1132 : i32 to index
      %get3A_1134 = arith.constant 16 : index
      %get3A_1135 = tpu.vector_load %arg14[%get3A_1133, %get3A_1134] {strides = array<i32>} : memref<16x50xi32, #tpu.memory_space<vmem>>, vector<1x16xi32>,
      %get3A_1136 = vector.shape_cast %get3A_1135 : vector<1x16xi32> to vector<16xi32>
      %swap3A_1137 = arith.constant 666 : index
      %swap3A_1138 = tpu.vector_load %arg6[%swap3A_1137] {strides = array<i32>} : memref<800xi32, #tpu.memory_space<vmem>>, vector<16xi32>,
      %swap3A_1139 = vector.shape_cast %swap3A_1138 : vector<16xi32> to vector<16xi32>
      %swap3A_1140 = vector.shape_cast %get3A_1136 : vector<16xi32> to vector<16xi32>
      tpu.vector_store %arg6[%swap3A_1137], %swap3A_1140 {strides = array<i32>} : memref<800xi32, #tpu.memory_space<vmem>>, vector<16xi32>,
      %get3A_1141 = arith.constant 13 : i32
      %get3A_1142 = arith.index_cast %get3A_1141 : i32 to index
      %get3A_1143 = arith.constant 32 : index
      %get3A_1144 = tpu.vector_load %arg14[%get3A_1142, %get3A_1143] {strides = array<i32>} : memref<16x50xi32, #tpu.memory_space<vmem>>, vector<1x16xi32>,
      %get3A_1145 = vector.shape_cast %get3A_1144 : vector<1x16xi32> to vector<16xi32>
      %swap3A_1146 = arith.constant 682 : index
      %swap3A_1147 = tpu.vector_load %arg6[%swap3A_1146] {strides = array<i32>} : memref<800xi32, #tpu.memory_space<vmem>>, vector<16xi32>,
      %swap3A_1148 = vector.shape_cast %swap3A_1147 : vector<16xi32> to vector<16xi32>
      %swap3A_1149 = vector.shape_cast %get3A_1145 : vector<16xi32> to vector<16xi32>
      tpu.vector_store %arg6[%swap3A_1146], %swap3A_1149 {strides = array<i32>} : memref<800xi32, #tpu.memory_space<vmem>>, vector<16xi32>,
      %get3A_1150 = arith.constant 13 : i32
      %get3A_1151 = arith.index_cast %get3A_1150 : i32 to index
      %get3A_1152 = arith.constant 34 : index
      %get3A_1153 = tpu.vector_load %arg14[%get3A_1151, %get3A_1152] {strides = array<i32>} : memref<16x50xi32, #tpu.memory_space<vmem>>, vector<1x16xi32>,
      %get3A_1154 = vector.shape_cast %get3A_1153 : vector<1x16xi32> to vector<16xi32>
      %swap3A_1155 = arith.constant 684 : index
      %swap3A_1156 = tpu.vector_load %arg6[%swap3A_1155] {strides = array<i32>} : memref<800xi32, #tpu.memory_space<vmem>>, vector<16xi32>,
      %swap3A_1157 = vector.shape_cast %swap3A_1156 : vector<16xi32> to vector<16xi32>
      %swap3A_1158 = vector.shape_cast %get3A_1154 : vector<16xi32> to vector<16xi32>
      tpu.vector_store %arg6[%swap3A_1155], %swap3A_1158 {strides = array<i32>} : memref<800xi32, #tpu.memory_space<vmem>>, vector<16xi32>,
      %get3A_1159 = arith.constant 14 : i32
      %get3A_1160 = arith.index_cast %get3A_1159 : i32 to index
      %get3A_1161 = arith.constant 0 : index
      %get3A_1162 = tpu.vector_load %arg14[%get3A_1160, %get3A_1161] {strides = array<i32>} : memref<16x50xi32, #tpu.memory_space<vmem>>, vector<1x16xi32>,
      %get3A_1163 = vector.shape_cast %get3A_1162 : vector<1x16xi32> to vector<16xi32>
      %swap3A_1164 = arith.constant 700 : index
      %swap3A_1165 = tpu.vector_load %arg6[%swap3A_1164] {strides = array<i32>} : memref<800xi32, #tpu.memory_space<vmem>>, vector<16xi32>,
      %swap3A_1166 = vector.shape_cast %swap3A_1165 : vector<16xi32> to vector<16xi32>
      %swap3A_1167 = vector.shape_cast %get3A_1163 : vector<16xi32> to vector<16xi32>
      tpu.vector_store %arg6[%swap3A_1164], %swap3A_1167 {strides = array<i32>} : memref<800xi32, #tpu.memory_space<vmem>>, vector<16xi32>,
      %get3A_1168 = arith.constant 14 : i32
      %get3A_1169 = arith.index_cast %get3A_1168 : i32 to index
      %get3A_1170 = arith.constant 16 : index
      %get3A_1171 = tpu.vector_load %arg14[%get3A_1169, %get3A_1170] {strides = array<i32>} : memref<16x50xi32, #tpu.memory_space<vmem>>, vector<1x16xi32>,
      %get3A_1172 = vector.shape_cast %get3A_1171 : vector<1x16xi32> to vector<16xi32>
      %swap3A_1173 = arith.constant 716 : index
      %swap3A_1174 = tpu.vector_load %arg6[%swap3A_1173] {strides = array<i32>} : memref<800xi32, #tpu.memory_space<vmem>>, vector<16xi32>,
      %swap3A_1175 = vector.shape_cast %swap3A_1174 : vector<16xi32> to vector<16xi32>
      %swap3A_1176 = vector.shape_cast %get3A_1172 : vector<16xi32> to vector<16xi32>
      tpu.vector_store %arg6[%swap3A_1173], %swap3A_1176 {strides = array<i32>} : memref<800xi32, #tpu.memory_space<vmem>>, vector<16xi32>,
      %get3A_1177 = arith.constant 14 : i32
      %get3A_1178 = arith.index_cast %get3A_1177 : i32 to index
      %get3A_1179 = arith.constant 32 : index
      %get3A_1180 = tpu.vector_load %arg14[%get3A_1178, %get3A_1179] {strides = array<i32>} : memref<16x50xi32, #tpu.memory_space<vmem>>, vector<1x16xi32>,
      %get3A_1181 = vector.shape_cast %get3A_1180 : vector<1x16xi32> to vector<16xi32>
      %swap3A_1182 = arith.constant 732 : index
      %swap3A_1183 = tpu.vector_load %arg6[%swap3A_1182] {strides = array<i32>} : memref<800xi32, #tpu.memory_space<vmem>>, vector<16xi32>,
      %swap3A_1184 = vector.shape_cast %swap3A_1183 : vector<16xi32> to vector<16xi32>
      %swap3A_1185 = vector.shape_cast %get3A_1181 : vector<16xi32> to vector<16xi32>
      tpu.vector_store %arg6[%swap3A_1182], %swap3A_1185 {strides = array<i32>} : memref<800xi32, #tpu.memory_space<vmem>>, vector<16xi32>,
      %get3A_1186 = arith.constant 14 : i32
      %get3A_1187 = arith.index_cast %get3A_1186 : i32 to index
      %get3A_1188 = arith.constant 34 : index
      %get3A_1189 = tpu.vector_load %arg14[%get3A_1187, %get3A_1188] {strides = array<i32>} : memref<16x50xi32, #tpu.memory_space<vmem>>, vector<1x16xi32>,
      %get3A_1190 = vector.shape_cast %get3A_1189 : vector<1x16xi32> to vector<16xi32>
      %swap3A_1191 = arith.constant 734 : index
      %swap3A_1192 = tpu.vector_load %arg6[%swap3A_1191] {strides = array<i32>} : memref<800xi32, #tpu.memory_space<vmem>>, vector<16xi32>,
      %swap3A_1193 = vector.shape_cast %swap3A_1192 : vector<16xi32> to vector<16xi32>
      %swap3A_1194 = vector.shape_cast %get3A_1190 : vector<16xi32> to vector<16xi32>
      tpu.vector_store %arg6[%swap3A_1191], %swap3A_1194 {strides = array<i32>} : memref<800xi32, #tpu.memory_space<vmem>>, vector<16xi32>,
      %get3A_1195 = arith.constant 15 : i32
      %get3A_1196 = arith.index_cast %get3A_1195 : i32 to index
      %get3A_1197 = arith.constant 0 : index
      %get3A_1198 = tpu.vector_load %arg14[%get3A_1196, %get3A_1197] {strides = array<i32>} : memref<16x50xi32, #tpu.memory_space<vmem>>, vector<1x16xi32>,
      %get3A_1199 = vector.shape_cast %get3A_1198 : vector<1x16xi32> to vector<16xi32>
      %swap3A_1200 = arith.constant 750 : index
      %swap3A_1201 = tpu.vector_load %arg6[%swap3A_1200] {strides = array<i32>} : memref<800xi32, #tpu.memory_space<vmem>>, vector<16xi32>,
      %swap3A_1202 = vector.shape_cast %swap3A_1201 : vector<16xi32> to vector<16xi32>
      %swap3A_1203 = vector.shape_cast %get3A_1199 : vector<16xi32> to vector<16xi32>
      tpu.vector_store %arg6[%swap3A_1200], %swap3A_1203 {strides = array<i32>} : memref<800xi32, #tpu.memory_space<vmem>>, vector<16xi32>,
      %get3A_1204 = arith.constant 15 : i32
      %get3A_1205 = arith.index_cast %get3A_1204 : i32 to index
      %get3A_1206 = arith.constant 16 : index
      %get3A_1207 = tpu.vector_load %arg14[%get3A_1205, %get3A_1206] {strides = array<i32>} : memref<16x50xi32, #tpu.memory_space<vmem>>, vector<1x16xi32>,
      %get3A_1208 = vector.shape_cast %get3A_1207 : vector<1x16xi32> to vector<16xi32>
      %swap3A_1209 = arith.constant 766 : index
      %swap3A_1210 = tpu.vector_load %arg6[%swap3A_1209] {strides = array<i32>} : memref<800xi32, #tpu.memory_space<vmem>>, vector<16xi32>,
      %swap3A_1211 = vector.shape_cast %swap3A_1210 : vector<16xi32> to vector<16xi32>
      %swap3A_1212 = vector.shape_cast %get3A_1208 : vector<16xi32> to vector<16xi32>
      tpu.vector_store %arg6[%swap3A_1209], %swap3A_1212 {strides = array<i32>} : memref<800xi32, #tpu.memory_space<vmem>>, vector<16xi32>,
      %get3A_1213 = arith.constant 15 : i32
      %get3A_1214 = arith.index_cast %get3A_1213 : i32 to index
      %get3A_1215 = arith.constant 32 : index
      %get3A_1216 = tpu.vector_load %arg14[%get3A_1214, %get3A_1215] {strides = array<i32>} : memref<16x50xi32, #tpu.memory_space<vmem>>, vector<1x16xi32>,
      %get3A_1217 = vector.shape_cast %get3A_1216 : vector<1x16xi32> to vector<16xi32>
      %swap3A_1218 = arith.constant 782 : index
      %swap3A_1219 = tpu.vector_load %arg6[%swap3A_1218] {strides = array<i32>} : memref<800xi32, #tpu.memory_space<vmem>>, vector<16xi32>,
      %swap3A_1220 = vector.shape_cast %swap3A_1219 : vector<16xi32> to vector<16xi32>
      %swap3A_1221 = vector.shape_cast %get3A_1217 : vector<16xi32> to vector<16xi32>
      tpu.vector_store %arg6[%swap3A_1218], %swap3A_1221 {strides = array<i32>} : memref<800xi32, #tpu.memory_space<vmem>>, vector<16xi32>,
      %get3A_1222 = arith.constant 15 : i32
      %get3A_1223 = arith.index_cast %get3A_1222 : i32 to index
      %get3A_1224 = arith.constant 34 : index
      %get3A_1225 = tpu.vector_load %arg14[%get3A_1223, %get3A_1224] {strides = array<i32>} : memref<16x50xi32, #tpu.memory_space<vmem>>, vector<1x16xi32>,
      %get3A_1226 = vector.shape_cast %get3A_1225 : vector<1x16xi32> to vector<16xi32>
      %swap3A_1227 = arith.constant 784 : index
      %swap3A_1228 = tpu.vector_load %arg6[%swap3A_1227] {strides = array<i32>} : memref<800xi32, #tpu.memory_space<vmem>>, vector<16xi32>,
      %swap3A_1229 = vector.shape_cast %swap3A_1228 : vector<16xi32> to vector<16xi32>
      %swap3A_1230 = vector.shape_cast %get3A_1226 : vector<16xi32> to vector<16xi32>
      tpu.vector_store %arg6[%swap3A_1227], %swap3A_1230 {strides = array<i32>} : memref<800xi32, #tpu.memory_space<vmem>>, vector<16xi32>,
      %gt3A_1231 = arith.constant 0 : i32
      %gt3A_1232 = arith.cmpi sgt, %scan3A_38, %gt3A_1231 : i32
      %convert_element_type3A_1233 = arith.extui %gt3A_1232 : i1 to i32
      %cond3A_1234 = arith.constant 0 : i32
      %cond3A_1235 = arith.cmpi ne, %convert_element_type3A_1233, %cond3A_1234 : i32
      scf.if %cond3A_1235 {
        %dma_wait3A_3655 = arith.constant 0 : i32
        %dma_wait3A_3656 = arith.constant 0 : i32
        %dma_wait3A_3657 = tpu.memref_slice %arg3[%dma_wait3A_3655, %dma_wait3A_3656] : memref<1000000x32xf32, #tpu.memory_space<hbm>> -> memref<800x32xf32, #tpu.memory_space<hbm>>
        %dma_wait3A_3658 = arith.constant 0 : i32
        %dma_wait3A_3659 = arith.constant 0 : i32
        %dma_wait3A_3660 = tpu.memref_slice %arg3[%dma_wait3A_3658, %dma_wait3A_3659] : memref<1000000x32xf32, #tpu.memory_space<hbm>> -> memref<800x32xf32, #tpu.memory_space<hbm>>
        tpu.wait_dma2 semaphore(%arg26 : memref<!tpu.dma_semaphore, #tpu.memory_space<semaphore_mem>>) src(%dma_wait3A_3660 : memref<800x32xf32, #tpu.memory_space<hbm>>) dst(%arg10 : memref<800x32xf32, #tpu.memory_space<vmem>>)
      } else {
      }
      %dma_start3A_1236 = arith.constant 0 : i32
      %dma_start3A_1237 = arith.constant 0 : i32
      %dma_start3A_1238 = tpu.memref_slice %arg3[%dma_start3A_1236, %dma_start3A_1237] : memref<1000000x32xf32, #tpu.memory_space<hbm>> -> memref<1000000x32xf32, #tpu.memory_space<hbm>>
      tpu.enqueue_indirect_dma source(%dma_start3A_1238 : memref<1000000x32xf32, #tpu.memory_space<hbm>>) target(%arg10 : memref<800x32xf32, #tpu.memory_space<vmem>>) offsets(%arg6 : memref<800xi32, #tpu.memory_space<vmem>>) semaphore(%arg22 : memref<!tpu.dma_semaphore, #tpu.memory_space<semaphore_mem>>)
      %dma_wait3A_1239 = arith.constant 0 : i32
      %dma_wait3A_1240 = tpu.memref_slice %arg2[%mul3A_4, %dma_wait3A_1239] : memref<16384x50xi32, #tpu.memory_space<hbm>> -> memref<16x50xi32, #tpu.memory_space<hbm>>
      %dma_wait3A_1241 = arith.constant 0 : i32
      %dma_wait3A_1242 = tpu.memref_slice %arg2[%mul3A_4, %dma_wait3A_1241] : memref<16384x50xi32, #tpu.memory_space<hbm>> -> memref<16x50xi32, #tpu.memory_space<hbm>>
      tpu.wait_dma2 semaphore(%arg19 : memref<!tpu.dma_semaphore, #tpu.memory_space<semaphore_mem>>) src(%dma_wait3A_1242 : memref<16x50xi32, #tpu.memory_space<hbm>>) dst(%arg15 : memref<16x50xi32, #tpu.memory_space<vmem>>)
      %get3A_1243 = arith.constant 0 : i32
      %get3A_1244 = arith.index_cast %get3A_1243 : i32 to index
      %get3A_1245 = arith.constant 0 : index
      %get3A_1246 = tpu.vector_load %arg15[%get3A_1244, %get3A_1245] {strides = array<i32>} : memref<16x50xi32, #tpu.memory_space<vmem>>, vector<1x16xi32>,
      %get3A_1247 = vector.shape_cast %get3A_1246 : vector<1x16xi32> to vector<16xi32>
      %swap3A_1248 = arith.constant 0 : index
      %swap3A_1249 = tpu.vector_load %arg7[%swap3A_1248] {strides = array<i32>} : memref<800xi32, #tpu.memory_space<vmem>>, vector<16xi32>,
      %swap3A_1250 = vector.shape_cast %swap3A_1249 : vector<16xi32> to vector<16xi32>
      %swap3A_1251 = vector.shape_cast %get3A_1247 : vector<16xi32> to vector<16xi32>
      tpu.vector_store %arg7[%swap3A_1248], %swap3A_1251 {strides = array<i32>} : memref<800xi32, #tpu.memory_space<vmem>>, vector<16xi32>,
      %get3A_1252 = arith.constant 0 : i32
      %get3A_1253 = arith.index_cast %get3A_1252 : i32 to index
      %get3A_1254 = arith.constant 16 : index
      %get3A_1255 = tpu.vector_load %arg15[%get3A_1253, %get3A_1254] {strides = array<i32>} : memref<16x50xi32, #tpu.memory_space<vmem>>, vector<1x16xi32>,
      %get3A_1256 = vector.shape_cast %get3A_1255 : vector<1x16xi32> to vector<16xi32>
      %swap3A_1257 = arith.constant 16 : index
      %swap3A_1258 = tpu.vector_load %arg7[%swap3A_1257] {strides = array<i32>} : memref<800xi32, #tpu.memory_space<vmem>>, vector<16xi32>,
      %swap3A_1259 = vector.shape_cast %swap3A_1258 : vector<16xi32> to vector<16xi32>
      %swap3A_1260 = vector.shape_cast %get3A_1256 : vector<16xi32> to vector<16xi32>
      tpu.vector_store %arg7[%swap3A_1257], %swap3A_1260 {strides = array<i32>} : memref<800xi32, #tpu.memory_space<vmem>>, vector<16xi32>,
      %get3A_1261 = arith.constant 0 : i32
      %get3A_1262 = arith.index_cast %get3A_1261 : i32 to index
      %get3A_1263 = arith.constant 32 : index
      %get3A_1264 = tpu.vector_load %arg15[%get3A_1262, %get3A_1263] {strides = array<i32>} : memref<16x50xi32, #tpu.memory_space<vmem>>, vector<1x16xi32>,
      %get3A_1265 = vector.shape_cast %get3A_1264 : vector<1x16xi32> to vector<16xi32>
      %swap3A_1266 = arith.constant 32 : index
      %swap3A_1267 = tpu.vector_load %arg7[%swap3A_1266] {strides = array<i32>} : memref<800xi32, #tpu.memory_space<vmem>>, vector<16xi32>,
      %swap3A_1268 = vector.shape_cast %swap3A_1267 : vector<16xi32> to vector<16xi32>
      %swap3A_1269 = vector.shape_cast %get3A_1265 : vector<16xi32> to vector<16xi32>
      tpu.vector_store %arg7[%swap3A_1266], %swap3A_1269 {strides = array<i32>} : memref<800xi32, #tpu.memory_space<vmem>>, vector<16xi32>,
      %get3A_1270 = arith.constant 0 : i32
      %get3A_1271 = arith.index_cast %get3A_1270 : i32 to index
      %get3A_1272 = arith.constant 34 : index
      %get3A_1273 = tpu.vector_load %arg15[%get3A_1271, %get3A_1272] {strides = array<i32>} : memref<16x50xi32, #tpu.memory_space<vmem>>, vector<1x16xi32>,
      %get3A_1274 = vector.shape_cast %get3A_1273 : vector<1x16xi32> to vector<16xi32>
      %swap3A_1275 = arith.constant 34 : index
      %swap3A_1276 = tpu.vector_load %arg7[%swap3A_1275] {strides = array<i32>} : memref<800xi32, #tpu.memory_space<vmem>>, vector<16xi32>,
      %swap3A_1277 = vector.shape_cast %swap3A_1276 : vector<16xi32> to vector<16xi32>
      %swap3A_1278 = vector.shape_cast %get3A_1274 : vector<16xi32> to vector<16xi32>
      tpu.vector_store %arg7[%swap3A_1275], %swap3A_1278 {strides = array<i32>} : memref<800xi32, #tpu.memory_space<vmem>>, vector<16xi32>,
      %get3A_1279 = arith.constant 1 : i32
      %get3A_1280 = arith.index_cast %get3A_1279 : i32 to index
      %get3A_1281 = arith.constant 0 : index
      %get3A_1282 = tpu.vector_load %arg15[%get3A_1280, %get3A_1281] {strides = array<i32>} : memref<16x50xi32, #tpu.memory_space<vmem>>, vector<1x16xi32>,
      %get3A_1283 = vector.shape_cast %get3A_1282 : vector<1x16xi32> to vector<16xi32>
      %swap3A_1284 = arith.constant 50 : index
      %swap3A_1285 = tpu.vector_load %arg7[%swap3A_1284] {strides = array<i32>} : memref<800xi32, #tpu.memory_space<vmem>>, vector<16xi32>,
      %swap3A_1286 = vector.shape_cast %swap3A_1285 : vector<16xi32> to vector<16xi32>
      %swap3A_1287 = vector.shape_cast %get3A_1283 : vector<16xi32> to vector<16xi32>
      tpu.vector_store %arg7[%swap3A_1284], %swap3A_1287 {strides = array<i32>} : memref<800xi32, #tpu.memory_space<vmem>>, vector<16xi32>,
      %get3A_1288 = arith.constant 1 : i32
      %get3A_1289 = arith.index_cast %get3A_1288 : i32 to index
      %get3A_1290 = arith.constant 16 : index
      %get3A_1291 = tpu.vector_load %arg15[%get3A_1289, %get3A_1290] {strides = array<i32>} : memref<16x50xi32, #tpu.memory_space<vmem>>, vector<1x16xi32>,
      %get3A_1292 = vector.shape_cast %get3A_1291 : vector<1x16xi32> to vector<16xi32>
      %swap3A_1293 = arith.constant 66 : index
      %swap3A_1294 = tpu.vector_load %arg7[%swap3A_1293] {strides = array<i32>} : memref<800xi32, #tpu.memory_space<vmem>>, vector<16xi32>,
      %swap3A_1295 = vector.shape_cast %swap3A_1294 : vector<16xi32> to vector<16xi32>
      %swap3A_1296 = vector.shape_cast %get3A_1292 : vector<16xi32> to vector<16xi32>
      tpu.vector_store %arg7[%swap3A_1293], %swap3A_1296 {strides = array<i32>} : memref<800xi32, #tpu.memory_space<vmem>>, vector<16xi32>,
      %get3A_1297 = arith.constant 1 : i32
      %get3A_1298 = arith.index_cast %get3A_1297 : i32 to index
      %get3A_1299 = arith.constant 32 : index
      %get3A_1300 = tpu.vector_load %arg15[%get3A_1298, %get3A_1299] {strides = array<i32>} : memref<16x50xi32, #tpu.memory_space<vmem>>, vector<1x16xi32>,
      %get3A_1301 = vector.shape_cast %get3A_1300 : vector<1x16xi32> to vector<16xi32>
      %swap3A_1302 = arith.constant 82 : index
      %swap3A_1303 = tpu.vector_load %arg7[%swap3A_1302] {strides = array<i32>} : memref<800xi32, #tpu.memory_space<vmem>>, vector<16xi32>,
      %swap3A_1304 = vector.shape_cast %swap3A_1303 : vector<16xi32> to vector<16xi32>
      %swap3A_1305 = vector.shape_cast %get3A_1301 : vector<16xi32> to vector<16xi32>
      tpu.vector_store %arg7[%swap3A_1302], %swap3A_1305 {strides = array<i32>} : memref<800xi32, #tpu.memory_space<vmem>>, vector<16xi32>,
      %get3A_1306 = arith.constant 1 : i32
      %get3A_1307 = arith.index_cast %get3A_1306 : i32 to index
      %get3A_1308 = arith.constant 34 : index
      %get3A_1309 = tpu.vector_load %arg15[%get3A_1307, %get3A_1308] {strides = array<i32>} : memref<16x50xi32, #tpu.memory_space<vmem>>, vector<1x16xi32>,
      %get3A_1310 = vector.shape_cast %get3A_1309 : vector<1x16xi32> to vector<16xi32>
      %swap3A_1311 = arith.constant 84 : index
      %swap3A_1312 = tpu.vector_load %arg7[%swap3A_1311] {strides = array<i32>} : memref<800xi32, #tpu.memory_space<vmem>>, vector<16xi32>,
      %swap3A_1313 = vector.shape_cast %swap3A_1312 : vector<16xi32> to vector<16xi32>
      %swap3A_1314 = vector.shape_cast %get3A_1310 : vector<16xi32> to vector<16xi32>
      tpu.vector_store %arg7[%swap3A_1311], %swap3A_1314 {strides = array<i32>} : memref<800xi32, #tpu.memory_space<vmem>>, vector<16xi32>,
      %get3A_1315 = arith.constant 2 : i32
      %get3A_1316 = arith.index_cast %get3A_1315 : i32 to index
      %get3A_1317 = arith.constant 0 : index
      %get3A_1318 = tpu.vector_load %arg15[%get3A_1316, %get3A_1317] {strides = array<i32>} : memref<16x50xi32, #tpu.memory_space<vmem>>, vector<1x16xi32>,
      %get3A_1319 = vector.shape_cast %get3A_1318 : vector<1x16xi32> to vector<16xi32>
      %swap3A_1320 = arith.constant 100 : index
      %swap3A_1321 = tpu.vector_load %arg7[%swap3A_1320] {strides = array<i32>} : memref<800xi32, #tpu.memory_space<vmem>>, vector<16xi32>,
      %swap3A_1322 = vector.shape_cast %swap3A_1321 : vector<16xi32> to vector<16xi32>
      %swap3A_1323 = vector.shape_cast %get3A_1319 : vector<16xi32> to vector<16xi32>
      tpu.vector_store %arg7[%swap3A_1320], %swap3A_1323 {strides = array<i32>} : memref<800xi32, #tpu.memory_space<vmem>>, vector<16xi32>,
      %get3A_1324 = arith.constant 2 : i32
      %get3A_1325 = arith.index_cast %get3A_1324 : i32 to index
      %get3A_1326 = arith.constant 16 : index
      %get3A_1327 = tpu.vector_load %arg15[%get3A_1325, %get3A_1326] {strides = array<i32>} : memref<16x50xi32, #tpu.memory_space<vmem>>, vector<1x16xi32>,
      %get3A_1328 = vector.shape_cast %get3A_1327 : vector<1x16xi32> to vector<16xi32>
      %swap3A_1329 = arith.constant 116 : index
      %swap3A_1330 = tpu.vector_load %arg7[%swap3A_1329] {strides = array<i32>} : memref<800xi32, #tpu.memory_space<vmem>>, vector<16xi32>,
      %swap3A_1331 = vector.shape_cast %swap3A_1330 : vector<16xi32> to vector<16xi32>
      %swap3A_1332 = vector.shape_cast %get3A_1328 : vector<16xi32> to vector<16xi32>
      tpu.vector_store %arg7[%swap3A_1329], %swap3A_1332 {strides = array<i32>} : memref<800xi32, #tpu.memory_space<vmem>>, vector<16xi32>,
      %get3A_1333 = arith.constant 2 : i32
      %get3A_1334 = arith.index_cast %get3A_1333 : i32 to index
      %get3A_1335 = arith.constant 32 : index
      %get3A_1336 = tpu.vector_load %arg15[%get3A_1334, %get3A_1335] {strides = array<i32>} : memref<16x50xi32, #tpu.memory_space<vmem>>, vector<1x16xi32>,
      %get3A_1337 = vector.shape_cast %get3A_1336 : vector<1x16xi32> to vector<16xi32>
      %swap3A_1338 = arith.constant 132 : index
      %swap3A_1339 = tpu.vector_load %arg7[%swap3A_1338] {strides = array<i32>} : memref<800xi32, #tpu.memory_space<vmem>>, vector<16xi32>,
      %swap3A_1340 = vector.shape_cast %swap3A_1339 : vector<16xi32> to vector<16xi32>
      %swap3A_1341 = vector.shape_cast %get3A_1337 : vector<16xi32> to vector<16xi32>
      tpu.vector_store %arg7[%swap3A_1338], %swap3A_1341 {strides = array<i32>} : memref<800xi32, #tpu.memory_space<vmem>>, vector<16xi32>,
      %get3A_1342 = arith.constant 2 : i32
      %get3A_1343 = arith.index_cast %get3A_1342 : i32 to index
      %get3A_1344 = arith.constant 34 : index
      %get3A_1345 = tpu.vector_load %arg15[%get3A_1343, %get3A_1344] {strides = array<i32>} : memref<16x50xi32, #tpu.memory_space<vmem>>, vector<1x16xi32>,
      %get3A_1346 = vector.shape_cast %get3A_1345 : vector<1x16xi32> to vector<16xi32>
      %swap3A_1347 = arith.constant 134 : index
      %swap3A_1348 = tpu.vector_load %arg7[%swap3A_1347] {strides = array<i32>} : memref<800xi32, #tpu.memory_space<vmem>>, vector<16xi32>,
      %swap3A_1349 = vector.shape_cast %swap3A_1348 : vector<16xi32> to vector<16xi32>
      %swap3A_1350 = vector.shape_cast %get3A_1346 : vector<16xi32> to vector<16xi32>
      tpu.vector_store %arg7[%swap3A_1347], %swap3A_1350 {strides = array<i32>} : memref<800xi32, #tpu.memory_space<vmem>>, vector<16xi32>,
      %get3A_1351 = arith.constant 3 : i32
      %get3A_1352 = arith.index_cast %get3A_1351 : i32 to index
      %get3A_1353 = arith.constant 0 : index
      %get3A_1354 = tpu.vector_load %arg15[%get3A_1352, %get3A_1353] {strides = array<i32>} : memref<16x50xi32, #tpu.memory_space<vmem>>, vector<1x16xi32>,
      %get3A_1355 = vector.shape_cast %get3A_1354 : vector<1x16xi32> to vector<16xi32>
      %swap3A_1356 = arith.constant 150 : index
      %swap3A_1357 = tpu.vector_load %arg7[%swap3A_1356] {strides = array<i32>} : memref<800xi32, #tpu.memory_space<vmem>>, vector<16xi32>,
      %swap3A_1358 = vector.shape_cast %swap3A_1357 : vector<16xi32> to vector<16xi32>
      %swap3A_1359 = vector.shape_cast %get3A_1355 : vector<16xi32> to vector<16xi32>
      tpu.vector_store %arg7[%swap3A_1356], %swap3A_1359 {strides = array<i32>} : memref<800xi32, #tpu.memory_space<vmem>>, vector<16xi32>,
      %get3A_1360 = arith.constant 3 : i32
      %get3A_1361 = arith.index_cast %get3A_1360 : i32 to index
      %get3A_1362 = arith.constant 16 : index
      %get3A_1363 = tpu.vector_load %arg15[%get3A_1361, %get3A_1362] {strides = array<i32>} : memref<16x50xi32, #tpu.memory_space<vmem>>, vector<1x16xi32>,
      %get3A_1364 = vector.shape_cast %get3A_1363 : vector<1x16xi32> to vector<16xi32>
      %swap3A_1365 = arith.constant 166 : index
      %swap3A_1366 = tpu.vector_load %arg7[%swap3A_1365] {strides = array<i32>} : memref<800xi32, #tpu.memory_space<vmem>>, vector<16xi32>,
      %swap3A_1367 = vector.shape_cast %swap3A_1366 : vector<16xi32> to vector<16xi32>
      %swap3A_1368 = vector.shape_cast %get3A_1364 : vector<16xi32> to vector<16xi32>
      tpu.vector_store %arg7[%swap3A_1365], %swap3A_1368 {strides = array<i32>} : memref<800xi32, #tpu.memory_space<vmem>>, vector<16xi32>,
      %get3A_1369 = arith.constant 3 : i32
      %get3A_1370 = arith.index_cast %get3A_1369 : i32 to index
      %get3A_1371 = arith.constant 32 : index
      %get3A_1372 = tpu.vector_load %arg15[%get3A_1370, %get3A_1371] {strides = array<i32>} : memref<16x50xi32, #tpu.memory_space<vmem>>, vector<1x16xi32>,
      %get3A_1373 = vector.shape_cast %get3A_1372 : vector<1x16xi32> to vector<16xi32>
      %swap3A_1374 = arith.constant 182 : index
      %swap3A_1375 = tpu.vector_load %arg7[%swap3A_1374] {strides = array<i32>} : memref<800xi32, #tpu.memory_space<vmem>>, vector<16xi32>,
      %swap3A_1376 = vector.shape_cast %swap3A_1375 : vector<16xi32> to vector<16xi32>
      %swap3A_1377 = vector.shape_cast %get3A_1373 : vector<16xi32> to vector<16xi32>
      tpu.vector_store %arg7[%swap3A_1374], %swap3A_1377 {strides = array<i32>} : memref<800xi32, #tpu.memory_space<vmem>>, vector<16xi32>,
      %get3A_1378 = arith.constant 3 : i32
      %get3A_1379 = arith.index_cast %get3A_1378 : i32 to index
      %get3A_1380 = arith.constant 34 : index
      %get3A_1381 = tpu.vector_load %arg15[%get3A_1379, %get3A_1380] {strides = array<i32>} : memref<16x50xi32, #tpu.memory_space<vmem>>, vector<1x16xi32>,
      %get3A_1382 = vector.shape_cast %get3A_1381 : vector<1x16xi32> to vector<16xi32>
      %swap3A_1383 = arith.constant 184 : index
      %swap3A_1384 = tpu.vector_load %arg7[%swap3A_1383] {strides = array<i32>} : memref<800xi32, #tpu.memory_space<vmem>>, vector<16xi32>,
      %swap3A_1385 = vector.shape_cast %swap3A_1384 : vector<16xi32> to vector<16xi32>
      %swap3A_1386 = vector.shape_cast %get3A_1382 : vector<16xi32> to vector<16xi32>
      tpu.vector_store %arg7[%swap3A_1383], %swap3A_1386 {strides = array<i32>} : memref<800xi32, #tpu.memory_space<vmem>>, vector<16xi32>,
      %get3A_1387 = arith.constant 4 : i32
      %get3A_1388 = arith.index_cast %get3A_1387 : i32 to index
      %get3A_1389 = arith.constant 0 : index
      %get3A_1390 = tpu.vector_load %arg15[%get3A_1388, %get3A_1389] {strides = array<i32>} : memref<16x50xi32, #tpu.memory_space<vmem>>, vector<1x16xi32>,
      %get3A_1391 = vector.shape_cast %get3A_1390 : vector<1x16xi32> to vector<16xi32>
      %swap3A_1392 = arith.constant 200 : index
      %swap3A_1393 = tpu.vector_load %arg7[%swap3A_1392] {strides = array<i32>} : memref<800xi32, #tpu.memory_space<vmem>>, vector<16xi32>,
      %swap3A_1394 = vector.shape_cast %swap3A_1393 : vector<16xi32> to vector<16xi32>
      %swap3A_1395 = vector.shape_cast %get3A_1391 : vector<16xi32> to vector<16xi32>
      tpu.vector_store %arg7[%swap3A_1392], %swap3A_1395 {strides = array<i32>} : memref<800xi32, #tpu.memory_space<vmem>>, vector<16xi32>,
      %get3A_1396 = arith.constant 4 : i32
      %get3A_1397 = arith.index_cast %get3A_1396 : i32 to index
      %get3A_1398 = arith.constant 16 : index
      %get3A_1399 = tpu.vector_load %arg15[%get3A_1397, %get3A_1398] {strides = array<i32>} : memref<16x50xi32, #tpu.memory_space<vmem>>, vector<1x16xi32>,
      %get3A_1400 = vector.shape_cast %get3A_1399 : vector<1x16xi32> to vector<16xi32>
      %swap3A_1401 = arith.constant 216 : index
      %swap3A_1402 = tpu.vector_load %arg7[%swap3A_1401] {strides = array<i32>} : memref<800xi32, #tpu.memory_space<vmem>>, vector<16xi32>,
      %swap3A_1403 = vector.shape_cast %swap3A_1402 : vector<16xi32> to vector<16xi32>
      %swap3A_1404 = vector.shape_cast %get3A_1400 : vector<16xi32> to vector<16xi32>
      tpu.vector_store %arg7[%swap3A_1401], %swap3A_1404 {strides = array<i32>} : memref<800xi32, #tpu.memory_space<vmem>>, vector<16xi32>,
      %get3A_1405 = arith.constant 4 : i32
      %get3A_1406 = arith.index_cast %get3A_1405 : i32 to index
      %get3A_1407 = arith.constant 32 : index
      %get3A_1408 = tpu.vector_load %arg15[%get3A_1406, %get3A_1407] {strides = array<i32>} : memref<16x50xi32, #tpu.memory_space<vmem>>, vector<1x16xi32>,
      %get3A_1409 = vector.shape_cast %get3A_1408 : vector<1x16xi32> to vector<16xi32>
      %swap3A_1410 = arith.constant 232 : index
      %swap3A_1411 = tpu.vector_load %arg7[%swap3A_1410] {strides = array<i32>} : memref<800xi32, #tpu.memory_space<vmem>>, vector<16xi32>,
      %swap3A_1412 = vector.shape_cast %swap3A_1411 : vector<16xi32> to vector<16xi32>
      %swap3A_1413 = vector.shape_cast %get3A_1409 : vector<16xi32> to vector<16xi32>
      tpu.vector_store %arg7[%swap3A_1410], %swap3A_1413 {strides = array<i32>} : memref<800xi32, #tpu.memory_space<vmem>>, vector<16xi32>,
      %get3A_1414 = arith.constant 4 : i32
      %get3A_1415 = arith.index_cast %get3A_1414 : i32 to index
      %get3A_1416 = arith.constant 34 : index
      %get3A_1417 = tpu.vector_load %arg15[%get3A_1415, %get3A_1416] {strides = array<i32>} : memref<16x50xi32, #tpu.memory_space<vmem>>, vector<1x16xi32>,
      %get3A_1418 = vector.shape_cast %get3A_1417 : vector<1x16xi32> to vector<16xi32>
      %swap3A_1419 = arith.constant 234 : index
      %swap3A_1420 = tpu.vector_load %arg7[%swap3A_1419] {strides = array<i32>} : memref<800xi32, #tpu.memory_space<vmem>>, vector<16xi32>,
      %swap3A_1421 = vector.shape_cast %swap3A_1420 : vector<16xi32> to vector<16xi32>
      %swap3A_1422 = vector.shape_cast %get3A_1418 : vector<16xi32> to vector<16xi32>
      tpu.vector_store %arg7[%swap3A_1419], %swap3A_1422 {strides = array<i32>} : memref<800xi32, #tpu.memory_space<vmem>>, vector<16xi32>,
      %get3A_1423 = arith.constant 5 : i32
      %get3A_1424 = arith.index_cast %get3A_1423 : i32 to index
      %get3A_1425 = arith.constant 0 : index
      %get3A_1426 = tpu.vector_load %arg15[%get3A_1424, %get3A_1425] {strides = array<i32>} : memref<16x50xi32, #tpu.memory_space<vmem>>, vector<1x16xi32>,
      %get3A_1427 = vector.shape_cast %get3A_1426 : vector<1x16xi32> to vector<16xi32>
      %swap3A_1428 = arith.constant 250 : index
      %swap3A_1429 = tpu.vector_load %arg7[%swap3A_1428] {strides = array<i32>} : memref<800xi32, #tpu.memory_space<vmem>>, vector<16xi32>,
      %swap3A_1430 = vector.shape_cast %swap3A_1429 : vector<16xi32> to vector<16xi32>
      %swap3A_1431 = vector.shape_cast %get3A_1427 : vector<16xi32> to vector<16xi32>
      tpu.vector_store %arg7[%swap3A_1428], %swap3A_1431 {strides = array<i32>} : memref<800xi32, #tpu.memory_space<vmem>>, vector<16xi32>,
      %get3A_1432 = arith.constant 5 : i32
      %get3A_1433 = arith.index_cast %get3A_1432 : i32 to index
      %get3A_1434 = arith.constant 16 : index
      %get3A_1435 = tpu.vector_load %arg15[%get3A_1433, %get3A_1434] {strides = array<i32>} : memref<16x50xi32, #tpu.memory_space<vmem>>, vector<1x16xi32>,
      %get3A_1436 = vector.shape_cast %get3A_1435 : vector<1x16xi32> to vector<16xi32>
      %swap3A_1437 = arith.constant 266 : index
      %swap3A_1438 = tpu.vector_load %arg7[%swap3A_1437] {strides = array<i32>} : memref<800xi32, #tpu.memory_space<vmem>>, vector<16xi32>,
      %swap3A_1439 = vector.shape_cast %swap3A_1438 : vector<16xi32> to vector<16xi32>
      %swap3A_1440 = vector.shape_cast %get3A_1436 : vector<16xi32> to vector<16xi32>
      tpu.vector_store %arg7[%swap3A_1437], %swap3A_1440 {strides = array<i32>} : memref<800xi32, #tpu.memory_space<vmem>>, vector<16xi32>,
      %get3A_1441 = arith.constant 5 : i32
      %get3A_1442 = arith.index_cast %get3A_1441 : i32 to index
      %get3A_1443 = arith.constant 32 : index
      %get3A_1444 = tpu.vector_load %arg15[%get3A_1442, %get3A_1443] {strides = array<i32>} : memref<16x50xi32, #tpu.memory_space<vmem>>, vector<1x16xi32>,
      %get3A_1445 = vector.shape_cast %get3A_1444 : vector<1x16xi32> to vector<16xi32>
      %swap3A_1446 = arith.constant 282 : index
      %swap3A_1447 = tpu.vector_load %arg7[%swap3A_1446] {strides = array<i32>} : memref<800xi32, #tpu.memory_space<vmem>>, vector<16xi32>,
      %swap3A_1448 = vector.shape_cast %swap3A_1447 : vector<16xi32> to vector<16xi32>
      %swap3A_1449 = vector.shape_cast %get3A_1445 : vector<16xi32> to vector<16xi32>
      tpu.vector_store %arg7[%swap3A_1446], %swap3A_1449 {strides = array<i32>} : memref<800xi32, #tpu.memory_space<vmem>>, vector<16xi32>,
      %get3A_1450 = arith.constant 5 : i32
      %get3A_1451 = arith.index_cast %get3A_1450 : i32 to index
      %get3A_1452 = arith.constant 34 : index
      %get3A_1453 = tpu.vector_load %arg15[%get3A_1451, %get3A_1452] {strides = array<i32>} : memref<16x50xi32, #tpu.memory_space<vmem>>, vector<1x16xi32>,
      %get3A_1454 = vector.shape_cast %get3A_1453 : vector<1x16xi32> to vector<16xi32>
      %swap3A_1455 = arith.constant 284 : index
      %swap3A_1456 = tpu.vector_load %arg7[%swap3A_1455] {strides = array<i32>} : memref<800xi32, #tpu.memory_space<vmem>>, vector<16xi32>,
      %swap3A_1457 = vector.shape_cast %swap3A_1456 : vector<16xi32> to vector<16xi32>
      %swap3A_1458 = vector.shape_cast %get3A_1454 : vector<16xi32> to vector<16xi32>
      tpu.vector_store %arg7[%swap3A_1455], %swap3A_1458 {strides = array<i32>} : memref<800xi32, #tpu.memory_space<vmem>>, vector<16xi32>,
      %get3A_1459 = arith.constant 6 : i32
      %get3A_1460 = arith.index_cast %get3A_1459 : i32 to index
      %get3A_1461 = arith.constant 0 : index
      %get3A_1462 = tpu.vector_load %arg15[%get3A_1460, %get3A_1461] {strides = array<i32>} : memref<16x50xi32, #tpu.memory_space<vmem>>, vector<1x16xi32>,
      %get3A_1463 = vector.shape_cast %get3A_1462 : vector<1x16xi32> to vector<16xi32>
      %swap3A_1464 = arith.constant 300 : index
      %swap3A_1465 = tpu.vector_load %arg7[%swap3A_1464] {strides = array<i32>} : memref<800xi32, #tpu.memory_space<vmem>>, vector<16xi32>,
      %swap3A_1466 = vector.shape_cast %swap3A_1465 : vector<16xi32> to vector<16xi32>
      %swap3A_1467 = vector.shape_cast %get3A_1463 : vector<16xi32> to vector<16xi32>
      tpu.vector_store %arg7[%swap3A_1464], %swap3A_1467 {strides = array<i32>} : memref<800xi32, #tpu.memory_space<vmem>>, vector<16xi32>,
      %get3A_1468 = arith.constant 6 : i32
      %get3A_1469 = arith.index_cast %get3A_1468 : i32 to index
      %get3A_1470 = arith.constant 16 : index
      %get3A_1471 = tpu.vector_load %arg15[%get3A_1469, %get3A_1470] {strides = array<i32>} : memref<16x50xi32, #tpu.memory_space<vmem>>, vector<1x16xi32>,
      %get3A_1472 = vector.shape_cast %get3A_1471 : vector<1x16xi32> to vector<16xi32>
      %swap3A_1473 = arith.constant 316 : index
      %swap3A_1474 = tpu.vector_load %arg7[%swap3A_1473] {strides = array<i32>} : memref<800xi32, #tpu.memory_space<vmem>>, vector<16xi32>,
      %swap3A_1475 = vector.shape_cast %swap3A_1474 : vector<16xi32> to vector<16xi32>
      %swap3A_1476 = vector.shape_cast %get3A_1472 : vector<16xi32> to vector<16xi32>
      tpu.vector_store %arg7[%swap3A_1473], %swap3A_1476 {strides = array<i32>} : memref<800xi32, #tpu.memory_space<vmem>>, vector<16xi32>,
      %get3A_1477 = arith.constant 6 : i32
      %get3A_1478 = arith.index_cast %get3A_1477 : i32 to index
      %get3A_1479 = arith.constant 32 : index
      %get3A_1480 = tpu.vector_load %arg15[%get3A_1478, %get3A_1479] {strides = array<i32>} : memref<16x50xi32, #tpu.memory_space<vmem>>, vector<1x16xi32>,
      %get3A_1481 = vector.shape_cast %get3A_1480 : vector<1x16xi32> to vector<16xi32>
      %swap3A_1482 = arith.constant 332 : index
      %swap3A_1483 = tpu.vector_load %arg7[%swap3A_1482] {strides = array<i32>} : memref<800xi32, #tpu.memory_space<vmem>>, vector<16xi32>,
      %swap3A_1484 = vector.shape_cast %swap3A_1483 : vector<16xi32> to vector<16xi32>
      %swap3A_1485 = vector.shape_cast %get3A_1481 : vector<16xi32> to vector<16xi32>
      tpu.vector_store %arg7[%swap3A_1482], %swap3A_1485 {strides = array<i32>} : memref<800xi32, #tpu.memory_space<vmem>>, vector<16xi32>,
      %get3A_1486 = arith.constant 6 : i32
      %get3A_1487 = arith.index_cast %get3A_1486 : i32 to index
      %get3A_1488 = arith.constant 34 : index
      %get3A_1489 = tpu.vector_load %arg15[%get3A_1487, %get3A_1488] {strides = array<i32>} : memref<16x50xi32, #tpu.memory_space<vmem>>, vector<1x16xi32>,
      %get3A_1490 = vector.shape_cast %get3A_1489 : vector<1x16xi32> to vector<16xi32>
      %swap3A_1491 = arith.constant 334 : index
      %swap3A_1492 = tpu.vector_load %arg7[%swap3A_1491] {strides = array<i32>} : memref<800xi32, #tpu.memory_space<vmem>>, vector<16xi32>,
      %swap3A_1493 = vector.shape_cast %swap3A_1492 : vector<16xi32> to vector<16xi32>
      %swap3A_1494 = vector.shape_cast %get3A_1490 : vector<16xi32> to vector<16xi32>
      tpu.vector_store %arg7[%swap3A_1491], %swap3A_1494 {strides = array<i32>} : memref<800xi32, #tpu.memory_space<vmem>>, vector<16xi32>,
      %get3A_1495 = arith.constant 7 : i32
      %get3A_1496 = arith.index_cast %get3A_1495 : i32 to index
      %get3A_1497 = arith.constant 0 : index
      %get3A_1498 = tpu.vector_load %arg15[%get3A_1496, %get3A_1497] {strides = array<i32>} : memref<16x50xi32, #tpu.memory_space<vmem>>, vector<1x16xi32>,
      %get3A_1499 = vector.shape_cast %get3A_1498 : vector<1x16xi32> to vector<16xi32>
      %swap3A_1500 = arith.constant 350 : index
      %swap3A_1501 = tpu.vector_load %arg7[%swap3A_1500] {strides = array<i32>} : memref<800xi32, #tpu.memory_space<vmem>>, vector<16xi32>,
      %swap3A_1502 = vector.shape_cast %swap3A_1501 : vector<16xi32> to vector<16xi32>
      %swap3A_1503 = vector.shape_cast %get3A_1499 : vector<16xi32> to vector<16xi32>
      tpu.vector_store %arg7[%swap3A_1500], %swap3A_1503 {strides = array<i32>} : memref<800xi32, #tpu.memory_space<vmem>>, vector<16xi32>,
      %get3A_1504 = arith.constant 7 : i32
      %get3A_1505 = arith.index_cast %get3A_1504 : i32 to index
      %get3A_1506 = arith.constant 16 : index
      %get3A_1507 = tpu.vector_load %arg15[%get3A_1505, %get3A_1506] {strides = array<i32>} : memref<16x50xi32, #tpu.memory_space<vmem>>, vector<1x16xi32>,
      %get3A_1508 = vector.shape_cast %get3A_1507 : vector<1x16xi32> to vector<16xi32>
      %swap3A_1509 = arith.constant 366 : index
      %swap3A_1510 = tpu.vector_load %arg7[%swap3A_1509] {strides = array<i32>} : memref<800xi32, #tpu.memory_space<vmem>>, vector<16xi32>,
      %swap3A_1511 = vector.shape_cast %swap3A_1510 : vector<16xi32> to vector<16xi32>
      %swap3A_1512 = vector.shape_cast %get3A_1508 : vector<16xi32> to vector<16xi32>
      tpu.vector_store %arg7[%swap3A_1509], %swap3A_1512 {strides = array<i32>} : memref<800xi32, #tpu.memory_space<vmem>>, vector<16xi32>,
      %get3A_1513 = arith.constant 7 : i32
      %get3A_1514 = arith.index_cast %get3A_1513 : i32 to index
      %get3A_1515 = arith.constant 32 : index
      %get3A_1516 = tpu.vector_load %arg15[%get3A_1514, %get3A_1515] {strides = array<i32>} : memref<16x50xi32, #tpu.memory_space<vmem>>, vector<1x16xi32>,
      %get3A_1517 = vector.shape_cast %get3A_1516 : vector<1x16xi32> to vector<16xi32>
      %swap3A_1518 = arith.constant 382 : index
      %swap3A_1519 = tpu.vector_load %arg7[%swap3A_1518] {strides = array<i32>} : memref<800xi32, #tpu.memory_space<vmem>>, vector<16xi32>,
      %swap3A_1520 = vector.shape_cast %swap3A_1519 : vector<16xi32> to vector<16xi32>
      %swap3A_1521 = vector.shape_cast %get3A_1517 : vector<16xi32> to vector<16xi32>
      tpu.vector_store %arg7[%swap3A_1518], %swap3A_1521 {strides = array<i32>} : memref<800xi32, #tpu.memory_space<vmem>>, vector<16xi32>,
      %get3A_1522 = arith.constant 7 : i32
      %get3A_1523 = arith.index_cast %get3A_1522 : i32 to index
      %get3A_1524 = arith.constant 34 : index
      %get3A_1525 = tpu.vector_load %arg15[%get3A_1523, %get3A_1524] {strides = array<i32>} : memref<16x50xi32, #tpu.memory_space<vmem>>, vector<1x16xi32>,
      %get3A_1526 = vector.shape_cast %get3A_1525 : vector<1x16xi32> to vector<16xi32>
      %swap3A_1527 = arith.constant 384 : index
      %swap3A_1528 = tpu.vector_load %arg7[%swap3A_1527] {strides = array<i32>} : memref<800xi32, #tpu.memory_space<vmem>>, vector<16xi32>,
      %swap3A_1529 = vector.shape_cast %swap3A_1528 : vector<16xi32> to vector<16xi32>
      %swap3A_1530 = vector.shape_cast %get3A_1526 : vector<16xi32> to vector<16xi32>
      tpu.vector_store %arg7[%swap3A_1527], %swap3A_1530 {strides = array<i32>} : memref<800xi32, #tpu.memory_space<vmem>>, vector<16xi32>,
      %get3A_1531 = arith.constant 8 : i32
      %get3A_1532 = arith.index_cast %get3A_1531 : i32 to index
      %get3A_1533 = arith.constant 0 : index
      %get3A_1534 = tpu.vector_load %arg15[%get3A_1532, %get3A_1533] {strides = array<i32>} : memref<16x50xi32, #tpu.memory_space<vmem>>, vector<1x16xi32>,
      %get3A_1535 = vector.shape_cast %get3A_1534 : vector<1x16xi32> to vector<16xi32>
      %swap3A_1536 = arith.constant 400 : index
      %swap3A_1537 = tpu.vector_load %arg7[%swap3A_1536] {strides = array<i32>} : memref<800xi32, #tpu.memory_space<vmem>>, vector<16xi32>,
      %swap3A_1538 = vector.shape_cast %swap3A_1537 : vector<16xi32> to vector<16xi32>
      %swap3A_1539 = vector.shape_cast %get3A_1535 : vector<16xi32> to vector<16xi32>
      tpu.vector_store %arg7[%swap3A_1536], %swap3A_1539 {strides = array<i32>} : memref<800xi32, #tpu.memory_space<vmem>>, vector<16xi32>,
      %get3A_1540 = arith.constant 8 : i32
      %get3A_1541 = arith.index_cast %get3A_1540 : i32 to index
      %get3A_1542 = arith.constant 16 : index
      %get3A_1543 = tpu.vector_load %arg15[%get3A_1541, %get3A_1542] {strides = array<i32>} : memref<16x50xi32, #tpu.memory_space<vmem>>, vector<1x16xi32>,
      %get3A_1544 = vector.shape_cast %get3A_1543 : vector<1x16xi32> to vector<16xi32>
      %swap3A_1545 = arith.constant 416 : index
      %swap3A_1546 = tpu.vector_load %arg7[%swap3A_1545] {strides = array<i32>} : memref<800xi32, #tpu.memory_space<vmem>>, vector<16xi32>,
      %swap3A_1547 = vector.shape_cast %swap3A_1546 : vector<16xi32> to vector<16xi32>
      %swap3A_1548 = vector.shape_cast %get3A_1544 : vector<16xi32> to vector<16xi32>
      tpu.vector_store %arg7[%swap3A_1545], %swap3A_1548 {strides = array<i32>} : memref<800xi32, #tpu.memory_space<vmem>>, vector<16xi32>,
      %get3A_1549 = arith.constant 8 : i32
      %get3A_1550 = arith.index_cast %get3A_1549 : i32 to index
      %get3A_1551 = arith.constant 32 : index
      %get3A_1552 = tpu.vector_load %arg15[%get3A_1550, %get3A_1551] {strides = array<i32>} : memref<16x50xi32, #tpu.memory_space<vmem>>, vector<1x16xi32>,
      %get3A_1553 = vector.shape_cast %get3A_1552 : vector<1x16xi32> to vector<16xi32>
      %swap3A_1554 = arith.constant 432 : index
      %swap3A_1555 = tpu.vector_load %arg7[%swap3A_1554] {strides = array<i32>} : memref<800xi32, #tpu.memory_space<vmem>>, vector<16xi32>,
      %swap3A_1556 = vector.shape_cast %swap3A_1555 : vector<16xi32> to vector<16xi32>
      %swap3A_1557 = vector.shape_cast %get3A_1553 : vector<16xi32> to vector<16xi32>
      tpu.vector_store %arg7[%swap3A_1554], %swap3A_1557 {strides = array<i32>} : memref<800xi32, #tpu.memory_space<vmem>>, vector<16xi32>,
      %get3A_1558 = arith.constant 8 : i32
      %get3A_1559 = arith.index_cast %get3A_1558 : i32 to index
      %get3A_1560 = arith.constant 34 : index
      %get3A_1561 = tpu.vector_load %arg15[%get3A_1559, %get3A_1560] {strides = array<i32>} : memref<16x50xi32, #tpu.memory_space<vmem>>, vector<1x16xi32>,
      %get3A_1562 = vector.shape_cast %get3A_1561 : vector<1x16xi32> to vector<16xi32>
      %swap3A_1563 = arith.constant 434 : index
      %swap3A_1564 = tpu.vector_load %arg7[%swap3A_1563] {strides = array<i32>} : memref<800xi32, #tpu.memory_space<vmem>>, vector<16xi32>,
      %swap3A_1565 = vector.shape_cast %swap3A_1564 : vector<16xi32> to vector<16xi32>
      %swap3A_1566 = vector.shape_cast %get3A_1562 : vector<16xi32> to vector<16xi32>
      tpu.vector_store %arg7[%swap3A_1563], %swap3A_1566 {strides = array<i32>} : memref<800xi32, #tpu.memory_space<vmem>>, vector<16xi32>,
      %get3A_1567 = arith.constant 9 : i32
      %get3A_1568 = arith.index_cast %get3A_1567 : i32 to index
      %get3A_1569 = arith.constant 0 : index
      %get3A_1570 = tpu.vector_load %arg15[%get3A_1568, %get3A_1569] {strides = array<i32>} : memref<16x50xi32, #tpu.memory_space<vmem>>, vector<1x16xi32>,
      %get3A_1571 = vector.shape_cast %get3A_1570 : vector<1x16xi32> to vector<16xi32>
      %swap3A_1572 = arith.constant 450 : index
      %swap3A_1573 = tpu.vector_load %arg7[%swap3A_1572] {strides = array<i32>} : memref<800xi32, #tpu.memory_space<vmem>>, vector<16xi32>,
      %swap3A_1574 = vector.shape_cast %swap3A_1573 : vector<16xi32> to vector<16xi32>
      %swap3A_1575 = vector.shape_cast %get3A_1571 : vector<16xi32> to vector<16xi32>
      tpu.vector_store %arg7[%swap3A_1572], %swap3A_1575 {strides = array<i32>} : memref<800xi32, #tpu.memory_space<vmem>>, vector<16xi32>,
      %get3A_1576 = arith.constant 9 : i32
      %get3A_1577 = arith.index_cast %get3A_1576 : i32 to index
      %get3A_1578 = arith.constant 16 : index
      %get3A_1579 = tpu.vector_load %arg15[%get3A_1577, %get3A_1578] {strides = array<i32>} : memref<16x50xi32, #tpu.memory_space<vmem>>, vector<1x16xi32>,
      %get3A_1580 = vector.shape_cast %get3A_1579 : vector<1x16xi32> to vector<16xi32>
      %swap3A_1581 = arith.constant 466 : index
      %swap3A_1582 = tpu.vector_load %arg7[%swap3A_1581] {strides = array<i32>} : memref<800xi32, #tpu.memory_space<vmem>>, vector<16xi32>,
      %swap3A_1583 = vector.shape_cast %swap3A_1582 : vector<16xi32> to vector<16xi32>
      %swap3A_1584 = vector.shape_cast %get3A_1580 : vector<16xi32> to vector<16xi32>
      tpu.vector_store %arg7[%swap3A_1581], %swap3A_1584 {strides = array<i32>} : memref<800xi32, #tpu.memory_space<vmem>>, vector<16xi32>,
      %get3A_1585 = arith.constant 9 : i32
      %get3A_1586 = arith.index_cast %get3A_1585 : i32 to index
      %get3A_1587 = arith.constant 32 : index
      %get3A_1588 = tpu.vector_load %arg15[%get3A_1586, %get3A_1587] {strides = array<i32>} : memref<16x50xi32, #tpu.memory_space<vmem>>, vector<1x16xi32>,
      %get3A_1589 = vector.shape_cast %get3A_1588 : vector<1x16xi32> to vector<16xi32>
      %swap3A_1590 = arith.constant 482 : index
      %swap3A_1591 = tpu.vector_load %arg7[%swap3A_1590] {strides = array<i32>} : memref<800xi32, #tpu.memory_space<vmem>>, vector<16xi32>,
      %swap3A_1592 = vector.shape_cast %swap3A_1591 : vector<16xi32> to vector<16xi32>
      %swap3A_1593 = vector.shape_cast %get3A_1589 : vector<16xi32> to vector<16xi32>
      tpu.vector_store %arg7[%swap3A_1590], %swap3A_1593 {strides = array<i32>} : memref<800xi32, #tpu.memory_space<vmem>>, vector<16xi32>,
      %get3A_1594 = arith.constant 9 : i32
      %get3A_1595 = arith.index_cast %get3A_1594 : i32 to index
      %get3A_1596 = arith.constant 34 : index
      %get3A_1597 = tpu.vector_load %arg15[%get3A_1595, %get3A_1596] {strides = array<i32>} : memref<16x50xi32, #tpu.memory_space<vmem>>, vector<1x16xi32>,
      %get3A_1598 = vector.shape_cast %get3A_1597 : vector<1x16xi32> to vector<16xi32>
      %swap3A_1599 = arith.constant 484 : index
      %swap3A_1600 = tpu.vector_load %arg7[%swap3A_1599] {strides = array<i32>} : memref<800xi32, #tpu.memory_space<vmem>>, vector<16xi32>,
      %swap3A_1601 = vector.shape_cast %swap3A_1600 : vector<16xi32> to vector<16xi32>
      %swap3A_1602 = vector.shape_cast %get3A_1598 : vector<16xi32> to vector<16xi32>
      tpu.vector_store %arg7[%swap3A_1599], %swap3A_1602 {strides = array<i32>} : memref<800xi32, #tpu.memory_space<vmem>>, vector<16xi32>,
      %get3A_1603 = arith.constant 10 : i32
      %get3A_1604 = arith.index_cast %get3A_1603 : i32 to index
      %get3A_1605 = arith.constant 0 : index
      %get3A_1606 = tpu.vector_load %arg15[%get3A_1604, %get3A_1605] {strides = array<i32>} : memref<16x50xi32, #tpu.memory_space<vmem>>, vector<1x16xi32>,
      %get3A_1607 = vector.shape_cast %get3A_1606 : vector<1x16xi32> to vector<16xi32>
      %swap3A_1608 = arith.constant 500 : index
      %swap3A_1609 = tpu.vector_load %arg7[%swap3A_1608] {strides = array<i32>} : memref<800xi32, #tpu.memory_space<vmem>>, vector<16xi32>,
      %swap3A_1610 = vector.shape_cast %swap3A_1609 : vector<16xi32> to vector<16xi32>
      %swap3A_1611 = vector.shape_cast %get3A_1607 : vector<16xi32> to vector<16xi32>
      tpu.vector_store %arg7[%swap3A_1608], %swap3A_1611 {strides = array<i32>} : memref<800xi32, #tpu.memory_space<vmem>>, vector<16xi32>,
      %get3A_1612 = arith.constant 10 : i32
      %get3A_1613 = arith.index_cast %get3A_1612 : i32 to index
      %get3A_1614 = arith.constant 16 : index
      %get3A_1615 = tpu.vector_load %arg15[%get3A_1613, %get3A_1614] {strides = array<i32>} : memref<16x50xi32, #tpu.memory_space<vmem>>, vector<1x16xi32>,
      %get3A_1616 = vector.shape_cast %get3A_1615 : vector<1x16xi32> to vector<16xi32>
      %swap3A_1617 = arith.constant 516 : index
      %swap3A_1618 = tpu.vector_load %arg7[%swap3A_1617] {strides = array<i32>} : memref<800xi32, #tpu.memory_space<vmem>>, vector<16xi32>,
      %swap3A_1619 = vector.shape_cast %swap3A_1618 : vector<16xi32> to vector<16xi32>
      %swap3A_1620 = vector.shape_cast %get3A_1616 : vector<16xi32> to vector<16xi32>
      tpu.vector_store %arg7[%swap3A_1617], %swap3A_1620 {strides = array<i32>} : memref<800xi32, #tpu.memory_space<vmem>>, vector<16xi32>,
      %get3A_1621 = arith.constant 10 : i32
      %get3A_1622 = arith.index_cast %get3A_1621 : i32 to index
      %get3A_1623 = arith.constant 32 : index
      %get3A_1624 = tpu.vector_load %arg15[%get3A_1622, %get3A_1623] {strides = array<i32>} : memref<16x50xi32, #tpu.memory_space<vmem>>, vector<1x16xi32>,
      %get3A_1625 = vector.shape_cast %get3A_1624 : vector<1x16xi32> to vector<16xi32>
      %swap3A_1626 = arith.constant 532 : index
      %swap3A_1627 = tpu.vector_load %arg7[%swap3A_1626] {strides = array<i32>} : memref<800xi32, #tpu.memory_space<vmem>>, vector<16xi32>,
      %swap3A_1628 = vector.shape_cast %swap3A_1627 : vector<16xi32> to vector<16xi32>
      %swap3A_1629 = vector.shape_cast %get3A_1625 : vector<16xi32> to vector<16xi32>
      tpu.vector_store %arg7[%swap3A_1626], %swap3A_1629 {strides = array<i32>} : memref<800xi32, #tpu.memory_space<vmem>>, vector<16xi32>,
      %get3A_1630 = arith.constant 10 : i32
      %get3A_1631 = arith.index_cast %get3A_1630 : i32 to index
      %get3A_1632 = arith.constant 34 : index
      %get3A_1633 = tpu.vector_load %arg15[%get3A_1631, %get3A_1632] {strides = array<i32>} : memref<16x50xi32, #tpu.memory_space<vmem>>, vector<1x16xi32>,
      %get3A_1634 = vector.shape_cast %get3A_1633 : vector<1x16xi32> to vector<16xi32>
      %swap3A_1635 = arith.constant 534 : index
      %swap3A_1636 = tpu.vector_load %arg7[%swap3A_1635] {strides = array<i32>} : memref<800xi32, #tpu.memory_space<vmem>>, vector<16xi32>,
      %swap3A_1637 = vector.shape_cast %swap3A_1636 : vector<16xi32> to vector<16xi32>
      %swap3A_1638 = vector.shape_cast %get3A_1634 : vector<16xi32> to vector<16xi32>
      tpu.vector_store %arg7[%swap3A_1635], %swap3A_1638 {strides = array<i32>} : memref<800xi32, #tpu.memory_space<vmem>>, vector<16xi32>,
      %get3A_1639 = arith.constant 11 : i32
      %get3A_1640 = arith.index_cast %get3A_1639 : i32 to index
      %get3A_1641 = arith.constant 0 : index
      %get3A_1642 = tpu.vector_load %arg15[%get3A_1640, %get3A_1641] {strides = array<i32>} : memref<16x50xi32, #tpu.memory_space<vmem>>, vector<1x16xi32>,
      %get3A_1643 = vector.shape_cast %get3A_1642 : vector<1x16xi32> to vector<16xi32>
      %swap3A_1644 = arith.constant 550 : index
      %swap3A_1645 = tpu.vector_load %arg7[%swap3A_1644] {strides = array<i32>} : memref<800xi32, #tpu.memory_space<vmem>>, vector<16xi32>,
      %swap3A_1646 = vector.shape_cast %swap3A_1645 : vector<16xi32> to vector<16xi32>
      %swap3A_1647 = vector.shape_cast %get3A_1643 : vector<16xi32> to vector<16xi32>
      tpu.vector_store %arg7[%swap3A_1644], %swap3A_1647 {strides = array<i32>} : memref<800xi32, #tpu.memory_space<vmem>>, vector<16xi32>,
      %get3A_1648 = arith.constant 11 : i32
      %get3A_1649 = arith.index_cast %get3A_1648 : i32 to index
      %get3A_1650 = arith.constant 16 : index
      %get3A_1651 = tpu.vector_load %arg15[%get3A_1649, %get3A_1650] {strides = array<i32>} : memref<16x50xi32, #tpu.memory_space<vmem>>, vector<1x16xi32>,
      %get3A_1652 = vector.shape_cast %get3A_1651 : vector<1x16xi32> to vector<16xi32>
      %swap3A_1653 = arith.constant 566 : index
      %swap3A_1654 = tpu.vector_load %arg7[%swap3A_1653] {strides = array<i32>} : memref<800xi32, #tpu.memory_space<vmem>>, vector<16xi32>,
      %swap3A_1655 = vector.shape_cast %swap3A_1654 : vector<16xi32> to vector<16xi32>
      %swap3A_1656 = vector.shape_cast %get3A_1652 : vector<16xi32> to vector<16xi32>
      tpu.vector_store %arg7[%swap3A_1653], %swap3A_1656 {strides = array<i32>} : memref<800xi32, #tpu.memory_space<vmem>>, vector<16xi32>,
      %get3A_1657 = arith.constant 11 : i32
      %get3A_1658 = arith.index_cast %get3A_1657 : i32 to index
      %get3A_1659 = arith.constant 32 : index
      %get3A_1660 = tpu.vector_load %arg15[%get3A_1658, %get3A_1659] {strides = array<i32>} : memref<16x50xi32, #tpu.memory_space<vmem>>, vector<1x16xi32>,
      %get3A_1661 = vector.shape_cast %get3A_1660 : vector<1x16xi32> to vector<16xi32>
      %swap3A_1662 = arith.constant 582 : index
      %swap3A_1663 = tpu.vector_load %arg7[%swap3A_1662] {strides = array<i32>} : memref<800xi32, #tpu.memory_space<vmem>>, vector<16xi32>,
      %swap3A_1664 = vector.shape_cast %swap3A_1663 : vector<16xi32> to vector<16xi32>
      %swap3A_1665 = vector.shape_cast %get3A_1661 : vector<16xi32> to vector<16xi32>
      tpu.vector_store %arg7[%swap3A_1662], %swap3A_1665 {strides = array<i32>} : memref<800xi32, #tpu.memory_space<vmem>>, vector<16xi32>,
      %get3A_1666 = arith.constant 11 : i32
      %get3A_1667 = arith.index_cast %get3A_1666 : i32 to index
      %get3A_1668 = arith.constant 34 : index
      %get3A_1669 = tpu.vector_load %arg15[%get3A_1667, %get3A_1668] {strides = array<i32>} : memref<16x50xi32, #tpu.memory_space<vmem>>, vector<1x16xi32>,
      %get3A_1670 = vector.shape_cast %get3A_1669 : vector<1x16xi32> to vector<16xi32>
      %swap3A_1671 = arith.constant 584 : index
      %swap3A_1672 = tpu.vector_load %arg7[%swap3A_1671] {strides = array<i32>} : memref<800xi32, #tpu.memory_space<vmem>>, vector<16xi32>,
      %swap3A_1673 = vector.shape_cast %swap3A_1672 : vector<16xi32> to vector<16xi32>
      %swap3A_1674 = vector.shape_cast %get3A_1670 : vector<16xi32> to vector<16xi32>
      tpu.vector_store %arg7[%swap3A_1671], %swap3A_1674 {strides = array<i32>} : memref<800xi32, #tpu.memory_space<vmem>>, vector<16xi32>,
      %get3A_1675 = arith.constant 12 : i32
      %get3A_1676 = arith.index_cast %get3A_1675 : i32 to index
      %get3A_1677 = arith.constant 0 : index
      %get3A_1678 = tpu.vector_load %arg15[%get3A_1676, %get3A_1677] {strides = array<i32>} : memref<16x50xi32, #tpu.memory_space<vmem>>, vector<1x16xi32>,
      %get3A_1679 = vector.shape_cast %get3A_1678 : vector<1x16xi32> to vector<16xi32>
      %swap3A_1680 = arith.constant 600 : index
      %swap3A_1681 = tpu.vector_load %arg7[%swap3A_1680] {strides = array<i32>} : memref<800xi32, #tpu.memory_space<vmem>>, vector<16xi32>,
      %swap3A_1682 = vector.shape_cast %swap3A_1681 : vector<16xi32> to vector<16xi32>
      %swap3A_1683 = vector.shape_cast %get3A_1679 : vector<16xi32> to vector<16xi32>
      tpu.vector_store %arg7[%swap3A_1680], %swap3A_1683 {strides = array<i32>} : memref<800xi32, #tpu.memory_space<vmem>>, vector<16xi32>,
      %get3A_1684 = arith.constant 12 : i32
      %get3A_1685 = arith.index_cast %get3A_1684 : i32 to index
      %get3A_1686 = arith.constant 16 : index
      %get3A_1687 = tpu.vector_load %arg15[%get3A_1685, %get3A_1686] {strides = array<i32>} : memref<16x50xi32, #tpu.memory_space<vmem>>, vector<1x16xi32>,
      %get3A_1688 = vector.shape_cast %get3A_1687 : vector<1x16xi32> to vector<16xi32>
      %swap3A_1689 = arith.constant 616 : index
      %swap3A_1690 = tpu.vector_load %arg7[%swap3A_1689] {strides = array<i32>} : memref<800xi32, #tpu.memory_space<vmem>>, vector<16xi32>,
      %swap3A_1691 = vector.shape_cast %swap3A_1690 : vector<16xi32> to vector<16xi32>
      %swap3A_1692 = vector.shape_cast %get3A_1688 : vector<16xi32> to vector<16xi32>
      tpu.vector_store %arg7[%swap3A_1689], %swap3A_1692 {strides = array<i32>} : memref<800xi32, #tpu.memory_space<vmem>>, vector<16xi32>,
      %get3A_1693 = arith.constant 12 : i32
      %get3A_1694 = arith.index_cast %get3A_1693 : i32 to index
      %get3A_1695 = arith.constant 32 : index
      %get3A_1696 = tpu.vector_load %arg15[%get3A_1694, %get3A_1695] {strides = array<i32>} : memref<16x50xi32, #tpu.memory_space<vmem>>, vector<1x16xi32>,
      %get3A_1697 = vector.shape_cast %get3A_1696 : vector<1x16xi32> to vector<16xi32>
      %swap3A_1698 = arith.constant 632 : index
      %swap3A_1699 = tpu.vector_load %arg7[%swap3A_1698] {strides = array<i32>} : memref<800xi32, #tpu.memory_space<vmem>>, vector<16xi32>,
      %swap3A_1700 = vector.shape_cast %swap3A_1699 : vector<16xi32> to vector<16xi32>
      %swap3A_1701 = vector.shape_cast %get3A_1697 : vector<16xi32> to vector<16xi32>
      tpu.vector_store %arg7[%swap3A_1698], %swap3A_1701 {strides = array<i32>} : memref<800xi32, #tpu.memory_space<vmem>>, vector<16xi32>,
      %get3A_1702 = arith.constant 12 : i32
      %get3A_1703 = arith.index_cast %get3A_1702 : i32 to index
      %get3A_1704 = arith.constant 34 : index
      %get3A_1705 = tpu.vector_load %arg15[%get3A_1703, %get3A_1704] {strides = array<i32>} : memref<16x50xi32, #tpu.memory_space<vmem>>, vector<1x16xi32>,
      %get3A_1706 = vector.shape_cast %get3A_1705 : vector<1x16xi32> to vector<16xi32>
      %swap3A_1707 = arith.constant 634 : index
      %swap3A_1708 = tpu.vector_load %arg7[%swap3A_1707] {strides = array<i32>} : memref<800xi32, #tpu.memory_space<vmem>>, vector<16xi32>,
      %swap3A_1709 = vector.shape_cast %swap3A_1708 : vector<16xi32> to vector<16xi32>
      %swap3A_1710 = vector.shape_cast %get3A_1706 : vector<16xi32> to vector<16xi32>
      tpu.vector_store %arg7[%swap3A_1707], %swap3A_1710 {strides = array<i32>} : memref<800xi32, #tpu.memory_space<vmem>>, vector<16xi32>,
      %get3A_1711 = arith.constant 13 : i32
      %get3A_1712 = arith.index_cast %get3A_1711 : i32 to index
      %get3A_1713 = arith.constant 0 : index
      %get3A_1714 = tpu.vector_load %arg15[%get3A_1712, %get3A_1713] {strides = array<i32>} : memref<16x50xi32, #tpu.memory_space<vmem>>, vector<1x16xi32>,
      %get3A_1715 = vector.shape_cast %get3A_1714 : vector<1x16xi32> to vector<16xi32>
      %swap3A_1716 = arith.constant 650 : index
      %swap3A_1717 = tpu.vector_load %arg7[%swap3A_1716] {strides = array<i32>} : memref<800xi32, #tpu.memory_space<vmem>>, vector<16xi32>,
      %swap3A_1718 = vector.shape_cast %swap3A_1717 : vector<16xi32> to vector<16xi32>
      %swap3A_1719 = vector.shape_cast %get3A_1715 : vector<16xi32> to vector<16xi32>
      tpu.vector_store %arg7[%swap3A_1716], %swap3A_1719 {strides = array<i32>} : memref<800xi32, #tpu.memory_space<vmem>>, vector<16xi32>,
      %get3A_1720 = arith.constant 13 : i32
      %get3A_1721 = arith.index_cast %get3A_1720 : i32 to index
      %get3A_1722 = arith.constant 16 : index
      %get3A_1723 = tpu.vector_load %arg15[%get3A_1721, %get3A_1722] {strides = array<i32>} : memref<16x50xi32, #tpu.memory_space<vmem>>, vector<1x16xi32>,
      %get3A_1724 = vector.shape_cast %get3A_1723 : vector<1x16xi32> to vector<16xi32>
      %swap3A_1725 = arith.constant 666 : index
      %swap3A_1726 = tpu.vector_load %arg7[%swap3A_1725] {strides = array<i32>} : memref<800xi32, #tpu.memory_space<vmem>>, vector<16xi32>,
      %swap3A_1727 = vector.shape_cast %swap3A_1726 : vector<16xi32> to vector<16xi32>
      %swap3A_1728 = vector.shape_cast %get3A_1724 : vector<16xi32> to vector<16xi32>
      tpu.vector_store %arg7[%swap3A_1725], %swap3A_1728 {strides = array<i32>} : memref<800xi32, #tpu.memory_space<vmem>>, vector<16xi32>,
      %get3A_1729 = arith.constant 13 : i32
      %get3A_1730 = arith.index_cast %get3A_1729 : i32 to index
      %get3A_1731 = arith.constant 32 : index
      %get3A_1732 = tpu.vector_load %arg15[%get3A_1730, %get3A_1731] {strides = array<i32>} : memref<16x50xi32, #tpu.memory_space<vmem>>, vector<1x16xi32>,
      %get3A_1733 = vector.shape_cast %get3A_1732 : vector<1x16xi32> to vector<16xi32>
      %swap3A_1734 = arith.constant 682 : index
      %swap3A_1735 = tpu.vector_load %arg7[%swap3A_1734] {strides = array<i32>} : memref<800xi32, #tpu.memory_space<vmem>>, vector<16xi32>,
      %swap3A_1736 = vector.shape_cast %swap3A_1735 : vector<16xi32> to vector<16xi32>
      %swap3A_1737 = vector.shape_cast %get3A_1733 : vector<16xi32> to vector<16xi32>
      tpu.vector_store %arg7[%swap3A_1734], %swap3A_1737 {strides = array<i32>} : memref<800xi32, #tpu.memory_space<vmem>>, vector<16xi32>,
      %get3A_1738 = arith.constant 13 : i32
      %get3A_1739 = arith.index_cast %get3A_1738 : i32 to index
      %get3A_1740 = arith.constant 34 : index
      %get3A_1741 = tpu.vector_load %arg15[%get3A_1739, %get3A_1740] {strides = array<i32>} : memref<16x50xi32, #tpu.memory_space<vmem>>, vector<1x16xi32>,
      %get3A_1742 = vector.shape_cast %get3A_1741 : vector<1x16xi32> to vector<16xi32>
      %swap3A_1743 = arith.constant 684 : index
      %swap3A_1744 = tpu.vector_load %arg7[%swap3A_1743] {strides = array<i32>} : memref<800xi32, #tpu.memory_space<vmem>>, vector<16xi32>,
      %swap3A_1745 = vector.shape_cast %swap3A_1744 : vector<16xi32> to vector<16xi32>
      %swap3A_1746 = vector.shape_cast %get3A_1742 : vector<16xi32> to vector<16xi32>
      tpu.vector_store %arg7[%swap3A_1743], %swap3A_1746 {strides = array<i32>} : memref<800xi32, #tpu.memory_space<vmem>>, vector<16xi32>,
      %get3A_1747 = arith.constant 14 : i32
      %get3A_1748 = arith.index_cast %get3A_1747 : i32 to index
      %get3A_1749 = arith.constant 0 : index
      %get3A_1750 = tpu.vector_load %arg15[%get3A_1748, %get3A_1749] {strides = array<i32>} : memref<16x50xi32, #tpu.memory_space<vmem>>, vector<1x16xi32>,
      %get3A_1751 = vector.shape_cast %get3A_1750 : vector<1x16xi32> to vector<16xi32>
      %swap3A_1752 = arith.constant 700 : index
      %swap3A_1753 = tpu.vector_load %arg7[%swap3A_1752] {strides = array<i32>} : memref<800xi32, #tpu.memory_space<vmem>>, vector<16xi32>,
      %swap3A_1754 = vector.shape_cast %swap3A_1753 : vector<16xi32> to vector<16xi32>
      %swap3A_1755 = vector.shape_cast %get3A_1751 : vector<16xi32> to vector<16xi32>
      tpu.vector_store %arg7[%swap3A_1752], %swap3A_1755 {strides = array<i32>} : memref<800xi32, #tpu.memory_space<vmem>>, vector<16xi32>,
      %get3A_1756 = arith.constant 14 : i32
      %get3A_1757 = arith.index_cast %get3A_1756 : i32 to index
      %get3A_1758 = arith.constant 16 : index
      %get3A_1759 = tpu.vector_load %arg15[%get3A_1757, %get3A_1758] {strides = array<i32>} : memref<16x50xi32, #tpu.memory_space<vmem>>, vector<1x16xi32>,
      %get3A_1760 = vector.shape_cast %get3A_1759 : vector<1x16xi32> to vector<16xi32>
      %swap3A_1761 = arith.constant 716 : index
      %swap3A_1762 = tpu.vector_load %arg7[%swap3A_1761] {strides = array<i32>} : memref<800xi32, #tpu.memory_space<vmem>>, vector<16xi32>,
      %swap3A_1763 = vector.shape_cast %swap3A_1762 : vector<16xi32> to vector<16xi32>
      %swap3A_1764 = vector.shape_cast %get3A_1760 : vector<16xi32> to vector<16xi32>
      tpu.vector_store %arg7[%swap3A_1761], %swap3A_1764 {strides = array<i32>} : memref<800xi32, #tpu.memory_space<vmem>>, vector<16xi32>,
      %get3A_1765 = arith.constant 14 : i32
      %get3A_1766 = arith.index_cast %get3A_1765 : i32 to index
      %get3A_1767 = arith.constant 32 : index
      %get3A_1768 = tpu.vector_load %arg15[%get3A_1766, %get3A_1767] {strides = array<i32>} : memref<16x50xi32, #tpu.memory_space<vmem>>, vector<1x16xi32>,
      %get3A_1769 = vector.shape_cast %get3A_1768 : vector<1x16xi32> to vector<16xi32>
      %swap3A_1770 = arith.constant 732 : index
      %swap3A_1771 = tpu.vector_load %arg7[%swap3A_1770] {strides = array<i32>} : memref<800xi32, #tpu.memory_space<vmem>>, vector<16xi32>,
      %swap3A_1772 = vector.shape_cast %swap3A_1771 : vector<16xi32> to vector<16xi32>
      %swap3A_1773 = vector.shape_cast %get3A_1769 : vector<16xi32> to vector<16xi32>
      tpu.vector_store %arg7[%swap3A_1770], %swap3A_1773 {strides = array<i32>} : memref<800xi32, #tpu.memory_space<vmem>>, vector<16xi32>,
      %get3A_1774 = arith.constant 14 : i32
      %get3A_1775 = arith.index_cast %get3A_1774 : i32 to index
      %get3A_1776 = arith.constant 34 : index
      %get3A_1777 = tpu.vector_load %arg15[%get3A_1775, %get3A_1776] {strides = array<i32>} : memref<16x50xi32, #tpu.memory_space<vmem>>, vector<1x16xi32>,
      %get3A_1778 = vector.shape_cast %get3A_1777 : vector<1x16xi32> to vector<16xi32>
      %swap3A_1779 = arith.constant 734 : index
      %swap3A_1780 = tpu.vector_load %arg7[%swap3A_1779] {strides = array<i32>} : memref<800xi32, #tpu.memory_space<vmem>>, vector<16xi32>,
      %swap3A_1781 = vector.shape_cast %swap3A_1780 : vector<16xi32> to vector<16xi32>
      %swap3A_1782 = vector.shape_cast %get3A_1778 : vector<16xi32> to vector<16xi32>
      tpu.vector_store %arg7[%swap3A_1779], %swap3A_1782 {strides = array<i32>} : memref<800xi32, #tpu.memory_space<vmem>>, vector<16xi32>,
      %get3A_1783 = arith.constant 15 : i32
      %get3A_1784 = arith.index_cast %get3A_1783 : i32 to index
      %get3A_1785 = arith.constant 0 : index
      %get3A_1786 = tpu.vector_load %arg15[%get3A_1784, %get3A_1785] {strides = array<i32>} : memref<16x50xi32, #tpu.memory_space<vmem>>, vector<1x16xi32>,
      %get3A_1787 = vector.shape_cast %get3A_1786 : vector<1x16xi32> to vector<16xi32>
      %swap3A_1788 = arith.constant 750 : index
      %swap3A_1789 = tpu.vector_load %arg7[%swap3A_1788] {strides = array<i32>} : memref<800xi32, #tpu.memory_space<vmem>>, vector<16xi32>,
      %swap3A_1790 = vector.shape_cast %swap3A_1789 : vector<16xi32> to vector<16xi32>
      %swap3A_1791 = vector.shape_cast %get3A_1787 : vector<16xi32> to vector<16xi32>
      tpu.vector_store %arg7[%swap3A_1788], %swap3A_1791 {strides = array<i32>} : memref<800xi32, #tpu.memory_space<vmem>>, vector<16xi32>,
      %get3A_1792 = arith.constant 15 : i32
      %get3A_1793 = arith.index_cast %get3A_1792 : i32 to index
      %get3A_1794 = arith.constant 16 : index
      %get3A_1795 = tpu.vector_load %arg15[%get3A_1793, %get3A_1794] {strides = array<i32>} : memref<16x50xi32, #tpu.memory_space<vmem>>, vector<1x16xi32>,
      %get3A_1796 = vector.shape_cast %get3A_1795 : vector<1x16xi32> to vector<16xi32>
      %swap3A_1797 = arith.constant 766 : index
      %swap3A_1798 = tpu.vector_load %arg7[%swap3A_1797] {strides = array<i32>} : memref<800xi32, #tpu.memory_space<vmem>>, vector<16xi32>,
      %swap3A_1799 = vector.shape_cast %swap3A_1798 : vector<16xi32> to vector<16xi32>
      %swap3A_1800 = vector.shape_cast %get3A_1796 : vector<16xi32> to vector<16xi32>
      tpu.vector_store %arg7[%swap3A_1797], %swap3A_1800 {strides = array<i32>} : memref<800xi32, #tpu.memory_space<vmem>>, vector<16xi32>,
      %get3A_1801 = arith.constant 15 : i32
      %get3A_1802 = arith.index_cast %get3A_1801 : i32 to index
      %get3A_1803 = arith.constant 32 : index
      %get3A_1804 = tpu.vector_load %arg15[%get3A_1802, %get3A_1803] {strides = array<i32>} : memref<16x50xi32, #tpu.memory_space<vmem>>, vector<1x16xi32>,
      %get3A_1805 = vector.shape_cast %get3A_1804 : vector<1x16xi32> to vector<16xi32>
      %swap3A_1806 = arith.constant 782 : index
      %swap3A_1807 = tpu.vector_load %arg7[%swap3A_1806] {strides = array<i32>} : memref<800xi32, #tpu.memory_space<vmem>>, vector<16xi32>,
      %swap3A_1808 = vector.shape_cast %swap3A_1807 : vector<16xi32> to vector<16xi32>
      %swap3A_1809 = vector.shape_cast %get3A_1805 : vector<16xi32> to vector<16xi32>
      tpu.vector_store %arg7[%swap3A_1806], %swap3A_1809 {strides = array<i32>} : memref<800xi32, #tpu.memory_space<vmem>>, vector<16xi32>,
      %get3A_1810 = arith.constant 15 : i32
      %get3A_1811 = arith.index_cast %get3A_1810 : i32 to index
      %get3A_1812 = arith.constant 34 : index
      %get3A_1813 = tpu.vector_load %arg15[%get3A_1811, %get3A_1812] {strides = array<i32>} : memref<16x50xi32, #tpu.memory_space<vmem>>, vector<1x16xi32>,
      %get3A_1814 = vector.shape_cast %get3A_1813 : vector<1x16xi32> to vector<16xi32>
      %swap3A_1815 = arith.constant 784 : index
      %swap3A_1816 = tpu.vector_load %arg7[%swap3A_1815] {strides = array<i32>} : memref<800xi32, #tpu.memory_space<vmem>>, vector<16xi32>,
      %swap3A_1817 = vector.shape_cast %swap3A_1816 : vector<16xi32> to vector<16xi32>
      %swap3A_1818 = vector.shape_cast %get3A_1814 : vector<16xi32> to vector<16xi32>
      tpu.vector_store %arg7[%swap3A_1815], %swap3A_1818 {strides = array<i32>} : memref<800xi32, #tpu.memory_space<vmem>>, vector<16xi32>,
      %gt3A_1819 = arith.constant 0 : i32
      %gt3A_1820 = arith.cmpi sgt, %scan3A_38, %gt3A_1819 : i32
      %convert_element_type3A_1821 = arith.extui %gt3A_1820 : i1 to i32
      %cond3A_1822 = arith.constant 0 : i32
      %cond3A_1823 = arith.cmpi ne, %convert_element_type3A_1821, %cond3A_1822 : i32
      scf.if %cond3A_1823 {
        %dma_wait3A_3655 = arith.constant 0 : i32
        %dma_wait3A_3656 = arith.constant 0 : i32
        %dma_wait3A_3657 = tpu.memref_slice %arg3[%dma_wait3A_3655, %dma_wait3A_3656] : memref<1000000x32xf32, #tpu.memory_space<hbm>> -> memref<800x32xf32, #tpu.memory_space<hbm>>
        %dma_wait3A_3658 = arith.constant 0 : i32
        %dma_wait3A_3659 = arith.constant 0 : i32
        %dma_wait3A_3660 = tpu.memref_slice %arg3[%dma_wait3A_3658, %dma_wait3A_3659] : memref<1000000x32xf32, #tpu.memory_space<hbm>> -> memref<800x32xf32, #tpu.memory_space<hbm>>
        tpu.wait_dma2 semaphore(%arg27 : memref<!tpu.dma_semaphore, #tpu.memory_space<semaphore_mem>>) src(%dma_wait3A_3660 : memref<800x32xf32, #tpu.memory_space<hbm>>) dst(%arg11 : memref<800x32xf32, #tpu.memory_space<vmem>>)
      } else {
      }
      %dma_start3A_1824 = arith.constant 0 : i32
      %dma_start3A_1825 = arith.constant 0 : i32
      %dma_start3A_1826 = tpu.memref_slice %arg3[%dma_start3A_1824, %dma_start3A_1825] : memref<1000000x32xf32, #tpu.memory_space<hbm>> -> memref<1000000x32xf32, #tpu.memory_space<hbm>>
      tpu.enqueue_indirect_dma source(%dma_start3A_1826 : memref<1000000x32xf32, #tpu.memory_space<hbm>>) target(%arg11 : memref<800x32xf32, #tpu.memory_space<vmem>>) offsets(%arg7 : memref<800xi32, #tpu.memory_space<vmem>>) semaphore(%arg23 : memref<!tpu.dma_semaphore, #tpu.memory_space<semaphore_mem>>)
      %dma_wait3A_1827 = arith.constant 0 : i32
      %dma_wait3A_1828 = tpu.memref_slice %arg2[%mul3A_4, %dma_wait3A_1827] : memref<16384x50xi32, #tpu.memory_space<hbm>> -> memref<16x50xi32, #tpu.memory_space<hbm>>
      %dma_wait3A_1829 = arith.constant 0 : i32
      %dma_wait3A_1830 = tpu.memref_slice %arg2[%mul3A_4, %dma_wait3A_1829] : memref<16384x50xi32, #tpu.memory_space<hbm>> -> memref<16x50xi32, #tpu.memory_space<hbm>>
      tpu.wait_dma2 semaphore(%arg20 : memref<!tpu.dma_semaphore, #tpu.memory_space<semaphore_mem>>) src(%dma_wait3A_1830 : memref<16x50xi32, #tpu.memory_space<hbm>>) dst(%arg16 : memref<16x50xi32, #tpu.memory_space<vmem>>)
      %get3A_1831 = arith.constant 0 : i32
      %get3A_1832 = arith.index_cast %get3A_1831 : i32 to index
      %get3A_1833 = arith.constant 0 : index
      %get3A_1834 = tpu.vector_load %arg16[%get3A_1832, %get3A_1833] {strides = array<i32>} : memref<16x50xi32, #tpu.memory_space<vmem>>, vector<1x16xi32>,
      %get3A_1835 = vector.shape_cast %get3A_1834 : vector<1x16xi32> to vector<16xi32>
      %swap3A_1836 = arith.constant 0 : index
      %swap3A_1837 = tpu.vector_load %arg8[%swap3A_1836] {strides = array<i32>} : memref<800xi32, #tpu.memory_space<vmem>>, vector<16xi32>,
      %swap3A_1838 = vector.shape_cast %swap3A_1837 : vector<16xi32> to vector<16xi32>
      %swap3A_1839 = vector.shape_cast %get3A_1835 : vector<16xi32> to vector<16xi32>
      tpu.vector_store %arg8[%swap3A_1836], %swap3A_1839 {strides = array<i32>} : memref<800xi32, #tpu.memory_space<vmem>>, vector<16xi32>,
      %get3A_1840 = arith.constant 0 : i32
      %get3A_1841 = arith.index_cast %get3A_1840 : i32 to index
      %get3A_1842 = arith.constant 16 : index
      %get3A_1843 = tpu.vector_load %arg16[%get3A_1841, %get3A_1842] {strides = array<i32>} : memref<16x50xi32, #tpu.memory_space<vmem>>, vector<1x16xi32>,
      %get3A_1844 = vector.shape_cast %get3A_1843 : vector<1x16xi32> to vector<16xi32>
      %swap3A_1845 = arith.constant 16 : index
      %swap3A_1846 = tpu.vector_load %arg8[%swap3A_1845] {strides = array<i32>} : memref<800xi32, #tpu.memory_space<vmem>>, vector<16xi32>,
      %swap3A_1847 = vector.shape_cast %swap3A_1846 : vector<16xi32> to vector<16xi32>
      %swap3A_1848 = vector.shape_cast %get3A_1844 : vector<16xi32> to vector<16xi32>
      tpu.vector_store %arg8[%swap3A_1845], %swap3A_1848 {strides = array<i32>} : memref<800xi32, #tpu.memory_space<vmem>>, vector<16xi32>,
      %get3A_1849 = arith.constant 0 : i32
      %get3A_1850 = arith.index_cast %get3A_1849 : i32 to index
      %get3A_1851 = arith.constant 32 : index
      %get3A_1852 = tpu.vector_load %arg16[%get3A_1850, %get3A_1851] {strides = array<i32>} : memref<16x50xi32, #tpu.memory_space<vmem>>, vector<1x16xi32>,
      %get3A_1853 = vector.shape_cast %get3A_1852 : vector<1x16xi32> to vector<16xi32>
      %swap3A_1854 = arith.constant 32 : index
      %swap3A_1855 = tpu.vector_load %arg8[%swap3A_1854] {strides = array<i32>} : memref<800xi32, #tpu.memory_space<vmem>>, vector<16xi32>,
      %swap3A_1856 = vector.shape_cast %swap3A_1855 : vector<16xi32> to vector<16xi32>
      %swap3A_1857 = vector.shape_cast %get3A_1853 : vector<16xi32> to vector<16xi32>
      tpu.vector_store %arg8[%swap3A_1854], %swap3A_1857 {strides = array<i32>} : memref<800xi32, #tpu.memory_space<vmem>>, vector<16xi32>,
      %get3A_1858 = arith.constant 0 : i32
      %get3A_1859 = arith.index_cast %get3A_1858 : i32 to index
      %get3A_1860 = arith.constant 34 : index
      %get3A_1861 = tpu.vector_load %arg16[%get3A_1859, %get3A_1860] {strides = array<i32>} : memref<16x50xi32, #tpu.memory_space<vmem>>, vector<1x16xi32>,
      %get3A_1862 = vector.shape_cast %get3A_1861 : vector<1x16xi32> to vector<16xi32>
      %swap3A_1863 = arith.constant 34 : index
      %swap3A_1864 = tpu.vector_load %arg8[%swap3A_1863] {strides = array<i32>} : memref<800xi32, #tpu.memory_space<vmem>>, vector<16xi32>,
      %swap3A_1865 = vector.shape_cast %swap3A_1864 : vector<16xi32> to vector<16xi32>
      %swap3A_1866 = vector.shape_cast %get3A_1862 : vector<16xi32> to vector<16xi32>
      tpu.vector_store %arg8[%swap3A_1863], %swap3A_1866 {strides = array<i32>} : memref<800xi32, #tpu.memory_space<vmem>>, vector<16xi32>,
      %get3A_1867 = arith.constant 1 : i32
      %get3A_1868 = arith.index_cast %get3A_1867 : i32 to index
      %get3A_1869 = arith.constant 0 : index
      %get3A_1870 = tpu.vector_load %arg16[%get3A_1868, %get3A_1869] {strides = array<i32>} : memref<16x50xi32, #tpu.memory_space<vmem>>, vector<1x16xi32>,
      %get3A_1871 = vector.shape_cast %get3A_1870 : vector<1x16xi32> to vector<16xi32>
      %swap3A_1872 = arith.constant 50 : index
      %swap3A_1873 = tpu.vector_load %arg8[%swap3A_1872] {strides = array<i32>} : memref<800xi32, #tpu.memory_space<vmem>>, vector<16xi32>,
      %swap3A_1874 = vector.shape_cast %swap3A_1873 : vector<16xi32> to vector<16xi32>
      %swap3A_1875 = vector.shape_cast %get3A_1871 : vector<16xi32> to vector<16xi32>
      tpu.vector_store %arg8[%swap3A_1872], %swap3A_1875 {strides = array<i32>} : memref<800xi32, #tpu.memory_space<vmem>>, vector<16xi32>,
      %get3A_1876 = arith.constant 1 : i32
      %get3A_1877 = arith.index_cast %get3A_1876 : i32 to index
      %get3A_1878 = arith.constant 16 : index
      %get3A_1879 = tpu.vector_load %arg16[%get3A_1877, %get3A_1878] {strides = array<i32>} : memref<16x50xi32, #tpu.memory_space<vmem>>, vector<1x16xi32>,
      %get3A_1880 = vector.shape_cast %get3A_1879 : vector<1x16xi32> to vector<16xi32>
      %swap3A_1881 = arith.constant 66 : index
      %swap3A_1882 = tpu.vector_load %arg8[%swap3A_1881] {strides = array<i32>} : memref<800xi32, #tpu.memory_space<vmem>>, vector<16xi32>,
      %swap3A_1883 = vector.shape_cast %swap3A_1882 : vector<16xi32> to vector<16xi32>
      %swap3A_1884 = vector.shape_cast %get3A_1880 : vector<16xi32> to vector<16xi32>
      tpu.vector_store %arg8[%swap3A_1881], %swap3A_1884 {strides = array<i32>} : memref<800xi32, #tpu.memory_space<vmem>>, vector<16xi32>,
      %get3A_1885 = arith.constant 1 : i32
      %get3A_1886 = arith.index_cast %get3A_1885 : i32 to index
      %get3A_1887 = arith.constant 32 : index
      %get3A_1888 = tpu.vector_load %arg16[%get3A_1886, %get3A_1887] {strides = array<i32>} : memref<16x50xi32, #tpu.memory_space<vmem>>, vector<1x16xi32>,
      %get3A_1889 = vector.shape_cast %get3A_1888 : vector<1x16xi32> to vector<16xi32>
      %swap3A_1890 = arith.constant 82 : index
      %swap3A_1891 = tpu.vector_load %arg8[%swap3A_1890] {strides = array<i32>} : memref<800xi32, #tpu.memory_space<vmem>>, vector<16xi32>,
      %swap3A_1892 = vector.shape_cast %swap3A_1891 : vector<16xi32> to vector<16xi32>
      %swap3A_1893 = vector.shape_cast %get3A_1889 : vector<16xi32> to vector<16xi32>
      tpu.vector_store %arg8[%swap3A_1890], %swap3A_1893 {strides = array<i32>} : memref<800xi32, #tpu.memory_space<vmem>>, vector<16xi32>,
      %get3A_1894 = arith.constant 1 : i32
      %get3A_1895 = arith.index_cast %get3A_1894 : i32 to index
      %get3A_1896 = arith.constant 34 : index
      %get3A_1897 = tpu.vector_load %arg16[%get3A_1895, %get3A_1896] {strides = array<i32>} : memref<16x50xi32, #tpu.memory_space<vmem>>, vector<1x16xi32>,
      %get3A_1898 = vector.shape_cast %get3A_1897 : vector<1x16xi32> to vector<16xi32>
      %swap3A_1899 = arith.constant 84 : index
      %swap3A_1900 = tpu.vector_load %arg8[%swap3A_1899] {strides = array<i32>} : memref<800xi32, #tpu.memory_space<vmem>>, vector<16xi32>,
      %swap3A_1901 = vector.shape_cast %swap3A_1900 : vector<16xi32> to vector<16xi32>
      %swap3A_1902 = vector.shape_cast %get3A_1898 : vector<16xi32> to vector<16xi32>
      tpu.vector_store %arg8[%swap3A_1899], %swap3A_1902 {strides = array<i32>} : memref<800xi32, #tpu.memory_space<vmem>>, vector<16xi32>,
      %get3A_1903 = arith.constant 2 : i32
      %get3A_1904 = arith.index_cast %get3A_1903 : i32 to index
      %get3A_1905 = arith.constant 0 : index
      %get3A_1906 = tpu.vector_load %arg16[%get3A_1904, %get3A_1905] {strides = array<i32>} : memref<16x50xi32, #tpu.memory_space<vmem>>, vector<1x16xi32>,
      %get3A_1907 = vector.shape_cast %get3A_1906 : vector<1x16xi32> to vector<16xi32>
      %swap3A_1908 = arith.constant 100 : index
      %swap3A_1909 = tpu.vector_load %arg8[%swap3A_1908] {strides = array<i32>} : memref<800xi32, #tpu.memory_space<vmem>>, vector<16xi32>,
      %swap3A_1910 = vector.shape_cast %swap3A_1909 : vector<16xi32> to vector<16xi32>
      %swap3A_1911 = vector.shape_cast %get3A_1907 : vector<16xi32> to vector<16xi32>
      tpu.vector_store %arg8[%swap3A_1908], %swap3A_1911 {strides = array<i32>} : memref<800xi32, #tpu.memory_space<vmem>>, vector<16xi32>,
      %get3A_1912 = arith.constant 2 : i32
      %get3A_1913 = arith.index_cast %get3A_1912 : i32 to index
      %get3A_1914 = arith.constant 16 : index
      %get3A_1915 = tpu.vector_load %arg16[%get3A_1913, %get3A_1914] {strides = array<i32>} : memref<16x50xi32, #tpu.memory_space<vmem>>, vector<1x16xi32>,
      %get3A_1916 = vector.shape_cast %get3A_1915 : vector<1x16xi32> to vector<16xi32>
      %swap3A_1917 = arith.constant 116 : index
      %swap3A_1918 = tpu.vector_load %arg8[%swap3A_1917] {strides = array<i32>} : memref<800xi32, #tpu.memory_space<vmem>>, vector<16xi32>,
      %swap3A_1919 = vector.shape_cast %swap3A_1918 : vector<16xi32> to vector<16xi32>
      %swap3A_1920 = vector.shape_cast %get3A_1916 : vector<16xi32> to vector<16xi32>
      tpu.vector_store %arg8[%swap3A_1917], %swap3A_1920 {strides = array<i32>} : memref<800xi32, #tpu.memory_space<vmem>>, vector<16xi32>,
      %get3A_1921 = arith.constant 2 : i32
      %get3A_1922 = arith.index_cast %get3A_1921 : i32 to index
      %get3A_1923 = arith.constant 32 : index
      %get3A_1924 = tpu.vector_load %arg16[%get3A_1922, %get3A_1923] {strides = array<i32>} : memref<16x50xi32, #tpu.memory_space<vmem>>, vector<1x16xi32>,
      %get3A_1925 = vector.shape_cast %get3A_1924 : vector<1x16xi32> to vector<16xi32>
      %swap3A_1926 = arith.constant 132 : index
      %swap3A_1927 = tpu.vector_load %arg8[%swap3A_1926] {strides = array<i32>} : memref<800xi32, #tpu.memory_space<vmem>>, vector<16xi32>,
      %swap3A_1928 = vector.shape_cast %swap3A_1927 : vector<16xi32> to vector<16xi32>
      %swap3A_1929 = vector.shape_cast %get3A_1925 : vector<16xi32> to vector<16xi32>
      tpu.vector_store %arg8[%swap3A_1926], %swap3A_1929 {strides = array<i32>} : memref<800xi32, #tpu.memory_space<vmem>>, vector<16xi32>,
      %get3A_1930 = arith.constant 2 : i32
      %get3A_1931 = arith.index_cast %get3A_1930 : i32 to index
      %get3A_1932 = arith.constant 34 : index
      %get3A_1933 = tpu.vector_load %arg16[%get3A_1931, %get3A_1932] {strides = array<i32>} : memref<16x50xi32, #tpu.memory_space<vmem>>, vector<1x16xi32>,
      %get3A_1934 = vector.shape_cast %get3A_1933 : vector<1x16xi32> to vector<16xi32>
      %swap3A_1935 = arith.constant 134 : index
      %swap3A_1936 = tpu.vector_load %arg8[%swap3A_1935] {strides = array<i32>} : memref<800xi32, #tpu.memory_space<vmem>>, vector<16xi32>,
      %swap3A_1937 = vector.shape_cast %swap3A_1936 : vector<16xi32> to vector<16xi32>
      %swap3A_1938 = vector.shape_cast %get3A_1934 : vector<16xi32> to vector<16xi32>
      tpu.vector_store %arg8[%swap3A_1935], %swap3A_1938 {strides = array<i32>} : memref<800xi32, #tpu.memory_space<vmem>>, vector<16xi32>,
      %get3A_1939 = arith.constant 3 : i32
      %get3A_1940 = arith.index_cast %get3A_1939 : i32 to index
      %get3A_1941 = arith.constant 0 : index
      %get3A_1942 = tpu.vector_load %arg16[%get3A_1940, %get3A_1941] {strides = array<i32>} : memref<16x50xi32, #tpu.memory_space<vmem>>, vector<1x16xi32>,
      %get3A_1943 = vector.shape_cast %get3A_1942 : vector<1x16xi32> to vector<16xi32>
      %swap3A_1944 = arith.constant 150 : index
      %swap3A_1945 = tpu.vector_load %arg8[%swap3A_1944] {strides = array<i32>} : memref<800xi32, #tpu.memory_space<vmem>>, vector<16xi32>,
      %swap3A_1946 = vector.shape_cast %swap3A_1945 : vector<16xi32> to vector<16xi32>
      %swap3A_1947 = vector.shape_cast %get3A_1943 : vector<16xi32> to vector<16xi32>
      tpu.vector_store %arg8[%swap3A_1944], %swap3A_1947 {strides = array<i32>} : memref<800xi32, #tpu.memory_space<vmem>>, vector<16xi32>,
      %get3A_1948 = arith.constant 3 : i32
      %get3A_1949 = arith.index_cast %get3A_1948 : i32 to index
      %get3A_1950 = arith.constant 16 : index
      %get3A_1951 = tpu.vector_load %arg16[%get3A_1949, %get3A_1950] {strides = array<i32>} : memref<16x50xi32, #tpu.memory_space<vmem>>, vector<1x16xi32>,
      %get3A_1952 = vector.shape_cast %get3A_1951 : vector<1x16xi32> to vector<16xi32>
      %swap3A_1953 = arith.constant 166 : index
      %swap3A_1954 = tpu.vector_load %arg8[%swap3A_1953] {strides = array<i32>} : memref<800xi32, #tpu.memory_space<vmem>>, vector<16xi32>,
      %swap3A_1955 = vector.shape_cast %swap3A_1954 : vector<16xi32> to vector<16xi32>
      %swap3A_1956 = vector.shape_cast %get3A_1952 : vector<16xi32> to vector<16xi32>
      tpu.vector_store %arg8[%swap3A_1953], %swap3A_1956 {strides = array<i32>} : memref<800xi32, #tpu.memory_space<vmem>>, vector<16xi32>,
      %get3A_1957 = arith.constant 3 : i32
      %get3A_1958 = arith.index_cast %get3A_1957 : i32 to index
      %get3A_1959 = arith.constant 32 : index
      %get3A_1960 = tpu.vector_load %arg16[%get3A_1958, %get3A_1959] {strides = array<i32>} : memref<16x50xi32, #tpu.memory_space<vmem>>, vector<1x16xi32>,
      %get3A_1961 = vector.shape_cast %get3A_1960 : vector<1x16xi32> to vector<16xi32>
      %swap3A_1962 = arith.constant 182 : index
      %swap3A_1963 = tpu.vector_load %arg8[%swap3A_1962] {strides = array<i32>} : memref<800xi32, #tpu.memory_space<vmem>>, vector<16xi32>,
      %swap3A_1964 = vector.shape_cast %swap3A_1963 : vector<16xi32> to vector<16xi32>
      %swap3A_1965 = vector.shape_cast %get3A_1961 : vector<16xi32> to vector<16xi32>
      tpu.vector_store %arg8[%swap3A_1962], %swap3A_1965 {strides = array<i32>} : memref<800xi32, #tpu.memory_space<vmem>>, vector<16xi32>,
      %get3A_1966 = arith.constant 3 : i32
      %get3A_1967 = arith.index_cast %get3A_1966 : i32 to index
      %get3A_1968 = arith.constant 34 : index
      %get3A_1969 = tpu.vector_load %arg16[%get3A_1967, %get3A_1968] {strides = array<i32>} : memref<16x50xi32, #tpu.memory_space<vmem>>, vector<1x16xi32>,
      %get3A_1970 = vector.shape_cast %get3A_1969 : vector<1x16xi32> to vector<16xi32>
      %swap3A_1971 = arith.constant 184 : index
      %swap3A_1972 = tpu.vector_load %arg8[%swap3A_1971] {strides = array<i32>} : memref<800xi32, #tpu.memory_space<vmem>>, vector<16xi32>,
      %swap3A_1973 = vector.shape_cast %swap3A_1972 : vector<16xi32> to vector<16xi32>
      %swap3A_1974 = vector.shape_cast %get3A_1970 : vector<16xi32> to vector<16xi32>
      tpu.vector_store %arg8[%swap3A_1971], %swap3A_1974 {strides = array<i32>} : memref<800xi32, #tpu.memory_space<vmem>>, vector<16xi32>,
      %get3A_1975 = arith.constant 4 : i32
      %get3A_1976 = arith.index_cast %get3A_1975 : i32 to index
      %get3A_1977 = arith.constant 0 : index
      %get3A_1978 = tpu.vector_load %arg16[%get3A_1976, %get3A_1977] {strides = array<i32>} : memref<16x50xi32, #tpu.memory_space<vmem>>, vector<1x16xi32>,
      %get3A_1979 = vector.shape_cast %get3A_1978 : vector<1x16xi32> to vector<16xi32>
      %swap3A_1980 = arith.constant 200 : index
      %swap3A_1981 = tpu.vector_load %arg8[%swap3A_1980] {strides = array<i32>} : memref<800xi32, #tpu.memory_space<vmem>>, vector<16xi32>,
      %swap3A_1982 = vector.shape_cast %swap3A_1981 : vector<16xi32> to vector<16xi32>
      %swap3A_1983 = vector.shape_cast %get3A_1979 : vector<16xi32> to vector<16xi32>
      tpu.vector_store %arg8[%swap3A_1980], %swap3A_1983 {strides = array<i32>} : memref<800xi32, #tpu.memory_space<vmem>>, vector<16xi32>,
      %get3A_1984 = arith.constant 4 : i32
      %get3A_1985 = arith.index_cast %get3A_1984 : i32 to index
      %get3A_1986 = arith.constant 16 : index
      %get3A_1987 = tpu.vector_load %arg16[%get3A_1985, %get3A_1986] {strides = array<i32>} : memref<16x50xi32, #tpu.memory_space<vmem>>, vector<1x16xi32>,
      %get3A_1988 = vector.shape_cast %get3A_1987 : vector<1x16xi32> to vector<16xi32>
      %swap3A_1989 = arith.constant 216 : index
      %swap3A_1990 = tpu.vector_load %arg8[%swap3A_1989] {strides = array<i32>} : memref<800xi32, #tpu.memory_space<vmem>>, vector<16xi32>,
      %swap3A_1991 = vector.shape_cast %swap3A_1990 : vector<16xi32> to vector<16xi32>
      %swap3A_1992 = vector.shape_cast %get3A_1988 : vector<16xi32> to vector<16xi32>
      tpu.vector_store %arg8[%swap3A_1989], %swap3A_1992 {strides = array<i32>} : memref<800xi32, #tpu.memory_space<vmem>>, vector<16xi32>,
      %get3A_1993 = arith.constant 4 : i32
      %get3A_1994 = arith.index_cast %get3A_1993 : i32 to index
      %get3A_1995 = arith.constant 32 : index
      %get3A_1996 = tpu.vector_load %arg16[%get3A_1994, %get3A_1995] {strides = array<i32>} : memref<16x50xi32, #tpu.memory_space<vmem>>, vector<1x16xi32>,
      %get3A_1997 = vector.shape_cast %get3A_1996 : vector<1x16xi32> to vector<16xi32>
      %swap3A_1998 = arith.constant 232 : index
      %swap3A_1999 = tpu.vector_load %arg8[%swap3A_1998] {strides = array<i32>} : memref<800xi32, #tpu.memory_space<vmem>>, vector<16xi32>,
      %swap3A_2000 = vector.shape_cast %swap3A_1999 : vector<16xi32> to vector<16xi32>
      %swap3A_2001 = vector.shape_cast %get3A_1997 : vector<16xi32> to vector<16xi32>
      tpu.vector_store %arg8[%swap3A_1998], %swap3A_2001 {strides = array<i32>} : memref<800xi32, #tpu.memory_space<vmem>>, vector<16xi32>,
      %get3A_2002 = arith.constant 4 : i32
      %get3A_2003 = arith.index_cast %get3A_2002 : i32 to index
      %get3A_2004 = arith.constant 34 : index
      %get3A_2005 = tpu.vector_load %arg16[%get3A_2003, %get3A_2004] {strides = array<i32>} : memref<16x50xi32, #tpu.memory_space<vmem>>, vector<1x16xi32>,
      %get3A_2006 = vector.shape_cast %get3A_2005 : vector<1x16xi32> to vector<16xi32>
      %swap3A_2007 = arith.constant 234 : index
      %swap3A_2008 = tpu.vector_load %arg8[%swap3A_2007] {strides = array<i32>} : memref<800xi32, #tpu.memory_space<vmem>>, vector<16xi32>,
      %swap3A_2009 = vector.shape_cast %swap3A_2008 : vector<16xi32> to vector<16xi32>
      %swap3A_2010 = vector.shape_cast %get3A_2006 : vector<16xi32> to vector<16xi32>
      tpu.vector_store %arg8[%swap3A_2007], %swap3A_2010 {strides = array<i32>} : memref<800xi32, #tpu.memory_space<vmem>>, vector<16xi32>,
      %get3A_2011 = arith.constant 5 : i32
      %get3A_2012 = arith.index_cast %get3A_2011 : i32 to index
      %get3A_2013 = arith.constant 0 : index
      %get3A_2014 = tpu.vector_load %arg16[%get3A_2012, %get3A_2013] {strides = array<i32>} : memref<16x50xi32, #tpu.memory_space<vmem>>, vector<1x16xi32>,
      %get3A_2015 = vector.shape_cast %get3A_2014 : vector<1x16xi32> to vector<16xi32>
      %swap3A_2016 = arith.constant 250 : index
      %swap3A_2017 = tpu.vector_load %arg8[%swap3A_2016] {strides = array<i32>} : memref<800xi32, #tpu.memory_space<vmem>>, vector<16xi32>,
      %swap3A_2018 = vector.shape_cast %swap3A_2017 : vector<16xi32> to vector<16xi32>
      %swap3A_2019 = vector.shape_cast %get3A_2015 : vector<16xi32> to vector<16xi32>
      tpu.vector_store %arg8[%swap3A_2016], %swap3A_2019 {strides = array<i32>} : memref<800xi32, #tpu.memory_space<vmem>>, vector<16xi32>,
      %get3A_2020 = arith.constant 5 : i32
      %get3A_2021 = arith.index_cast %get3A_2020 : i32 to index
      %get3A_2022 = arith.constant 16 : index
      %get3A_2023 = tpu.vector_load %arg16[%get3A_2021, %get3A_2022] {strides = array<i32>} : memref<16x50xi32, #tpu.memory_space<vmem>>, vector<1x16xi32>,
      %get3A_2024 = vector.shape_cast %get3A_2023 : vector<1x16xi32> to vector<16xi32>
      %swap3A_2025 = arith.constant 266 : index
      %swap3A_2026 = tpu.vector_load %arg8[%swap3A_2025] {strides = array<i32>} : memref<800xi32, #tpu.memory_space<vmem>>, vector<16xi32>,
      %swap3A_2027 = vector.shape_cast %swap3A_2026 : vector<16xi32> to vector<16xi32>
      %swap3A_2028 = vector.shape_cast %get3A_2024 : vector<16xi32> to vector<16xi32>
      tpu.vector_store %arg8[%swap3A_2025], %swap3A_2028 {strides = array<i32>} : memref<800xi32, #tpu.memory_space<vmem>>, vector<16xi32>,
      %get3A_2029 = arith.constant 5 : i32
      %get3A_2030 = arith.index_cast %get3A_2029 : i32 to index
      %get3A_2031 = arith.constant 32 : index
      %get3A_2032 = tpu.vector_load %arg16[%get3A_2030, %get3A_2031] {strides = array<i32>} : memref<16x50xi32, #tpu.memory_space<vmem>>, vector<1x16xi32>,
      %get3A_2033 = vector.shape_cast %get3A_2032 : vector<1x16xi32> to vector<16xi32>
      %swap3A_2034 = arith.constant 282 : index
      %swap3A_2035 = tpu.vector_load %arg8[%swap3A_2034] {strides = array<i32>} : memref<800xi32, #tpu.memory_space<vmem>>, vector<16xi32>,
      %swap3A_2036 = vector.shape_cast %swap3A_2035 : vector<16xi32> to vector<16xi32>
      %swap3A_2037 = vector.shape_cast %get3A_2033 : vector<16xi32> to vector<16xi32>
      tpu.vector_store %arg8[%swap3A_2034], %swap3A_2037 {strides = array<i32>} : memref<800xi32, #tpu.memory_space<vmem>>, vector<16xi32>,
      %get3A_2038 = arith.constant 5 : i32
      %get3A_2039 = arith.index_cast %get3A_2038 : i32 to index
      %get3A_2040 = arith.constant 34 : index
      %get3A_2041 = tpu.vector_load %arg16[%get3A_2039, %get3A_2040] {strides = array<i32>} : memref<16x50xi32, #tpu.memory_space<vmem>>, vector<1x16xi32>,
      %get3A_2042 = vector.shape_cast %get3A_2041 : vector<1x16xi32> to vector<16xi32>
      %swap3A_2043 = arith.constant 284 : index
      %swap3A_2044 = tpu.vector_load %arg8[%swap3A_2043] {strides = array<i32>} : memref<800xi32, #tpu.memory_space<vmem>>, vector<16xi32>,
      %swap3A_2045 = vector.shape_cast %swap3A_2044 : vector<16xi32> to vector<16xi32>
      %swap3A_2046 = vector.shape_cast %get3A_2042 : vector<16xi32> to vector<16xi32>
      tpu.vector_store %arg8[%swap3A_2043], %swap3A_2046 {strides = array<i32>} : memref<800xi32, #tpu.memory_space<vmem>>, vector<16xi32>,
      %get3A_2047 = arith.constant 6 : i32
      %get3A_2048 = arith.index_cast %get3A_2047 : i32 to index
      %get3A_2049 = arith.constant 0 : index
      %get3A_2050 = tpu.vector_load %arg16[%get3A_2048, %get3A_2049] {strides = array<i32>} : memref<16x50xi32, #tpu.memory_space<vmem>>, vector<1x16xi32>,
      %get3A_2051 = vector.shape_cast %get3A_2050 : vector<1x16xi32> to vector<16xi32>
      %swap3A_2052 = arith.constant 300 : index
      %swap3A_2053 = tpu.vector_load %arg8[%swap3A_2052] {strides = array<i32>} : memref<800xi32, #tpu.memory_space<vmem>>, vector<16xi32>,
      %swap3A_2054 = vector.shape_cast %swap3A_2053 : vector<16xi32> to vector<16xi32>
      %swap3A_2055 = vector.shape_cast %get3A_2051 : vector<16xi32> to vector<16xi32>
      tpu.vector_store %arg8[%swap3A_2052], %swap3A_2055 {strides = array<i32>} : memref<800xi32, #tpu.memory_space<vmem>>, vector<16xi32>,
      %get3A_2056 = arith.constant 6 : i32
      %get3A_2057 = arith.index_cast %get3A_2056 : i32 to index
      %get3A_2058 = arith.constant 16 : index
      %get3A_2059 = tpu.vector_load %arg16[%get3A_2057, %get3A_2058] {strides = array<i32>} : memref<16x50xi32, #tpu.memory_space<vmem>>, vector<1x16xi32>,
      %get3A_2060 = vector.shape_cast %get3A_2059 : vector<1x16xi32> to vector<16xi32>
      %swap3A_2061 = arith.constant 316 : index
      %swap3A_2062 = tpu.vector_load %arg8[%swap3A_2061] {strides = array<i32>} : memref<800xi32, #tpu.memory_space<vmem>>, vector<16xi32>,
      %swap3A_2063 = vector.shape_cast %swap3A_2062 : vector<16xi32> to vector<16xi32>
      %swap3A_2064 = vector.shape_cast %get3A_2060 : vector<16xi32> to vector<16xi32>
      tpu.vector_store %arg8[%swap3A_2061], %swap3A_2064 {strides = array<i32>} : memref<800xi32, #tpu.memory_space<vmem>>, vector<16xi32>,
      %get3A_2065 = arith.constant 6 : i32
      %get3A_2066 = arith.index_cast %get3A_2065 : i32 to index
      %get3A_2067 = arith.constant 32 : index
      %get3A_2068 = tpu.vector_load %arg16[%get3A_2066, %get3A_2067] {strides = array<i32>} : memref<16x50xi32, #tpu.memory_space<vmem>>, vector<1x16xi32>,
      %get3A_2069 = vector.shape_cast %get3A_2068 : vector<1x16xi32> to vector<16xi32>
      %swap3A_2070 = arith.constant 332 : index
      %swap3A_2071 = tpu.vector_load %arg8[%swap3A_2070] {strides = array<i32>} : memref<800xi32, #tpu.memory_space<vmem>>, vector<16xi32>,
      %swap3A_2072 = vector.shape_cast %swap3A_2071 : vector<16xi32> to vector<16xi32>
      %swap3A_2073 = vector.shape_cast %get3A_2069 : vector<16xi32> to vector<16xi32>
      tpu.vector_store %arg8[%swap3A_2070], %swap3A_2073 {strides = array<i32>} : memref<800xi32, #tpu.memory_space<vmem>>, vector<16xi32>,
      %get3A_2074 = arith.constant 6 : i32
      %get3A_2075 = arith.index_cast %get3A_2074 : i32 to index
      %get3A_2076 = arith.constant 34 : index
      %get3A_2077 = tpu.vector_load %arg16[%get3A_2075, %get3A_2076] {strides = array<i32>} : memref<16x50xi32, #tpu.memory_space<vmem>>, vector<1x16xi32>,
      %get3A_2078 = vector.shape_cast %get3A_2077 : vector<1x16xi32> to vector<16xi32>
      %swap3A_2079 = arith.constant 334 : index
      %swap3A_2080 = tpu.vector_load %arg8[%swap3A_2079] {strides = array<i32>} : memref<800xi32, #tpu.memory_space<vmem>>, vector<16xi32>,
      %swap3A_2081 = vector.shape_cast %swap3A_2080 : vector<16xi32> to vector<16xi32>
      %swap3A_2082 = vector.shape_cast %get3A_2078 : vector<16xi32> to vector<16xi32>
      tpu.vector_store %arg8[%swap3A_2079], %swap3A_2082 {strides = array<i32>} : memref<800xi32, #tpu.memory_space<vmem>>, vector<16xi32>,
      %get3A_2083 = arith.constant 7 : i32
      %get3A_2084 = arith.index_cast %get3A_2083 : i32 to index
      %get3A_2085 = arith.constant 0 : index
      %get3A_2086 = tpu.vector_load %arg16[%get3A_2084, %get3A_2085] {strides = array<i32>} : memref<16x50xi32, #tpu.memory_space<vmem>>, vector<1x16xi32>,
      %get3A_2087 = vector.shape_cast %get3A_2086 : vector<1x16xi32> to vector<16xi32>
      %swap3A_2088 = arith.constant 350 : index
      %swap3A_2089 = tpu.vector_load %arg8[%swap3A_2088] {strides = array<i32>} : memref<800xi32, #tpu.memory_space<vmem>>, vector<16xi32>,
      %swap3A_2090 = vector.shape_cast %swap3A_2089 : vector<16xi32> to vector<16xi32>
      %swap3A_2091 = vector.shape_cast %get3A_2087 : vector<16xi32> to vector<16xi32>
      tpu.vector_store %arg8[%swap3A_2088], %swap3A_2091 {strides = array<i32>} : memref<800xi32, #tpu.memory_space<vmem>>, vector<16xi32>,
      %get3A_2092 = arith.constant 7 : i32
      %get3A_2093 = arith.index_cast %get3A_2092 : i32 to index
      %get3A_2094 = arith.constant 16 : index
      %get3A_2095 = tpu.vector_load %arg16[%get3A_2093, %get3A_2094] {strides = array<i32>} : memref<16x50xi32, #tpu.memory_space<vmem>>, vector<1x16xi32>,
      %get3A_2096 = vector.shape_cast %get3A_2095 : vector<1x16xi32> to vector<16xi32>
      %swap3A_2097 = arith.constant 366 : index
      %swap3A_2098 = tpu.vector_load %arg8[%swap3A_2097] {strides = array<i32>} : memref<800xi32, #tpu.memory_space<vmem>>, vector<16xi32>,
      %swap3A_2099 = vector.shape_cast %swap3A_2098 : vector<16xi32> to vector<16xi32>
      %swap3A_2100 = vector.shape_cast %get3A_2096 : vector<16xi32> to vector<16xi32>
      tpu.vector_store %arg8[%swap3A_2097], %swap3A_2100 {strides = array<i32>} : memref<800xi32, #tpu.memory_space<vmem>>, vector<16xi32>,
      %get3A_2101 = arith.constant 7 : i32
      %get3A_2102 = arith.index_cast %get3A_2101 : i32 to index
      %get3A_2103 = arith.constant 32 : index
      %get3A_2104 = tpu.vector_load %arg16[%get3A_2102, %get3A_2103] {strides = array<i32>} : memref<16x50xi32, #tpu.memory_space<vmem>>, vector<1x16xi32>,
      %get3A_2105 = vector.shape_cast %get3A_2104 : vector<1x16xi32> to vector<16xi32>
      %swap3A_2106 = arith.constant 382 : index
      %swap3A_2107 = tpu.vector_load %arg8[%swap3A_2106] {strides = array<i32>} : memref<800xi32, #tpu.memory_space<vmem>>, vector<16xi32>,
      %swap3A_2108 = vector.shape_cast %swap3A_2107 : vector<16xi32> to vector<16xi32>
      %swap3A_2109 = vector.shape_cast %get3A_2105 : vector<16xi32> to vector<16xi32>
      tpu.vector_store %arg8[%swap3A_2106], %swap3A_2109 {strides = array<i32>} : memref<800xi32, #tpu.memory_space<vmem>>, vector<16xi32>,
      %get3A_2110 = arith.constant 7 : i32
      %get3A_2111 = arith.index_cast %get3A_2110 : i32 to index
      %get3A_2112 = arith.constant 34 : index
      %get3A_2113 = tpu.vector_load %arg16[%get3A_2111, %get3A_2112] {strides = array<i32>} : memref<16x50xi32, #tpu.memory_space<vmem>>, vector<1x16xi32>,
      %get3A_2114 = vector.shape_cast %get3A_2113 : vector<1x16xi32> to vector<16xi32>
      %swap3A_2115 = arith.constant 384 : index
      %swap3A_2116 = tpu.vector_load %arg8[%swap3A_2115] {strides = array<i32>} : memref<800xi32, #tpu.memory_space<vmem>>, vector<16xi32>,
      %swap3A_2117 = vector.shape_cast %swap3A_2116 : vector<16xi32> to vector<16xi32>
      %swap3A_2118 = vector.shape_cast %get3A_2114 : vector<16xi32> to vector<16xi32>
      tpu.vector_store %arg8[%swap3A_2115], %swap3A_2118 {strides = array<i32>} : memref<800xi32, #tpu.memory_space<vmem>>, vector<16xi32>,
      %get3A_2119 = arith.constant 8 : i32
      %get3A_2120 = arith.index_cast %get3A_2119 : i32 to index
      %get3A_2121 = arith.constant 0 : index
      %get3A_2122 = tpu.vector_load %arg16[%get3A_2120, %get3A_2121] {strides = array<i32>} : memref<16x50xi32, #tpu.memory_space<vmem>>, vector<1x16xi32>,
      %get3A_2123 = vector.shape_cast %get3A_2122 : vector<1x16xi32> to vector<16xi32>
      %swap3A_2124 = arith.constant 400 : index
      %swap3A_2125 = tpu.vector_load %arg8[%swap3A_2124] {strides = array<i32>} : memref<800xi32, #tpu.memory_space<vmem>>, vector<16xi32>,
      %swap3A_2126 = vector.shape_cast %swap3A_2125 : vector<16xi32> to vector<16xi32>
      %swap3A_2127 = vector.shape_cast %get3A_2123 : vector<16xi32> to vector<16xi32>
      tpu.vector_store %arg8[%swap3A_2124], %swap3A_2127 {strides = array<i32>} : memref<800xi32, #tpu.memory_space<vmem>>, vector<16xi32>,
      %get3A_2128 = arith.constant 8 : i32
      %get3A_2129 = arith.index_cast %get3A_2128 : i32 to index
      %get3A_2130 = arith.constant 16 : index
      %get3A_2131 = tpu.vector_load %arg16[%get3A_2129, %get3A_2130] {strides = array<i32>} : memref<16x50xi32, #tpu.memory_space<vmem>>, vector<1x16xi32>,
      %get3A_2132 = vector.shape_cast %get3A_2131 : vector<1x16xi32> to vector<16xi32>
      %swap3A_2133 = arith.constant 416 : index
      %swap3A_2134 = tpu.vector_load %arg8[%swap3A_2133] {strides = array<i32>} : memref<800xi32, #tpu.memory_space<vmem>>, vector<16xi32>,
      %swap3A_2135 = vector.shape_cast %swap3A_2134 : vector<16xi32> to vector<16xi32>
      %swap3A_2136 = vector.shape_cast %get3A_2132 : vector<16xi32> to vector<16xi32>
      tpu.vector_store %arg8[%swap3A_2133], %swap3A_2136 {strides = array<i32>} : memref<800xi32, #tpu.memory_space<vmem>>, vector<16xi32>,
      %get3A_2137 = arith.constant 8 : i32
      %get3A_2138 = arith.index_cast %get3A_2137 : i32 to index
      %get3A_2139 = arith.constant 32 : index
      %get3A_2140 = tpu.vector_load %arg16[%get3A_2138, %get3A_2139] {strides = array<i32>} : memref<16x50xi32, #tpu.memory_space<vmem>>, vector<1x16xi32>,
      %get3A_2141 = vector.shape_cast %get3A_2140 : vector<1x16xi32> to vector<16xi32>
      %swap3A_2142 = arith.constant 432 : index
      %swap3A_2143 = tpu.vector_load %arg8[%swap3A_2142] {strides = array<i32>} : memref<800xi32, #tpu.memory_space<vmem>>, vector<16xi32>,
      %swap3A_2144 = vector.shape_cast %swap3A_2143 : vector<16xi32> to vector<16xi32>
      %swap3A_2145 = vector.shape_cast %get3A_2141 : vector<16xi32> to vector<16xi32>
      tpu.vector_store %arg8[%swap3A_2142], %swap3A_2145 {strides = array<i32>} : memref<800xi32, #tpu.memory_space<vmem>>, vector<16xi32>,
      %get3A_2146 = arith.constant 8 : i32
      %get3A_2147 = arith.index_cast %get3A_2146 : i32 to index
      %get3A_2148 = arith.constant 34 : index
      %get3A_2149 = tpu.vector_load %arg16[%get3A_2147, %get3A_2148] {strides = array<i32>} : memref<16x50xi32, #tpu.memory_space<vmem>>, vector<1x16xi32>,
      %get3A_2150 = vector.shape_cast %get3A_2149 : vector<1x16xi32> to vector<16xi32>
      %swap3A_2151 = arith.constant 434 : index
      %swap3A_2152 = tpu.vector_load %arg8[%swap3A_2151] {strides = array<i32>} : memref<800xi32, #tpu.memory_space<vmem>>, vector<16xi32>,
      %swap3A_2153 = vector.shape_cast %swap3A_2152 : vector<16xi32> to vector<16xi32>
      %swap3A_2154 = vector.shape_cast %get3A_2150 : vector<16xi32> to vector<16xi32>
      tpu.vector_store %arg8[%swap3A_2151], %swap3A_2154 {strides = array<i32>} : memref<800xi32, #tpu.memory_space<vmem>>, vector<16xi32>,
      %get3A_2155 = arith.constant 9 : i32
      %get3A_2156 = arith.index_cast %get3A_2155 : i32 to index
      %get3A_2157 = arith.constant 0 : index
      %get3A_2158 = tpu.vector_load %arg16[%get3A_2156, %get3A_2157] {strides = array<i32>} : memref<16x50xi32, #tpu.memory_space<vmem>>, vector<1x16xi32>,
      %get3A_2159 = vector.shape_cast %get3A_2158 : vector<1x16xi32> to vector<16xi32>
      %swap3A_2160 = arith.constant 450 : index
      %swap3A_2161 = tpu.vector_load %arg8[%swap3A_2160] {strides = array<i32>} : memref<800xi32, #tpu.memory_space<vmem>>, vector<16xi32>,
      %swap3A_2162 = vector.shape_cast %swap3A_2161 : vector<16xi32> to vector<16xi32>
      %swap3A_2163 = vector.shape_cast %get3A_2159 : vector<16xi32> to vector<16xi32>
      tpu.vector_store %arg8[%swap3A_2160], %swap3A_2163 {strides = array<i32>} : memref<800xi32, #tpu.memory_space<vmem>>, vector<16xi32>,
      %get3A_2164 = arith.constant 9 : i32
      %get3A_2165 = arith.index_cast %get3A_2164 : i32 to index
      %get3A_2166 = arith.constant 16 : index
      %get3A_2167 = tpu.vector_load %arg16[%get3A_2165, %get3A_2166] {strides = array<i32>} : memref<16x50xi32, #tpu.memory_space<vmem>>, vector<1x16xi32>,
      %get3A_2168 = vector.shape_cast %get3A_2167 : vector<1x16xi32> to vector<16xi32>
      %swap3A_2169 = arith.constant 466 : index
      %swap3A_2170 = tpu.vector_load %arg8[%swap3A_2169] {strides = array<i32>} : memref<800xi32, #tpu.memory_space<vmem>>, vector<16xi32>,
      %swap3A_2171 = vector.shape_cast %swap3A_2170 : vector<16xi32> to vector<16xi32>
      %swap3A_2172 = vector.shape_cast %get3A_2168 : vector<16xi32> to vector<16xi32>
      tpu.vector_store %arg8[%swap3A_2169], %swap3A_2172 {strides = array<i32>} : memref<800xi32, #tpu.memory_space<vmem>>, vector<16xi32>,
      %get3A_2173 = arith.constant 9 : i32
      %get3A_2174 = arith.index_cast %get3A_2173 : i32 to index
      %get3A_2175 = arith.constant 32 : index
      %get3A_2176 = tpu.vector_load %arg16[%get3A_2174, %get3A_2175] {strides = array<i32>} : memref<16x50xi32, #tpu.memory_space<vmem>>, vector<1x16xi32>,
      %get3A_2177 = vector.shape_cast %get3A_2176 : vector<1x16xi32> to vector<16xi32>
      %swap3A_2178 = arith.constant 482 : index
      %swap3A_2179 = tpu.vector_load %arg8[%swap3A_2178] {strides = array<i32>} : memref<800xi32, #tpu.memory_space<vmem>>, vector<16xi32>,
      %swap3A_2180 = vector.shape_cast %swap3A_2179 : vector<16xi32> to vector<16xi32>
      %swap3A_2181 = vector.shape_cast %get3A_2177 : vector<16xi32> to vector<16xi32>
      tpu.vector_store %arg8[%swap3A_2178], %swap3A_2181 {strides = array<i32>} : memref<800xi32, #tpu.memory_space<vmem>>, vector<16xi32>,
      %get3A_2182 = arith.constant 9 : i32
      %get3A_2183 = arith.index_cast %get3A_2182 : i32 to index
      %get3A_2184 = arith.constant 34 : index
      %get3A_2185 = tpu.vector_load %arg16[%get3A_2183, %get3A_2184] {strides = array<i32>} : memref<16x50xi32, #tpu.memory_space<vmem>>, vector<1x16xi32>,
      %get3A_2186 = vector.shape_cast %get3A_2185 : vector<1x16xi32> to vector<16xi32>
      %swap3A_2187 = arith.constant 484 : index
      %swap3A_2188 = tpu.vector_load %arg8[%swap3A_2187] {strides = array<i32>} : memref<800xi32, #tpu.memory_space<vmem>>, vector<16xi32>,
      %swap3A_2189 = vector.shape_cast %swap3A_2188 : vector<16xi32> to vector<16xi32>
      %swap3A_2190 = vector.shape_cast %get3A_2186 : vector<16xi32> to vector<16xi32>
      tpu.vector_store %arg8[%swap3A_2187], %swap3A_2190 {strides = array<i32>} : memref<800xi32, #tpu.memory_space<vmem>>, vector<16xi32>,
      %get3A_2191 = arith.constant 10 : i32
      %get3A_2192 = arith.index_cast %get3A_2191 : i32 to index
      %get3A_2193 = arith.constant 0 : index
      %get3A_2194 = tpu.vector_load %arg16[%get3A_2192, %get3A_2193] {strides = array<i32>} : memref<16x50xi32, #tpu.memory_space<vmem>>, vector<1x16xi32>,
      %get3A_2195 = vector.shape_cast %get3A_2194 : vector<1x16xi32> to vector<16xi32>
      %swap3A_2196 = arith.constant 500 : index
      %swap3A_2197 = tpu.vector_load %arg8[%swap3A_2196] {strides = array<i32>} : memref<800xi32, #tpu.memory_space<vmem>>, vector<16xi32>,
      %swap3A_2198 = vector.shape_cast %swap3A_2197 : vector<16xi32> to vector<16xi32>
      %swap3A_2199 = vector.shape_cast %get3A_2195 : vector<16xi32> to vector<16xi32>
      tpu.vector_store %arg8[%swap3A_2196], %swap3A_2199 {strides = array<i32>} : memref<800xi32, #tpu.memory_space<vmem>>, vector<16xi32>,
      %get3A_2200 = arith.constant 10 : i32
      %get3A_2201 = arith.index_cast %get3A_2200 : i32 to index
      %get3A_2202 = arith.constant 16 : index
      %get3A_2203 = tpu.vector_load %arg16[%get3A_2201, %get3A_2202] {strides = array<i32>} : memref<16x50xi32, #tpu.memory_space<vmem>>, vector<1x16xi32>,
      %get3A_2204 = vector.shape_cast %get3A_2203 : vector<1x16xi32> to vector<16xi32>
      %swap3A_2205 = arith.constant 516 : index
      %swap3A_2206 = tpu.vector_load %arg8[%swap3A_2205] {strides = array<i32>} : memref<800xi32, #tpu.memory_space<vmem>>, vector<16xi32>,
      %swap3A_2207 = vector.shape_cast %swap3A_2206 : vector<16xi32> to vector<16xi32>
      %swap3A_2208 = vector.shape_cast %get3A_2204 : vector<16xi32> to vector<16xi32>
      tpu.vector_store %arg8[%swap3A_2205], %swap3A_2208 {strides = array<i32>} : memref<800xi32, #tpu.memory_space<vmem>>, vector<16xi32>,
      %get3A_2209 = arith.constant 10 : i32
      %get3A_2210 = arith.index_cast %get3A_2209 : i32 to index
      %get3A_2211 = arith.constant 32 : index
      %get3A_2212 = tpu.vector_load %arg16[%get3A_2210, %get3A_2211] {strides = array<i32>} : memref<16x50xi32, #tpu.memory_space<vmem>>, vector<1x16xi32>,
      %get3A_2213 = vector.shape_cast %get3A_2212 : vector<1x16xi32> to vector<16xi32>
      %swap3A_2214 = arith.constant 532 : index
      %swap3A_2215 = tpu.vector_load %arg8[%swap3A_2214] {strides = array<i32>} : memref<800xi32, #tpu.memory_space<vmem>>, vector<16xi32>,
      %swap3A_2216 = vector.shape_cast %swap3A_2215 : vector<16xi32> to vector<16xi32>
      %swap3A_2217 = vector.shape_cast %get3A_2213 : vector<16xi32> to vector<16xi32>
      tpu.vector_store %arg8[%swap3A_2214], %swap3A_2217 {strides = array<i32>} : memref<800xi32, #tpu.memory_space<vmem>>, vector<16xi32>,
      %get3A_2218 = arith.constant 10 : i32
      %get3A_2219 = arith.index_cast %get3A_2218 : i32 to index
      %get3A_2220 = arith.constant 34 : index
      %get3A_2221 = tpu.vector_load %arg16[%get3A_2219, %get3A_2220] {strides = array<i32>} : memref<16x50xi32, #tpu.memory_space<vmem>>, vector<1x16xi32>,
      %get3A_2222 = vector.shape_cast %get3A_2221 : vector<1x16xi32> to vector<16xi32>
      %swap3A_2223 = arith.constant 534 : index
      %swap3A_2224 = tpu.vector_load %arg8[%swap3A_2223] {strides = array<i32>} : memref<800xi32, #tpu.memory_space<vmem>>, vector<16xi32>,
      %swap3A_2225 = vector.shape_cast %swap3A_2224 : vector<16xi32> to vector<16xi32>
      %swap3A_2226 = vector.shape_cast %get3A_2222 : vector<16xi32> to vector<16xi32>
      tpu.vector_store %arg8[%swap3A_2223], %swap3A_2226 {strides = array<i32>} : memref<800xi32, #tpu.memory_space<vmem>>, vector<16xi32>,
      %get3A_2227 = arith.constant 11 : i32
      %get3A_2228 = arith.index_cast %get3A_2227 : i32 to index
      %get3A_2229 = arith.constant 0 : index
      %get3A_2230 = tpu.vector_load %arg16[%get3A_2228, %get3A_2229] {strides = array<i32>} : memref<16x50xi32, #tpu.memory_space<vmem>>, vector<1x16xi32>,
      %get3A_2231 = vector.shape_cast %get3A_2230 : vector<1x16xi32> to vector<16xi32>
      %swap3A_2232 = arith.constant 550 : index
      %swap3A_2233 = tpu.vector_load %arg8[%swap3A_2232] {strides = array<i32>} : memref<800xi32, #tpu.memory_space<vmem>>, vector<16xi32>,
      %swap3A_2234 = vector.shape_cast %swap3A_2233 : vector<16xi32> to vector<16xi32>
      %swap3A_2235 = vector.shape_cast %get3A_2231 : vector<16xi32> to vector<16xi32>
      tpu.vector_store %arg8[%swap3A_2232], %swap3A_2235 {strides = array<i32>} : memref<800xi32, #tpu.memory_space<vmem>>, vector<16xi32>,
      %get3A_2236 = arith.constant 11 : i32
      %get3A_2237 = arith.index_cast %get3A_2236 : i32 to index
      %get3A_2238 = arith.constant 16 : index
      %get3A_2239 = tpu.vector_load %arg16[%get3A_2237, %get3A_2238] {strides = array<i32>} : memref<16x50xi32, #tpu.memory_space<vmem>>, vector<1x16xi32>,
      %get3A_2240 = vector.shape_cast %get3A_2239 : vector<1x16xi32> to vector<16xi32>
      %swap3A_2241 = arith.constant 566 : index
      %swap3A_2242 = tpu.vector_load %arg8[%swap3A_2241] {strides = array<i32>} : memref<800xi32, #tpu.memory_space<vmem>>, vector<16xi32>,
      %swap3A_2243 = vector.shape_cast %swap3A_2242 : vector<16xi32> to vector<16xi32>
      %swap3A_2244 = vector.shape_cast %get3A_2240 : vector<16xi32> to vector<16xi32>
      tpu.vector_store %arg8[%swap3A_2241], %swap3A_2244 {strides = array<i32>} : memref<800xi32, #tpu.memory_space<vmem>>, vector<16xi32>,
      %get3A_2245 = arith.constant 11 : i32
      %get3A_2246 = arith.index_cast %get3A_2245 : i32 to index
      %get3A_2247 = arith.constant 32 : index
      %get3A_2248 = tpu.vector_load %arg16[%get3A_2246, %get3A_2247] {strides = array<i32>} : memref<16x50xi32, #tpu.memory_space<vmem>>, vector<1x16xi32>,
      %get3A_2249 = vector.shape_cast %get3A_2248 : vector<1x16xi32> to vector<16xi32>
      %swap3A_2250 = arith.constant 582 : index
      %swap3A_2251 = tpu.vector_load %arg8[%swap3A_2250] {strides = array<i32>} : memref<800xi32, #tpu.memory_space<vmem>>, vector<16xi32>,
      %swap3A_2252 = vector.shape_cast %swap3A_2251 : vector<16xi32> to vector<16xi32>
      %swap3A_2253 = vector.shape_cast %get3A_2249 : vector<16xi32> to vector<16xi32>
      tpu.vector_store %arg8[%swap3A_2250], %swap3A_2253 {strides = array<i32>} : memref<800xi32, #tpu.memory_space<vmem>>, vector<16xi32>,
      %get3A_2254 = arith.constant 11 : i32
      %get3A_2255 = arith.index_cast %get3A_2254 : i32 to index
      %get3A_2256 = arith.constant 34 : index
      %get3A_2257 = tpu.vector_load %arg16[%get3A_2255, %get3A_2256] {strides = array<i32>} : memref<16x50xi32, #tpu.memory_space<vmem>>, vector<1x16xi32>,
      %get3A_2258 = vector.shape_cast %get3A_2257 : vector<1x16xi32> to vector<16xi32>
      %swap3A_2259 = arith.constant 584 : index
      %swap3A_2260 = tpu.vector_load %arg8[%swap3A_2259] {strides = array<i32>} : memref<800xi32, #tpu.memory_space<vmem>>, vector<16xi32>,
      %swap3A_2261 = vector.shape_cast %swap3A_2260 : vector<16xi32> to vector<16xi32>
      %swap3A_2262 = vector.shape_cast %get3A_2258 : vector<16xi32> to vector<16xi32>
      tpu.vector_store %arg8[%swap3A_2259], %swap3A_2262 {strides = array<i32>} : memref<800xi32, #tpu.memory_space<vmem>>, vector<16xi32>,
      %get3A_2263 = arith.constant 12 : i32
      %get3A_2264 = arith.index_cast %get3A_2263 : i32 to index
      %get3A_2265 = arith.constant 0 : index
      %get3A_2266 = tpu.vector_load %arg16[%get3A_2264, %get3A_2265] {strides = array<i32>} : memref<16x50xi32, #tpu.memory_space<vmem>>, vector<1x16xi32>,
      %get3A_2267 = vector.shape_cast %get3A_2266 : vector<1x16xi32> to vector<16xi32>
      %swap3A_2268 = arith.constant 600 : index
      %swap3A_2269 = tpu.vector_load %arg8[%swap3A_2268] {strides = array<i32>} : memref<800xi32, #tpu.memory_space<vmem>>, vector<16xi32>,
      %swap3A_2270 = vector.shape_cast %swap3A_2269 : vector<16xi32> to vector<16xi32>
      %swap3A_2271 = vector.shape_cast %get3A_2267 : vector<16xi32> to vector<16xi32>
      tpu.vector_store %arg8[%swap3A_2268], %swap3A_2271 {strides = array<i32>} : memref<800xi32, #tpu.memory_space<vmem>>, vector<16xi32>,
      %get3A_2272 = arith.constant 12 : i32
      %get3A_2273 = arith.index_cast %get3A_2272 : i32 to index
      %get3A_2274 = arith.constant 16 : index
      %get3A_2275 = tpu.vector_load %arg16[%get3A_2273, %get3A_2274] {strides = array<i32>} : memref<16x50xi32, #tpu.memory_space<vmem>>, vector<1x16xi32>,
      %get3A_2276 = vector.shape_cast %get3A_2275 : vector<1x16xi32> to vector<16xi32>
      %swap3A_2277 = arith.constant 616 : index
      %swap3A_2278 = tpu.vector_load %arg8[%swap3A_2277] {strides = array<i32>} : memref<800xi32, #tpu.memory_space<vmem>>, vector<16xi32>,
      %swap3A_2279 = vector.shape_cast %swap3A_2278 : vector<16xi32> to vector<16xi32>
      %swap3A_2280 = vector.shape_cast %get3A_2276 : vector<16xi32> to vector<16xi32>
      tpu.vector_store %arg8[%swap3A_2277], %swap3A_2280 {strides = array<i32>} : memref<800xi32, #tpu.memory_space<vmem>>, vector<16xi32>,
      %get3A_2281 = arith.constant 12 : i32
      %get3A_2282 = arith.index_cast %get3A_2281 : i32 to index
      %get3A_2283 = arith.constant 32 : index
      %get3A_2284 = tpu.vector_load %arg16[%get3A_2282, %get3A_2283] {strides = array<i32>} : memref<16x50xi32, #tpu.memory_space<vmem>>, vector<1x16xi32>,
      %get3A_2285 = vector.shape_cast %get3A_2284 : vector<1x16xi32> to vector<16xi32>
      %swap3A_2286 = arith.constant 632 : index
      %swap3A_2287 = tpu.vector_load %arg8[%swap3A_2286] {strides = array<i32>} : memref<800xi32, #tpu.memory_space<vmem>>, vector<16xi32>,
      %swap3A_2288 = vector.shape_cast %swap3A_2287 : vector<16xi32> to vector<16xi32>
      %swap3A_2289 = vector.shape_cast %get3A_2285 : vector<16xi32> to vector<16xi32>
      tpu.vector_store %arg8[%swap3A_2286], %swap3A_2289 {strides = array<i32>} : memref<800xi32, #tpu.memory_space<vmem>>, vector<16xi32>,
      %get3A_2290 = arith.constant 12 : i32
      %get3A_2291 = arith.index_cast %get3A_2290 : i32 to index
      %get3A_2292 = arith.constant 34 : index
      %get3A_2293 = tpu.vector_load %arg16[%get3A_2291, %get3A_2292] {strides = array<i32>} : memref<16x50xi32, #tpu.memory_space<vmem>>, vector<1x16xi32>,
      %get3A_2294 = vector.shape_cast %get3A_2293 : vector<1x16xi32> to vector<16xi32>
      %swap3A_2295 = arith.constant 634 : index
      %swap3A_2296 = tpu.vector_load %arg8[%swap3A_2295] {strides = array<i32>} : memref<800xi32, #tpu.memory_space<vmem>>, vector<16xi32>,
      %swap3A_2297 = vector.shape_cast %swap3A_2296 : vector<16xi32> to vector<16xi32>
      %swap3A_2298 = vector.shape_cast %get3A_2294 : vector<16xi32> to vector<16xi32>
      tpu.vector_store %arg8[%swap3A_2295], %swap3A_2298 {strides = array<i32>} : memref<800xi32, #tpu.memory_space<vmem>>, vector<16xi32>,
      %get3A_2299 = arith.constant 13 : i32
      %get3A_2300 = arith.index_cast %get3A_2299 : i32 to index
      %get3A_2301 = arith.constant 0 : index
      %get3A_2302 = tpu.vector_load %arg16[%get3A_2300, %get3A_2301] {strides = array<i32>} : memref<16x50xi32, #tpu.memory_space<vmem>>, vector<1x16xi32>,
      %get3A_2303 = vector.shape_cast %get3A_2302 : vector<1x16xi32> to vector<16xi32>
      %swap3A_2304 = arith.constant 650 : index
      %swap3A_2305 = tpu.vector_load %arg8[%swap3A_2304] {strides = array<i32>} : memref<800xi32, #tpu.memory_space<vmem>>, vector<16xi32>,
      %swap3A_2306 = vector.shape_cast %swap3A_2305 : vector<16xi32> to vector<16xi32>
      %swap3A_2307 = vector.shape_cast %get3A_2303 : vector<16xi32> to vector<16xi32>
      tpu.vector_store %arg8[%swap3A_2304], %swap3A_2307 {strides = array<i32>} : memref<800xi32, #tpu.memory_space<vmem>>, vector<16xi32>,
      %get3A_2308 = arith.constant 13 : i32
      %get3A_2309 = arith.index_cast %get3A_2308 : i32 to index
      %get3A_2310 = arith.constant 16 : index
      %get3A_2311 = tpu.vector_load %arg16[%get3A_2309, %get3A_2310] {strides = array<i32>} : memref<16x50xi32, #tpu.memory_space<vmem>>, vector<1x16xi32>,
      %get3A_2312 = vector.shape_cast %get3A_2311 : vector<1x16xi32> to vector<16xi32>
      %swap3A_2313 = arith.constant 666 : index
      %swap3A_2314 = tpu.vector_load %arg8[%swap3A_2313] {strides = array<i32>} : memref<800xi32, #tpu.memory_space<vmem>>, vector<16xi32>,
      %swap3A_2315 = vector.shape_cast %swap3A_2314 : vector<16xi32> to vector<16xi32>
      %swap3A_2316 = vector.shape_cast %get3A_2312 : vector<16xi32> to vector<16xi32>
      tpu.vector_store %arg8[%swap3A_2313], %swap3A_2316 {strides = array<i32>} : memref<800xi32, #tpu.memory_space<vmem>>, vector<16xi32>,
      %get3A_2317 = arith.constant 13 : i32
      %get3A_2318 = arith.index_cast %get3A_2317 : i32 to index
      %get3A_2319 = arith.constant 32 : index
      %get3A_2320 = tpu.vector_load %arg16[%get3A_2318, %get3A_2319] {strides = array<i32>} : memref<16x50xi32, #tpu.memory_space<vmem>>, vector<1x16xi32>,
      %get3A_2321 = vector.shape_cast %get3A_2320 : vector<1x16xi32> to vector<16xi32>
      %swap3A_2322 = arith.constant 682 : index
      %swap3A_2323 = tpu.vector_load %arg8[%swap3A_2322] {strides = array<i32>} : memref<800xi32, #tpu.memory_space<vmem>>, vector<16xi32>,
      %swap3A_2324 = vector.shape_cast %swap3A_2323 : vector<16xi32> to vector<16xi32>
      %swap3A_2325 = vector.shape_cast %get3A_2321 : vector<16xi32> to vector<16xi32>
      tpu.vector_store %arg8[%swap3A_2322], %swap3A_2325 {strides = array<i32>} : memref<800xi32, #tpu.memory_space<vmem>>, vector<16xi32>,
      %get3A_2326 = arith.constant 13 : i32
      %get3A_2327 = arith.index_cast %get3A_2326 : i32 to index
      %get3A_2328 = arith.constant 34 : index
      %get3A_2329 = tpu.vector_load %arg16[%get3A_2327, %get3A_2328] {strides = array<i32>} : memref<16x50xi32, #tpu.memory_space<vmem>>, vector<1x16xi32>,
      %get3A_2330 = vector.shape_cast %get3A_2329 : vector<1x16xi32> to vector<16xi32>
      %swap3A_2331 = arith.constant 684 : index
      %swap3A_2332 = tpu.vector_load %arg8[%swap3A_2331] {strides = array<i32>} : memref<800xi32, #tpu.memory_space<vmem>>, vector<16xi32>,
      %swap3A_2333 = vector.shape_cast %swap3A_2332 : vector<16xi32> to vector<16xi32>
      %swap3A_2334 = vector.shape_cast %get3A_2330 : vector<16xi32> to vector<16xi32>
      tpu.vector_store %arg8[%swap3A_2331], %swap3A_2334 {strides = array<i32>} : memref<800xi32, #tpu.memory_space<vmem>>, vector<16xi32>,
      %get3A_2335 = arith.constant 14 : i32
      %get3A_2336 = arith.index_cast %get3A_2335 : i32 to index
      %get3A_2337 = arith.constant 0 : index
      %get3A_2338 = tpu.vector_load %arg16[%get3A_2336, %get3A_2337] {strides = array<i32>} : memref<16x50xi32, #tpu.memory_space<vmem>>, vector<1x16xi32>,
      %get3A_2339 = vector.shape_cast %get3A_2338 : vector<1x16xi32> to vector<16xi32>
      %swap3A_2340 = arith.constant 700 : index
      %swap3A_2341 = tpu.vector_load %arg8[%swap3A_2340] {strides = array<i32>} : memref<800xi32, #tpu.memory_space<vmem>>, vector<16xi32>,
      %swap3A_2342 = vector.shape_cast %swap3A_2341 : vector<16xi32> to vector<16xi32>
      %swap3A_2343 = vector.shape_cast %get3A_2339 : vector<16xi32> to vector<16xi32>
      tpu.vector_store %arg8[%swap3A_2340], %swap3A_2343 {strides = array<i32>} : memref<800xi32, #tpu.memory_space<vmem>>, vector<16xi32>,
      %get3A_2344 = arith.constant 14 : i32
      %get3A_2345 = arith.index_cast %get3A_2344 : i32 to index
      %get3A_2346 = arith.constant 16 : index
      %get3A_2347 = tpu.vector_load %arg16[%get3A_2345, %get3A_2346] {strides = array<i32>} : memref<16x50xi32, #tpu.memory_space<vmem>>, vector<1x16xi32>,
      %get3A_2348 = vector.shape_cast %get3A_2347 : vector<1x16xi32> to vector<16xi32>
      %swap3A_2349 = arith.constant 716 : index
      %swap3A_2350 = tpu.vector_load %arg8[%swap3A_2349] {strides = array<i32>} : memref<800xi32, #tpu.memory_space<vmem>>, vector<16xi32>,
      %swap3A_2351 = vector.shape_cast %swap3A_2350 : vector<16xi32> to vector<16xi32>
      %swap3A_2352 = vector.shape_cast %get3A_2348 : vector<16xi32> to vector<16xi32>
      tpu.vector_store %arg8[%swap3A_2349], %swap3A_2352 {strides = array<i32>} : memref<800xi32, #tpu.memory_space<vmem>>, vector<16xi32>,
      %get3A_2353 = arith.constant 14 : i32
      %get3A_2354 = arith.index_cast %get3A_2353 : i32 to index
      %get3A_2355 = arith.constant 32 : index
      %get3A_2356 = tpu.vector_load %arg16[%get3A_2354, %get3A_2355] {strides = array<i32>} : memref<16x50xi32, #tpu.memory_space<vmem>>, vector<1x16xi32>,
      %get3A_2357 = vector.shape_cast %get3A_2356 : vector<1x16xi32> to vector<16xi32>
      %swap3A_2358 = arith.constant 732 : index
      %swap3A_2359 = tpu.vector_load %arg8[%swap3A_2358] {strides = array<i32>} : memref<800xi32, #tpu.memory_space<vmem>>, vector<16xi32>,
      %swap3A_2360 = vector.shape_cast %swap3A_2359 : vector<16xi32> to vector<16xi32>
      %swap3A_2361 = vector.shape_cast %get3A_2357 : vector<16xi32> to vector<16xi32>
      tpu.vector_store %arg8[%swap3A_2358], %swap3A_2361 {strides = array<i32>} : memref<800xi32, #tpu.memory_space<vmem>>, vector<16xi32>,
      %get3A_2362 = arith.constant 14 : i32
      %get3A_2363 = arith.index_cast %get3A_2362 : i32 to index
      %get3A_2364 = arith.constant 34 : index
      %get3A_2365 = tpu.vector_load %arg16[%get3A_2363, %get3A_2364] {strides = array<i32>} : memref<16x50xi32, #tpu.memory_space<vmem>>, vector<1x16xi32>,
      %get3A_2366 = vector.shape_cast %get3A_2365 : vector<1x16xi32> to vector<16xi32>
      %swap3A_2367 = arith.constant 734 : index
      %swap3A_2368 = tpu.vector_load %arg8[%swap3A_2367] {strides = array<i32>} : memref<800xi32, #tpu.memory_space<vmem>>, vector<16xi32>,
      %swap3A_2369 = vector.shape_cast %swap3A_2368 : vector<16xi32> to vector<16xi32>
      %swap3A_2370 = vector.shape_cast %get3A_2366 : vector<16xi32> to vector<16xi32>
      tpu.vector_store %arg8[%swap3A_2367], %swap3A_2370 {strides = array<i32>} : memref<800xi32, #tpu.memory_space<vmem>>, vector<16xi32>,
      %get3A_2371 = arith.constant 15 : i32
      %get3A_2372 = arith.index_cast %get3A_2371 : i32 to index
      %get3A_2373 = arith.constant 0 : index
      %get3A_2374 = tpu.vector_load %arg16[%get3A_2372, %get3A_2373] {strides = array<i32>} : memref<16x50xi32, #tpu.memory_space<vmem>>, vector<1x16xi32>,
      %get3A_2375 = vector.shape_cast %get3A_2374 : vector<1x16xi32> to vector<16xi32>
      %swap3A_2376 = arith.constant 750 : index
      %swap3A_2377 = tpu.vector_load %arg8[%swap3A_2376] {strides = array<i32>} : memref<800xi32, #tpu.memory_space<vmem>>, vector<16xi32>,
      %swap3A_2378 = vector.shape_cast %swap3A_2377 : vector<16xi32> to vector<16xi32>
      %swap3A_2379 = vector.shape_cast %get3A_2375 : vector<16xi32> to vector<16xi32>
      tpu.vector_store %arg8[%swap3A_2376], %swap3A_2379 {strides = array<i32>} : memref<800xi32, #tpu.memory_space<vmem>>, vector<16xi32>,
      %get3A_2380 = arith.constant 15 : i32
      %get3A_2381 = arith.index_cast %get3A_2380 : i32 to index
      %get3A_2382 = arith.constant 16 : index
      %get3A_2383 = tpu.vector_load %arg16[%get3A_2381, %get3A_2382] {strides = array<i32>} : memref<16x50xi32, #tpu.memory_space<vmem>>, vector<1x16xi32>,
      %get3A_2384 = vector.shape_cast %get3A_2383 : vector<1x16xi32> to vector<16xi32>
      %swap3A_2385 = arith.constant 766 : index
      %swap3A_2386 = tpu.vector_load %arg8[%swap3A_2385] {strides = array<i32>} : memref<800xi32, #tpu.memory_space<vmem>>, vector<16xi32>,
      %swap3A_2387 = vector.shape_cast %swap3A_2386 : vector<16xi32> to vector<16xi32>
      %swap3A_2388 = vector.shape_cast %get3A_2384 : vector<16xi32> to vector<16xi32>
      tpu.vector_store %arg8[%swap3A_2385], %swap3A_2388 {strides = array<i32>} : memref<800xi32, #tpu.memory_space<vmem>>, vector<16xi32>,
      %get3A_2389 = arith.constant 15 : i32
      %get3A_2390 = arith.index_cast %get3A_2389 : i32 to index
      %get3A_2391 = arith.constant 32 : index
      %get3A_2392 = tpu.vector_load %arg16[%get3A_2390, %get3A_2391] {strides = array<i32>} : memref<16x50xi32, #tpu.memory_space<vmem>>, vector<1x16xi32>,
      %get3A_2393 = vector.shape_cast %get3A_2392 : vector<1x16xi32> to vector<16xi32>
      %swap3A_2394 = arith.constant 782 : index
      %swap3A_2395 = tpu.vector_load %arg8[%swap3A_2394] {strides = array<i32>} : memref<800xi32, #tpu.memory_space<vmem>>, vector<16xi32>,
      %swap3A_2396 = vector.shape_cast %swap3A_2395 : vector<16xi32> to vector<16xi32>
      %swap3A_2397 = vector.shape_cast %get3A_2393 : vector<16xi32> to vector<16xi32>
      tpu.vector_store %arg8[%swap3A_2394], %swap3A_2397 {strides = array<i32>} : memref<800xi32, #tpu.memory_space<vmem>>, vector<16xi32>,
      %get3A_2398 = arith.constant 15 : i32
      %get3A_2399 = arith.index_cast %get3A_2398 : i32 to index
      %get3A_2400 = arith.constant 34 : index
      %get3A_2401 = tpu.vector_load %arg16[%get3A_2399, %get3A_2400] {strides = array<i32>} : memref<16x50xi32, #tpu.memory_space<vmem>>, vector<1x16xi32>,
      %get3A_2402 = vector.shape_cast %get3A_2401 : vector<1x16xi32> to vector<16xi32>
      %swap3A_2403 = arith.constant 784 : index
      %swap3A_2404 = tpu.vector_load %arg8[%swap3A_2403] {strides = array<i32>} : memref<800xi32, #tpu.memory_space<vmem>>, vector<16xi32>,
      %swap3A_2405 = vector.shape_cast %swap3A_2404 : vector<16xi32> to vector<16xi32>
      %swap3A_2406 = vector.shape_cast %get3A_2402 : vector<16xi32> to vector<16xi32>
      tpu.vector_store %arg8[%swap3A_2403], %swap3A_2406 {strides = array<i32>} : memref<800xi32, #tpu.memory_space<vmem>>, vector<16xi32>,
      %gt3A_2407 = arith.constant 0 : i32
      %gt3A_2408 = arith.cmpi sgt, %scan3A_38, %gt3A_2407 : i32
      %convert_element_type3A_2409 = arith.extui %gt3A_2408 : i1 to i32
      %cond3A_2410 = arith.constant 0 : i32
      %cond3A_2411 = arith.cmpi ne, %convert_element_type3A_2409, %cond3A_2410 : i32
      scf.if %cond3A_2411 {
        %dma_wait3A_3655 = arith.constant 0 : i32
        %dma_wait3A_3656 = arith.constant 0 : i32
        %dma_wait3A_3657 = tpu.memref_slice %arg3[%dma_wait3A_3655, %dma_wait3A_3656] : memref<1000000x32xf32, #tpu.memory_space<hbm>> -> memref<800x32xf32, #tpu.memory_space<hbm>>
        %dma_wait3A_3658 = arith.constant 0 : i32
        %dma_wait3A_3659 = arith.constant 0 : i32
        %dma_wait3A_3660 = tpu.memref_slice %arg3[%dma_wait3A_3658, %dma_wait3A_3659] : memref<1000000x32xf32, #tpu.memory_space<hbm>> -> memref<800x32xf32, #tpu.memory_space<hbm>>
        tpu.wait_dma2 semaphore(%arg28 : memref<!tpu.dma_semaphore, #tpu.memory_space<semaphore_mem>>) src(%dma_wait3A_3660 : memref<800x32xf32, #tpu.memory_space<hbm>>) dst(%arg12 : memref<800x32xf32, #tpu.memory_space<vmem>>)
      } else {
      }
      %dma_start3A_2412 = arith.constant 0 : i32
      %dma_start3A_2413 = arith.constant 0 : i32
      %dma_start3A_2414 = tpu.memref_slice %arg3[%dma_start3A_2412, %dma_start3A_2413] : memref<1000000x32xf32, #tpu.memory_space<hbm>> -> memref<1000000x32xf32, #tpu.memory_space<hbm>>
      tpu.enqueue_indirect_dma source(%dma_start3A_2414 : memref<1000000x32xf32, #tpu.memory_space<hbm>>) target(%arg12 : memref<800x32xf32, #tpu.memory_space<vmem>>) offsets(%arg8 : memref<800xi32, #tpu.memory_space<vmem>>) semaphore(%arg24 : memref<!tpu.dma_semaphore, #tpu.memory_space<semaphore_mem>>)
      %dma_wait3A_2415 = arith.constant 0 : i32
      %dma_wait3A_2416 = arith.constant 0 : i32
      %dma_wait3A_2417 = tpu.memref_slice %arg3[%dma_wait3A_2415, %dma_wait3A_2416] : memref<1000000x32xf32, #tpu.memory_space<hbm>> -> memref<1000000x32xf32, #tpu.memory_space<hbm>>
      tpu.wait_indirect_dma semaphore(%arg21 : memref<!tpu.dma_semaphore, #tpu.memory_space<semaphore_mem>>) src(%dma_wait3A_2417 : memref<1000000x32xf32, #tpu.memory_space<hbm>>) dst(%arg9 : memref<800x32xf32, #tpu.memory_space<vmem>>)
      %add3A_2418 = arith.constant 0 : i32
      %add3A_2419 = arith.addi %mul3A_40, %add3A_2418 : i32
      %mul3A_2420 = arith.constant 16 : i32
      %mul3A_2421 = arith.muli %add3A_2419, %mul3A_2420 : i32
      %add3A_2422 = arith.addi %mul3A_4, %mul3A_2421 : i32
      %add3A_2423 = arith.constant 0 : i32
      %add3A_2424 = arith.addi %add3A_2422, %add3A_2423 : i32
      %dma_start3A_2425 = arith.constant 0 : i32
      %dma_start3A_2426 = arith.constant 0 : i32
      %dma_start3A_2427 = tpu.memref_slice %arg9[%dma_start3A_2425, %dma_start3A_2426] : memref<800x32xf32, #tpu.memory_space<vmem>> -> memref<50x32xf32, #tpu.memory_space<vmem>>
      %dma_start3A_2428 = arith.constant 0 : i32
      %dma_start3A_2429 = arith.constant 0 : i32
      %dma_start3A_2430 = tpu.memref_slice %arg4[%add3A_2424, %dma_start3A_2428, %dma_start3A_2429] : memref<16384x50x32xf32, #tpu.memory_space<hbm>> -> memref<1x50x32xf32, #tpu.memory_space<hbm>>
      %dma_start3A_2431 = tpu.memref_squeeze %dma_start3A_2430 : memref<1x50x32xf32, #tpu.memory_space<hbm>> -> memref<50x32xf32, #tpu.memory_space<hbm>>
      %dma_start3A_2432 = arith.constant 0 : i32
      %dma_start3A_2433 = arith.constant 0 : i32
      %dma_start3A_2434 = tpu.memref_slice %arg4[%add3A_2424, %dma_start3A_2432, %dma_start3A_2433] : memref<16384x50x32xf32, #tpu.memory_space<hbm>> -> memref<1x50x32xf32, #tpu.memory_space<hbm>>
      %dma_start3A_2435 = tpu.memref_squeeze %dma_start3A_2434 : memref<1x50x32xf32, #tpu.memory_space<hbm>> -> memref<50x32xf32, #tpu.memory_space<hbm>>
      %dma_start3A_2436 = arith.constant 0 : i32
      %dma_start3A_2437 = arith.constant 0 : i32
      %dma_start3A_2438 = tpu.memref_slice %arg9[%dma_start3A_2436, %dma_start3A_2437] : memref<800x32xf32, #tpu.memory_space<vmem>> -> memref<50x32xf32, #tpu.memory_space<vmem>>
      tpu.enqueue_dma source(%dma_start3A_2438 : memref<50x32xf32, #tpu.memory_space<vmem>>) target(%dma_start3A_2435 : memref<50x32xf32, #tpu.memory_space<hbm>>) target_semaphore(%arg25 : memref<!tpu.dma_semaphore, #tpu.memory_space<semaphore_mem>>)
      %mul3A_2439 = arith.constant 16 : i32
      %mul3A_2440 = arith.muli %add3A_2419, %mul3A_2439 : i32
      %add3A_2441 = arith.addi %mul3A_4, %mul3A_2440 : i32
      %add3A_2442 = arith.constant 1 : i32
      %add3A_2443 = arith.addi %add3A_2441, %add3A_2442 : i32
      %dma_start3A_2444 = arith.constant 50 : i32
      %dma_start3A_2445 = arith.constant 0 : i32
      %dma_start3A_2446 = tpu.memref_slice %arg9[%dma_start3A_2444, %dma_start3A_2445] : memref<800x32xf32, #tpu.memory_space<vmem>> -> memref<50x32xf32, #tpu.memory_space<vmem>>
      %dma_start3A_2447 = arith.constant 0 : i32
      %dma_start3A_2448 = arith.constant 0 : i32
      %dma_start3A_2449 = tpu.memref_slice %arg4[%add3A_2443, %dma_start3A_2447, %dma_start3A_2448] : memref<16384x50x32xf32, #tpu.memory_space<hbm>> -> memref<1x50x32xf32, #tpu.memory_space<hbm>>
      %dma_start3A_2450 = tpu.memref_squeeze %dma_start3A_2449 : memref<1x50x32xf32, #tpu.memory_space<hbm>> -> memref<50x32xf32, #tpu.memory_space<hbm>>
      %dma_start3A_2451 = arith.constant 0 : i32
      %dma_start3A_2452 = arith.constant 0 : i32
      %dma_start3A_2453 = tpu.memref_slice %arg4[%add3A_2443, %dma_start3A_2451, %dma_start3A_2452] : memref<16384x50x32xf32, #tpu.memory_space<hbm>> -> memref<1x50x32xf32, #tpu.memory_space<hbm>>
      %dma_start3A_2454 = tpu.memref_squeeze %dma_start3A_2453 : memref<1x50x32xf32, #tpu.memory_space<hbm>> -> memref<50x32xf32, #tpu.memory_space<hbm>>
      %dma_start3A_2455 = arith.constant 50 : i32
      %dma_start3A_2456 = arith.constant 0 : i32
      %dma_start3A_2457 = tpu.memref_slice %arg9[%dma_start3A_2455, %dma_start3A_2456] : memref<800x32xf32, #tpu.memory_space<vmem>> -> memref<50x32xf32, #tpu.memory_space<vmem>>
      tpu.enqueue_dma source(%dma_start3A_2457 : memref<50x32xf32, #tpu.memory_space<vmem>>) target(%dma_start3A_2454 : memref<50x32xf32, #tpu.memory_space<hbm>>) target_semaphore(%arg25 : memref<!tpu.dma_semaphore, #tpu.memory_space<semaphore_mem>>)
      %mul3A_2458 = arith.constant 16 : i32
      %mul3A_2459 = arith.muli %add3A_2419, %mul3A_2458 : i32
      %add3A_2460 = arith.addi %mul3A_4, %mul3A_2459 : i32
      %add3A_2461 = arith.constant 2 : i32
      %add3A_2462 = arith.addi %add3A_2460, %add3A_2461 : i32
      %dma_start3A_2463 = arith.constant 100 : i32
      %dma_start3A_2464 = arith.constant 0 : i32
      %dma_start3A_2465 = tpu.memref_slice %arg9[%dma_start3A_2463, %dma_start3A_2464] : memref<800x32xf32, #tpu.memory_space<vmem>> -> memref<50x32xf32, #tpu.memory_space<vmem>>
      %dma_start3A_2466 = arith.constant 0 : i32
      %dma_start3A_2467 = arith.constant 0 : i32
      %dma_start3A_2468 = tpu.memref_slice %arg4[%add3A_2462, %dma_start3A_2466, %dma_start3A_2467] : memref<16384x50x32xf32, #tpu.memory_space<hbm>> -> memref<1x50x32xf32, #tpu.memory_space<hbm>>
      %dma_start3A_2469 = tpu.memref_squeeze %dma_start3A_2468 : memref<1x50x32xf32, #tpu.memory_space<hbm>> -> memref<50x32xf32, #tpu.memory_space<hbm>>
      %dma_start3A_2470 = arith.constant 0 : i32
      %dma_start3A_2471 = arith.constant 0 : i32
      %dma_start3A_2472 = tpu.memref_slice %arg4[%add3A_2462, %dma_start3A_2470, %dma_start3A_2471] : memref<16384x50x32xf32, #tpu.memory_space<hbm>> -> memref<1x50x32xf32, #tpu.memory_space<hbm>>
      %dma_start3A_2473 = tpu.memref_squeeze %dma_start3A_2472 : memref<1x50x32xf32, #tpu.memory_space<hbm>> -> memref<50x32xf32, #tpu.memory_space<hbm>>
      %dma_start3A_2474 = arith.constant 100 : i32
      %dma_start3A_2475 = arith.constant 0 : i32
      %dma_start3A_2476 = tpu.memref_slice %arg9[%dma_start3A_2474, %dma_start3A_2475] : memref<800x32xf32, #tpu.memory_space<vmem>> -> memref<50x32xf32, #tpu.memory_space<vmem>>
      tpu.enqueue_dma source(%dma_start3A_2476 : memref<50x32xf32, #tpu.memory_space<vmem>>) target(%dma_start3A_2473 : memref<50x32xf32, #tpu.memory_space<hbm>>) target_semaphore(%arg25 : memref<!tpu.dma_semaphore, #tpu.memory_space<semaphore_mem>>)
      %mul3A_2477 = arith.constant 16 : i32
      %mul3A_2478 = arith.muli %add3A_2419, %mul3A_2477 : i32
      %add3A_2479 = arith.addi %mul3A_4, %mul3A_2478 : i32
      %add3A_2480 = arith.constant 3 : i32
      %add3A_2481 = arith.addi %add3A_2479, %add3A_2480 : i32
      %dma_start3A_2482 = arith.constant 150 : i32
      %dma_start3A_2483 = arith.constant 0 : i32
      %dma_start3A_2484 = tpu.memref_slice %arg9[%dma_start3A_2482, %dma_start3A_2483] : memref<800x32xf32, #tpu.memory_space<vmem>> -> memref<50x32xf32, #tpu.memory_space<vmem>>
      %dma_start3A_2485 = arith.constant 0 : i32
      %dma_start3A_2486 = arith.constant 0 : i32
      %dma_start3A_2487 = tpu.memref_slice %arg4[%add3A_2481, %dma_start3A_2485, %dma_start3A_2486] : memref<16384x50x32xf32, #tpu.memory_space<hbm>> -> memref<1x50x32xf32, #tpu.memory_space<hbm>>
      %dma_start3A_2488 = tpu.memref_squeeze %dma_start3A_2487 : memref<1x50x32xf32, #tpu.memory_space<hbm>> -> memref<50x32xf32, #tpu.memory_space<hbm>>
      %dma_start3A_2489 = arith.constant 0 : i32
      %dma_start3A_2490 = arith.constant 0 : i32
      %dma_start3A_2491 = tpu.memref_slice %arg4[%add3A_2481, %dma_start3A_2489, %dma_start3A_2490] : memref<16384x50x32xf32, #tpu.memory_space<hbm>> -> memref<1x50x32xf32, #tpu.memory_space<hbm>>
      %dma_start3A_2492 = tpu.memref_squeeze %dma_start3A_2491 : memref<1x50x32xf32, #tpu.memory_space<hbm>> -> memref<50x32xf32, #tpu.memory_space<hbm>>
      %dma_start3A_2493 = arith.constant 150 : i32
      %dma_start3A_2494 = arith.constant 0 : i32
      %dma_start3A_2495 = tpu.memref_slice %arg9[%dma_start3A_2493, %dma_start3A_2494] : memref<800x32xf32, #tpu.memory_space<vmem>> -> memref<50x32xf32, #tpu.memory_space<vmem>>
      tpu.enqueue_dma source(%dma_start3A_2495 : memref<50x32xf32, #tpu.memory_space<vmem>>) target(%dma_start3A_2492 : memref<50x32xf32, #tpu.memory_space<hbm>>) target_semaphore(%arg25 : memref<!tpu.dma_semaphore, #tpu.memory_space<semaphore_mem>>)
      %mul3A_2496 = arith.constant 16 : i32
      %mul3A_2497 = arith.muli %add3A_2419, %mul3A_2496 : i32
      %add3A_2498 = arith.addi %mul3A_4, %mul3A_2497 : i32
      %add3A_2499 = arith.constant 4 : i32
      %add3A_2500 = arith.addi %add3A_2498, %add3A_2499 : i32
      %dma_start3A_2501 = arith.constant 200 : i32
      %dma_start3A_2502 = arith.constant 0 : i32
      %dma_start3A_2503 = tpu.memref_slice %arg9[%dma_start3A_2501, %dma_start3A_2502] : memref<800x32xf32, #tpu.memory_space<vmem>> -> memref<50x32xf32, #tpu.memory_space<vmem>>
      %dma_start3A_2504 = arith.constant 0 : i32
      %dma_start3A_2505 = arith.constant 0 : i32
      %dma_start3A_2506 = tpu.memref_slice %arg4[%add3A_2500, %dma_start3A_2504, %dma_start3A_2505] : memref<16384x50x32xf32, #tpu.memory_space<hbm>> -> memref<1x50x32xf32, #tpu.memory_space<hbm>>
      %dma_start3A_2507 = tpu.memref_squeeze %dma_start3A_2506 : memref<1x50x32xf32, #tpu.memory_space<hbm>> -> memref<50x32xf32, #tpu.memory_space<hbm>>
      %dma_start3A_2508 = arith.constant 0 : i32
      %dma_start3A_2509 = arith.constant 0 : i32
      %dma_start3A_2510 = tpu.memref_slice %arg4[%add3A_2500, %dma_start3A_2508, %dma_start3A_2509] : memref<16384x50x32xf32, #tpu.memory_space<hbm>> -> memref<1x50x32xf32, #tpu.memory_space<hbm>>
      %dma_start3A_2511 = tpu.memref_squeeze %dma_start3A_2510 : memref<1x50x32xf32, #tpu.memory_space<hbm>> -> memref<50x32xf32, #tpu.memory_space<hbm>>
      %dma_start3A_2512 = arith.constant 200 : i32
      %dma_start3A_2513 = arith.constant 0 : i32
      %dma_start3A_2514 = tpu.memref_slice %arg9[%dma_start3A_2512, %dma_start3A_2513] : memref<800x32xf32, #tpu.memory_space<vmem>> -> memref<50x32xf32, #tpu.memory_space<vmem>>
      tpu.enqueue_dma source(%dma_start3A_2514 : memref<50x32xf32, #tpu.memory_space<vmem>>) target(%dma_start3A_2511 : memref<50x32xf32, #tpu.memory_space<hbm>>) target_semaphore(%arg25 : memref<!tpu.dma_semaphore, #tpu.memory_space<semaphore_mem>>)
      %mul3A_2515 = arith.constant 16 : i32
      %mul3A_2516 = arith.muli %add3A_2419, %mul3A_2515 : i32
      %add3A_2517 = arith.addi %mul3A_4, %mul3A_2516 : i32
      %add3A_2518 = arith.constant 5 : i32
      %add3A_2519 = arith.addi %add3A_2517, %add3A_2518 : i32
      %dma_start3A_2520 = arith.constant 250 : i32
      %dma_start3A_2521 = arith.constant 0 : i32
      %dma_start3A_2522 = tpu.memref_slice %arg9[%dma_start3A_2520, %dma_start3A_2521] : memref<800x32xf32, #tpu.memory_space<vmem>> -> memref<50x32xf32, #tpu.memory_space<vmem>>
      %dma_start3A_2523 = arith.constant 0 : i32
      %dma_start3A_2524 = arith.constant 0 : i32
      %dma_start3A_2525 = tpu.memref_slice %arg4[%add3A_2519, %dma_start3A_2523, %dma_start3A_2524] : memref<16384x50x32xf32, #tpu.memory_space<hbm>> -> memref<1x50x32xf32, #tpu.memory_space<hbm>>
      %dma_start3A_2526 = tpu.memref_squeeze %dma_start3A_2525 : memref<1x50x32xf32, #tpu.memory_space<hbm>> -> memref<50x32xf32, #tpu.memory_space<hbm>>
      %dma_start3A_2527 = arith.constant 0 : i32
      %dma_start3A_2528 = arith.constant 0 : i32
      %dma_start3A_2529 = tpu.memref_slice %arg4[%add3A_2519, %dma_start3A_2527, %dma_start3A_2528] : memref<16384x50x32xf32, #tpu.memory_space<hbm>> -> memref<1x50x32xf32, #tpu.memory_space<hbm>>
      %dma_start3A_2530 = tpu.memref_squeeze %dma_start3A_2529 : memref<1x50x32xf32, #tpu.memory_space<hbm>> -> memref<50x32xf32, #tpu.memory_space<hbm>>
      %dma_start3A_2531 = arith.constant 250 : i32
      %dma_start3A_2532 = arith.constant 0 : i32
      %dma_start3A_2533 = tpu.memref_slice %arg9[%dma_start3A_2531, %dma_start3A_2532] : memref<800x32xf32, #tpu.memory_space<vmem>> -> memref<50x32xf32, #tpu.memory_space<vmem>>
      tpu.enqueue_dma source(%dma_start3A_2533 : memref<50x32xf32, #tpu.memory_space<vmem>>) target(%dma_start3A_2530 : memref<50x32xf32, #tpu.memory_space<hbm>>) target_semaphore(%arg25 : memref<!tpu.dma_semaphore, #tpu.memory_space<semaphore_mem>>)
      %mul3A_2534 = arith.constant 16 : i32
      %mul3A_2535 = arith.muli %add3A_2419, %mul3A_2534 : i32
      %add3A_2536 = arith.addi %mul3A_4, %mul3A_2535 : i32
      %add3A_2537 = arith.constant 6 : i32
      %add3A_2538 = arith.addi %add3A_2536, %add3A_2537 : i32
      %dma_start3A_2539 = arith.constant 300 : i32
      %dma_start3A_2540 = arith.constant 0 : i32
      %dma_start3A_2541 = tpu.memref_slice %arg9[%dma_start3A_2539, %dma_start3A_2540] : memref<800x32xf32, #tpu.memory_space<vmem>> -> memref<50x32xf32, #tpu.memory_space<vmem>>
      %dma_start3A_2542 = arith.constant 0 : i32
      %dma_start3A_2543 = arith.constant 0 : i32
      %dma_start3A_2544 = tpu.memref_slice %arg4[%add3A_2538, %dma_start3A_2542, %dma_start3A_2543] : memref<16384x50x32xf32, #tpu.memory_space<hbm>> -> memref<1x50x32xf32, #tpu.memory_space<hbm>>
      %dma_start3A_2545 = tpu.memref_squeeze %dma_start3A_2544 : memref<1x50x32xf32, #tpu.memory_space<hbm>> -> memref<50x32xf32, #tpu.memory_space<hbm>>
      %dma_start3A_2546 = arith.constant 0 : i32
      %dma_start3A_2547 = arith.constant 0 : i32
      %dma_start3A_2548 = tpu.memref_slice %arg4[%add3A_2538, %dma_start3A_2546, %dma_start3A_2547] : memref<16384x50x32xf32, #tpu.memory_space<hbm>> -> memref<1x50x32xf32, #tpu.memory_space<hbm>>
      %dma_start3A_2549 = tpu.memref_squeeze %dma_start3A_2548 : memref<1x50x32xf32, #tpu.memory_space<hbm>> -> memref<50x32xf32, #tpu.memory_space<hbm>>
      %dma_start3A_2550 = arith.constant 300 : i32
      %dma_start3A_2551 = arith.constant 0 : i32
      %dma_start3A_2552 = tpu.memref_slice %arg9[%dma_start3A_2550, %dma_start3A_2551] : memref<800x32xf32, #tpu.memory_space<vmem>> -> memref<50x32xf32, #tpu.memory_space<vmem>>
      tpu.enqueue_dma source(%dma_start3A_2552 : memref<50x32xf32, #tpu.memory_space<vmem>>) target(%dma_start3A_2549 : memref<50x32xf32, #tpu.memory_space<hbm>>) target_semaphore(%arg25 : memref<!tpu.dma_semaphore, #tpu.memory_space<semaphore_mem>>)
      %mul3A_2553 = arith.constant 16 : i32
      %mul3A_2554 = arith.muli %add3A_2419, %mul3A_2553 : i32
      %add3A_2555 = arith.addi %mul3A_4, %mul3A_2554 : i32
      %add3A_2556 = arith.constant 7 : i32
      %add3A_2557 = arith.addi %add3A_2555, %add3A_2556 : i32
      %dma_start3A_2558 = arith.constant 350 : i32
      %dma_start3A_2559 = arith.constant 0 : i32
      %dma_start3A_2560 = tpu.memref_slice %arg9[%dma_start3A_2558, %dma_start3A_2559] : memref<800x32xf32, #tpu.memory_space<vmem>> -> memref<50x32xf32, #tpu.memory_space<vmem>>
      %dma_start3A_2561 = arith.constant 0 : i32
      %dma_start3A_2562 = arith.constant 0 : i32
      %dma_start3A_2563 = tpu.memref_slice %arg4[%add3A_2557, %dma_start3A_2561, %dma_start3A_2562] : memref<16384x50x32xf32, #tpu.memory_space<hbm>> -> memref<1x50x32xf32, #tpu.memory_space<hbm>>
      %dma_start3A_2564 = tpu.memref_squeeze %dma_start3A_2563 : memref<1x50x32xf32, #tpu.memory_space<hbm>> -> memref<50x32xf32, #tpu.memory_space<hbm>>
      %dma_start3A_2565 = arith.constant 0 : i32
      %dma_start3A_2566 = arith.constant 0 : i32
      %dma_start3A_2567 = tpu.memref_slice %arg4[%add3A_2557, %dma_start3A_2565, %dma_start3A_2566] : memref<16384x50x32xf32, #tpu.memory_space<hbm>> -> memref<1x50x32xf32, #tpu.memory_space<hbm>>
      %dma_start3A_2568 = tpu.memref_squeeze %dma_start3A_2567 : memref<1x50x32xf32, #tpu.memory_space<hbm>> -> memref<50x32xf32, #tpu.memory_space<hbm>>
      %dma_start3A_2569 = arith.constant 350 : i32
      %dma_start3A_2570 = arith.constant 0 : i32
      %dma_start3A_2571 = tpu.memref_slice %arg9[%dma_start3A_2569, %dma_start3A_2570] : memref<800x32xf32, #tpu.memory_space<vmem>> -> memref<50x32xf32, #tpu.memory_space<vmem>>
      tpu.enqueue_dma source(%dma_start3A_2571 : memref<50x32xf32, #tpu.memory_space<vmem>>) target(%dma_start3A_2568 : memref<50x32xf32, #tpu.memory_space<hbm>>) target_semaphore(%arg25 : memref<!tpu.dma_semaphore, #tpu.memory_space<semaphore_mem>>)
      %mul3A_2572 = arith.constant 16 : i32
      %mul3A_2573 = arith.muli %add3A_2419, %mul3A_2572 : i32
      %add3A_2574 = arith.addi %mul3A_4, %mul3A_2573 : i32
      %add3A_2575 = arith.constant 8 : i32
      %add3A_2576 = arith.addi %add3A_2574, %add3A_2575 : i32
      %dma_start3A_2577 = arith.constant 400 : i32
      %dma_start3A_2578 = arith.constant 0 : i32
      %dma_start3A_2579 = tpu.memref_slice %arg9[%dma_start3A_2577, %dma_start3A_2578] : memref<800x32xf32, #tpu.memory_space<vmem>> -> memref<50x32xf32, #tpu.memory_space<vmem>>
      %dma_start3A_2580 = arith.constant 0 : i32
      %dma_start3A_2581 = arith.constant 0 : i32
      %dma_start3A_2582 = tpu.memref_slice %arg4[%add3A_2576, %dma_start3A_2580, %dma_start3A_2581] : memref<16384x50x32xf32, #tpu.memory_space<hbm>> -> memref<1x50x32xf32, #tpu.memory_space<hbm>>
      %dma_start3A_2583 = tpu.memref_squeeze %dma_start3A_2582 : memref<1x50x32xf32, #tpu.memory_space<hbm>> -> memref<50x32xf32, #tpu.memory_space<hbm>>
      %dma_start3A_2584 = arith.constant 0 : i32
      %dma_start3A_2585 = arith.constant 0 : i32
      %dma_start3A_2586 = tpu.memref_slice %arg4[%add3A_2576, %dma_start3A_2584, %dma_start3A_2585] : memref<16384x50x32xf32, #tpu.memory_space<hbm>> -> memref<1x50x32xf32, #tpu.memory_space<hbm>>
      %dma_start3A_2587 = tpu.memref_squeeze %dma_start3A_2586 : memref<1x50x32xf32, #tpu.memory_space<hbm>> -> memref<50x32xf32, #tpu.memory_space<hbm>>
      %dma_start3A_2588 = arith.constant 400 : i32
      %dma_start3A_2589 = arith.constant 0 : i32
      %dma_start3A_2590 = tpu.memref_slice %arg9[%dma_start3A_2588, %dma_start3A_2589] : memref<800x32xf32, #tpu.memory_space<vmem>> -> memref<50x32xf32, #tpu.memory_space<vmem>>
      tpu.enqueue_dma source(%dma_start3A_2590 : memref<50x32xf32, #tpu.memory_space<vmem>>) target(%dma_start3A_2587 : memref<50x32xf32, #tpu.memory_space<hbm>>) target_semaphore(%arg25 : memref<!tpu.dma_semaphore, #tpu.memory_space<semaphore_mem>>)
      %mul3A_2591 = arith.constant 16 : i32
      %mul3A_2592 = arith.muli %add3A_2419, %mul3A_2591 : i32
      %add3A_2593 = arith.addi %mul3A_4, %mul3A_2592 : i32
      %add3A_2594 = arith.constant 9 : i32
      %add3A_2595 = arith.addi %add3A_2593, %add3A_2594 : i32
      %dma_start3A_2596 = arith.constant 450 : i32
      %dma_start3A_2597 = arith.constant 0 : i32
      %dma_start3A_2598 = tpu.memref_slice %arg9[%dma_start3A_2596, %dma_start3A_2597] : memref<800x32xf32, #tpu.memory_space<vmem>> -> memref<50x32xf32, #tpu.memory_space<vmem>>
      %dma_start3A_2599 = arith.constant 0 : i32
      %dma_start3A_2600 = arith.constant 0 : i32
      %dma_start3A_2601 = tpu.memref_slice %arg4[%add3A_2595, %dma_start3A_2599, %dma_start3A_2600] : memref<16384x50x32xf32, #tpu.memory_space<hbm>> -> memref<1x50x32xf32, #tpu.memory_space<hbm>>
      %dma_start3A_2602 = tpu.memref_squeeze %dma_start3A_2601 : memref<1x50x32xf32, #tpu.memory_space<hbm>> -> memref<50x32xf32, #tpu.memory_space<hbm>>
      %dma_start3A_2603 = arith.constant 0 : i32
      %dma_start3A_2604 = arith.constant 0 : i32
      %dma_start3A_2605 = tpu.memref_slice %arg4[%add3A_2595, %dma_start3A_2603, %dma_start3A_2604] : memref<16384x50x32xf32, #tpu.memory_space<hbm>> -> memref<1x50x32xf32, #tpu.memory_space<hbm>>
      %dma_start3A_2606 = tpu.memref_squeeze %dma_start3A_2605 : memref<1x50x32xf32, #tpu.memory_space<hbm>> -> memref<50x32xf32, #tpu.memory_space<hbm>>
      %dma_start3A_2607 = arith.constant 450 : i32
      %dma_start3A_2608 = arith.constant 0 : i32
      %dma_start3A_2609 = tpu.memref_slice %arg9[%dma_start3A_2607, %dma_start3A_2608] : memref<800x32xf32, #tpu.memory_space<vmem>> -> memref<50x32xf32, #tpu.memory_space<vmem>>
      tpu.enqueue_dma source(%dma_start3A_2609 : memref<50x32xf32, #tpu.memory_space<vmem>>) target(%dma_start3A_2606 : memref<50x32xf32, #tpu.memory_space<hbm>>) target_semaphore(%arg25 : memref<!tpu.dma_semaphore, #tpu.memory_space<semaphore_mem>>)
      %mul3A_2610 = arith.constant 16 : i32
      %mul3A_2611 = arith.muli %add3A_2419, %mul3A_2610 : i32
      %add3A_2612 = arith.addi %mul3A_4, %mul3A_2611 : i32
      %add3A_2613 = arith.constant 10 : i32
      %add3A_2614 = arith.addi %add3A_2612, %add3A_2613 : i32
      %dma_start3A_2615 = arith.constant 500 : i32
      %dma_start3A_2616 = arith.constant 0 : i32
      %dma_start3A_2617 = tpu.memref_slice %arg9[%dma_start3A_2615, %dma_start3A_2616] : memref<800x32xf32, #tpu.memory_space<vmem>> -> memref<50x32xf32, #tpu.memory_space<vmem>>
      %dma_start3A_2618 = arith.constant 0 : i32
      %dma_start3A_2619 = arith.constant 0 : i32
      %dma_start3A_2620 = tpu.memref_slice %arg4[%add3A_2614, %dma_start3A_2618, %dma_start3A_2619] : memref<16384x50x32xf32, #tpu.memory_space<hbm>> -> memref<1x50x32xf32, #tpu.memory_space<hbm>>
      %dma_start3A_2621 = tpu.memref_squeeze %dma_start3A_2620 : memref<1x50x32xf32, #tpu.memory_space<hbm>> -> memref<50x32xf32, #tpu.memory_space<hbm>>
      %dma_start3A_2622 = arith.constant 0 : i32
      %dma_start3A_2623 = arith.constant 0 : i32
      %dma_start3A_2624 = tpu.memref_slice %arg4[%add3A_2614, %dma_start3A_2622, %dma_start3A_2623] : memref<16384x50x32xf32, #tpu.memory_space<hbm>> -> memref<1x50x32xf32, #tpu.memory_space<hbm>>
      %dma_start3A_2625 = tpu.memref_squeeze %dma_start3A_2624 : memref<1x50x32xf32, #tpu.memory_space<hbm>> -> memref<50x32xf32, #tpu.memory_space<hbm>>
      %dma_start3A_2626 = arith.constant 500 : i32
      %dma_start3A_2627 = arith.constant 0 : i32
      %dma_start3A_2628 = tpu.memref_slice %arg9[%dma_start3A_2626, %dma_start3A_2627] : memref<800x32xf32, #tpu.memory_space<vmem>> -> memref<50x32xf32, #tpu.memory_space<vmem>>
      tpu.enqueue_dma source(%dma_start3A_2628 : memref<50x32xf32, #tpu.memory_space<vmem>>) target(%dma_start3A_2625 : memref<50x32xf32, #tpu.memory_space<hbm>>) target_semaphore(%arg25 : memref<!tpu.dma_semaphore, #tpu.memory_space<semaphore_mem>>)
      %mul3A_2629 = arith.constant 16 : i32
      %mul3A_2630 = arith.muli %add3A_2419, %mul3A_2629 : i32
      %add3A_2631 = arith.addi %mul3A_4, %mul3A_2630 : i32
      %add3A_2632 = arith.constant 11 : i32
      %add3A_2633 = arith.addi %add3A_2631, %add3A_2632 : i32
      %dma_start3A_2634 = arith.constant 550 : i32
      %dma_start3A_2635 = arith.constant 0 : i32
      %dma_start3A_2636 = tpu.memref_slice %arg9[%dma_start3A_2634, %dma_start3A_2635] : memref<800x32xf32, #tpu.memory_space<vmem>> -> memref<50x32xf32, #tpu.memory_space<vmem>>
      %dma_start3A_2637 = arith.constant 0 : i32
      %dma_start3A_2638 = arith.constant 0 : i32
      %dma_start3A_2639 = tpu.memref_slice %arg4[%add3A_2633, %dma_start3A_2637, %dma_start3A_2638] : memref<16384x50x32xf32, #tpu.memory_space<hbm>> -> memref<1x50x32xf32, #tpu.memory_space<hbm>>
      %dma_start3A_2640 = tpu.memref_squeeze %dma_start3A_2639 : memref<1x50x32xf32, #tpu.memory_space<hbm>> -> memref<50x32xf32, #tpu.memory_space<hbm>>
      %dma_start3A_2641 = arith.constant 0 : i32
      %dma_start3A_2642 = arith.constant 0 : i32
      %dma_start3A_2643 = tpu.memref_slice %arg4[%add3A_2633, %dma_start3A_2641, %dma_start3A_2642] : memref<16384x50x32xf32, #tpu.memory_space<hbm>> -> memref<1x50x32xf32, #tpu.memory_space<hbm>>
      %dma_start3A_2644 = tpu.memref_squeeze %dma_start3A_2643 : memref<1x50x32xf32, #tpu.memory_space<hbm>> -> memref<50x32xf32, #tpu.memory_space<hbm>>
      %dma_start3A_2645 = arith.constant 550 : i32
      %dma_start3A_2646 = arith.constant 0 : i32
      %dma_start3A_2647 = tpu.memref_slice %arg9[%dma_start3A_2645, %dma_start3A_2646] : memref<800x32xf32, #tpu.memory_space<vmem>> -> memref<50x32xf32, #tpu.memory_space<vmem>>
      tpu.enqueue_dma source(%dma_start3A_2647 : memref<50x32xf32, #tpu.memory_space<vmem>>) target(%dma_start3A_2644 : memref<50x32xf32, #tpu.memory_space<hbm>>) target_semaphore(%arg25 : memref<!tpu.dma_semaphore, #tpu.memory_space<semaphore_mem>>)
      %mul3A_2648 = arith.constant 16 : i32
      %mul3A_2649 = arith.muli %add3A_2419, %mul3A_2648 : i32
      %add3A_2650 = arith.addi %mul3A_4, %mul3A_2649 : i32
      %add3A_2651 = arith.constant 12 : i32
      %add3A_2652 = arith.addi %add3A_2650, %add3A_2651 : i32
      %dma_start3A_2653 = arith.constant 600 : i32
      %dma_start3A_2654 = arith.constant 0 : i32
      %dma_start3A_2655 = tpu.memref_slice %arg9[%dma_start3A_2653, %dma_start3A_2654] : memref<800x32xf32, #tpu.memory_space<vmem>> -> memref<50x32xf32, #tpu.memory_space<vmem>>
      %dma_start3A_2656 = arith.constant 0 : i32
      %dma_start3A_2657 = arith.constant 0 : i32
      %dma_start3A_2658 = tpu.memref_slice %arg4[%add3A_2652, %dma_start3A_2656, %dma_start3A_2657] : memref<16384x50x32xf32, #tpu.memory_space<hbm>> -> memref<1x50x32xf32, #tpu.memory_space<hbm>>
      %dma_start3A_2659 = tpu.memref_squeeze %dma_start3A_2658 : memref<1x50x32xf32, #tpu.memory_space<hbm>> -> memref<50x32xf32, #tpu.memory_space<hbm>>
      %dma_start3A_2660 = arith.constant 0 : i32
      %dma_start3A_2661 = arith.constant 0 : i32
      %dma_start3A_2662 = tpu.memref_slice %arg4[%add3A_2652, %dma_start3A_2660, %dma_start3A_2661] : memref<16384x50x32xf32, #tpu.memory_space<hbm>> -> memref<1x50x32xf32, #tpu.memory_space<hbm>>
      %dma_start3A_2663 = tpu.memref_squeeze %dma_start3A_2662 : memref<1x50x32xf32, #tpu.memory_space<hbm>> -> memref<50x32xf32, #tpu.memory_space<hbm>>
      %dma_start3A_2664 = arith.constant 600 : i32
      %dma_start3A_2665 = arith.constant 0 : i32
      %dma_start3A_2666 = tpu.memref_slice %arg9[%dma_start3A_2664, %dma_start3A_2665] : memref<800x32xf32, #tpu.memory_space<vmem>> -> memref<50x32xf32, #tpu.memory_space<vmem>>
      tpu.enqueue_dma source(%dma_start3A_2666 : memref<50x32xf32, #tpu.memory_space<vmem>>) target(%dma_start3A_2663 : memref<50x32xf32, #tpu.memory_space<hbm>>) target_semaphore(%arg25 : memref<!tpu.dma_semaphore, #tpu.memory_space<semaphore_mem>>)
      %mul3A_2667 = arith.constant 16 : i32
      %mul3A_2668 = arith.muli %add3A_2419, %mul3A_2667 : i32
      %add3A_2669 = arith.addi %mul3A_4, %mul3A_2668 : i32
      %add3A_2670 = arith.constant 13 : i32
      %add3A_2671 = arith.addi %add3A_2669, %add3A_2670 : i32
      %dma_start3A_2672 = arith.constant 650 : i32
      %dma_start3A_2673 = arith.constant 0 : i32
      %dma_start3A_2674 = tpu.memref_slice %arg9[%dma_start3A_2672, %dma_start3A_2673] : memref<800x32xf32, #tpu.memory_space<vmem>> -> memref<50x32xf32, #tpu.memory_space<vmem>>
      %dma_start3A_2675 = arith.constant 0 : i32
      %dma_start3A_2676 = arith.constant 0 : i32
      %dma_start3A_2677 = tpu.memref_slice %arg4[%add3A_2671, %dma_start3A_2675, %dma_start3A_2676] : memref<16384x50x32xf32, #tpu.memory_space<hbm>> -> memref<1x50x32xf32, #tpu.memory_space<hbm>>
      %dma_start3A_2678 = tpu.memref_squeeze %dma_start3A_2677 : memref<1x50x32xf32, #tpu.memory_space<hbm>> -> memref<50x32xf32, #tpu.memory_space<hbm>>
      %dma_start3A_2679 = arith.constant 0 : i32
      %dma_start3A_2680 = arith.constant 0 : i32
      %dma_start3A_2681 = tpu.memref_slice %arg4[%add3A_2671, %dma_start3A_2679, %dma_start3A_2680] : memref<16384x50x32xf32, #tpu.memory_space<hbm>> -> memref<1x50x32xf32, #tpu.memory_space<hbm>>
      %dma_start3A_2682 = tpu.memref_squeeze %dma_start3A_2681 : memref<1x50x32xf32, #tpu.memory_space<hbm>> -> memref<50x32xf32, #tpu.memory_space<hbm>>
      %dma_start3A_2683 = arith.constant 650 : i32
      %dma_start3A_2684 = arith.constant 0 : i32
      %dma_start3A_2685 = tpu.memref_slice %arg9[%dma_start3A_2683, %dma_start3A_2684] : memref<800x32xf32, #tpu.memory_space<vmem>> -> memref<50x32xf32, #tpu.memory_space<vmem>>
      tpu.enqueue_dma source(%dma_start3A_2685 : memref<50x32xf32, #tpu.memory_space<vmem>>) target(%dma_start3A_2682 : memref<50x32xf32, #tpu.memory_space<hbm>>) target_semaphore(%arg25 : memref<!tpu.dma_semaphore, #tpu.memory_space<semaphore_mem>>)
      %mul3A_2686 = arith.constant 16 : i32
      %mul3A_2687 = arith.muli %add3A_2419, %mul3A_2686 : i32
      %add3A_2688 = arith.addi %mul3A_4, %mul3A_2687 : i32
      %add3A_2689 = arith.constant 14 : i32
      %add3A_2690 = arith.addi %add3A_2688, %add3A_2689 : i32
      %dma_start3A_2691 = arith.constant 700 : i32
      %dma_start3A_2692 = arith.constant 0 : i32
      %dma_start3A_2693 = tpu.memref_slice %arg9[%dma_start3A_2691, %dma_start3A_2692] : memref<800x32xf32, #tpu.memory_space<vmem>> -> memref<50x32xf32, #tpu.memory_space<vmem>>
      %dma_start3A_2694 = arith.constant 0 : i32
      %dma_start3A_2695 = arith.constant 0 : i32
      %dma_start3A_2696 = tpu.memref_slice %arg4[%add3A_2690, %dma_start3A_2694, %dma_start3A_2695] : memref<16384x50x32xf32, #tpu.memory_space<hbm>> -> memref<1x50x32xf32, #tpu.memory_space<hbm>>
      %dma_start3A_2697 = tpu.memref_squeeze %dma_start3A_2696 : memref<1x50x32xf32, #tpu.memory_space<hbm>> -> memref<50x32xf32, #tpu.memory_space<hbm>>
      %dma_start3A_2698 = arith.constant 0 : i32
      %dma_start3A_2699 = arith.constant 0 : i32
      %dma_start3A_2700 = tpu.memref_slice %arg4[%add3A_2690, %dma_start3A_2698, %dma_start3A_2699] : memref<16384x50x32xf32, #tpu.memory_space<hbm>> -> memref<1x50x32xf32, #tpu.memory_space<hbm>>
      %dma_start3A_2701 = tpu.memref_squeeze %dma_start3A_2700 : memref<1x50x32xf32, #tpu.memory_space<hbm>> -> memref<50x32xf32, #tpu.memory_space<hbm>>
      %dma_start3A_2702 = arith.constant 700 : i32
      %dma_start3A_2703 = arith.constant 0 : i32
      %dma_start3A_2704 = tpu.memref_slice %arg9[%dma_start3A_2702, %dma_start3A_2703] : memref<800x32xf32, #tpu.memory_space<vmem>> -> memref<50x32xf32, #tpu.memory_space<vmem>>
      tpu.enqueue_dma source(%dma_start3A_2704 : memref<50x32xf32, #tpu.memory_space<vmem>>) target(%dma_start3A_2701 : memref<50x32xf32, #tpu.memory_space<hbm>>) target_semaphore(%arg25 : memref<!tpu.dma_semaphore, #tpu.memory_space<semaphore_mem>>)
      %mul3A_2705 = arith.constant 16 : i32
      %mul3A_2706 = arith.muli %add3A_2419, %mul3A_2705 : i32
      %add3A_2707 = arith.addi %mul3A_4, %mul3A_2706 : i32
      %add3A_2708 = arith.constant 15 : i32
      %add3A_2709 = arith.addi %add3A_2707, %add3A_2708 : i32
      %dma_start3A_2710 = arith.constant 750 : i32
      %dma_start3A_2711 = arith.constant 0 : i32
      %dma_start3A_2712 = tpu.memref_slice %arg9[%dma_start3A_2710, %dma_start3A_2711] : memref<800x32xf32, #tpu.memory_space<vmem>> -> memref<50x32xf32, #tpu.memory_space<vmem>>
      %dma_start3A_2713 = arith.constant 0 : i32
      %dma_start3A_2714 = arith.constant 0 : i32
      %dma_start3A_2715 = tpu.memref_slice %arg4[%add3A_2709, %dma_start3A_2713, %dma_start3A_2714] : memref<16384x50x32xf32, #tpu.memory_space<hbm>> -> memref<1x50x32xf32, #tpu.memory_space<hbm>>
      %dma_start3A_2716 = tpu.memref_squeeze %dma_start3A_2715 : memref<1x50x32xf32, #tpu.memory_space<hbm>> -> memref<50x32xf32, #tpu.memory_space<hbm>>
      %dma_start3A_2717 = arith.constant 0 : i32
      %dma_start3A_2718 = arith.constant 0 : i32
      %dma_start3A_2719 = tpu.memref_slice %arg4[%add3A_2709, %dma_start3A_2717, %dma_start3A_2718] : memref<16384x50x32xf32, #tpu.memory_space<hbm>> -> memref<1x50x32xf32, #tpu.memory_space<hbm>>
      %dma_start3A_2720 = tpu.memref_squeeze %dma_start3A_2719 : memref<1x50x32xf32, #tpu.memory_space<hbm>> -> memref<50x32xf32, #tpu.memory_space<hbm>>
      %dma_start3A_2721 = arith.constant 750 : i32
      %dma_start3A_2722 = arith.constant 0 : i32
      %dma_start3A_2723 = tpu.memref_slice %arg9[%dma_start3A_2721, %dma_start3A_2722] : memref<800x32xf32, #tpu.memory_space<vmem>> -> memref<50x32xf32, #tpu.memory_space<vmem>>
      tpu.enqueue_dma source(%dma_start3A_2723 : memref<50x32xf32, #tpu.memory_space<vmem>>) target(%dma_start3A_2720 : memref<50x32xf32, #tpu.memory_space<hbm>>) target_semaphore(%arg25 : memref<!tpu.dma_semaphore, #tpu.memory_space<semaphore_mem>>)
      %lt3A = arith.constant 7 : i32
      %lt3A_2724 = arith.cmpi slt, %scan3A_38, %lt3A : i32
      %convert_element_type3A_2725 = arith.extui %lt3A_2724 : i1 to i32
      %cond3A_2726 = arith.constant 0 : i32
      %cond3A_2727 = arith.cmpi ne, %convert_element_type3A_2725, %cond3A_2726 : i32
      scf.if %cond3A_2727 {
        %add3A_3655 = arith.constant 4 : i32
        %add3A_3656 = arith.addi %mul3A_40, %add3A_3655 : i32
        %mul3A_3657 = arith.constant 16 : i32
        %mul3A_3658 = arith.muli %add3A_3656, %mul3A_3657 : i32
        %add3A_3659 = arith.addi %mul3A_4, %mul3A_3658 : i32
        %dma_start3A_3660 = arith.constant 0 : i32
        %dma_start3A_3661 = tpu.memref_slice %arg2[%add3A_3659, %dma_start3A_3660] : memref<16384x50xi32, #tpu.memory_space<hbm>> -> memref<16x50xi32, #tpu.memory_space<hbm>>
        %dma_start3A_3662 = arith.constant 0 : i32
        %dma_start3A_3663 = tpu.memref_slice %arg2[%add3A_3659, %dma_start3A_3662] : memref<16384x50xi32, #tpu.memory_space<hbm>> -> memref<16x50xi32, #tpu.memory_space<hbm>>
        tpu.enqueue_dma source(%dma_start3A_3663 : memref<16x50xi32, #tpu.memory_space<hbm>>) target(%arg13 : memref<16x50xi32, #tpu.memory_space<vmem>>) target_semaphore(%arg17 : memref<!tpu.dma_semaphore, #tpu.memory_space<semaphore_mem>>)
      } else {
      }
      %dma_wait3A_2728 = arith.constant 0 : i32
      %dma_wait3A_2729 = arith.constant 0 : i32
      %dma_wait3A_2730 = tpu.memref_slice %arg3[%dma_wait3A_2728, %dma_wait3A_2729] : memref<1000000x32xf32, #tpu.memory_space<hbm>> -> memref<1000000x32xf32, #tpu.memory_space<hbm>>
      tpu.wait_indirect_dma semaphore(%arg22 : memref<!tpu.dma_semaphore, #tpu.memory_space<semaphore_mem>>) src(%dma_wait3A_2730 : memref<1000000x32xf32, #tpu.memory_space<hbm>>) dst(%arg10 : memref<800x32xf32, #tpu.memory_space<vmem>>)
      %add3A_2731 = arith.constant 1 : i32
      %add3A_2732 = arith.addi %mul3A_40, %add3A_2731 : i32
      %mul3A_2733 = arith.constant 16 : i32
      %mul3A_2734 = arith.muli %add3A_2732, %mul3A_2733 : i32
      %add3A_2735 = arith.addi %mul3A_4, %mul3A_2734 : i32
      %add3A_2736 = arith.constant 0 : i32
      %add3A_2737 = arith.addi %add3A_2735, %add3A_2736 : i32
      %dma_start3A_2738 = arith.constant 0 : i32
      %dma_start3A_2739 = arith.constant 0 : i32
      %dma_start3A_2740 = tpu.memref_slice %arg10[%dma_start3A_2738, %dma_start3A_2739] : memref<800x32xf32, #tpu.memory_space<vmem>> -> memref<50x32xf32, #tpu.memory_space<vmem>>
      %dma_start3A_2741 = arith.constant 0 : i32
      %dma_start3A_2742 = arith.constant 0 : i32
      %dma_start3A_2743 = tpu.memref_slice %arg4[%add3A_2737, %dma_start3A_2741, %dma_start3A_2742] : memref<16384x50x32xf32, #tpu.memory_space<hbm>> -> memref<1x50x32xf32, #tpu.memory_space<hbm>>
      %dma_start3A_2744 = tpu.memref_squeeze %dma_start3A_2743 : memref<1x50x32xf32, #tpu.memory_space<hbm>> -> memref<50x32xf32, #tpu.memory_space<hbm>>
      %dma_start3A_2745 = arith.constant 0 : i32
      %dma_start3A_2746 = arith.constant 0 : i32
      %dma_start3A_2747 = tpu.memref_slice %arg4[%add3A_2737, %dma_start3A_2745, %dma_start3A_2746] : memref<16384x50x32xf32, #tpu.memory_space<hbm>> -> memref<1x50x32xf32, #tpu.memory_space<hbm>>
      %dma_start3A_2748 = tpu.memref_squeeze %dma_start3A_2747 : memref<1x50x32xf32, #tpu.memory_space<hbm>> -> memref<50x32xf32, #tpu.memory_space<hbm>>
      %dma_start3A_2749 = arith.constant 0 : i32
      %dma_start3A_2750 = arith.constant 0 : i32
      %dma_start3A_2751 = tpu.memref_slice %arg10[%dma_start3A_2749, %dma_start3A_2750] : memref<800x32xf32, #tpu.memory_space<vmem>> -> memref<50x32xf32, #tpu.memory_space<vmem>>
      tpu.enqueue_dma source(%dma_start3A_2751 : memref<50x32xf32, #tpu.memory_space<vmem>>) target(%dma_start3A_2748 : memref<50x32xf32, #tpu.memory_space<hbm>>) target_semaphore(%arg26 : memref<!tpu.dma_semaphore, #tpu.memory_space<semaphore_mem>>)
      %mul3A_2752 = arith.constant 16 : i32
      %mul3A_2753 = arith.muli %add3A_2732, %mul3A_2752 : i32
      %add3A_2754 = arith.addi %mul3A_4, %mul3A_2753 : i32
      %add3A_2755 = arith.constant 1 : i32
      %add3A_2756 = arith.addi %add3A_2754, %add3A_2755 : i32
      %dma_start3A_2757 = arith.constant 50 : i32
      %dma_start3A_2758 = arith.constant 0 : i32
      %dma_start3A_2759 = tpu.memref_slice %arg10[%dma_start3A_2757, %dma_start3A_2758] : memref<800x32xf32, #tpu.memory_space<vmem>> -> memref<50x32xf32, #tpu.memory_space<vmem>>
      %dma_start3A_2760 = arith.constant 0 : i32
      %dma_start3A_2761 = arith.constant 0 : i32
      %dma_start3A_2762 = tpu.memref_slice %arg4[%add3A_2756, %dma_start3A_2760, %dma_start3A_2761] : memref<16384x50x32xf32, #tpu.memory_space<hbm>> -> memref<1x50x32xf32, #tpu.memory_space<hbm>>
      %dma_start3A_2763 = tpu.memref_squeeze %dma_start3A_2762 : memref<1x50x32xf32, #tpu.memory_space<hbm>> -> memref<50x32xf32, #tpu.memory_space<hbm>>
      %dma_start3A_2764 = arith.constant 0 : i32
      %dma_start3A_2765 = arith.constant 0 : i32
      %dma_start3A_2766 = tpu.memref_slice %arg4[%add3A_2756, %dma_start3A_2764, %dma_start3A_2765] : memref<16384x50x32xf32, #tpu.memory_space<hbm>> -> memref<1x50x32xf32, #tpu.memory_space<hbm>>
      %dma_start3A_2767 = tpu.memref_squeeze %dma_start3A_2766 : memref<1x50x32xf32, #tpu.memory_space<hbm>> -> memref<50x32xf32, #tpu.memory_space<hbm>>
      %dma_start3A_2768 = arith.constant 50 : i32
      %dma_start3A_2769 = arith.constant 0 : i32
      %dma_start3A_2770 = tpu.memref_slice %arg10[%dma_start3A_2768, %dma_start3A_2769] : memref<800x32xf32, #tpu.memory_space<vmem>> -> memref<50x32xf32, #tpu.memory_space<vmem>>
      tpu.enqueue_dma source(%dma_start3A_2770 : memref<50x32xf32, #tpu.memory_space<vmem>>) target(%dma_start3A_2767 : memref<50x32xf32, #tpu.memory_space<hbm>>) target_semaphore(%arg26 : memref<!tpu.dma_semaphore, #tpu.memory_space<semaphore_mem>>)
      %mul3A_2771 = arith.constant 16 : i32
      %mul3A_2772 = arith.muli %add3A_2732, %mul3A_2771 : i32
      %add3A_2773 = arith.addi %mul3A_4, %mul3A_2772 : i32
      %add3A_2774 = arith.constant 2 : i32
      %add3A_2775 = arith.addi %add3A_2773, %add3A_2774 : i32
      %dma_start3A_2776 = arith.constant 100 : i32
      %dma_start3A_2777 = arith.constant 0 : i32
      %dma_start3A_2778 = tpu.memref_slice %arg10[%dma_start3A_2776, %dma_start3A_2777] : memref<800x32xf32, #tpu.memory_space<vmem>> -> memref<50x32xf32, #tpu.memory_space<vmem>>
      %dma_start3A_2779 = arith.constant 0 : i32
      %dma_start3A_2780 = arith.constant 0 : i32
      %dma_start3A_2781 = tpu.memref_slice %arg4[%add3A_2775, %dma_start3A_2779, %dma_start3A_2780] : memref<16384x50x32xf32, #tpu.memory_space<hbm>> -> memref<1x50x32xf32, #tpu.memory_space<hbm>>
      %dma_start3A_2782 = tpu.memref_squeeze %dma_start3A_2781 : memref<1x50x32xf32, #tpu.memory_space<hbm>> -> memref<50x32xf32, #tpu.memory_space<hbm>>
      %dma_start3A_2783 = arith.constant 0 : i32
      %dma_start3A_2784 = arith.constant 0 : i32
      %dma_start3A_2785 = tpu.memref_slice %arg4[%add3A_2775, %dma_start3A_2783, %dma_start3A_2784] : memref<16384x50x32xf32, #tpu.memory_space<hbm>> -> memref<1x50x32xf32, #tpu.memory_space<hbm>>
      %dma_start3A_2786 = tpu.memref_squeeze %dma_start3A_2785 : memref<1x50x32xf32, #tpu.memory_space<hbm>> -> memref<50x32xf32, #tpu.memory_space<hbm>>
      %dma_start3A_2787 = arith.constant 100 : i32
      %dma_start3A_2788 = arith.constant 0 : i32
      %dma_start3A_2789 = tpu.memref_slice %arg10[%dma_start3A_2787, %dma_start3A_2788] : memref<800x32xf32, #tpu.memory_space<vmem>> -> memref<50x32xf32, #tpu.memory_space<vmem>>
      tpu.enqueue_dma source(%dma_start3A_2789 : memref<50x32xf32, #tpu.memory_space<vmem>>) target(%dma_start3A_2786 : memref<50x32xf32, #tpu.memory_space<hbm>>) target_semaphore(%arg26 : memref<!tpu.dma_semaphore, #tpu.memory_space<semaphore_mem>>)
      %mul3A_2790 = arith.constant 16 : i32
      %mul3A_2791 = arith.muli %add3A_2732, %mul3A_2790 : i32
      %add3A_2792 = arith.addi %mul3A_4, %mul3A_2791 : i32
      %add3A_2793 = arith.constant 3 : i32
      %add3A_2794 = arith.addi %add3A_2792, %add3A_2793 : i32
      %dma_start3A_2795 = arith.constant 150 : i32
      %dma_start3A_2796 = arith.constant 0 : i32
      %dma_start3A_2797 = tpu.memref_slice %arg10[%dma_start3A_2795, %dma_start3A_2796] : memref<800x32xf32, #tpu.memory_space<vmem>> -> memref<50x32xf32, #tpu.memory_space<vmem>>
      %dma_start3A_2798 = arith.constant 0 : i32
      %dma_start3A_2799 = arith.constant 0 : i32
      %dma_start3A_2800 = tpu.memref_slice %arg4[%add3A_2794, %dma_start3A_2798, %dma_start3A_2799] : memref<16384x50x32xf32, #tpu.memory_space<hbm>> -> memref<1x50x32xf32, #tpu.memory_space<hbm>>
      %dma_start3A_2801 = tpu.memref_squeeze %dma_start3A_2800 : memref<1x50x32xf32, #tpu.memory_space<hbm>> -> memref<50x32xf32, #tpu.memory_space<hbm>>
      %dma_start3A_2802 = arith.constant 0 : i32
      %dma_start3A_2803 = arith.constant 0 : i32
      %dma_start3A_2804 = tpu.memref_slice %arg4[%add3A_2794, %dma_start3A_2802, %dma_start3A_2803] : memref<16384x50x32xf32, #tpu.memory_space<hbm>> -> memref<1x50x32xf32, #tpu.memory_space<hbm>>
      %dma_start3A_2805 = tpu.memref_squeeze %dma_start3A_2804 : memref<1x50x32xf32, #tpu.memory_space<hbm>> -> memref<50x32xf32, #tpu.memory_space<hbm>>
      %dma_start3A_2806 = arith.constant 150 : i32
      %dma_start3A_2807 = arith.constant 0 : i32
      %dma_start3A_2808 = tpu.memref_slice %arg10[%dma_start3A_2806, %dma_start3A_2807] : memref<800x32xf32, #tpu.memory_space<vmem>> -> memref<50x32xf32, #tpu.memory_space<vmem>>
      tpu.enqueue_dma source(%dma_start3A_2808 : memref<50x32xf32, #tpu.memory_space<vmem>>) target(%dma_start3A_2805 : memref<50x32xf32, #tpu.memory_space<hbm>>) target_semaphore(%arg26 : memref<!tpu.dma_semaphore, #tpu.memory_space<semaphore_mem>>)
      %mul3A_2809 = arith.constant 16 : i32
      %mul3A_2810 = arith.muli %add3A_2732, %mul3A_2809 : i32
      %add3A_2811 = arith.addi %mul3A_4, %mul3A_2810 : i32
      %add3A_2812 = arith.constant 4 : i32
      %add3A_2813 = arith.addi %add3A_2811, %add3A_2812 : i32
      %dma_start3A_2814 = arith.constant 200 : i32
      %dma_start3A_2815 = arith.constant 0 : i32
      %dma_start3A_2816 = tpu.memref_slice %arg10[%dma_start3A_2814, %dma_start3A_2815] : memref<800x32xf32, #tpu.memory_space<vmem>> -> memref<50x32xf32, #tpu.memory_space<vmem>>
      %dma_start3A_2817 = arith.constant 0 : i32
      %dma_start3A_2818 = arith.constant 0 : i32
      %dma_start3A_2819 = tpu.memref_slice %arg4[%add3A_2813, %dma_start3A_2817, %dma_start3A_2818] : memref<16384x50x32xf32, #tpu.memory_space<hbm>> -> memref<1x50x32xf32, #tpu.memory_space<hbm>>
      %dma_start3A_2820 = tpu.memref_squeeze %dma_start3A_2819 : memref<1x50x32xf32, #tpu.memory_space<hbm>> -> memref<50x32xf32, #tpu.memory_space<hbm>>
      %dma_start3A_2821 = arith.constant 0 : i32
      %dma_start3A_2822 = arith.constant 0 : i32
      %dma_start3A_2823 = tpu.memref_slice %arg4[%add3A_2813, %dma_start3A_2821, %dma_start3A_2822] : memref<16384x50x32xf32, #tpu.memory_space<hbm>> -> memref<1x50x32xf32, #tpu.memory_space<hbm>>
      %dma_start3A_2824 = tpu.memref_squeeze %dma_start3A_2823 : memref<1x50x32xf32, #tpu.memory_space<hbm>> -> memref<50x32xf32, #tpu.memory_space<hbm>>
      %dma_start3A_2825 = arith.constant 200 : i32
      %dma_start3A_2826 = arith.constant 0 : i32
      %dma_start3A_2827 = tpu.memref_slice %arg10[%dma_start3A_2825, %dma_start3A_2826] : memref<800x32xf32, #tpu.memory_space<vmem>> -> memref<50x32xf32, #tpu.memory_space<vmem>>
      tpu.enqueue_dma source(%dma_start3A_2827 : memref<50x32xf32, #tpu.memory_space<vmem>>) target(%dma_start3A_2824 : memref<50x32xf32, #tpu.memory_space<hbm>>) target_semaphore(%arg26 : memref<!tpu.dma_semaphore, #tpu.memory_space<semaphore_mem>>)
      %mul3A_2828 = arith.constant 16 : i32
      %mul3A_2829 = arith.muli %add3A_2732, %mul3A_2828 : i32
      %add3A_2830 = arith.addi %mul3A_4, %mul3A_2829 : i32
      %add3A_2831 = arith.constant 5 : i32
      %add3A_2832 = arith.addi %add3A_2830, %add3A_2831 : i32
      %dma_start3A_2833 = arith.constant 250 : i32
      %dma_start3A_2834 = arith.constant 0 : i32
      %dma_start3A_2835 = tpu.memref_slice %arg10[%dma_start3A_2833, %dma_start3A_2834] : memref<800x32xf32, #tpu.memory_space<vmem>> -> memref<50x32xf32, #tpu.memory_space<vmem>>
      %dma_start3A_2836 = arith.constant 0 : i32
      %dma_start3A_2837 = arith.constant 0 : i32
      %dma_start3A_2838 = tpu.memref_slice %arg4[%add3A_2832, %dma_start3A_2836, %dma_start3A_2837] : memref<16384x50x32xf32, #tpu.memory_space<hbm>> -> memref<1x50x32xf32, #tpu.memory_space<hbm>>
      %dma_start3A_2839 = tpu.memref_squeeze %dma_start3A_2838 : memref<1x50x32xf32, #tpu.memory_space<hbm>> -> memref<50x32xf32, #tpu.memory_space<hbm>>
      %dma_start3A_2840 = arith.constant 0 : i32
      %dma_start3A_2841 = arith.constant 0 : i32
      %dma_start3A_2842 = tpu.memref_slice %arg4[%add3A_2832, %dma_start3A_2840, %dma_start3A_2841] : memref<16384x50x32xf32, #tpu.memory_space<hbm>> -> memref<1x50x32xf32, #tpu.memory_space<hbm>>
      %dma_start3A_2843 = tpu.memref_squeeze %dma_start3A_2842 : memref<1x50x32xf32, #tpu.memory_space<hbm>> -> memref<50x32xf32, #tpu.memory_space<hbm>>
      %dma_start3A_2844 = arith.constant 250 : i32
      %dma_start3A_2845 = arith.constant 0 : i32
      %dma_start3A_2846 = tpu.memref_slice %arg10[%dma_start3A_2844, %dma_start3A_2845] : memref<800x32xf32, #tpu.memory_space<vmem>> -> memref<50x32xf32, #tpu.memory_space<vmem>>
      tpu.enqueue_dma source(%dma_start3A_2846 : memref<50x32xf32, #tpu.memory_space<vmem>>) target(%dma_start3A_2843 : memref<50x32xf32, #tpu.memory_space<hbm>>) target_semaphore(%arg26 : memref<!tpu.dma_semaphore, #tpu.memory_space<semaphore_mem>>)
      %mul3A_2847 = arith.constant 16 : i32
      %mul3A_2848 = arith.muli %add3A_2732, %mul3A_2847 : i32
      %add3A_2849 = arith.addi %mul3A_4, %mul3A_2848 : i32
      %add3A_2850 = arith.constant 6 : i32
      %add3A_2851 = arith.addi %add3A_2849, %add3A_2850 : i32
      %dma_start3A_2852 = arith.constant 300 : i32
      %dma_start3A_2853 = arith.constant 0 : i32
      %dma_start3A_2854 = tpu.memref_slice %arg10[%dma_start3A_2852, %dma_start3A_2853] : memref<800x32xf32, #tpu.memory_space<vmem>> -> memref<50x32xf32, #tpu.memory_space<vmem>>
      %dma_start3A_2855 = arith.constant 0 : i32
      %dma_start3A_2856 = arith.constant 0 : i32
      %dma_start3A_2857 = tpu.memref_slice %arg4[%add3A_2851, %dma_start3A_2855, %dma_start3A_2856] : memref<16384x50x32xf32, #tpu.memory_space<hbm>> -> memref<1x50x32xf32, #tpu.memory_space<hbm>>
      %dma_start3A_2858 = tpu.memref_squeeze %dma_start3A_2857 : memref<1x50x32xf32, #tpu.memory_space<hbm>> -> memref<50x32xf32, #tpu.memory_space<hbm>>
      %dma_start3A_2859 = arith.constant 0 : i32
      %dma_start3A_2860 = arith.constant 0 : i32
      %dma_start3A_2861 = tpu.memref_slice %arg4[%add3A_2851, %dma_start3A_2859, %dma_start3A_2860] : memref<16384x50x32xf32, #tpu.memory_space<hbm>> -> memref<1x50x32xf32, #tpu.memory_space<hbm>>
      %dma_start3A_2862 = tpu.memref_squeeze %dma_start3A_2861 : memref<1x50x32xf32, #tpu.memory_space<hbm>> -> memref<50x32xf32, #tpu.memory_space<hbm>>
      %dma_start3A_2863 = arith.constant 300 : i32
      %dma_start3A_2864 = arith.constant 0 : i32
      %dma_start3A_2865 = tpu.memref_slice %arg10[%dma_start3A_2863, %dma_start3A_2864] : memref<800x32xf32, #tpu.memory_space<vmem>> -> memref<50x32xf32, #tpu.memory_space<vmem>>
      tpu.enqueue_dma source(%dma_start3A_2865 : memref<50x32xf32, #tpu.memory_space<vmem>>) target(%dma_start3A_2862 : memref<50x32xf32, #tpu.memory_space<hbm>>) target_semaphore(%arg26 : memref<!tpu.dma_semaphore, #tpu.memory_space<semaphore_mem>>)
      %mul3A_2866 = arith.constant 16 : i32
      %mul3A_2867 = arith.muli %add3A_2732, %mul3A_2866 : i32
      %add3A_2868 = arith.addi %mul3A_4, %mul3A_2867 : i32
      %add3A_2869 = arith.constant 7 : i32
      %add3A_2870 = arith.addi %add3A_2868, %add3A_2869 : i32
      %dma_start3A_2871 = arith.constant 350 : i32
      %dma_start3A_2872 = arith.constant 0 : i32
      %dma_start3A_2873 = tpu.memref_slice %arg10[%dma_start3A_2871, %dma_start3A_2872] : memref<800x32xf32, #tpu.memory_space<vmem>> -> memref<50x32xf32, #tpu.memory_space<vmem>>
      %dma_start3A_2874 = arith.constant 0 : i32
      %dma_start3A_2875 = arith.constant 0 : i32
      %dma_start3A_2876 = tpu.memref_slice %arg4[%add3A_2870, %dma_start3A_2874, %dma_start3A_2875] : memref<16384x50x32xf32, #tpu.memory_space<hbm>> -> memref<1x50x32xf32, #tpu.memory_space<hbm>>
      %dma_start3A_2877 = tpu.memref_squeeze %dma_start3A_2876 : memref<1x50x32xf32, #tpu.memory_space<hbm>> -> memref<50x32xf32, #tpu.memory_space<hbm>>
      %dma_start3A_2878 = arith.constant 0 : i32
      %dma_start3A_2879 = arith.constant 0 : i32
      %dma_start3A_2880 = tpu.memref_slice %arg4[%add3A_2870, %dma_start3A_2878, %dma_start3A_2879] : memref<16384x50x32xf32, #tpu.memory_space<hbm>> -> memref<1x50x32xf32, #tpu.memory_space<hbm>>
      %dma_start3A_2881 = tpu.memref_squeeze %dma_start3A_2880 : memref<1x50x32xf32, #tpu.memory_space<hbm>> -> memref<50x32xf32, #tpu.memory_space<hbm>>
      %dma_start3A_2882 = arith.constant 350 : i32
      %dma_start3A_2883 = arith.constant 0 : i32
      %dma_start3A_2884 = tpu.memref_slice %arg10[%dma_start3A_2882, %dma_start3A_2883] : memref<800x32xf32, #tpu.memory_space<vmem>> -> memref<50x32xf32, #tpu.memory_space<vmem>>
      tpu.enqueue_dma source(%dma_start3A_2884 : memref<50x32xf32, #tpu.memory_space<vmem>>) target(%dma_start3A_2881 : memref<50x32xf32, #tpu.memory_space<hbm>>) target_semaphore(%arg26 : memref<!tpu.dma_semaphore, #tpu.memory_space<semaphore_mem>>)
      %mul3A_2885 = arith.constant 16 : i32
      %mul3A_2886 = arith.muli %add3A_2732, %mul3A_2885 : i32
      %add3A_2887 = arith.addi %mul3A_4, %mul3A_2886 : i32
      %add3A_2888 = arith.constant 8 : i32
      %add3A_2889 = arith.addi %add3A_2887, %add3A_2888 : i32
      %dma_start3A_2890 = arith.constant 400 : i32
      %dma_start3A_2891 = arith.constant 0 : i32
      %dma_start3A_2892 = tpu.memref_slice %arg10[%dma_start3A_2890, %dma_start3A_2891] : memref<800x32xf32, #tpu.memory_space<vmem>> -> memref<50x32xf32, #tpu.memory_space<vmem>>
      %dma_start3A_2893 = arith.constant 0 : i32
      %dma_start3A_2894 = arith.constant 0 : i32
      %dma_start3A_2895 = tpu.memref_slice %arg4[%add3A_2889, %dma_start3A_2893, %dma_start3A_2894] : memref<16384x50x32xf32, #tpu.memory_space<hbm>> -> memref<1x50x32xf32, #tpu.memory_space<hbm>>
      %dma_start3A_2896 = tpu.memref_squeeze %dma_start3A_2895 : memref<1x50x32xf32, #tpu.memory_space<hbm>> -> memref<50x32xf32, #tpu.memory_space<hbm>>
      %dma_start3A_2897 = arith.constant 0 : i32
      %dma_start3A_2898 = arith.constant 0 : i32
      %dma_start3A_2899 = tpu.memref_slice %arg4[%add3A_2889, %dma_start3A_2897, %dma_start3A_2898] : memref<16384x50x32xf32, #tpu.memory_space<hbm>> -> memref<1x50x32xf32, #tpu.memory_space<hbm>>
      %dma_start3A_2900 = tpu.memref_squeeze %dma_start3A_2899 : memref<1x50x32xf32, #tpu.memory_space<hbm>> -> memref<50x32xf32, #tpu.memory_space<hbm>>
      %dma_start3A_2901 = arith.constant 400 : i32
      %dma_start3A_2902 = arith.constant 0 : i32
      %dma_start3A_2903 = tpu.memref_slice %arg10[%dma_start3A_2901, %dma_start3A_2902] : memref<800x32xf32, #tpu.memory_space<vmem>> -> memref<50x32xf32, #tpu.memory_space<vmem>>
      tpu.enqueue_dma source(%dma_start3A_2903 : memref<50x32xf32, #tpu.memory_space<vmem>>) target(%dma_start3A_2900 : memref<50x32xf32, #tpu.memory_space<hbm>>) target_semaphore(%arg26 : memref<!tpu.dma_semaphore, #tpu.memory_space<semaphore_mem>>)
      %mul3A_2904 = arith.constant 16 : i32
      %mul3A_2905 = arith.muli %add3A_2732, %mul3A_2904 : i32
      %add3A_2906 = arith.addi %mul3A_4, %mul3A_2905 : i32
      %add3A_2907 = arith.constant 9 : i32
      %add3A_2908 = arith.addi %add3A_2906, %add3A_2907 : i32
      %dma_start3A_2909 = arith.constant 450 : i32
      %dma_start3A_2910 = arith.constant 0 : i32
      %dma_start3A_2911 = tpu.memref_slice %arg10[%dma_start3A_2909, %dma_start3A_2910] : memref<800x32xf32, #tpu.memory_space<vmem>> -> memref<50x32xf32, #tpu.memory_space<vmem>>
      %dma_start3A_2912 = arith.constant 0 : i32
      %dma_start3A_2913 = arith.constant 0 : i32
      %dma_start3A_2914 = tpu.memref_slice %arg4[%add3A_2908, %dma_start3A_2912, %dma_start3A_2913] : memref<16384x50x32xf32, #tpu.memory_space<hbm>> -> memref<1x50x32xf32, #tpu.memory_space<hbm>>
      %dma_start3A_2915 = tpu.memref_squeeze %dma_start3A_2914 : memref<1x50x32xf32, #tpu.memory_space<hbm>> -> memref<50x32xf32, #tpu.memory_space<hbm>>
      %dma_start3A_2916 = arith.constant 0 : i32
      %dma_start3A_2917 = arith.constant 0 : i32
      %dma_start3A_2918 = tpu.memref_slice %arg4[%add3A_2908, %dma_start3A_2916, %dma_start3A_2917] : memref<16384x50x32xf32, #tpu.memory_space<hbm>> -> memref<1x50x32xf32, #tpu.memory_space<hbm>>
      %dma_start3A_2919 = tpu.memref_squeeze %dma_start3A_2918 : memref<1x50x32xf32, #tpu.memory_space<hbm>> -> memref<50x32xf32, #tpu.memory_space<hbm>>
      %dma_start3A_2920 = arith.constant 450 : i32
      %dma_start3A_2921 = arith.constant 0 : i32
      %dma_start3A_2922 = tpu.memref_slice %arg10[%dma_start3A_2920, %dma_start3A_2921] : memref<800x32xf32, #tpu.memory_space<vmem>> -> memref<50x32xf32, #tpu.memory_space<vmem>>
      tpu.enqueue_dma source(%dma_start3A_2922 : memref<50x32xf32, #tpu.memory_space<vmem>>) target(%dma_start3A_2919 : memref<50x32xf32, #tpu.memory_space<hbm>>) target_semaphore(%arg26 : memref<!tpu.dma_semaphore, #tpu.memory_space<semaphore_mem>>)
      %mul3A_2923 = arith.constant 16 : i32
      %mul3A_2924 = arith.muli %add3A_2732, %mul3A_2923 : i32
      %add3A_2925 = arith.addi %mul3A_4, %mul3A_2924 : i32
      %add3A_2926 = arith.constant 10 : i32
      %add3A_2927 = arith.addi %add3A_2925, %add3A_2926 : i32
      %dma_start3A_2928 = arith.constant 500 : i32
      %dma_start3A_2929 = arith.constant 0 : i32
      %dma_start3A_2930 = tpu.memref_slice %arg10[%dma_start3A_2928, %dma_start3A_2929] : memref<800x32xf32, #tpu.memory_space<vmem>> -> memref<50x32xf32, #tpu.memory_space<vmem>>
      %dma_start3A_2931 = arith.constant 0 : i32
      %dma_start3A_2932 = arith.constant 0 : i32
      %dma_start3A_2933 = tpu.memref_slice %arg4[%add3A_2927, %dma_start3A_2931, %dma_start3A_2932] : memref<16384x50x32xf32, #tpu.memory_space<hbm>> -> memref<1x50x32xf32, #tpu.memory_space<hbm>>
      %dma_start3A_2934 = tpu.memref_squeeze %dma_start3A_2933 : memref<1x50x32xf32, #tpu.memory_space<hbm>> -> memref<50x32xf32, #tpu.memory_space<hbm>>
      %dma_start3A_2935 = arith.constant 0 : i32
      %dma_start3A_2936 = arith.constant 0 : i32
      %dma_start3A_2937 = tpu.memref_slice %arg4[%add3A_2927, %dma_start3A_2935, %dma_start3A_2936] : memref<16384x50x32xf32, #tpu.memory_space<hbm>> -> memref<1x50x32xf32, #tpu.memory_space<hbm>>
      %dma_start3A_2938 = tpu.memref_squeeze %dma_start3A_2937 : memref<1x50x32xf32, #tpu.memory_space<hbm>> -> memref<50x32xf32, #tpu.memory_space<hbm>>
      %dma_start3A_2939 = arith.constant 500 : i32
      %dma_start3A_2940 = arith.constant 0 : i32
      %dma_start3A_2941 = tpu.memref_slice %arg10[%dma_start3A_2939, %dma_start3A_2940] : memref<800x32xf32, #tpu.memory_space<vmem>> -> memref<50x32xf32, #tpu.memory_space<vmem>>
      tpu.enqueue_dma source(%dma_start3A_2941 : memref<50x32xf32, #tpu.memory_space<vmem>>) target(%dma_start3A_2938 : memref<50x32xf32, #tpu.memory_space<hbm>>) target_semaphore(%arg26 : memref<!tpu.dma_semaphore, #tpu.memory_space<semaphore_mem>>)
      %mul3A_2942 = arith.constant 16 : i32
      %mul3A_2943 = arith.muli %add3A_2732, %mul3A_2942 : i32
      %add3A_2944 = arith.addi %mul3A_4, %mul3A_2943 : i32
      %add3A_2945 = arith.constant 11 : i32
      %add3A_2946 = arith.addi %add3A_2944, %add3A_2945 : i32
      %dma_start3A_2947 = arith.constant 550 : i32
      %dma_start3A_2948 = arith.constant 0 : i32
      %dma_start3A_2949 = tpu.memref_slice %arg10[%dma_start3A_2947, %dma_start3A_2948] : memref<800x32xf32, #tpu.memory_space<vmem>> -> memref<50x32xf32, #tpu.memory_space<vmem>>
      %dma_start3A_2950 = arith.constant 0 : i32
      %dma_start3A_2951 = arith.constant 0 : i32
      %dma_start3A_2952 = tpu.memref_slice %arg4[%add3A_2946, %dma_start3A_2950, %dma_start3A_2951] : memref<16384x50x32xf32, #tpu.memory_space<hbm>> -> memref<1x50x32xf32, #tpu.memory_space<hbm>>
      %dma_start3A_2953 = tpu.memref_squeeze %dma_start3A_2952 : memref<1x50x32xf32, #tpu.memory_space<hbm>> -> memref<50x32xf32, #tpu.memory_space<hbm>>
      %dma_start3A_2954 = arith.constant 0 : i32
      %dma_start3A_2955 = arith.constant 0 : i32
      %dma_start3A_2956 = tpu.memref_slice %arg4[%add3A_2946, %dma_start3A_2954, %dma_start3A_2955] : memref<16384x50x32xf32, #tpu.memory_space<hbm>> -> memref<1x50x32xf32, #tpu.memory_space<hbm>>
      %dma_start3A_2957 = tpu.memref_squeeze %dma_start3A_2956 : memref<1x50x32xf32, #tpu.memory_space<hbm>> -> memref<50x32xf32, #tpu.memory_space<hbm>>
      %dma_start3A_2958 = arith.constant 550 : i32
      %dma_start3A_2959 = arith.constant 0 : i32
      %dma_start3A_2960 = tpu.memref_slice %arg10[%dma_start3A_2958, %dma_start3A_2959] : memref<800x32xf32, #tpu.memory_space<vmem>> -> memref<50x32xf32, #tpu.memory_space<vmem>>
      tpu.enqueue_dma source(%dma_start3A_2960 : memref<50x32xf32, #tpu.memory_space<vmem>>) target(%dma_start3A_2957 : memref<50x32xf32, #tpu.memory_space<hbm>>) target_semaphore(%arg26 : memref<!tpu.dma_semaphore, #tpu.memory_space<semaphore_mem>>)
      %mul3A_2961 = arith.constant 16 : i32
      %mul3A_2962 = arith.muli %add3A_2732, %mul3A_2961 : i32
      %add3A_2963 = arith.addi %mul3A_4, %mul3A_2962 : i32
      %add3A_2964 = arith.constant 12 : i32
      %add3A_2965 = arith.addi %add3A_2963, %add3A_2964 : i32
      %dma_start3A_2966 = arith.constant 600 : i32
      %dma_start3A_2967 = arith.constant 0 : i32
      %dma_start3A_2968 = tpu.memref_slice %arg10[%dma_start3A_2966, %dma_start3A_2967] : memref<800x32xf32, #tpu.memory_space<vmem>> -> memref<50x32xf32, #tpu.memory_space<vmem>>
      %dma_start3A_2969 = arith.constant 0 : i32
      %dma_start3A_2970 = arith.constant 0 : i32
      %dma_start3A_2971 = tpu.memref_slice %arg4[%add3A_2965, %dma_start3A_2969, %dma_start3A_2970] : memref<16384x50x32xf32, #tpu.memory_space<hbm>> -> memref<1x50x32xf32, #tpu.memory_space<hbm>>
      %dma_start3A_2972 = tpu.memref_squeeze %dma_start3A_2971 : memref<1x50x32xf32, #tpu.memory_space<hbm>> -> memref<50x32xf32, #tpu.memory_space<hbm>>
      %dma_start3A_2973 = arith.constant 0 : i32
      %dma_start3A_2974 = arith.constant 0 : i32
      %dma_start3A_2975 = tpu.memref_slice %arg4[%add3A_2965, %dma_start3A_2973, %dma_start3A_2974] : memref<16384x50x32xf32, #tpu.memory_space<hbm>> -> memref<1x50x32xf32, #tpu.memory_space<hbm>>
      %dma_start3A_2976 = tpu.memref_squeeze %dma_start3A_2975 : memref<1x50x32xf32, #tpu.memory_space<hbm>> -> memref<50x32xf32, #tpu.memory_space<hbm>>
      %dma_start3A_2977 = arith.constant 600 : i32
      %dma_start3A_2978 = arith.constant 0 : i32
      %dma_start3A_2979 = tpu.memref_slice %arg10[%dma_start3A_2977, %dma_start3A_2978] : memref<800x32xf32, #tpu.memory_space<vmem>> -> memref<50x32xf32, #tpu.memory_space<vmem>>
      tpu.enqueue_dma source(%dma_start3A_2979 : memref<50x32xf32, #tpu.memory_space<vmem>>) target(%dma_start3A_2976 : memref<50x32xf32, #tpu.memory_space<hbm>>) target_semaphore(%arg26 : memref<!tpu.dma_semaphore, #tpu.memory_space<semaphore_mem>>)
      %mul3A_2980 = arith.constant 16 : i32
      %mul3A_2981 = arith.muli %add3A_2732, %mul3A_2980 : i32
      %add3A_2982 = arith.addi %mul3A_4, %mul3A_2981 : i32
      %add3A_2983 = arith.constant 13 : i32
      %add3A_2984 = arith.addi %add3A_2982, %add3A_2983 : i32
      %dma_start3A_2985 = arith.constant 650 : i32
      %dma_start3A_2986 = arith.constant 0 : i32
      %dma_start3A_2987 = tpu.memref_slice %arg10[%dma_start3A_2985, %dma_start3A_2986] : memref<800x32xf32, #tpu.memory_space<vmem>> -> memref<50x32xf32, #tpu.memory_space<vmem>>
      %dma_start3A_2988 = arith.constant 0 : i32
      %dma_start3A_2989 = arith.constant 0 : i32
      %dma_start3A_2990 = tpu.memref_slice %arg4[%add3A_2984, %dma_start3A_2988, %dma_start3A_2989] : memref<16384x50x32xf32, #tpu.memory_space<hbm>> -> memref<1x50x32xf32, #tpu.memory_space<hbm>>
      %dma_start3A_2991 = tpu.memref_squeeze %dma_start3A_2990 : memref<1x50x32xf32, #tpu.memory_space<hbm>> -> memref<50x32xf32, #tpu.memory_space<hbm>>
      %dma_start3A_2992 = arith.constant 0 : i32
      %dma_start3A_2993 = arith.constant 0 : i32
      %dma_start3A_2994 = tpu.memref_slice %arg4[%add3A_2984, %dma_start3A_2992, %dma_start3A_2993] : memref<16384x50x32xf32, #tpu.memory_space<hbm>> -> memref<1x50x32xf32, #tpu.memory_space<hbm>>
      %dma_start3A_2995 = tpu.memref_squeeze %dma_start3A_2994 : memref<1x50x32xf32, #tpu.memory_space<hbm>> -> memref<50x32xf32, #tpu.memory_space<hbm>>
      %dma_start3A_2996 = arith.constant 650 : i32
      %dma_start3A_2997 = arith.constant 0 : i32
      %dma_start3A_2998 = tpu.memref_slice %arg10[%dma_start3A_2996, %dma_start3A_2997] : memref<800x32xf32, #tpu.memory_space<vmem>> -> memref<50x32xf32, #tpu.memory_space<vmem>>
      tpu.enqueue_dma source(%dma_start3A_2998 : memref<50x32xf32, #tpu.memory_space<vmem>>) target(%dma_start3A_2995 : memref<50x32xf32, #tpu.memory_space<hbm>>) target_semaphore(%arg26 : memref<!tpu.dma_semaphore, #tpu.memory_space<semaphore_mem>>)
      %mul3A_2999 = arith.constant 16 : i32
      %mul3A_3000 = arith.muli %add3A_2732, %mul3A_2999 : i32
      %add3A_3001 = arith.addi %mul3A_4, %mul3A_3000 : i32
      %add3A_3002 = arith.constant 14 : i32
      %add3A_3003 = arith.addi %add3A_3001, %add3A_3002 : i32
      %dma_start3A_3004 = arith.constant 700 : i32
      %dma_start3A_3005 = arith.constant 0 : i32
      %dma_start3A_3006 = tpu.memref_slice %arg10[%dma_start3A_3004, %dma_start3A_3005] : memref<800x32xf32, #tpu.memory_space<vmem>> -> memref<50x32xf32, #tpu.memory_space<vmem>>
      %dma_start3A_3007 = arith.constant 0 : i32
      %dma_start3A_3008 = arith.constant 0 : i32
      %dma_start3A_3009 = tpu.memref_slice %arg4[%add3A_3003, %dma_start3A_3007, %dma_start3A_3008] : memref<16384x50x32xf32, #tpu.memory_space<hbm>> -> memref<1x50x32xf32, #tpu.memory_space<hbm>>
      %dma_start3A_3010 = tpu.memref_squeeze %dma_start3A_3009 : memref<1x50x32xf32, #tpu.memory_space<hbm>> -> memref<50x32xf32, #tpu.memory_space<hbm>>
      %dma_start3A_3011 = arith.constant 0 : i32
      %dma_start3A_3012 = arith.constant 0 : i32
      %dma_start3A_3013 = tpu.memref_slice %arg4[%add3A_3003, %dma_start3A_3011, %dma_start3A_3012] : memref<16384x50x32xf32, #tpu.memory_space<hbm>> -> memref<1x50x32xf32, #tpu.memory_space<hbm>>
      %dma_start3A_3014 = tpu.memref_squeeze %dma_start3A_3013 : memref<1x50x32xf32, #tpu.memory_space<hbm>> -> memref<50x32xf32, #tpu.memory_space<hbm>>
      %dma_start3A_3015 = arith.constant 700 : i32
      %dma_start3A_3016 = arith.constant 0 : i32
      %dma_start3A_3017 = tpu.memref_slice %arg10[%dma_start3A_3015, %dma_start3A_3016] : memref<800x32xf32, #tpu.memory_space<vmem>> -> memref<50x32xf32, #tpu.memory_space<vmem>>
      tpu.enqueue_dma source(%dma_start3A_3017 : memref<50x32xf32, #tpu.memory_space<vmem>>) target(%dma_start3A_3014 : memref<50x32xf32, #tpu.memory_space<hbm>>) target_semaphore(%arg26 : memref<!tpu.dma_semaphore, #tpu.memory_space<semaphore_mem>>)
      %mul3A_3018 = arith.constant 16 : i32
      %mul3A_3019 = arith.muli %add3A_2732, %mul3A_3018 : i32
      %add3A_3020 = arith.addi %mul3A_4, %mul3A_3019 : i32
      %add3A_3021 = arith.constant 15 : i32
      %add3A_3022 = arith.addi %add3A_3020, %add3A_3021 : i32
      %dma_start3A_3023 = arith.constant 750 : i32
      %dma_start3A_3024 = arith.constant 0 : i32
      %dma_start3A_3025 = tpu.memref_slice %arg10[%dma_start3A_3023, %dma_start3A_3024] : memref<800x32xf32, #tpu.memory_space<vmem>> -> memref<50x32xf32, #tpu.memory_space<vmem>>
      %dma_start3A_3026 = arith.constant 0 : i32
      %dma_start3A_3027 = arith.constant 0 : i32
      %dma_start3A_3028 = tpu.memref_slice %arg4[%add3A_3022, %dma_start3A_3026, %dma_start3A_3027] : memref<16384x50x32xf32, #tpu.memory_space<hbm>> -> memref<1x50x32xf32, #tpu.memory_space<hbm>>
      %dma_start3A_3029 = tpu.memref_squeeze %dma_start3A_3028 : memref<1x50x32xf32, #tpu.memory_space<hbm>> -> memref<50x32xf32, #tpu.memory_space<hbm>>
      %dma_start3A_3030 = arith.constant 0 : i32
      %dma_start3A_3031 = arith.constant 0 : i32
      %dma_start3A_3032 = tpu.memref_slice %arg4[%add3A_3022, %dma_start3A_3030, %dma_start3A_3031] : memref<16384x50x32xf32, #tpu.memory_space<hbm>> -> memref<1x50x32xf32, #tpu.memory_space<hbm>>
      %dma_start3A_3033 = tpu.memref_squeeze %dma_start3A_3032 : memref<1x50x32xf32, #tpu.memory_space<hbm>> -> memref<50x32xf32, #tpu.memory_space<hbm>>
      %dma_start3A_3034 = arith.constant 750 : i32
      %dma_start3A_3035 = arith.constant 0 : i32
      %dma_start3A_3036 = tpu.memref_slice %arg10[%dma_start3A_3034, %dma_start3A_3035] : memref<800x32xf32, #tpu.memory_space<vmem>> -> memref<50x32xf32, #tpu.memory_space<vmem>>
      tpu.enqueue_dma source(%dma_start3A_3036 : memref<50x32xf32, #tpu.memory_space<vmem>>) target(%dma_start3A_3033 : memref<50x32xf32, #tpu.memory_space<hbm>>) target_semaphore(%arg26 : memref<!tpu.dma_semaphore, #tpu.memory_space<semaphore_mem>>)
      %dma_wait3A_3037 = arith.constant 0 : i32
      %dma_wait3A_3038 = arith.constant 0 : i32
      %dma_wait3A_3039 = tpu.memref_slice %arg3[%dma_wait3A_3037, %dma_wait3A_3038] : memref<1000000x32xf32, #tpu.memory_space<hbm>> -> memref<1000000x32xf32, #tpu.memory_space<hbm>>
      tpu.wait_indirect_dma semaphore(%arg23 : memref<!tpu.dma_semaphore, #tpu.memory_space<semaphore_mem>>) src(%dma_wait3A_3039 : memref<1000000x32xf32, #tpu.memory_space<hbm>>) dst(%arg11 : memref<800x32xf32, #tpu.memory_space<vmem>>)
      %add3A_3040 = arith.constant 2 : i32
      %add3A_3041 = arith.addi %mul3A_40, %add3A_3040 : i32
      %mul3A_3042 = arith.constant 16 : i32
      %mul3A_3043 = arith.muli %add3A_3041, %mul3A_3042 : i32
      %add3A_3044 = arith.addi %mul3A_4, %mul3A_3043 : i32
      %add3A_3045 = arith.constant 0 : i32
      %add3A_3046 = arith.addi %add3A_3044, %add3A_3045 : i32
      %dma_start3A_3047 = arith.constant 0 : i32
      %dma_start3A_3048 = arith.constant 0 : i32
      %dma_start3A_3049 = tpu.memref_slice %arg11[%dma_start3A_3047, %dma_start3A_3048] : memref<800x32xf32, #tpu.memory_space<vmem>> -> memref<50x32xf32, #tpu.memory_space<vmem>>
      %dma_start3A_3050 = arith.constant 0 : i32
      %dma_start3A_3051 = arith.constant 0 : i32
      %dma_start3A_3052 = tpu.memref_slice %arg4[%add3A_3046, %dma_start3A_3050, %dma_start3A_3051] : memref<16384x50x32xf32, #tpu.memory_space<hbm>> -> memref<1x50x32xf32, #tpu.memory_space<hbm>>
      %dma_start3A_3053 = tpu.memref_squeeze %dma_start3A_3052 : memref<1x50x32xf32, #tpu.memory_space<hbm>> -> memref<50x32xf32, #tpu.memory_space<hbm>>
      %dma_start3A_3054 = arith.constant 0 : i32
      %dma_start3A_3055 = arith.constant 0 : i32
      %dma_start3A_3056 = tpu.memref_slice %arg4[%add3A_3046, %dma_start3A_3054, %dma_start3A_3055] : memref<16384x50x32xf32, #tpu.memory_space<hbm>> -> memref<1x50x32xf32, #tpu.memory_space<hbm>>
      %dma_start3A_3057 = tpu.memref_squeeze %dma_start3A_3056 : memref<1x50x32xf32, #tpu.memory_space<hbm>> -> memref<50x32xf32, #tpu.memory_space<hbm>>
      %dma_start3A_3058 = arith.constant 0 : i32
      %dma_start3A_3059 = arith.constant 0 : i32
      %dma_start3A_3060 = tpu.memref_slice %arg11[%dma_start3A_3058, %dma_start3A_3059] : memref<800x32xf32, #tpu.memory_space<vmem>> -> memref<50x32xf32, #tpu.memory_space<vmem>>
      tpu.enqueue_dma source(%dma_start3A_3060 : memref<50x32xf32, #tpu.memory_space<vmem>>) target(%dma_start3A_3057 : memref<50x32xf32, #tpu.memory_space<hbm>>) target_semaphore(%arg27 : memref<!tpu.dma_semaphore, #tpu.memory_space<semaphore_mem>>)
      %mul3A_3061 = arith.constant 16 : i32
      %mul3A_3062 = arith.muli %add3A_3041, %mul3A_3061 : i32
      %add3A_3063 = arith.addi %mul3A_4, %mul3A_3062 : i32
      %add3A_3064 = arith.constant 1 : i32
      %add3A_3065 = arith.addi %add3A_3063, %add3A_3064 : i32
      %dma_start3A_3066 = arith.constant 50 : i32
      %dma_start3A_3067 = arith.constant 0 : i32
      %dma_start3A_3068 = tpu.memref_slice %arg11[%dma_start3A_3066, %dma_start3A_3067] : memref<800x32xf32, #tpu.memory_space<vmem>> -> memref<50x32xf32, #tpu.memory_space<vmem>>
      %dma_start3A_3069 = arith.constant 0 : i32
      %dma_start3A_3070 = arith.constant 0 : i32
      %dma_start3A_3071 = tpu.memref_slice %arg4[%add3A_3065, %dma_start3A_3069, %dma_start3A_3070] : memref<16384x50x32xf32, #tpu.memory_space<hbm>> -> memref<1x50x32xf32, #tpu.memory_space<hbm>>
      %dma_start3A_3072 = tpu.memref_squeeze %dma_start3A_3071 : memref<1x50x32xf32, #tpu.memory_space<hbm>> -> memref<50x32xf32, #tpu.memory_space<hbm>>
      %dma_start3A_3073 = arith.constant 0 : i32
      %dma_start3A_3074 = arith.constant 0 : i32
      %dma_start3A_3075 = tpu.memref_slice %arg4[%add3A_3065, %dma_start3A_3073, %dma_start3A_3074] : memref<16384x50x32xf32, #tpu.memory_space<hbm>> -> memref<1x50x32xf32, #tpu.memory_space<hbm>>
      %dma_start3A_3076 = tpu.memref_squeeze %dma_start3A_3075 : memref<1x50x32xf32, #tpu.memory_space<hbm>> -> memref<50x32xf32, #tpu.memory_space<hbm>>
      %dma_start3A_3077 = arith.constant 50 : i32
      %dma_start3A_3078 = arith.constant 0 : i32
      %dma_start3A_3079 = tpu.memref_slice %arg11[%dma_start3A_3077, %dma_start3A_3078] : memref<800x32xf32, #tpu.memory_space<vmem>> -> memref<50x32xf32, #tpu.memory_space<vmem>>
      tpu.enqueue_dma source(%dma_start3A_3079 : memref<50x32xf32, #tpu.memory_space<vmem>>) target(%dma_start3A_3076 : memref<50x32xf32, #tpu.memory_space<hbm>>) target_semaphore(%arg27 : memref<!tpu.dma_semaphore, #tpu.memory_space<semaphore_mem>>)
      %mul3A_3080 = arith.constant 16 : i32
      %mul3A_3081 = arith.muli %add3A_3041, %mul3A_3080 : i32
      %add3A_3082 = arith.addi %mul3A_4, %mul3A_3081 : i32
      %add3A_3083 = arith.constant 2 : i32
      %add3A_3084 = arith.addi %add3A_3082, %add3A_3083 : i32
      %dma_start3A_3085 = arith.constant 100 : i32
      %dma_start3A_3086 = arith.constant 0 : i32
      %dma_start3A_3087 = tpu.memref_slice %arg11[%dma_start3A_3085, %dma_start3A_3086] : memref<800x32xf32, #tpu.memory_space<vmem>> -> memref<50x32xf32, #tpu.memory_space<vmem>>
      %dma_start3A_3088 = arith.constant 0 : i32
      %dma_start3A_3089 = arith.constant 0 : i32
      %dma_start3A_3090 = tpu.memref_slice %arg4[%add3A_3084, %dma_start3A_3088, %dma_start3A_3089] : memref<16384x50x32xf32, #tpu.memory_space<hbm>> -> memref<1x50x32xf32, #tpu.memory_space<hbm>>
      %dma_start3A_3091 = tpu.memref_squeeze %dma_start3A_3090 : memref<1x50x32xf32, #tpu.memory_space<hbm>> -> memref<50x32xf32, #tpu.memory_space<hbm>>
      %dma_start3A_3092 = arith.constant 0 : i32
      %dma_start3A_3093 = arith.constant 0 : i32
      %dma_start3A_3094 = tpu.memref_slice %arg4[%add3A_3084, %dma_start3A_3092, %dma_start3A_3093] : memref<16384x50x32xf32, #tpu.memory_space<hbm>> -> memref<1x50x32xf32, #tpu.memory_space<hbm>>
      %dma_start3A_3095 = tpu.memref_squeeze %dma_start3A_3094 : memref<1x50x32xf32, #tpu.memory_space<hbm>> -> memref<50x32xf32, #tpu.memory_space<hbm>>
      %dma_start3A_3096 = arith.constant 100 : i32
      %dma_start3A_3097 = arith.constant 0 : i32
      %dma_start3A_3098 = tpu.memref_slice %arg11[%dma_start3A_3096, %dma_start3A_3097] : memref<800x32xf32, #tpu.memory_space<vmem>> -> memref<50x32xf32, #tpu.memory_space<vmem>>
      tpu.enqueue_dma source(%dma_start3A_3098 : memref<50x32xf32, #tpu.memory_space<vmem>>) target(%dma_start3A_3095 : memref<50x32xf32, #tpu.memory_space<hbm>>) target_semaphore(%arg27 : memref<!tpu.dma_semaphore, #tpu.memory_space<semaphore_mem>>)
      %mul3A_3099 = arith.constant 16 : i32
      %mul3A_3100 = arith.muli %add3A_3041, %mul3A_3099 : i32
      %add3A_3101 = arith.addi %mul3A_4, %mul3A_3100 : i32
      %add3A_3102 = arith.constant 3 : i32
      %add3A_3103 = arith.addi %add3A_3101, %add3A_3102 : i32
      %dma_start3A_3104 = arith.constant 150 : i32
      %dma_start3A_3105 = arith.constant 0 : i32
      %dma_start3A_3106 = tpu.memref_slice %arg11[%dma_start3A_3104, %dma_start3A_3105] : memref<800x32xf32, #tpu.memory_space<vmem>> -> memref<50x32xf32, #tpu.memory_space<vmem>>
      %dma_start3A_3107 = arith.constant 0 : i32
      %dma_start3A_3108 = arith.constant 0 : i32
      %dma_start3A_3109 = tpu.memref_slice %arg4[%add3A_3103, %dma_start3A_3107, %dma_start3A_3108] : memref<16384x50x32xf32, #tpu.memory_space<hbm>> -> memref<1x50x32xf32, #tpu.memory_space<hbm>>
      %dma_start3A_3110 = tpu.memref_squeeze %dma_start3A_3109 : memref<1x50x32xf32, #tpu.memory_space<hbm>> -> memref<50x32xf32, #tpu.memory_space<hbm>>
      %dma_start3A_3111 = arith.constant 0 : i32
      %dma_start3A_3112 = arith.constant 0 : i32
      %dma_start3A_3113 = tpu.memref_slice %arg4[%add3A_3103, %dma_start3A_3111, %dma_start3A_3112] : memref<16384x50x32xf32, #tpu.memory_space<hbm>> -> memref<1x50x32xf32, #tpu.memory_space<hbm>>
      %dma_start3A_3114 = tpu.memref_squeeze %dma_start3A_3113 : memref<1x50x32xf32, #tpu.memory_space<hbm>> -> memref<50x32xf32, #tpu.memory_space<hbm>>
      %dma_start3A_3115 = arith.constant 150 : i32
      %dma_start3A_3116 = arith.constant 0 : i32
      %dma_start3A_3117 = tpu.memref_slice %arg11[%dma_start3A_3115, %dma_start3A_3116] : memref<800x32xf32, #tpu.memory_space<vmem>> -> memref<50x32xf32, #tpu.memory_space<vmem>>
      tpu.enqueue_dma source(%dma_start3A_3117 : memref<50x32xf32, #tpu.memory_space<vmem>>) target(%dma_start3A_3114 : memref<50x32xf32, #tpu.memory_space<hbm>>) target_semaphore(%arg27 : memref<!tpu.dma_semaphore, #tpu.memory_space<semaphore_mem>>)
      %mul3A_3118 = arith.constant 16 : i32
      %mul3A_3119 = arith.muli %add3A_3041, %mul3A_3118 : i32
      %add3A_3120 = arith.addi %mul3A_4, %mul3A_3119 : i32
      %add3A_3121 = arith.constant 4 : i32
      %add3A_3122 = arith.addi %add3A_3120, %add3A_3121 : i32
      %dma_start3A_3123 = arith.constant 200 : i32
      %dma_start3A_3124 = arith.constant 0 : i32
      %dma_start3A_3125 = tpu.memref_slice %arg11[%dma_start3A_3123, %dma_start3A_3124] : memref<800x32xf32, #tpu.memory_space<vmem>> -> memref<50x32xf32, #tpu.memory_space<vmem>>
      %dma_start3A_3126 = arith.constant 0 : i32
      %dma_start3A_3127 = arith.constant 0 : i32
      %dma_start3A_3128 = tpu.memref_slice %arg4[%add3A_3122, %dma_start3A_3126, %dma_start3A_3127] : memref<16384x50x32xf32, #tpu.memory_space<hbm>> -> memref<1x50x32xf32, #tpu.memory_space<hbm>>
      %dma_start3A_3129 = tpu.memref_squeeze %dma_start3A_3128 : memref<1x50x32xf32, #tpu.memory_space<hbm>> -> memref<50x32xf32, #tpu.memory_space<hbm>>
      %dma_start3A_3130 = arith.constant 0 : i32
      %dma_start3A_3131 = arith.constant 0 : i32
      %dma_start3A_3132 = tpu.memref_slice %arg4[%add3A_3122, %dma_start3A_3130, %dma_start3A_3131] : memref<16384x50x32xf32, #tpu.memory_space<hbm>> -> memref<1x50x32xf32, #tpu.memory_space<hbm>>
      %dma_start3A_3133 = tpu.memref_squeeze %dma_start3A_3132 : memref<1x50x32xf32, #tpu.memory_space<hbm>> -> memref<50x32xf32, #tpu.memory_space<hbm>>
      %dma_start3A_3134 = arith.constant 200 : i32
      %dma_start3A_3135 = arith.constant 0 : i32
      %dma_start3A_3136 = tpu.memref_slice %arg11[%dma_start3A_3134, %dma_start3A_3135] : memref<800x32xf32, #tpu.memory_space<vmem>> -> memref<50x32xf32, #tpu.memory_space<vmem>>
      tpu.enqueue_dma source(%dma_start3A_3136 : memref<50x32xf32, #tpu.memory_space<vmem>>) target(%dma_start3A_3133 : memref<50x32xf32, #tpu.memory_space<hbm>>) target_semaphore(%arg27 : memref<!tpu.dma_semaphore, #tpu.memory_space<semaphore_mem>>)
      %mul3A_3137 = arith.constant 16 : i32
      %mul3A_3138 = arith.muli %add3A_3041, %mul3A_3137 : i32
      %add3A_3139 = arith.addi %mul3A_4, %mul3A_3138 : i32
      %add3A_3140 = arith.constant 5 : i32
      %add3A_3141 = arith.addi %add3A_3139, %add3A_3140 : i32
      %dma_start3A_3142 = arith.constant 250 : i32
      %dma_start3A_3143 = arith.constant 0 : i32
      %dma_start3A_3144 = tpu.memref_slice %arg11[%dma_start3A_3142, %dma_start3A_3143] : memref<800x32xf32, #tpu.memory_space<vmem>> -> memref<50x32xf32, #tpu.memory_space<vmem>>
      %dma_start3A_3145 = arith.constant 0 : i32
      %dma_start3A_3146 = arith.constant 0 : i32
      %dma_start3A_3147 = tpu.memref_slice %arg4[%add3A_3141, %dma_start3A_3145, %dma_start3A_3146] : memref<16384x50x32xf32, #tpu.memory_space<hbm>> -> memref<1x50x32xf32, #tpu.memory_space<hbm>>
      %dma_start3A_3148 = tpu.memref_squeeze %dma_start3A_3147 : memref<1x50x32xf32, #tpu.memory_space<hbm>> -> memref<50x32xf32, #tpu.memory_space<hbm>>
      %dma_start3A_3149 = arith.constant 0 : i32
      %dma_start3A_3150 = arith.constant 0 : i32
      %dma_start3A_3151 = tpu.memref_slice %arg4[%add3A_3141, %dma_start3A_3149, %dma_start3A_3150] : memref<16384x50x32xf32, #tpu.memory_space<hbm>> -> memref<1x50x32xf32, #tpu.memory_space<hbm>>
      %dma_start3A_3152 = tpu.memref_squeeze %dma_start3A_3151 : memref<1x50x32xf32, #tpu.memory_space<hbm>> -> memref<50x32xf32, #tpu.memory_space<hbm>>
      %dma_start3A_3153 = arith.constant 250 : i32
      %dma_start3A_3154 = arith.constant 0 : i32
      %dma_start3A_3155 = tpu.memref_slice %arg11[%dma_start3A_3153, %dma_start3A_3154] : memref<800x32xf32, #tpu.memory_space<vmem>> -> memref<50x32xf32, #tpu.memory_space<vmem>>
      tpu.enqueue_dma source(%dma_start3A_3155 : memref<50x32xf32, #tpu.memory_space<vmem>>) target(%dma_start3A_3152 : memref<50x32xf32, #tpu.memory_space<hbm>>) target_semaphore(%arg27 : memref<!tpu.dma_semaphore, #tpu.memory_space<semaphore_mem>>)
      %mul3A_3156 = arith.constant 16 : i32
      %mul3A_3157 = arith.muli %add3A_3041, %mul3A_3156 : i32
      %add3A_3158 = arith.addi %mul3A_4, %mul3A_3157 : i32
      %add3A_3159 = arith.constant 6 : i32
      %add3A_3160 = arith.addi %add3A_3158, %add3A_3159 : i32
      %dma_start3A_3161 = arith.constant 300 : i32
      %dma_start3A_3162 = arith.constant 0 : i32
      %dma_start3A_3163 = tpu.memref_slice %arg11[%dma_start3A_3161, %dma_start3A_3162] : memref<800x32xf32, #tpu.memory_space<vmem>> -> memref<50x32xf32, #tpu.memory_space<vmem>>
      %dma_start3A_3164 = arith.constant 0 : i32
      %dma_start3A_3165 = arith.constant 0 : i32
      %dma_start3A_3166 = tpu.memref_slice %arg4[%add3A_3160, %dma_start3A_3164, %dma_start3A_3165] : memref<16384x50x32xf32, #tpu.memory_space<hbm>> -> memref<1x50x32xf32, #tpu.memory_space<hbm>>
      %dma_start3A_3167 = tpu.memref_squeeze %dma_start3A_3166 : memref<1x50x32xf32, #tpu.memory_space<hbm>> -> memref<50x32xf32, #tpu.memory_space<hbm>>
      %dma_start3A_3168 = arith.constant 0 : i32
      %dma_start3A_3169 = arith.constant 0 : i32
      %dma_start3A_3170 = tpu.memref_slice %arg4[%add3A_3160, %dma_start3A_3168, %dma_start3A_3169] : memref<16384x50x32xf32, #tpu.memory_space<hbm>> -> memref<1x50x32xf32, #tpu.memory_space<hbm>>
      %dma_start3A_3171 = tpu.memref_squeeze %dma_start3A_3170 : memref<1x50x32xf32, #tpu.memory_space<hbm>> -> memref<50x32xf32, #tpu.memory_space<hbm>>
      %dma_start3A_3172 = arith.constant 300 : i32
      %dma_start3A_3173 = arith.constant 0 : i32
      %dma_start3A_3174 = tpu.memref_slice %arg11[%dma_start3A_3172, %dma_start3A_3173] : memref<800x32xf32, #tpu.memory_space<vmem>> -> memref<50x32xf32, #tpu.memory_space<vmem>>
      tpu.enqueue_dma source(%dma_start3A_3174 : memref<50x32xf32, #tpu.memory_space<vmem>>) target(%dma_start3A_3171 : memref<50x32xf32, #tpu.memory_space<hbm>>) target_semaphore(%arg27 : memref<!tpu.dma_semaphore, #tpu.memory_space<semaphore_mem>>)
      %mul3A_3175 = arith.constant 16 : i32
      %mul3A_3176 = arith.muli %add3A_3041, %mul3A_3175 : i32
      %add3A_3177 = arith.addi %mul3A_4, %mul3A_3176 : i32
      %add3A_3178 = arith.constant 7 : i32
      %add3A_3179 = arith.addi %add3A_3177, %add3A_3178 : i32
      %dma_start3A_3180 = arith.constant 350 : i32
      %dma_start3A_3181 = arith.constant 0 : i32
      %dma_start3A_3182 = tpu.memref_slice %arg11[%dma_start3A_3180, %dma_start3A_3181] : memref<800x32xf32, #tpu.memory_space<vmem>> -> memref<50x32xf32, #tpu.memory_space<vmem>>
      %dma_start3A_3183 = arith.constant 0 : i32
      %dma_start3A_3184 = arith.constant 0 : i32
      %dma_start3A_3185 = tpu.memref_slice %arg4[%add3A_3179, %dma_start3A_3183, %dma_start3A_3184] : memref<16384x50x32xf32, #tpu.memory_space<hbm>> -> memref<1x50x32xf32, #tpu.memory_space<hbm>>
      %dma_start3A_3186 = tpu.memref_squeeze %dma_start3A_3185 : memref<1x50x32xf32, #tpu.memory_space<hbm>> -> memref<50x32xf32, #tpu.memory_space<hbm>>
      %dma_start3A_3187 = arith.constant 0 : i32
      %dma_start3A_3188 = arith.constant 0 : i32
      %dma_start3A_3189 = tpu.memref_slice %arg4[%add3A_3179, %dma_start3A_3187, %dma_start3A_3188] : memref<16384x50x32xf32, #tpu.memory_space<hbm>> -> memref<1x50x32xf32, #tpu.memory_space<hbm>>
      %dma_start3A_3190 = tpu.memref_squeeze %dma_start3A_3189 : memref<1x50x32xf32, #tpu.memory_space<hbm>> -> memref<50x32xf32, #tpu.memory_space<hbm>>
      %dma_start3A_3191 = arith.constant 350 : i32
      %dma_start3A_3192 = arith.constant 0 : i32
      %dma_start3A_3193 = tpu.memref_slice %arg11[%dma_start3A_3191, %dma_start3A_3192] : memref<800x32xf32, #tpu.memory_space<vmem>> -> memref<50x32xf32, #tpu.memory_space<vmem>>
      tpu.enqueue_dma source(%dma_start3A_3193 : memref<50x32xf32, #tpu.memory_space<vmem>>) target(%dma_start3A_3190 : memref<50x32xf32, #tpu.memory_space<hbm>>) target_semaphore(%arg27 : memref<!tpu.dma_semaphore, #tpu.memory_space<semaphore_mem>>)
      %mul3A_3194 = arith.constant 16 : i32
      %mul3A_3195 = arith.muli %add3A_3041, %mul3A_3194 : i32
      %add3A_3196 = arith.addi %mul3A_4, %mul3A_3195 : i32
      %add3A_3197 = arith.constant 8 : i32
      %add3A_3198 = arith.addi %add3A_3196, %add3A_3197 : i32
      %dma_start3A_3199 = arith.constant 400 : i32
      %dma_start3A_3200 = arith.constant 0 : i32
      %dma_start3A_3201 = tpu.memref_slice %arg11[%dma_start3A_3199, %dma_start3A_3200] : memref<800x32xf32, #tpu.memory_space<vmem>> -> memref<50x32xf32, #tpu.memory_space<vmem>>
      %dma_start3A_3202 = arith.constant 0 : i32
      %dma_start3A_3203 = arith.constant 0 : i32
      %dma_start3A_3204 = tpu.memref_slice %arg4[%add3A_3198, %dma_start3A_3202, %dma_start3A_3203] : memref<16384x50x32xf32, #tpu.memory_space<hbm>> -> memref<1x50x32xf32, #tpu.memory_space<hbm>>
      %dma_start3A_3205 = tpu.memref_squeeze %dma_start3A_3204 : memref<1x50x32xf32, #tpu.memory_space<hbm>> -> memref<50x32xf32, #tpu.memory_space<hbm>>
      %dma_start3A_3206 = arith.constant 0 : i32
      %dma_start3A_3207 = arith.constant 0 : i32
      %dma_start3A_3208 = tpu.memref_slice %arg4[%add3A_3198, %dma_start3A_3206, %dma_start3A_3207] : memref<16384x50x32xf32, #tpu.memory_space<hbm>> -> memref<1x50x32xf32, #tpu.memory_space<hbm>>
      %dma_start3A_3209 = tpu.memref_squeeze %dma_start3A_3208 : memref<1x50x32xf32, #tpu.memory_space<hbm>> -> memref<50x32xf32, #tpu.memory_space<hbm>>
      %dma_start3A_3210 = arith.constant 400 : i32
      %dma_start3A_3211 = arith.constant 0 : i32
      %dma_start3A_3212 = tpu.memref_slice %arg11[%dma_start3A_3210, %dma_start3A_3211] : memref<800x32xf32, #tpu.memory_space<vmem>> -> memref<50x32xf32, #tpu.memory_space<vmem>>
      tpu.enqueue_dma source(%dma_start3A_3212 : memref<50x32xf32, #tpu.memory_space<vmem>>) target(%dma_start3A_3209 : memref<50x32xf32, #tpu.memory_space<hbm>>) target_semaphore(%arg27 : memref<!tpu.dma_semaphore, #tpu.memory_space<semaphore_mem>>)
      %mul3A_3213 = arith.constant 16 : i32
      %mul3A_3214 = arith.muli %add3A_3041, %mul3A_3213 : i32
      %add3A_3215 = arith.addi %mul3A_4, %mul3A_3214 : i32
      %add3A_3216 = arith.constant 9 : i32
      %add3A_3217 = arith.addi %add3A_3215, %add3A_3216 : i32
      %dma_start3A_3218 = arith.constant 450 : i32
      %dma_start3A_3219 = arith.constant 0 : i32
      %dma_start3A_3220 = tpu.memref_slice %arg11[%dma_start3A_3218, %dma_start3A_3219] : memref<800x32xf32, #tpu.memory_space<vmem>> -> memref<50x32xf32, #tpu.memory_space<vmem>>
      %dma_start3A_3221 = arith.constant 0 : i32
      %dma_start3A_3222 = arith.constant 0 : i32
      %dma_start3A_3223 = tpu.memref_slice %arg4[%add3A_3217, %dma_start3A_3221, %dma_start3A_3222] : memref<16384x50x32xf32, #tpu.memory_space<hbm>> -> memref<1x50x32xf32, #tpu.memory_space<hbm>>
      %dma_start3A_3224 = tpu.memref_squeeze %dma_start3A_3223 : memref<1x50x32xf32, #tpu.memory_space<hbm>> -> memref<50x32xf32, #tpu.memory_space<hbm>>
      %dma_start3A_3225 = arith.constant 0 : i32
      %dma_start3A_3226 = arith.constant 0 : i32
      %dma_start3A_3227 = tpu.memref_slice %arg4[%add3A_3217, %dma_start3A_3225, %dma_start3A_3226] : memref<16384x50x32xf32, #tpu.memory_space<hbm>> -> memref<1x50x32xf32, #tpu.memory_space<hbm>>
      %dma_start3A_3228 = tpu.memref_squeeze %dma_start3A_3227 : memref<1x50x32xf32, #tpu.memory_space<hbm>> -> memref<50x32xf32, #tpu.memory_space<hbm>>
      %dma_start3A_3229 = arith.constant 450 : i32
      %dma_start3A_3230 = arith.constant 0 : i32
      %dma_start3A_3231 = tpu.memref_slice %arg11[%dma_start3A_3229, %dma_start3A_3230] : memref<800x32xf32, #tpu.memory_space<vmem>> -> memref<50x32xf32, #tpu.memory_space<vmem>>
      tpu.enqueue_dma source(%dma_start3A_3231 : memref<50x32xf32, #tpu.memory_space<vmem>>) target(%dma_start3A_3228 : memref<50x32xf32, #tpu.memory_space<hbm>>) target_semaphore(%arg27 : memref<!tpu.dma_semaphore, #tpu.memory_space<semaphore_mem>>)
      %mul3A_3232 = arith.constant 16 : i32
      %mul3A_3233 = arith.muli %add3A_3041, %mul3A_3232 : i32
      %add3A_3234 = arith.addi %mul3A_4, %mul3A_3233 : i32
      %add3A_3235 = arith.constant 10 : i32
      %add3A_3236 = arith.addi %add3A_3234, %add3A_3235 : i32
      %dma_start3A_3237 = arith.constant 500 : i32
      %dma_start3A_3238 = arith.constant 0 : i32
      %dma_start3A_3239 = tpu.memref_slice %arg11[%dma_start3A_3237, %dma_start3A_3238] : memref<800x32xf32, #tpu.memory_space<vmem>> -> memref<50x32xf32, #tpu.memory_space<vmem>>
      %dma_start3A_3240 = arith.constant 0 : i32
      %dma_start3A_3241 = arith.constant 0 : i32
      %dma_start3A_3242 = tpu.memref_slice %arg4[%add3A_3236, %dma_start3A_3240, %dma_start3A_3241] : memref<16384x50x32xf32, #tpu.memory_space<hbm>> -> memref<1x50x32xf32, #tpu.memory_space<hbm>>
      %dma_start3A_3243 = tpu.memref_squeeze %dma_start3A_3242 : memref<1x50x32xf32, #tpu.memory_space<hbm>> -> memref<50x32xf32, #tpu.memory_space<hbm>>
      %dma_start3A_3244 = arith.constant 0 : i32
      %dma_start3A_3245 = arith.constant 0 : i32
      %dma_start3A_3246 = tpu.memref_slice %arg4[%add3A_3236, %dma_start3A_3244, %dma_start3A_3245] : memref<16384x50x32xf32, #tpu.memory_space<hbm>> -> memref<1x50x32xf32, #tpu.memory_space<hbm>>
      %dma_start3A_3247 = tpu.memref_squeeze %dma_start3A_3246 : memref<1x50x32xf32, #tpu.memory_space<hbm>> -> memref<50x32xf32, #tpu.memory_space<hbm>>
      %dma_start3A_3248 = arith.constant 500 : i32
      %dma_start3A_3249 = arith.constant 0 : i32
      %dma_start3A_3250 = tpu.memref_slice %arg11[%dma_start3A_3248, %dma_start3A_3249] : memref<800x32xf32, #tpu.memory_space<vmem>> -> memref<50x32xf32, #tpu.memory_space<vmem>>
      tpu.enqueue_dma source(%dma_start3A_3250 : memref<50x32xf32, #tpu.memory_space<vmem>>) target(%dma_start3A_3247 : memref<50x32xf32, #tpu.memory_space<hbm>>) target_semaphore(%arg27 : memref<!tpu.dma_semaphore, #tpu.memory_space<semaphore_mem>>)
      %mul3A_3251 = arith.constant 16 : i32
      %mul3A_3252 = arith.muli %add3A_3041, %mul3A_3251 : i32
      %add3A_3253 = arith.addi %mul3A_4, %mul3A_3252 : i32
      %add3A_3254 = arith.constant 11 : i32
      %add3A_3255 = arith.addi %add3A_3253, %add3A_3254 : i32
      %dma_start3A_3256 = arith.constant 550 : i32
      %dma_start3A_3257 = arith.constant 0 : i32
      %dma_start3A_3258 = tpu.memref_slice %arg11[%dma_start3A_3256, %dma_start3A_3257] : memref<800x32xf32, #tpu.memory_space<vmem>> -> memref<50x32xf32, #tpu.memory_space<vmem>>
      %dma_start3A_3259 = arith.constant 0 : i32
      %dma_start3A_3260 = arith.constant 0 : i32
      %dma_start3A_3261 = tpu.memref_slice %arg4[%add3A_3255, %dma_start3A_3259, %dma_start3A_3260] : memref<16384x50x32xf32, #tpu.memory_space<hbm>> -> memref<1x50x32xf32, #tpu.memory_space<hbm>>
      %dma_start3A_3262 = tpu.memref_squeeze %dma_start3A_3261 : memref<1x50x32xf32, #tpu.memory_space<hbm>> -> memref<50x32xf32, #tpu.memory_space<hbm>>
      %dma_start3A_3263 = arith.constant 0 : i32
      %dma_start3A_3264 = arith.constant 0 : i32
      %dma_start3A_3265 = tpu.memref_slice %arg4[%add3A_3255, %dma_start3A_3263, %dma_start3A_3264] : memref<16384x50x32xf32, #tpu.memory_space<hbm>> -> memref<1x50x32xf32, #tpu.memory_space<hbm>>
      %dma_start3A_3266 = tpu.memref_squeeze %dma_start3A_3265 : memref<1x50x32xf32, #tpu.memory_space<hbm>> -> memref<50x32xf32, #tpu.memory_space<hbm>>
      %dma_start3A_3267 = arith.constant 550 : i32
      %dma_start3A_3268 = arith.constant 0 : i32
      %dma_start3A_3269 = tpu.memref_slice %arg11[%dma_start3A_3267, %dma_start3A_3268] : memref<800x32xf32, #tpu.memory_space<vmem>> -> memref<50x32xf32, #tpu.memory_space<vmem>>
      tpu.enqueue_dma source(%dma_start3A_3269 : memref<50x32xf32, #tpu.memory_space<vmem>>) target(%dma_start3A_3266 : memref<50x32xf32, #tpu.memory_space<hbm>>) target_semaphore(%arg27 : memref<!tpu.dma_semaphore, #tpu.memory_space<semaphore_mem>>)
      %mul3A_3270 = arith.constant 16 : i32
      %mul3A_3271 = arith.muli %add3A_3041, %mul3A_3270 : i32
      %add3A_3272 = arith.addi %mul3A_4, %mul3A_3271 : i32
      %add3A_3273 = arith.constant 12 : i32
      %add3A_3274 = arith.addi %add3A_3272, %add3A_3273 : i32
      %dma_start3A_3275 = arith.constant 600 : i32
      %dma_start3A_3276 = arith.constant 0 : i32
      %dma_start3A_3277 = tpu.memref_slice %arg11[%dma_start3A_3275, %dma_start3A_3276] : memref<800x32xf32, #tpu.memory_space<vmem>> -> memref<50x32xf32, #tpu.memory_space<vmem>>
      %dma_start3A_3278 = arith.constant 0 : i32
      %dma_start3A_3279 = arith.constant 0 : i32
      %dma_start3A_3280 = tpu.memref_slice %arg4[%add3A_3274, %dma_start3A_3278, %dma_start3A_3279] : memref<16384x50x32xf32, #tpu.memory_space<hbm>> -> memref<1x50x32xf32, #tpu.memory_space<hbm>>
      %dma_start3A_3281 = tpu.memref_squeeze %dma_start3A_3280 : memref<1x50x32xf32, #tpu.memory_space<hbm>> -> memref<50x32xf32, #tpu.memory_space<hbm>>
      %dma_start3A_3282 = arith.constant 0 : i32
      %dma_start3A_3283 = arith.constant 0 : i32
      %dma_start3A_3284 = tpu.memref_slice %arg4[%add3A_3274, %dma_start3A_3282, %dma_start3A_3283] : memref<16384x50x32xf32, #tpu.memory_space<hbm>> -> memref<1x50x32xf32, #tpu.memory_space<hbm>>
      %dma_start3A_3285 = tpu.memref_squeeze %dma_start3A_3284 : memref<1x50x32xf32, #tpu.memory_space<hbm>> -> memref<50x32xf32, #tpu.memory_space<hbm>>
      %dma_start3A_3286 = arith.constant 600 : i32
      %dma_start3A_3287 = arith.constant 0 : i32
      %dma_start3A_3288 = tpu.memref_slice %arg11[%dma_start3A_3286, %dma_start3A_3287] : memref<800x32xf32, #tpu.memory_space<vmem>> -> memref<50x32xf32, #tpu.memory_space<vmem>>
      tpu.enqueue_dma source(%dma_start3A_3288 : memref<50x32xf32, #tpu.memory_space<vmem>>) target(%dma_start3A_3285 : memref<50x32xf32, #tpu.memory_space<hbm>>) target_semaphore(%arg27 : memref<!tpu.dma_semaphore, #tpu.memory_space<semaphore_mem>>)
      %mul3A_3289 = arith.constant 16 : i32
      %mul3A_3290 = arith.muli %add3A_3041, %mul3A_3289 : i32
      %add3A_3291 = arith.addi %mul3A_4, %mul3A_3290 : i32
      %add3A_3292 = arith.constant 13 : i32
      %add3A_3293 = arith.addi %add3A_3291, %add3A_3292 : i32
      %dma_start3A_3294 = arith.constant 650 : i32
      %dma_start3A_3295 = arith.constant 0 : i32
      %dma_start3A_3296 = tpu.memref_slice %arg11[%dma_start3A_3294, %dma_start3A_3295] : memref<800x32xf32, #tpu.memory_space<vmem>> -> memref<50x32xf32, #tpu.memory_space<vmem>>
      %dma_start3A_3297 = arith.constant 0 : i32
      %dma_start3A_3298 = arith.constant 0 : i32
      %dma_start3A_3299 = tpu.memref_slice %arg4[%add3A_3293, %dma_start3A_3297, %dma_start3A_3298] : memref<16384x50x32xf32, #tpu.memory_space<hbm>> -> memref<1x50x32xf32, #tpu.memory_space<hbm>>
      %dma_start3A_3300 = tpu.memref_squeeze %dma_start3A_3299 : memref<1x50x32xf32, #tpu.memory_space<hbm>> -> memref<50x32xf32, #tpu.memory_space<hbm>>
      %dma_start3A_3301 = arith.constant 0 : i32
      %dma_start3A_3302 = arith.constant 0 : i32
      %dma_start3A_3303 = tpu.memref_slice %arg4[%add3A_3293, %dma_start3A_3301, %dma_start3A_3302] : memref<16384x50x32xf32, #tpu.memory_space<hbm>> -> memref<1x50x32xf32, #tpu.memory_space<hbm>>
      %dma_start3A_3304 = tpu.memref_squeeze %dma_start3A_3303 : memref<1x50x32xf32, #tpu.memory_space<hbm>> -> memref<50x32xf32, #tpu.memory_space<hbm>>
      %dma_start3A_3305 = arith.constant 650 : i32
      %dma_start3A_3306 = arith.constant 0 : i32
      %dma_start3A_3307 = tpu.memref_slice %arg11[%dma_start3A_3305, %dma_start3A_3306] : memref<800x32xf32, #tpu.memory_space<vmem>> -> memref<50x32xf32, #tpu.memory_space<vmem>>
      tpu.enqueue_dma source(%dma_start3A_3307 : memref<50x32xf32, #tpu.memory_space<vmem>>) target(%dma_start3A_3304 : memref<50x32xf32, #tpu.memory_space<hbm>>) target_semaphore(%arg27 : memref<!tpu.dma_semaphore, #tpu.memory_space<semaphore_mem>>)
      %mul3A_3308 = arith.constant 16 : i32
      %mul3A_3309 = arith.muli %add3A_3041, %mul3A_3308 : i32
      %add3A_3310 = arith.addi %mul3A_4, %mul3A_3309 : i32
      %add3A_3311 = arith.constant 14 : i32
      %add3A_3312 = arith.addi %add3A_3310, %add3A_3311 : i32
      %dma_start3A_3313 = arith.constant 700 : i32
      %dma_start3A_3314 = arith.constant 0 : i32
      %dma_start3A_3315 = tpu.memref_slice %arg11[%dma_start3A_3313, %dma_start3A_3314] : memref<800x32xf32, #tpu.memory_space<vmem>> -> memref<50x32xf32, #tpu.memory_space<vmem>>
      %dma_start3A_3316 = arith.constant 0 : i32
      %dma_start3A_3317 = arith.constant 0 : i32
      %dma_start3A_3318 = tpu.memref_slice %arg4[%add3A_3312, %dma_start3A_3316, %dma_start3A_3317] : memref<16384x50x32xf32, #tpu.memory_space<hbm>> -> memref<1x50x32xf32, #tpu.memory_space<hbm>>
      %dma_start3A_3319 = tpu.memref_squeeze %dma_start3A_3318 : memref<1x50x32xf32, #tpu.memory_space<hbm>> -> memref<50x32xf32, #tpu.memory_space<hbm>>
      %dma_start3A_3320 = arith.constant 0 : i32
      %dma_start3A_3321 = arith.constant 0 : i32
      %dma_start3A_3322 = tpu.memref_slice %arg4[%add3A_3312, %dma_start3A_3320, %dma_start3A_3321] : memref<16384x50x32xf32, #tpu.memory_space<hbm>> -> memref<1x50x32xf32, #tpu.memory_space<hbm>>
      %dma_start3A_3323 = tpu.memref_squeeze %dma_start3A_3322 : memref<1x50x32xf32, #tpu.memory_space<hbm>> -> memref<50x32xf32, #tpu.memory_space<hbm>>
      %dma_start3A_3324 = arith.constant 700 : i32
      %dma_start3A_3325 = arith.constant 0 : i32
      %dma_start3A_3326 = tpu.memref_slice %arg11[%dma_start3A_3324, %dma_start3A_3325] : memref<800x32xf32, #tpu.memory_space<vmem>> -> memref<50x32xf32, #tpu.memory_space<vmem>>
      tpu.enqueue_dma source(%dma_start3A_3326 : memref<50x32xf32, #tpu.memory_space<vmem>>) target(%dma_start3A_3323 : memref<50x32xf32, #tpu.memory_space<hbm>>) target_semaphore(%arg27 : memref<!tpu.dma_semaphore, #tpu.memory_space<semaphore_mem>>)
      %mul3A_3327 = arith.constant 16 : i32
      %mul3A_3328 = arith.muli %add3A_3041, %mul3A_3327 : i32
      %add3A_3329 = arith.addi %mul3A_4, %mul3A_3328 : i32
      %add3A_3330 = arith.constant 15 : i32
      %add3A_3331 = arith.addi %add3A_3329, %add3A_3330 : i32
      %dma_start3A_3332 = arith.constant 750 : i32
      %dma_start3A_3333 = arith.constant 0 : i32
      %dma_start3A_3334 = tpu.memref_slice %arg11[%dma_start3A_3332, %dma_start3A_3333] : memref<800x32xf32, #tpu.memory_space<vmem>> -> memref<50x32xf32, #tpu.memory_space<vmem>>
      %dma_start3A_3335 = arith.constant 0 : i32
      %dma_start3A_3336 = arith.constant 0 : i32
      %dma_start3A_3337 = tpu.memref_slice %arg4[%add3A_3331, %dma_start3A_3335, %dma_start3A_3336] : memref<16384x50x32xf32, #tpu.memory_space<hbm>> -> memref<1x50x32xf32, #tpu.memory_space<hbm>>
      %dma_start3A_3338 = tpu.memref_squeeze %dma_start3A_3337 : memref<1x50x32xf32, #tpu.memory_space<hbm>> -> memref<50x32xf32, #tpu.memory_space<hbm>>
      %dma_start3A_3339 = arith.constant 0 : i32
      %dma_start3A_3340 = arith.constant 0 : i32
      %dma_start3A_3341 = tpu.memref_slice %arg4[%add3A_3331, %dma_start3A_3339, %dma_start3A_3340] : memref<16384x50x32xf32, #tpu.memory_space<hbm>> -> memref<1x50x32xf32, #tpu.memory_space<hbm>>
      %dma_start3A_3342 = tpu.memref_squeeze %dma_start3A_3341 : memref<1x50x32xf32, #tpu.memory_space<hbm>> -> memref<50x32xf32, #tpu.memory_space<hbm>>
      %dma_start3A_3343 = arith.constant 750 : i32
      %dma_start3A_3344 = arith.constant 0 : i32
      %dma_start3A_3345 = tpu.memref_slice %arg11[%dma_start3A_3343, %dma_start3A_3344] : memref<800x32xf32, #tpu.memory_space<vmem>> -> memref<50x32xf32, #tpu.memory_space<vmem>>
      tpu.enqueue_dma source(%dma_start3A_3345 : memref<50x32xf32, #tpu.memory_space<vmem>>) target(%dma_start3A_3342 : memref<50x32xf32, #tpu.memory_space<hbm>>) target_semaphore(%arg27 : memref<!tpu.dma_semaphore, #tpu.memory_space<semaphore_mem>>)
      %dma_wait3A_3346 = arith.constant 0 : i32
      %dma_wait3A_3347 = arith.constant 0 : i32
      %dma_wait3A_3348 = tpu.memref_slice %arg3[%dma_wait3A_3346, %dma_wait3A_3347] : memref<1000000x32xf32, #tpu.memory_space<hbm>> -> memref<1000000x32xf32, #tpu.memory_space<hbm>>
      tpu.wait_indirect_dma semaphore(%arg24 : memref<!tpu.dma_semaphore, #tpu.memory_space<semaphore_mem>>) src(%dma_wait3A_3348 : memref<1000000x32xf32, #tpu.memory_space<hbm>>) dst(%arg12 : memref<800x32xf32, #tpu.memory_space<vmem>>)
      %add3A_3349 = arith.constant 3 : i32
      %add3A_3350 = arith.addi %mul3A_40, %add3A_3349 : i32
      %mul3A_3351 = arith.constant 16 : i32
      %mul3A_3352 = arith.muli %add3A_3350, %mul3A_3351 : i32
      %add3A_3353 = arith.addi %mul3A_4, %mul3A_3352 : i32
      %add3A_3354 = arith.constant 0 : i32
      %add3A_3355 = arith.addi %add3A_3353, %add3A_3354 : i32
      %dma_start3A_3356 = arith.constant 0 : i32
      %dma_start3A_3357 = arith.constant 0 : i32
      %dma_start3A_3358 = tpu.memref_slice %arg12[%dma_start3A_3356, %dma_start3A_3357] : memref<800x32xf32, #tpu.memory_space<vmem>> -> memref<50x32xf32, #tpu.memory_space<vmem>>
      %dma_start3A_3359 = arith.constant 0 : i32
      %dma_start3A_3360 = arith.constant 0 : i32
      %dma_start3A_3361 = tpu.memref_slice %arg4[%add3A_3355, %dma_start3A_3359, %dma_start3A_3360] : memref<16384x50x32xf32, #tpu.memory_space<hbm>> -> memref<1x50x32xf32, #tpu.memory_space<hbm>>
      %dma_start3A_3362 = tpu.memref_squeeze %dma_start3A_3361 : memref<1x50x32xf32, #tpu.memory_space<hbm>> -> memref<50x32xf32, #tpu.memory_space<hbm>>
      %dma_start3A_3363 = arith.constant 0 : i32
      %dma_start3A_3364 = arith.constant 0 : i32
      %dma_start3A_3365 = tpu.memref_slice %arg4[%add3A_3355, %dma_start3A_3363, %dma_start3A_3364] : memref<16384x50x32xf32, #tpu.memory_space<hbm>> -> memref<1x50x32xf32, #tpu.memory_space<hbm>>
      %dma_start3A_3366 = tpu.memref_squeeze %dma_start3A_3365 : memref<1x50x32xf32, #tpu.memory_space<hbm>> -> memref<50x32xf32, #tpu.memory_space<hbm>>
      %dma_start3A_3367 = arith.constant 0 : i32
      %dma_start3A_3368 = arith.constant 0 : i32
      %dma_start3A_3369 = tpu.memref_slice %arg12[%dma_start3A_3367, %dma_start3A_3368] : memref<800x32xf32, #tpu.memory_space<vmem>> -> memref<50x32xf32, #tpu.memory_space<vmem>>
      tpu.enqueue_dma source(%dma_start3A_3369 : memref<50x32xf32, #tpu.memory_space<vmem>>) target(%dma_start3A_3366 : memref<50x32xf32, #tpu.memory_space<hbm>>) target_semaphore(%arg28 : memref<!tpu.dma_semaphore, #tpu.memory_space<semaphore_mem>>)
      %mul3A_3370 = arith.constant 16 : i32
      %mul3A_3371 = arith.muli %add3A_3350, %mul3A_3370 : i32
      %add3A_3372 = arith.addi %mul3A_4, %mul3A_3371 : i32
      %add3A_3373 = arith.constant 1 : i32
      %add3A_3374 = arith.addi %add3A_3372, %add3A_3373 : i32
      %dma_start3A_3375 = arith.constant 50 : i32
      %dma_start3A_3376 = arith.constant 0 : i32
      %dma_start3A_3377 = tpu.memref_slice %arg12[%dma_start3A_3375, %dma_start3A_3376] : memref<800x32xf32, #tpu.memory_space<vmem>> -> memref<50x32xf32, #tpu.memory_space<vmem>>
      %dma_start3A_3378 = arith.constant 0 : i32
      %dma_start3A_3379 = arith.constant 0 : i32
      %dma_start3A_3380 = tpu.memref_slice %arg4[%add3A_3374, %dma_start3A_3378, %dma_start3A_3379] : memref<16384x50x32xf32, #tpu.memory_space<hbm>> -> memref<1x50x32xf32, #tpu.memory_space<hbm>>
      %dma_start3A_3381 = tpu.memref_squeeze %dma_start3A_3380 : memref<1x50x32xf32, #tpu.memory_space<hbm>> -> memref<50x32xf32, #tpu.memory_space<hbm>>
      %dma_start3A_3382 = arith.constant 0 : i32
      %dma_start3A_3383 = arith.constant 0 : i32
      %dma_start3A_3384 = tpu.memref_slice %arg4[%add3A_3374, %dma_start3A_3382, %dma_start3A_3383] : memref<16384x50x32xf32, #tpu.memory_space<hbm>> -> memref<1x50x32xf32, #tpu.memory_space<hbm>>
      %dma_start3A_3385 = tpu.memref_squeeze %dma_start3A_3384 : memref<1x50x32xf32, #tpu.memory_space<hbm>> -> memref<50x32xf32, #tpu.memory_space<hbm>>
      %dma_start3A_3386 = arith.constant 50 : i32
      %dma_start3A_3387 = arith.constant 0 : i32
      %dma_start3A_3388 = tpu.memref_slice %arg12[%dma_start3A_3386, %dma_start3A_3387] : memref<800x32xf32, #tpu.memory_space<vmem>> -> memref<50x32xf32, #tpu.memory_space<vmem>>
      tpu.enqueue_dma source(%dma_start3A_3388 : memref<50x32xf32, #tpu.memory_space<vmem>>) target(%dma_start3A_3385 : memref<50x32xf32, #tpu.memory_space<hbm>>) target_semaphore(%arg28 : memref<!tpu.dma_semaphore, #tpu.memory_space<semaphore_mem>>)
      %mul3A_3389 = arith.constant 16 : i32
      %mul3A_3390 = arith.muli %add3A_3350, %mul3A_3389 : i32
      %add3A_3391 = arith.addi %mul3A_4, %mul3A_3390 : i32
      %add3A_3392 = arith.constant 2 : i32
      %add3A_3393 = arith.addi %add3A_3391, %add3A_3392 : i32
      %dma_start3A_3394 = arith.constant 100 : i32
      %dma_start3A_3395 = arith.constant 0 : i32
      %dma_start3A_3396 = tpu.memref_slice %arg12[%dma_start3A_3394, %dma_start3A_3395] : memref<800x32xf32, #tpu.memory_space<vmem>> -> memref<50x32xf32, #tpu.memory_space<vmem>>
      %dma_start3A_3397 = arith.constant 0 : i32
      %dma_start3A_3398 = arith.constant 0 : i32
      %dma_start3A_3399 = tpu.memref_slice %arg4[%add3A_3393, %dma_start3A_3397, %dma_start3A_3398] : memref<16384x50x32xf32, #tpu.memory_space<hbm>> -> memref<1x50x32xf32, #tpu.memory_space<hbm>>
      %dma_start3A_3400 = tpu.memref_squeeze %dma_start3A_3399 : memref<1x50x32xf32, #tpu.memory_space<hbm>> -> memref<50x32xf32, #tpu.memory_space<hbm>>
      %dma_start3A_3401 = arith.constant 0 : i32
      %dma_start3A_3402 = arith.constant 0 : i32
      %dma_start3A_3403 = tpu.memref_slice %arg4[%add3A_3393, %dma_start3A_3401, %dma_start3A_3402] : memref<16384x50x32xf32, #tpu.memory_space<hbm>> -> memref<1x50x32xf32, #tpu.memory_space<hbm>>
      %dma_start3A_3404 = tpu.memref_squeeze %dma_start3A_3403 : memref<1x50x32xf32, #tpu.memory_space<hbm>> -> memref<50x32xf32, #tpu.memory_space<hbm>>
      %dma_start3A_3405 = arith.constant 100 : i32
      %dma_start3A_3406 = arith.constant 0 : i32
      %dma_start3A_3407 = tpu.memref_slice %arg12[%dma_start3A_3405, %dma_start3A_3406] : memref<800x32xf32, #tpu.memory_space<vmem>> -> memref<50x32xf32, #tpu.memory_space<vmem>>
      tpu.enqueue_dma source(%dma_start3A_3407 : memref<50x32xf32, #tpu.memory_space<vmem>>) target(%dma_start3A_3404 : memref<50x32xf32, #tpu.memory_space<hbm>>) target_semaphore(%arg28 : memref<!tpu.dma_semaphore, #tpu.memory_space<semaphore_mem>>)
      %mul3A_3408 = arith.constant 16 : i32
      %mul3A_3409 = arith.muli %add3A_3350, %mul3A_3408 : i32
      %add3A_3410 = arith.addi %mul3A_4, %mul3A_3409 : i32
      %add3A_3411 = arith.constant 3 : i32
      %add3A_3412 = arith.addi %add3A_3410, %add3A_3411 : i32
      %dma_start3A_3413 = arith.constant 150 : i32
      %dma_start3A_3414 = arith.constant 0 : i32
      %dma_start3A_3415 = tpu.memref_slice %arg12[%dma_start3A_3413, %dma_start3A_3414] : memref<800x32xf32, #tpu.memory_space<vmem>> -> memref<50x32xf32, #tpu.memory_space<vmem>>
      %dma_start3A_3416 = arith.constant 0 : i32
      %dma_start3A_3417 = arith.constant 0 : i32
      %dma_start3A_3418 = tpu.memref_slice %arg4[%add3A_3412, %dma_start3A_3416, %dma_start3A_3417] : memref<16384x50x32xf32, #tpu.memory_space<hbm>> -> memref<1x50x32xf32, #tpu.memory_space<hbm>>
      %dma_start3A_3419 = tpu.memref_squeeze %dma_start3A_3418 : memref<1x50x32xf32, #tpu.memory_space<hbm>> -> memref<50x32xf32, #tpu.memory_space<hbm>>
      %dma_start3A_3420 = arith.constant 0 : i32
      %dma_start3A_3421 = arith.constant 0 : i32
      %dma_start3A_3422 = tpu.memref_slice %arg4[%add3A_3412, %dma_start3A_3420, %dma_start3A_3421] : memref<16384x50x32xf32, #tpu.memory_space<hbm>> -> memref<1x50x32xf32, #tpu.memory_space<hbm>>
      %dma_start3A_3423 = tpu.memref_squeeze %dma_start3A_3422 : memref<1x50x32xf32, #tpu.memory_space<hbm>> -> memref<50x32xf32, #tpu.memory_space<hbm>>
      %dma_start3A_3424 = arith.constant 150 : i32
      %dma_start3A_3425 = arith.constant 0 : i32
      %dma_start3A_3426 = tpu.memref_slice %arg12[%dma_start3A_3424, %dma_start3A_3425] : memref<800x32xf32, #tpu.memory_space<vmem>> -> memref<50x32xf32, #tpu.memory_space<vmem>>
      tpu.enqueue_dma source(%dma_start3A_3426 : memref<50x32xf32, #tpu.memory_space<vmem>>) target(%dma_start3A_3423 : memref<50x32xf32, #tpu.memory_space<hbm>>) target_semaphore(%arg28 : memref<!tpu.dma_semaphore, #tpu.memory_space<semaphore_mem>>)
      %mul3A_3427 = arith.constant 16 : i32
      %mul3A_3428 = arith.muli %add3A_3350, %mul3A_3427 : i32
      %add3A_3429 = arith.addi %mul3A_4, %mul3A_3428 : i32
      %add3A_3430 = arith.constant 4 : i32
      %add3A_3431 = arith.addi %add3A_3429, %add3A_3430 : i32
      %dma_start3A_3432 = arith.constant 200 : i32
      %dma_start3A_3433 = arith.constant 0 : i32
      %dma_start3A_3434 = tpu.memref_slice %arg12[%dma_start3A_3432, %dma_start3A_3433] : memref<800x32xf32, #tpu.memory_space<vmem>> -> memref<50x32xf32, #tpu.memory_space<vmem>>
      %dma_start3A_3435 = arith.constant 0 : i32
      %dma_start3A_3436 = arith.constant 0 : i32
      %dma_start3A_3437 = tpu.memref_slice %arg4[%add3A_3431, %dma_start3A_3435, %dma_start3A_3436] : memref<16384x50x32xf32, #tpu.memory_space<hbm>> -> memref<1x50x32xf32, #tpu.memory_space<hbm>>
      %dma_start3A_3438 = tpu.memref_squeeze %dma_start3A_3437 : memref<1x50x32xf32, #tpu.memory_space<hbm>> -> memref<50x32xf32, #tpu.memory_space<hbm>>
      %dma_start3A_3439 = arith.constant 0 : i32
      %dma_start3A_3440 = arith.constant 0 : i32
      %dma_start3A_3441 = tpu.memref_slice %arg4[%add3A_3431, %dma_start3A_3439, %dma_start3A_3440] : memref<16384x50x32xf32, #tpu.memory_space<hbm>> -> memref<1x50x32xf32, #tpu.memory_space<hbm>>
      %dma_start3A_3442 = tpu.memref_squeeze %dma_start3A_3441 : memref<1x50x32xf32, #tpu.memory_space<hbm>> -> memref<50x32xf32, #tpu.memory_space<hbm>>
      %dma_start3A_3443 = arith.constant 200 : i32
      %dma_start3A_3444 = arith.constant 0 : i32
      %dma_start3A_3445 = tpu.memref_slice %arg12[%dma_start3A_3443, %dma_start3A_3444] : memref<800x32xf32, #tpu.memory_space<vmem>> -> memref<50x32xf32, #tpu.memory_space<vmem>>
      tpu.enqueue_dma source(%dma_start3A_3445 : memref<50x32xf32, #tpu.memory_space<vmem>>) target(%dma_start3A_3442 : memref<50x32xf32, #tpu.memory_space<hbm>>) target_semaphore(%arg28 : memref<!tpu.dma_semaphore, #tpu.memory_space<semaphore_mem>>)
      %mul3A_3446 = arith.constant 16 : i32
      %mul3A_3447 = arith.muli %add3A_3350, %mul3A_3446 : i32
      %add3A_3448 = arith.addi %mul3A_4, %mul3A_3447 : i32
      %add3A_3449 = arith.constant 5 : i32
      %add3A_3450 = arith.addi %add3A_3448, %add3A_3449 : i32
      %dma_start3A_3451 = arith.constant 250 : i32
      %dma_start3A_3452 = arith.constant 0 : i32
      %dma_start3A_3453 = tpu.memref_slice %arg12[%dma_start3A_3451, %dma_start3A_3452] : memref<800x32xf32, #tpu.memory_space<vmem>> -> memref<50x32xf32, #tpu.memory_space<vmem>>
      %dma_start3A_3454 = arith.constant 0 : i32
      %dma_start3A_3455 = arith.constant 0 : i32
      %dma_start3A_3456 = tpu.memref_slice %arg4[%add3A_3450, %dma_start3A_3454, %dma_start3A_3455] : memref<16384x50x32xf32, #tpu.memory_space<hbm>> -> memref<1x50x32xf32, #tpu.memory_space<hbm>>
      %dma_start3A_3457 = tpu.memref_squeeze %dma_start3A_3456 : memref<1x50x32xf32, #tpu.memory_space<hbm>> -> memref<50x32xf32, #tpu.memory_space<hbm>>
      %dma_start3A_3458 = arith.constant 0 : i32
      %dma_start3A_3459 = arith.constant 0 : i32
      %dma_start3A_3460 = tpu.memref_slice %arg4[%add3A_3450, %dma_start3A_3458, %dma_start3A_3459] : memref<16384x50x32xf32, #tpu.memory_space<hbm>> -> memref<1x50x32xf32, #tpu.memory_space<hbm>>
      %dma_start3A_3461 = tpu.memref_squeeze %dma_start3A_3460 : memref<1x50x32xf32, #tpu.memory_space<hbm>> -> memref<50x32xf32, #tpu.memory_space<hbm>>
      %dma_start3A_3462 = arith.constant 250 : i32
      %dma_start3A_3463 = arith.constant 0 : i32
      %dma_start3A_3464 = tpu.memref_slice %arg12[%dma_start3A_3462, %dma_start3A_3463] : memref<800x32xf32, #tpu.memory_space<vmem>> -> memref<50x32xf32, #tpu.memory_space<vmem>>
      tpu.enqueue_dma source(%dma_start3A_3464 : memref<50x32xf32, #tpu.memory_space<vmem>>) target(%dma_start3A_3461 : memref<50x32xf32, #tpu.memory_space<hbm>>) target_semaphore(%arg28 : memref<!tpu.dma_semaphore, #tpu.memory_space<semaphore_mem>>)
      %mul3A_3465 = arith.constant 16 : i32
      %mul3A_3466 = arith.muli %add3A_3350, %mul3A_3465 : i32
      %add3A_3467 = arith.addi %mul3A_4, %mul3A_3466 : i32
      %add3A_3468 = arith.constant 6 : i32
      %add3A_3469 = arith.addi %add3A_3467, %add3A_3468 : i32
      %dma_start3A_3470 = arith.constant 300 : i32
      %dma_start3A_3471 = arith.constant 0 : i32
      %dma_start3A_3472 = tpu.memref_slice %arg12[%dma_start3A_3470, %dma_start3A_3471] : memref<800x32xf32, #tpu.memory_space<vmem>> -> memref<50x32xf32, #tpu.memory_space<vmem>>
      %dma_start3A_3473 = arith.constant 0 : i32
      %dma_start3A_3474 = arith.constant 0 : i32
      %dma_start3A_3475 = tpu.memref_slice %arg4[%add3A_3469, %dma_start3A_3473, %dma_start3A_3474] : memref<16384x50x32xf32, #tpu.memory_space<hbm>> -> memref<1x50x32xf32, #tpu.memory_space<hbm>>
      %dma_start3A_3476 = tpu.memref_squeeze %dma_start3A_3475 : memref<1x50x32xf32, #tpu.memory_space<hbm>> -> memref<50x32xf32, #tpu.memory_space<hbm>>
      %dma_start3A_3477 = arith.constant 0 : i32
      %dma_start3A_3478 = arith.constant 0 : i32
      %dma_start3A_3479 = tpu.memref_slice %arg4[%add3A_3469, %dma_start3A_3477, %dma_start3A_3478] : memref<16384x50x32xf32, #tpu.memory_space<hbm>> -> memref<1x50x32xf32, #tpu.memory_space<hbm>>
      %dma_start3A_3480 = tpu.memref_squeeze %dma_start3A_3479 : memref<1x50x32xf32, #tpu.memory_space<hbm>> -> memref<50x32xf32, #tpu.memory_space<hbm>>
      %dma_start3A_3481 = arith.constant 300 : i32
      %dma_start3A_3482 = arith.constant 0 : i32
      %dma_start3A_3483 = tpu.memref_slice %arg12[%dma_start3A_3481, %dma_start3A_3482] : memref<800x32xf32, #tpu.memory_space<vmem>> -> memref<50x32xf32, #tpu.memory_space<vmem>>
      tpu.enqueue_dma source(%dma_start3A_3483 : memref<50x32xf32, #tpu.memory_space<vmem>>) target(%dma_start3A_3480 : memref<50x32xf32, #tpu.memory_space<hbm>>) target_semaphore(%arg28 : memref<!tpu.dma_semaphore, #tpu.memory_space<semaphore_mem>>)
      %mul3A_3484 = arith.constant 16 : i32
      %mul3A_3485 = arith.muli %add3A_3350, %mul3A_3484 : i32
      %add3A_3486 = arith.addi %mul3A_4, %mul3A_3485 : i32
      %add3A_3487 = arith.constant 7 : i32
      %add3A_3488 = arith.addi %add3A_3486, %add3A_3487 : i32
      %dma_start3A_3489 = arith.constant 350 : i32
      %dma_start3A_3490 = arith.constant 0 : i32
      %dma_start3A_3491 = tpu.memref_slice %arg12[%dma_start3A_3489, %dma_start3A_3490] : memref<800x32xf32, #tpu.memory_space<vmem>> -> memref<50x32xf32, #tpu.memory_space<vmem>>
      %dma_start3A_3492 = arith.constant 0 : i32
      %dma_start3A_3493 = arith.constant 0 : i32
      %dma_start3A_3494 = tpu.memref_slice %arg4[%add3A_3488, %dma_start3A_3492, %dma_start3A_3493] : memref<16384x50x32xf32, #tpu.memory_space<hbm>> -> memref<1x50x32xf32, #tpu.memory_space<hbm>>
      %dma_start3A_3495 = tpu.memref_squeeze %dma_start3A_3494 : memref<1x50x32xf32, #tpu.memory_space<hbm>> -> memref<50x32xf32, #tpu.memory_space<hbm>>
      %dma_start3A_3496 = arith.constant 0 : i32
      %dma_start3A_3497 = arith.constant 0 : i32
      %dma_start3A_3498 = tpu.memref_slice %arg4[%add3A_3488, %dma_start3A_3496, %dma_start3A_3497] : memref<16384x50x32xf32, #tpu.memory_space<hbm>> -> memref<1x50x32xf32, #tpu.memory_space<hbm>>
      %dma_start3A_3499 = tpu.memref_squeeze %dma_start3A_3498 : memref<1x50x32xf32, #tpu.memory_space<hbm>> -> memref<50x32xf32, #tpu.memory_space<hbm>>
      %dma_start3A_3500 = arith.constant 350 : i32
      %dma_start3A_3501 = arith.constant 0 : i32
      %dma_start3A_3502 = tpu.memref_slice %arg12[%dma_start3A_3500, %dma_start3A_3501] : memref<800x32xf32, #tpu.memory_space<vmem>> -> memref<50x32xf32, #tpu.memory_space<vmem>>
      tpu.enqueue_dma source(%dma_start3A_3502 : memref<50x32xf32, #tpu.memory_space<vmem>>) target(%dma_start3A_3499 : memref<50x32xf32, #tpu.memory_space<hbm>>) target_semaphore(%arg28 : memref<!tpu.dma_semaphore, #tpu.memory_space<semaphore_mem>>)
      %mul3A_3503 = arith.constant 16 : i32
      %mul3A_3504 = arith.muli %add3A_3350, %mul3A_3503 : i32
      %add3A_3505 = arith.addi %mul3A_4, %mul3A_3504 : i32
      %add3A_3506 = arith.constant 8 : i32
      %add3A_3507 = arith.addi %add3A_3505, %add3A_3506 : i32
      %dma_start3A_3508 = arith.constant 400 : i32
      %dma_start3A_3509 = arith.constant 0 : i32
      %dma_start3A_3510 = tpu.memref_slice %arg12[%dma_start3A_3508, %dma_start3A_3509] : memref<800x32xf32, #tpu.memory_space<vmem>> -> memref<50x32xf32, #tpu.memory_space<vmem>>
      %dma_start3A_3511 = arith.constant 0 : i32
      %dma_start3A_3512 = arith.constant 0 : i32
      %dma_start3A_3513 = tpu.memref_slice %arg4[%add3A_3507, %dma_start3A_3511, %dma_start3A_3512] : memref<16384x50x32xf32, #tpu.memory_space<hbm>> -> memref<1x50x32xf32, #tpu.memory_space<hbm>>
      %dma_start3A_3514 = tpu.memref_squeeze %dma_start3A_3513 : memref<1x50x32xf32, #tpu.memory_space<hbm>> -> memref<50x32xf32, #tpu.memory_space<hbm>>
      %dma_start3A_3515 = arith.constant 0 : i32
      %dma_start3A_3516 = arith.constant 0 : i32
      %dma_start3A_3517 = tpu.memref_slice %arg4[%add3A_3507, %dma_start3A_3515, %dma_start3A_3516] : memref<16384x50x32xf32, #tpu.memory_space<hbm>> -> memref<1x50x32xf32, #tpu.memory_space<hbm>>
      %dma_start3A_3518 = tpu.memref_squeeze %dma_start3A_3517 : memref<1x50x32xf32, #tpu.memory_space<hbm>> -> memref<50x32xf32, #tpu.memory_space<hbm>>
      %dma_start3A_3519 = arith.constant 400 : i32
      %dma_start3A_3520 = arith.constant 0 : i32
      %dma_start3A_3521 = tpu.memref_slice %arg12[%dma_start3A_3519, %dma_start3A_3520] : memref<800x32xf32, #tpu.memory_space<vmem>> -> memref<50x32xf32, #tpu.memory_space<vmem>>
      tpu.enqueue_dma source(%dma_start3A_3521 : memref<50x32xf32, #tpu.memory_space<vmem>>) target(%dma_start3A_3518 : memref<50x32xf32, #tpu.memory_space<hbm>>) target_semaphore(%arg28 : memref<!tpu.dma_semaphore, #tpu.memory_space<semaphore_mem>>)
      %mul3A_3522 = arith.constant 16 : i32
      %mul3A_3523 = arith.muli %add3A_3350, %mul3A_3522 : i32
      %add3A_3524 = arith.addi %mul3A_4, %mul3A_3523 : i32
      %add3A_3525 = arith.constant 9 : i32
      %add3A_3526 = arith.addi %add3A_3524, %add3A_3525 : i32
      %dma_start3A_3527 = arith.constant 450 : i32
      %dma_start3A_3528 = arith.constant 0 : i32
      %dma_start3A_3529 = tpu.memref_slice %arg12[%dma_start3A_3527, %dma_start3A_3528] : memref<800x32xf32, #tpu.memory_space<vmem>> -> memref<50x32xf32, #tpu.memory_space<vmem>>
      %dma_start3A_3530 = arith.constant 0 : i32
      %dma_start3A_3531 = arith.constant 0 : i32
      %dma_start3A_3532 = tpu.memref_slice %arg4[%add3A_3526, %dma_start3A_3530, %dma_start3A_3531] : memref<16384x50x32xf32, #tpu.memory_space<hbm>> -> memref<1x50x32xf32, #tpu.memory_space<hbm>>
      %dma_start3A_3533 = tpu.memref_squeeze %dma_start3A_3532 : memref<1x50x32xf32, #tpu.memory_space<hbm>> -> memref<50x32xf32, #tpu.memory_space<hbm>>
      %dma_start3A_3534 = arith.constant 0 : i32
      %dma_start3A_3535 = arith.constant 0 : i32
      %dma_start3A_3536 = tpu.memref_slice %arg4[%add3A_3526, %dma_start3A_3534, %dma_start3A_3535] : memref<16384x50x32xf32, #tpu.memory_space<hbm>> -> memref<1x50x32xf32, #tpu.memory_space<hbm>>
      %dma_start3A_3537 = tpu.memref_squeeze %dma_start3A_3536 : memref<1x50x32xf32, #tpu.memory_space<hbm>> -> memref<50x32xf32, #tpu.memory_space<hbm>>
      %dma_start3A_3538 = arith.constant 450 : i32
      %dma_start3A_3539 = arith.constant 0 : i32
      %dma_start3A_3540 = tpu.memref_slice %arg12[%dma_start3A_3538, %dma_start3A_3539] : memref<800x32xf32, #tpu.memory_space<vmem>> -> memref<50x32xf32, #tpu.memory_space<vmem>>
      tpu.enqueue_dma source(%dma_start3A_3540 : memref<50x32xf32, #tpu.memory_space<vmem>>) target(%dma_start3A_3537 : memref<50x32xf32, #tpu.memory_space<hbm>>) target_semaphore(%arg28 : memref<!tpu.dma_semaphore, #tpu.memory_space<semaphore_mem>>)
      %mul3A_3541 = arith.constant 16 : i32
      %mul3A_3542 = arith.muli %add3A_3350, %mul3A_3541 : i32
      %add3A_3543 = arith.addi %mul3A_4, %mul3A_3542 : i32
      %add3A_3544 = arith.constant 10 : i32
      %add3A_3545 = arith.addi %add3A_3543, %add3A_3544 : i32
      %dma_start3A_3546 = arith.constant 500 : i32
      %dma_start3A_3547 = arith.constant 0 : i32
      %dma_start3A_3548 = tpu.memref_slice %arg12[%dma_start3A_3546, %dma_start3A_3547] : memref<800x32xf32, #tpu.memory_space<vmem>> -> memref<50x32xf32, #tpu.memory_space<vmem>>
      %dma_start3A_3549 = arith.constant 0 : i32
      %dma_start3A_3550 = arith.constant 0 : i32
      %dma_start3A_3551 = tpu.memref_slice %arg4[%add3A_3545, %dma_start3A_3549, %dma_start3A_3550] : memref<16384x50x32xf32, #tpu.memory_space<hbm>> -> memref<1x50x32xf32, #tpu.memory_space<hbm>>
      %dma_start3A_3552 = tpu.memref_squeeze %dma_start3A_3551 : memref<1x50x32xf32, #tpu.memory_space<hbm>> -> memref<50x32xf32, #tpu.memory_space<hbm>>
      %dma_start3A_3553 = arith.constant 0 : i32
      %dma_start3A_3554 = arith.constant 0 : i32
      %dma_start3A_3555 = tpu.memref_slice %arg4[%add3A_3545, %dma_start3A_3553, %dma_start3A_3554] : memref<16384x50x32xf32, #tpu.memory_space<hbm>> -> memref<1x50x32xf32, #tpu.memory_space<hbm>>
      %dma_start3A_3556 = tpu.memref_squeeze %dma_start3A_3555 : memref<1x50x32xf32, #tpu.memory_space<hbm>> -> memref<50x32xf32, #tpu.memory_space<hbm>>
      %dma_start3A_3557 = arith.constant 500 : i32
      %dma_start3A_3558 = arith.constant 0 : i32
      %dma_start3A_3559 = tpu.memref_slice %arg12[%dma_start3A_3557, %dma_start3A_3558] : memref<800x32xf32, #tpu.memory_space<vmem>> -> memref<50x32xf32, #tpu.memory_space<vmem>>
      tpu.enqueue_dma source(%dma_start3A_3559 : memref<50x32xf32, #tpu.memory_space<vmem>>) target(%dma_start3A_3556 : memref<50x32xf32, #tpu.memory_space<hbm>>) target_semaphore(%arg28 : memref<!tpu.dma_semaphore, #tpu.memory_space<semaphore_mem>>)
      %mul3A_3560 = arith.constant 16 : i32
      %mul3A_3561 = arith.muli %add3A_3350, %mul3A_3560 : i32
      %add3A_3562 = arith.addi %mul3A_4, %mul3A_3561 : i32
      %add3A_3563 = arith.constant 11 : i32
      %add3A_3564 = arith.addi %add3A_3562, %add3A_3563 : i32
      %dma_start3A_3565 = arith.constant 550 : i32
      %dma_start3A_3566 = arith.constant 0 : i32
      %dma_start3A_3567 = tpu.memref_slice %arg12[%dma_start3A_3565, %dma_start3A_3566] : memref<800x32xf32, #tpu.memory_space<vmem>> -> memref<50x32xf32, #tpu.memory_space<vmem>>
      %dma_start3A_3568 = arith.constant 0 : i32
      %dma_start3A_3569 = arith.constant 0 : i32
      %dma_start3A_3570 = tpu.memref_slice %arg4[%add3A_3564, %dma_start3A_3568, %dma_start3A_3569] : memref<16384x50x32xf32, #tpu.memory_space<hbm>> -> memref<1x50x32xf32, #tpu.memory_space<hbm>>
      %dma_start3A_3571 = tpu.memref_squeeze %dma_start3A_3570 : memref<1x50x32xf32, #tpu.memory_space<hbm>> -> memref<50x32xf32, #tpu.memory_space<hbm>>
      %dma_start3A_3572 = arith.constant 0 : i32
      %dma_start3A_3573 = arith.constant 0 : i32
      %dma_start3A_3574 = tpu.memref_slice %arg4[%add3A_3564, %dma_start3A_3572, %dma_start3A_3573] : memref<16384x50x32xf32, #tpu.memory_space<hbm>> -> memref<1x50x32xf32, #tpu.memory_space<hbm>>
      %dma_start3A_3575 = tpu.memref_squeeze %dma_start3A_3574 : memref<1x50x32xf32, #tpu.memory_space<hbm>> -> memref<50x32xf32, #tpu.memory_space<hbm>>
      %dma_start3A_3576 = arith.constant 550 : i32
      %dma_start3A_3577 = arith.constant 0 : i32
      %dma_start3A_3578 = tpu.memref_slice %arg12[%dma_start3A_3576, %dma_start3A_3577] : memref<800x32xf32, #tpu.memory_space<vmem>> -> memref<50x32xf32, #tpu.memory_space<vmem>>
      tpu.enqueue_dma source(%dma_start3A_3578 : memref<50x32xf32, #tpu.memory_space<vmem>>) target(%dma_start3A_3575 : memref<50x32xf32, #tpu.memory_space<hbm>>) target_semaphore(%arg28 : memref<!tpu.dma_semaphore, #tpu.memory_space<semaphore_mem>>)
      %mul3A_3579 = arith.constant 16 : i32
      %mul3A_3580 = arith.muli %add3A_3350, %mul3A_3579 : i32
      %add3A_3581 = arith.addi %mul3A_4, %mul3A_3580 : i32
      %add3A_3582 = arith.constant 12 : i32
      %add3A_3583 = arith.addi %add3A_3581, %add3A_3582 : i32
      %dma_start3A_3584 = arith.constant 600 : i32
      %dma_start3A_3585 = arith.constant 0 : i32
      %dma_start3A_3586 = tpu.memref_slice %arg12[%dma_start3A_3584, %dma_start3A_3585] : memref<800x32xf32, #tpu.memory_space<vmem>> -> memref<50x32xf32, #tpu.memory_space<vmem>>
      %dma_start3A_3587 = arith.constant 0 : i32
      %dma_start3A_3588 = arith.constant 0 : i32
      %dma_start3A_3589 = tpu.memref_slice %arg4[%add3A_3583, %dma_start3A_3587, %dma_start3A_3588] : memref<16384x50x32xf32, #tpu.memory_space<hbm>> -> memref<1x50x32xf32, #tpu.memory_space<hbm>>
      %dma_start3A_3590 = tpu.memref_squeeze %dma_start3A_3589 : memref<1x50x32xf32, #tpu.memory_space<hbm>> -> memref<50x32xf32, #tpu.memory_space<hbm>>
      %dma_start3A_3591 = arith.constant 0 : i32
      %dma_start3A_3592 = arith.constant 0 : i32
      %dma_start3A_3593 = tpu.memref_slice %arg4[%add3A_3583, %dma_start3A_3591, %dma_start3A_3592] : memref<16384x50x32xf32, #tpu.memory_space<hbm>> -> memref<1x50x32xf32, #tpu.memory_space<hbm>>
      %dma_start3A_3594 = tpu.memref_squeeze %dma_start3A_3593 : memref<1x50x32xf32, #tpu.memory_space<hbm>> -> memref<50x32xf32, #tpu.memory_space<hbm>>
      %dma_start3A_3595 = arith.constant 600 : i32
      %dma_start3A_3596 = arith.constant 0 : i32
      %dma_start3A_3597 = tpu.memref_slice %arg12[%dma_start3A_3595, %dma_start3A_3596] : memref<800x32xf32, #tpu.memory_space<vmem>> -> memref<50x32xf32, #tpu.memory_space<vmem>>
      tpu.enqueue_dma source(%dma_start3A_3597 : memref<50x32xf32, #tpu.memory_space<vmem>>) target(%dma_start3A_3594 : memref<50x32xf32, #tpu.memory_space<hbm>>) target_semaphore(%arg28 : memref<!tpu.dma_semaphore, #tpu.memory_space<semaphore_mem>>)
      %mul3A_3598 = arith.constant 16 : i32
      %mul3A_3599 = arith.muli %add3A_3350, %mul3A_3598 : i32
      %add3A_3600 = arith.addi %mul3A_4, %mul3A_3599 : i32
      %add3A_3601 = arith.constant 13 : i32
      %add3A_3602 = arith.addi %add3A_3600, %add3A_3601 : i32
      %dma_start3A_3603 = arith.constant 650 : i32
      %dma_start3A_3604 = arith.constant 0 : i32
      %dma_start3A_3605 = tpu.memref_slice %arg12[%dma_start3A_3603, %dma_start3A_3604] : memref<800x32xf32, #tpu.memory_space<vmem>> -> memref<50x32xf32, #tpu.memory_space<vmem>>
      %dma_start3A_3606 = arith.constant 0 : i32
      %dma_start3A_3607 = arith.constant 0 : i32
      %dma_start3A_3608 = tpu.memref_slice %arg4[%add3A_3602, %dma_start3A_3606, %dma_start3A_3607] : memref<16384x50x32xf32, #tpu.memory_space<hbm>> -> memref<1x50x32xf32, #tpu.memory_space<hbm>>
      %dma_start3A_3609 = tpu.memref_squeeze %dma_start3A_3608 : memref<1x50x32xf32, #tpu.memory_space<hbm>> -> memref<50x32xf32, #tpu.memory_space<hbm>>
      %dma_start3A_3610 = arith.constant 0 : i32
      %dma_start3A_3611 = arith.constant 0 : i32
      %dma_start3A_3612 = tpu.memref_slice %arg4[%add3A_3602, %dma_start3A_3610, %dma_start3A_3611] : memref<16384x50x32xf32, #tpu.memory_space<hbm>> -> memref<1x50x32xf32, #tpu.memory_space<hbm>>
      %dma_start3A_3613 = tpu.memref_squeeze %dma_start3A_3612 : memref<1x50x32xf32, #tpu.memory_space<hbm>> -> memref<50x32xf32, #tpu.memory_space<hbm>>
      %dma_start3A_3614 = arith.constant 650 : i32
      %dma_start3A_3615 = arith.constant 0 : i32
      %dma_start3A_3616 = tpu.memref_slice %arg12[%dma_start3A_3614, %dma_start3A_3615] : memref<800x32xf32, #tpu.memory_space<vmem>> -> memref<50x32xf32, #tpu.memory_space<vmem>>
      tpu.enqueue_dma source(%dma_start3A_3616 : memref<50x32xf32, #tpu.memory_space<vmem>>) target(%dma_start3A_3613 : memref<50x32xf32, #tpu.memory_space<hbm>>) target_semaphore(%arg28 : memref<!tpu.dma_semaphore, #tpu.memory_space<semaphore_mem>>)
      %mul3A_3617 = arith.constant 16 : i32
      %mul3A_3618 = arith.muli %add3A_3350, %mul3A_3617 : i32
      %add3A_3619 = arith.addi %mul3A_4, %mul3A_3618 : i32
      %add3A_3620 = arith.constant 14 : i32
      %add3A_3621 = arith.addi %add3A_3619, %add3A_3620 : i32
      %dma_start3A_3622 = arith.constant 700 : i32
      %dma_start3A_3623 = arith.constant 0 : i32
      %dma_start3A_3624 = tpu.memref_slice %arg12[%dma_start3A_3622, %dma_start3A_3623] : memref<800x32xf32, #tpu.memory_space<vmem>> -> memref<50x32xf32, #tpu.memory_space<vmem>>
      %dma_start3A_3625 = arith.constant 0 : i32
      %dma_start3A_3626 = arith.constant 0 : i32
      %dma_start3A_3627 = tpu.memref_slice %arg4[%add3A_3621, %dma_start3A_3625, %dma_start3A_3626] : memref<16384x50x32xf32, #tpu.memory_space<hbm>> -> memref<1x50x32xf32, #tpu.memory_space<hbm>>
      %dma_start3A_3628 = tpu.memref_squeeze %dma_start3A_3627 : memref<1x50x32xf32, #tpu.memory_space<hbm>> -> memref<50x32xf32, #tpu.memory_space<hbm>>
      %dma_start3A_3629 = arith.constant 0 : i32
      %dma_start3A_3630 = arith.constant 0 : i32
      %dma_start3A_3631 = tpu.memref_slice %arg4[%add3A_3621, %dma_start3A_3629, %dma_start3A_3630] : memref<16384x50x32xf32, #tpu.memory_space<hbm>> -> memref<1x50x32xf32, #tpu.memory_space<hbm>>
      %dma_start3A_3632 = tpu.memref_squeeze %dma_start3A_3631 : memref<1x50x32xf32, #tpu.memory_space<hbm>> -> memref<50x32xf32, #tpu.memory_space<hbm>>
      %dma_start3A_3633 = arith.constant 700 : i32
      %dma_start3A_3634 = arith.constant 0 : i32
      %dma_start3A_3635 = tpu.memref_slice %arg12[%dma_start3A_3633, %dma_start3A_3634] : memref<800x32xf32, #tpu.memory_space<vmem>> -> memref<50x32xf32, #tpu.memory_space<vmem>>
      tpu.enqueue_dma source(%dma_start3A_3635 : memref<50x32xf32, #tpu.memory_space<vmem>>) target(%dma_start3A_3632 : memref<50x32xf32, #tpu.memory_space<hbm>>) target_semaphore(%arg28 : memref<!tpu.dma_semaphore, #tpu.memory_space<semaphore_mem>>)
      %mul3A_3636 = arith.constant 16 : i32
      %mul3A_3637 = arith.muli %add3A_3350, %mul3A_3636 : i32
      %add3A_3638 = arith.addi %mul3A_4, %mul3A_3637 : i32
      %add3A_3639 = arith.constant 15 : i32
      %add3A_3640 = arith.addi %add3A_3638, %add3A_3639 : i32
      %dma_start3A_3641 = arith.constant 750 : i32
      %dma_start3A_3642 = arith.constant 0 : i32
      %dma_start3A_3643 = tpu.memref_slice %arg12[%dma_start3A_3641, %dma_start3A_3642] : memref<800x32xf32, #tpu.memory_space<vmem>> -> memref<50x32xf32, #tpu.memory_space<vmem>>
      %dma_start3A_3644 = arith.constant 0 : i32
      %dma_start3A_3645 = arith.constant 0 : i32
      %dma_start3A_3646 = tpu.memref_slice %arg4[%add3A_3640, %dma_start3A_3644, %dma_start3A_3645] : memref<16384x50x32xf32, #tpu.memory_space<hbm>> -> memref<1x50x32xf32, #tpu.memory_space<hbm>>
      %dma_start3A_3647 = tpu.memref_squeeze %dma_start3A_3646 : memref<1x50x32xf32, #tpu.memory_space<hbm>> -> memref<50x32xf32, #tpu.memory_space<hbm>>
      %dma_start3A_3648 = arith.constant 0 : i32
      %dma_start3A_3649 = arith.constant 0 : i32
      %dma_start3A_3650 = tpu.memref_slice %arg4[%add3A_3640, %dma_start3A_3648, %dma_start3A_3649] : memref<16384x50x32xf32, #tpu.memory_space<hbm>> -> memref<1x50x32xf32, #tpu.memory_space<hbm>>
      %dma_start3A_3651 = tpu.memref_squeeze %dma_start3A_3650 : memref<1x50x32xf32, #tpu.memory_space<hbm>> -> memref<50x32xf32, #tpu.memory_space<hbm>>
      %dma_start3A_3652 = arith.constant 750 : i32
      %dma_start3A_3653 = arith.constant 0 : i32
      %dma_start3A_3654 = tpu.memref_slice %arg12[%dma_start3A_3652, %dma_start3A_3653] : memref<800x32xf32, #tpu.memory_space<vmem>> -> memref<50x32xf32, #tpu.memory_space<vmem>>
      tpu.enqueue_dma source(%dma_start3A_3654 : memref<50x32xf32, #tpu.memory_space<vmem>>) target(%dma_start3A_3651 : memref<50x32xf32, #tpu.memory_space<hbm>>) target_semaphore(%arg28 : memref<!tpu.dma_semaphore, #tpu.memory_space<semaphore_mem>>)
    }
    %scan3A_14 = arith.constant 8 : i32
    %dma_wait3A = arith.constant 0 : i32
    %dma_wait3A_15 = arith.constant 0 : i32
    %dma_wait3A_16 = tpu.memref_slice %arg3[%dma_wait3A, %dma_wait3A_15] : memref<1000000x32xf32, #tpu.memory_space<hbm>> -> memref<800x32xf32, #tpu.memory_space<hbm>>
    %dma_wait3A_17 = arith.constant 0 : i32
    %dma_wait3A_18 = arith.constant 0 : i32
    %dma_wait3A_19 = tpu.memref_slice %arg3[%dma_wait3A_17, %dma_wait3A_18] : memref<1000000x32xf32, #tpu.memory_space<hbm>> -> memref<800x32xf32, #tpu.memory_space<hbm>>
    tpu.wait_dma2 semaphore(%arg25 : memref<!tpu.dma_semaphore, #tpu.memory_space<semaphore_mem>>) src(%dma_wait3A_19 : memref<800x32xf32, #tpu.memory_space<hbm>>) dst(%arg9 : memref<800x32xf32, #tpu.memory_space<vmem>>)
    %dma_wait3A_20 = arith.constant 0 : i32
    %dma_wait3A_21 = arith.constant 0 : i32
    %dma_wait3A_22 = tpu.memref_slice %arg3[%dma_wait3A_20, %dma_wait3A_21] : memref<1000000x32xf32, #tpu.memory_space<hbm>> -> memref<800x32xf32, #tpu.memory_space<hbm>>
    %dma_wait3A_23 = arith.constant 0 : i32
    %dma_wait3A_24 = arith.constant 0 : i32
    %dma_wait3A_25 = tpu.memref_slice %arg3[%dma_wait3A_23, %dma_wait3A_24] : memref<1000000x32xf32, #tpu.memory_space<hbm>> -> memref<800x32xf32, #tpu.memory_space<hbm>>
    tpu.wait_dma2 semaphore(%arg26 : memref<!tpu.dma_semaphore, #tpu.memory_space<semaphore_mem>>) src(%dma_wait3A_25 : memref<800x32xf32, #tpu.memory_space<hbm>>) dst(%arg10 : memref<800x32xf32, #tpu.memory_space<vmem>>)
    %dma_wait3A_26 = arith.constant 0 : i32
    %dma_wait3A_27 = arith.constant 0 : i32
    %dma_wait3A_28 = tpu.memref_slice %arg3[%dma_wait3A_26, %dma_wait3A_27] : memref<1000000x32xf32, #tpu.memory_space<hbm>> -> memref<800x32xf32, #tpu.memory_space<hbm>>
    %dma_wait3A_29 = arith.constant 0 : i32
    %dma_wait3A_30 = arith.constant 0 : i32
    %dma_wait3A_31 = tpu.memref_slice %arg3[%dma_wait3A_29, %dma_wait3A_30] : memref<1000000x32xf32, #tpu.memory_space<hbm>> -> memref<800x32xf32, #tpu.memory_space<hbm>>
    tpu.wait_dma2 semaphore(%arg27 : memref<!tpu.dma_semaphore, #tpu.memory_space<semaphore_mem>>) src(%dma_wait3A_31 : memref<800x32xf32, #tpu.memory_space<hbm>>) dst(%arg11 : memref<800x32xf32, #tpu.memory_space<vmem>>)
    %dma_wait3A_32 = arith.constant 0 : i32
    %dma_wait3A_33 = arith.constant 0 : i32
    %dma_wait3A_34 = tpu.memref_slice %arg3[%dma_wait3A_32, %dma_wait3A_33] : memref<1000000x32xf32, #tpu.memory_space<hbm>> -> memref<800x32xf32, #tpu.memory_space<hbm>>
    %dma_wait3A_35 = arith.constant 0 : i32
    %dma_wait3A_36 = arith.constant 0 : i32
    %dma_wait3A_37 = tpu.memref_slice %arg3[%dma_wait3A_35, %dma_wait3A_36] : memref<1000000x32xf32, #tpu.memory_space<hbm>> -> memref<800x32xf32, #tpu.memory_space<hbm>>
    tpu.wait_dma2 semaphore(%arg28 : memref<!tpu.dma_semaphore, #tpu.memory_space<semaphore_mem>>) src(%dma_wait3A_37 : memref<800x32xf32, #tpu.memory_space<hbm>>) dst(%arg12 : memref<800x32xf32, #tpu.memory_space<vmem>>)
    return
  }
}

</mosaic_0001>

<sc_bundles>
// kernel: kernel.3.cloned.1.call-start
scs
__scs_entry_jumppad:
0x0: {  	(pc) =	sbr.rel $0x88, $3  }
0x1: {  	(tag) =	ssettag $0x0;
	lr =	simm.s32 $0x1  }
0x2: {  	[smem:$0x3F9F] =	sst lr;
	_ =	strace $0xD0000000  }
0x3: {  	_ = 	snop  }
0x4: {  	_ = 	snop  }
0x5: {  	_ = 	snop  }
0x6: {  	_ = 	snop  }
0x7: {  	_ = 	snop  }
__scs_overlays_trampoline_lowered:
0x8: {  	[smem:$0x3FAE] =	sst s0  }
0x9: {  	[smem:$0x3FAF] =	sst s1  }
0xa: {  	[smem:$0x3FB0] =	sst s2  }
0xb: {  	[smem:$0x3FB1] =	sst s3  }
0xc: {  	[smem:$0x3FB2] =	sst s4  }
0xd: {  	[smem:$0x3FB3] =	sst s5  }
0xe: {  	[smem:$0x3FB4] =	sst s6  }
0xf: {  	[smem:$0x3FB5] =	sst s7  }
0x10: {  	[smem:$0x3FB6] =	sst s8  }
0x11: {  	[smem:$0x3FB7] =	sst s9;
	s0 =	simm.s32 @!p0 $0x0  }
0x12: {  	s1 =	sld [smem:$0x3F9D];
	s0 =	simm.s32 @p0 $0x1  }
0x13: {  	[smem:$0x3FB8] =	sst s0;
	s0 =	simm.s32 @!p1 $0x0  }
0x14: {  	s2 =	sld [smem:$0x3F9C];
	s0 =	simm.s32 @p1 $0x1  }
0x15: {  	[smem:$0x3FB9] =	sst s0;
	s0 =	simm.s32 @!p2 $0x0  }
0x16: {  	s3 =	sld [smem:$0x3FDB];
	s0 =	simm.s32 @p2 $0x1  }
0x17: {  	s4 =	simm.s32 $0x1BF5;
	[smem:$0x3FBB] =	sst s0  }
0x18: {  	s0 =	sld [smem:$0x3F9E];
	_ =	swait.ge [sflag:s4], $0x0  }
0x19: {  	s7 =	sld [smem:$0x3F9F]  }
0x1a: {  	s8 =	sadd.s32 $0xFFFFE003, lr  }
0x1b: {  	s9 =	sadd.s32 $0xFFFFFEF7, lr;
	s5 =	simm.s32 $0xFFFFFFFF;
	p2 =	slt.u32 s8, $0xFFFFF086  }
0x1c: {  	p1 =	slt.u32 s9, $0xF7A;
	s5 =	simm.s32 @!p2 $0x0  }
0x1d: {  	s5 =	simm.s32 @p1 $0x1;
	p0 =	seq.s32 s7, s2  }
0x1e: {  	s7 =	smul.u32 @!p0 $0xF7A, s2;
	p2 =	seq.s32 @!p0 s5, $0x0  }
0x1f: {  	s9 =	smul.u32 $0xF7A, s1;
	s8 =	simm.s32 @!p0 $0x1BF5;
	p2 =	por !p2, p0  }
0x20: {  	[sflag:s8] =	ssyncset.s32 @!p0 $0xFFFFF086;
	s6 =	sadd.s32 @!p0 s3, s7;
	s7 =	simm.s32 @!p0 $0x108  }
0x21: {  	s3 =	sadd.s32 s3, s9;
	s6 =	sadd.s32 @!p0 $0x88, s6;
	s7 =	simm.s32 @p2 $0x1082  }
0x22: {  	[simem:s7], [sflag:s8] =	dma.local @!p0 [hbm:s6], $0xF7A  }
0x23: {  	s9 =	sor.u32 $0xD0000000, s2;
	s6 =	simm.s32 $0x108;
	_ =	swait.ge @!p0 [sflag:s8], $0x0  }
0x24: {  	s3 =	sadd.s32 $0x88, s3;
	s6 =	simm.s32 @!p1 $0x1082;
	[sflag:s4] =	ssyncset.s32 $0xFFFFF086  }
0x25: {  	[simem:s6], [sflag:s4] =	dma.local [hbm:s3], $0xF7A  }
0x26: {  	[smem:$0x3F9F] =	sst s1;
	(tag) =	ssettag s2;
	_ =	strace s9  }
0x27: {  	s1 =	sld [smem:$0x3FAF]  }
0x28: {  	s2 =	sld [smem:$0x3FB0]  }
0x29: {  	s4 =	sld [smem:$0x3FB2]  }
0x2a: {  	p0 =	seq.s32 s5, $0x0;
	s5 =	sld [smem:$0x3FB3]  }
0x2b: {  	s6 =	sld [smem:$0x3FB4]  }
0x2c: {  	s7 =	sld [smem:$0x3FB5]  }
0x2d: {  	s3 =	simm.s32 $0x108;
	s8 =	sld [smem:$0x3FB6]  }
0x2e: {  	s3 =	simm.s32 @!p0 $0x1082;
	s9 =	sld [smem:$0x3FB7]  }
0x2f: {  	lr =	sadd.s32 s0, s3;
	s0 =	sld [smem:$0x3FAE]  }
0x30: {  	s3 =	sld [smem:$0x3FB1]  }
0x31: {  	[smem:$0x3FBA] =	sst s10  }
0x32: {  	s10 =	sld [smem:$0x3FB8];
	_ =	sdelay $0x3  }
0x33: {  	p0 =	seq.s32 s10, $0x1;
	s10 =	sld [smem:$0x3FBA];
	_ =	sdelay $0x3  }
0x34: {  	[smem:$0x3FBA] =	sst s10  }
0x35: {  	s10 =	sld [smem:$0x3FB9];
	_ =	sdelay $0x3  }
0x36: {  	p1 =	seq.s32 s10, $0x1;
	s10 =	sld [smem:$0x3FBA];
	_ =	sdelay $0x3  }
0x37: {  	[smem:$0x3FBA] =	sst s10  }
0x38: {  	s10 =	sld [smem:$0x3FBB]  }
0x39: {  	_ = 	snop;
	(pc) =	sbr.ind lr, $3  }
0x3a: {  	_ = 	snop  }
0x3b: {  	_ = 	snop  }
0x3c: {  	p2 =	seq.s32 s10, $0x1;
	s10 =	sld [smem:$0x3FBA]  }
0x3d: {  	_ =	shalt  }
0x3e: {  	_ =	shalt  }
0x3f: {  	_ =	shalt  }
0x40: {  	_ =	shalt  }
0x41: {  	_ =	shalt  }
0x42: {  	_ =	shalt  }
0x43: {  	_ =	shalt  }
0x44: {  	_ =	shalt  }
0x45: {  	_ =	shalt  }
0x46: {  	_ =	shalt  }
0x47: {  	_ =	shalt  }
0x48: {  	_ =	shalt  }
0x49: {  	_ =	shalt  }
0x4a: {  	_ =	shalt  }
0x4b: {  	_ =	shalt  }
0x4c: {  	_ =	shalt  }
0x4d: {  	_ =	shalt  }
0x4e: {  	_ =	shalt  }
0x4f: {  	_ =	shalt  }
0x50: {  	_ =	shalt  }
0x51: {  	_ =	shalt  }
0x52: {  	_ =	shalt  }
0x53: {  	_ =	shalt  }
0x54: {  	_ =	shalt  }
0x55: {  	_ =	shalt  }
0x56: {  	_ =	shalt  }
0x57: {  	_ =	shalt  }
0x58: {  	_ =	shalt  }
0x59: {  	_ =	shalt  }
0x5a: {  	_ =	shalt  }
0x5b: {  	_ =	shalt  }
0x5c: {  	_ =	shalt  }
0x5d: {  	_ =	shalt  }
0x5e: {  	_ =	shalt  }
0x5f: {  	_ =	shalt  }
0x60: {  	_ =	shalt  }
0x61: {  	_ =	shalt  }
0x62: {  	_ =	shalt  }
0x63: {  	_ =	shalt  }
0x64: {  	_ =	shalt  }
0x65: {  	_ =	shalt  }
0x66: {  	_ =	shalt  }
0x67: {  	_ =	shalt  }
0x68: {  	_ =	shalt  }
0x69: {  	_ =	shalt  }
0x6a: {  	_ =	shalt  }
0x6b: {  	_ =	shalt  }
0x6c: {  	_ =	shalt  }
0x6d: {  	_ =	shalt  }
0x6e: {  	_ =	shalt  }
0x6f: {  	_ =	shalt  }
0x70: {  	_ =	shalt  }
0x71: {  	_ =	shalt  }
0x72: {  	_ =	shalt  }
0x73: {  	_ =	shalt  }
0x74: {  	_ =	shalt  }
0x75: {  	_ =	shalt  }
0x76: {  	_ =	shalt  }
0x77: {  	_ =	shalt  }
0x78: {  	_ =	shalt  }
0x79: {  	_ =	shalt  }
0x7a: {  	_ =	shalt  }
0x7b: {  	_ =	shalt  }
0x7c: {  	_ =	shalt  }
0x7d: {  	_ =	shalt  }
0x7e: {  	_ =	shalt  }
0x7f: {  	_ =	shalt  }
0x80: {  	_ =	shalt  }
0x81: {  	_ =	shalt  }
0x82: {  	_ =	shalt  }
0x83: {  	_ =	shalt  }
0x84: {  	_ =	shalt  }
0x85: {  	_ =	shalt  }
0x86: {  	_ =	shalt  }
0x87: {  	_ =	shalt  }
.Lfunc_end0:
.L_simem_size_0:
called_computation.1_lowered:
.L_overlay_start_0:
0x88: {  	s2 =	sld [smem:$0x3FD9]  }
0x89: {  	s3 =	sld [smem:$0x3FFE];
	_ =	sdelay $0x1  }
0x8a: {  	s1 =	srdreg.scid  }
0x8b: {  	s0 =	sand.u32 $0x1, s1  }
0x8c: {  	s17 =	sshll.u32 s0, $0xA;
	s2 =	sadd.s32 s3, s2  }
0x8d: {  	s2 =	sadd.s32 s2, s17  }
0x8e: {  	[smem:$0x3FC6] =	sst s2  }
0x8f: {  	_ = 	snop  }
0x90: {  	s2 =	sld [smem:$0x3FD0];
	(tm) =	ssettm $0x1  }
0x91: {  	s18 =	sld [smem:$0x3FFB];
	_ =	sdelay $0x3  }
0x92: {  	_ =	strace s18  }
0x93: {  	s3 =	sld [smem:$0x3FFC];
	_ =	sdelay $0x3  }
0x94: {  	_ =	strace s3  }
0x95: {  	s3 =	sld [smem:$0x3FFD];
	_ =	sdelay $0x3  }
0x96: {  	_ =	strace s3  }
0x97: {  	_ =	strace $0x8FFFFFFF  }
0x98: {  	s19 =	sld [smem:$0x3FDB];
	_ =	sdelay $0x1  }
0x99: {  	s4 =	simm.s32 $_scs_section_size  }
0x9a: {  	s5 =	simm.s32 $_size__tile_overlayer_lowered;
	s6 =	simm.s32 $_tile_overlayer_lowered  }
0x9b: {  	s22 =	simm.s32 $0x1BFF;
	s21 =	sshll.u32 s6, $0x1;
	s3 =	sadd.s32 s4, s19  }
0x9c: {  	s7 =	simm.s32 $0x0;
	s20 =	sshll.u32 s5, $0x1;
	s5 =	sadd.s32 s21, s3  }
0x9d: {  	[timem:s7], [sflag:s22] =	dma.local [hbm:s5], s20  }
0x9e: {  	_ =	swait.ge [sflag:s22], s20  }
0x9f: {  	s4 =	ssub.s32 $0x0, s20;
	[sflag:s22] =	ssyncset.done $0x0  }
0xa0: {  	[sflag:s22] =	ssyncadd.s32 s4;
	_ =	sdelay $0x1  }
0xa1: {  	s23 =	simm.s32 $0x1B8B  }
0xa2: {  	_ =	swait.ge [sflag:s23], $0x1  }
0xa3: {  	[sflag:s23] =	ssyncset.done $0x0  }
0xa4: {  	s25 =	simm.s32 $0x1B8E;
	s24 =	sld [smem:$0x3FFE];
	[sflag:s23] =	ssyncadd.s32 $0xFFFFFFFF  }
0xa5: {  	s26 =	simm.s32 $execute0_lowered;
	[smem:$0x3FD2] =	sst s25  }
0xa6: {  	s5 =	sshll.u32 s26, $0x1;
	_ =	strace $0x80000046;
	[dreg:$0x1] =	wrdreg $0xFFFFFFFF  }
0xa7: {  	s28 =	simm.s32 $_size_execute0_lowered;
	s3 =	sadd.s32 s3, s5;
	[dreg:$0x0] =	wrdreg $0x0  }
0xa8: {  	s5 =	sshll.u32 s28, $0x1;
	[dreg:$0x2] =	wrdreg s3  }
0xa9: {  	[dreg:$0x3] =	wrdreg s5  }
0xaa: {  	[dreg:$0x4] =	wrdreg $0xC0  }
0xab: {  	_ =	task [dreg:s7], $0x5FFFF  }
0xac: {  	[dreg:$0x1] =	wrdreg $0xFFFFFFFF  }
0xad: {  	[dreg:$0x0] =	wrdreg $0x60  }
0xae: {  	[dreg:$0x2] =	wrdreg s24  }
0xaf: {  	[dreg:$0x3] =	wrdreg s2  }
0xb0: {  	[dreg:$0x4] =	wrdreg $0x9  }
0xb1: {  	_ =	task.clear_ibuf [dreg:s7], $0x5FFFF;
	_ =	strace $0x90000046  }
0xb2: {  	s29 =	simm.s32 $0x9;
	_ =	strace $0x80000048  }
0xb3: {  	_ =	swait.ge [sflag:s29], $0x1  }
0xb4: {  	[sflag:s29] =	ssyncadd.s32 $0xFFFFFFFF  }
0xb5: {  	_ =	strace $0x90000048  }
0xb6: {  	_ =	sfence  }
0xb7: {  	s30 =	sld [smem:$0x0];
	_ =	sdelay $0x2  }
0xb8: {  	s31 =	sshll.u32 s1, $0xD;
	s1 =	sshrl.u32 s1, $0x2  }
0xb9: {  	s3 =	sand.u32 $0x4000, s31;
	s1 =	sadd.s32 s1, s30  }
0xba: {  	s0 =	sor.u32 s3, s0;
	s1 =	sshll.u32 s1, $0x11  }
0xbb: {  	s0 =	sor.u32 s1, s0  }
0xbc: {  	s0 =	sadd.s32 $0x8F2B, s0  }
0xbd: {  	[sflag:s0] =	ssyncadd.remote.s32 $0x1  }
0xbe: {  	_ =	sfence.sel $0xFFFF  }
0xbf: {  	[dreg:$0x0] =	wrdreg $0xFFFFFFFF;
	(pc) =	sbr.abs _section_cstart, $3  }
0xc0: {  	[dreg:$0x1] =	wrdreg $0xFFFFFFFF  }
0xc1: {  	_ =	task.clear_ibuf [dreg:s7], $0x2FFFF;
	_ =	strace $0x9FFFFFFF  }
0xc2: {  	(tm) =	ssettm $0x7FFFFFFF  }
0xc3: {  	_ =	shalt  }
tec
execute0_lowered:
.L_overlay_start_1:
0x0: {  	(tag) =	ssettag $0x1  }
0x1: {  	s1 =	srdreg.scid;
	s0 =	stileid.u32  }
0x2: {  	s6 =	sand.u32 $0x1, s1;
	s30 =	smul.u32 $0x190000, s0  }
0x3: {  	s2 =	smul.u32 $0xC8000, s6;
	_ =	sdelay $0x1  }
0x4: {  	s3 =	rddreg [dreg:$0x0];
	s5 =	sadd.s32 s2, s30  }
0x5: {  	s4 =	rddreg [dreg:$0x1];
	s2 =	simm.s32 $0x0;
	s7 =	sor.u32 $0x5DC0, s5  }
0x6: {  	[smem:$0x7FF] =	sst s2;
	s8 =	sor.u32 $0x5780, s5;
	s1 =	sor.u32 $0x5140, s5  }
0x7: {  	s10 =	sor.u32 $0x4B00, s5;
	s14 =	sor.u32 $0x3E80, s5;
	s16 =	sor.u32 $0x3840, s5  }
0x8: {  	s17 =	sor.u32 $0x3200, s5;
	s21 =	sor.u32 $0x2BC0, s5;
	s23 =	sor.u32 $0x2580, s5  }
0x9: {  	s24 =	sor.u32 $0x1F40, s5;
	s29 =	sor.u32 $0x1900, s5;
	s7 =	sshrl.u32 s7, $0x3  }
0xa: {  	_ =	strace $0x80000047;
	s8 =	sshrl.u32 s8, $0x3;
	s9 =	sshrl.u32 s1, $0x3  }
0xb: {  	s15 =	sshrl.u32 s14, $0x3;
	s19 =	sshrl.u32 s17, $0x3;
	s22 =	sshrl.u32 s21, $0x3  }
0xc: {  	s26 =	sshrl.u32 s24, $0x3;
	s30 =	sshrl.u32 s29, $0x3;
	s1 =	smul.u32 $0x32000, s0  }
0xd: {  	s21 =	sadd.s32 $0x17700, s5;
	s29 =	sadd.s32 $0x16440, s5;
	s7 =	sadd.s32 s7, s4  }
0xe: {  	s31 =	sadd.s32 s8, s4;
	s8 =	sshrl.u32 s10, $0x3;
	s20 =	sadd.s32 s19, s4  }
0xf: {  	s28 =	sadd.s32 s26, s4;
	s19 =	sadd.s32 $0x17D40, s5;
	[dreg:$0x3] =	wrdreg s7  }
0x10: {  	s26 =	sadd.s32 $0x16A80, s5;
	[dreg:$0x4] =	wrdreg s31;
	s7 =	sadd.s32 s9, s4  }
0x11: {  	s9 =	sor.u32 $0x44C0, s5;
	s11 =	sadd.s32 s8, s4;
	[dreg:$0xa] =	wrdreg s20  }
0x12: {  	s8 =	sshrl.u32 s16, $0x3;
	[dreg:$0xd] =	wrdreg s28;
	s31 =	sor.u32 $0x12C0, s5  }
0x13: {  	s20 =	sshrl.u32 s19, $0x3;
	s28 =	sshrl.u32 s26, $0x3;
	s19 =	sadd.s32 $0x13EC0, s5  }
0x14: {  	s26 =	sadd.s32 $0x125C0, s5;
	[dreg:$0x5] =	wrdreg s7;
	s12 =	sshrl.u32 s9, $0x3  }
0x15: {  	[dreg:$0x6] =	wrdreg s11;
	s7 =	sadd.s32 s15, s4;
	s18 =	sadd.s32 s8, s4  }
0x16: {  	s8 =	sshrl.u32 s23, $0x3;
	s11 =	smul.u32 $0x19000, s6;
	[dreg:$0x8] =	wrdreg s7  }
0x17: {  	s15 =	sadd.s32 $0x18380, s5;
	s13 =	sadd.s32 s12, s4;
	[dreg:$0x9] =	wrdreg s18  }
0x18: {  	s7 =	sadd.s32 s22, s4;
	s25 =	sadd.s32 s8, s4;
	[dreg:$0x7] =	wrdreg s13  }
0x19: {  	s8 =	sshrl.u32 s31, $0x3;
	s12 =	sadd.s32 s1, s4;
	[dreg:$0xb] =	wrdreg s7  }
0x1a: {  	s17 =	sshrl.u32 s15, $0x3;
	s22 =	sadd.s32 $0x170C0, s5;
	[dreg:$0xc] =	wrdreg s25  }
0x1b: {  	s7 =	sadd.s32 s30, s4;
	s10 =	sadd.s32 s8, s4;
	s13 =	sadd.s32 $0x189C0, s5  }
0x1c: {  	s18 =	sadd.s32 s17, s4;
	s8 =	sshrl.u32 s21, $0x3;
	s24 =	sshrl.u32 s22, $0x3  }
0x1d: {  	s30 =	sadd.s32 $0x15E00, s5;
	s17 =	sadd.s32 $0x14500, s5;
	[dreg:$0xe] =	wrdreg s7  }
0x1e: {  	[dreg:$0xf] =	wrdreg s10;
	s7 =	sadd.s32 s11, s12;
	s14 =	sshrl.u32 s13, $0x3  }
0x1f: {  	[dreg:$0x12] =	wrdreg s18;
	s23 =	sadd.s32 s8, s4;
	s25 =	sadd.s32 s24, s4  }
0x20: {  	s8 =	sshrl.u32 s29, $0x3;
	s1 =	sshrl.u32 s30, $0x3;
	s10 =	sadd.s32 $0x157C0, s5  }
0x21: {  	s12 =	sadd.s32 $0x15180, s5;
	s13 =	sadd.s32 $0x14B40, s5;
	s18 =	sshrl.u32 s17, $0x3  }
0x22: {  	s24 =	sadd.s32 $0x13240, s5;
	s17 =	sadd.s32 $0xFA00, s5;
	[dreg:$0x10] =	wrdreg s7  }
0x23: {  	s16 =	sadd.s32 s14, s4;
	s7 =	sadd.s32 s20, s4;
	[dreg:$0x14] =	wrdreg s23  }
0x24: {  	[dreg:$0x15] =	wrdreg s25;
	s31 =	sadd.s32 s8, s4;
	s9 =	sadd.s32 s1, s4  }
0x25: {  	s11 =	sshrl.u32 s10, $0x3;
	s8 =	sshrl.u32 s12, $0x3;
	s15 =	sshrl.u32 s13, $0x3  }
0x26: {  	s20 =	sadd.s32 $0x13880, s5;
	s25 =	sshrl.u32 s24, $0x3;
	[dreg:$0x11] =	wrdreg s16  }
0x27: {  	s1 =	sadd.s32 $0x11940, s5;
	s10 =	sadd.s32 $0x10CC0, s5;
	[dreg:$0x13] =	wrdreg s7  }
0x28: {  	s24 =	sadd.s32 $0xE740, s5;
	s7 =	sadd.s32 s28, s4;
	[dreg:$0x17] =	wrdreg s31  }
0x29: {  	[dreg:$0x18] =	wrdreg s9;
	s14 =	sadd.s32 s8, s4;
	s16 =	sadd.s32 s15, s4  }
0x2a: {  	s8 =	sshrl.u32 s19, $0x3;
	s22 =	sshrl.u32 s20, $0x3;
	s28 =	sadd.s32 $0x11F80, s5  }
0x2b: {  	s9 =	sadd.s32 $0x11300, s5;
	s12 =	sshrl.u32 s10, $0x3;
	[dreg:$0x16] =	wrdreg s7  }
0x2c: {  	s19 =	sshrl.u32 s17, $0x3;
	s7 =	sadd.s32 s11, s4;
	[dreg:$0x1a] =	wrdreg s14  }
0x2d: {  	[dreg:$0x1b] =	wrdreg s16;
	s21 =	sadd.s32 s8, s4;
	s23 =	sadd.s32 s22, s4  }
0x2e: {  	s8 =	sshrl.u32 s26, $0x3;
	s30 =	sshrl.u32 s28, $0x3;
	s13 =	sadd.s32 s12, s4  }
0x2f: {  	s14 =	sadd.s32 $0x10680, s5;
	s16 =	sadd.s32 $0x10040, s5;
	[dreg:$0x19] =	wrdreg s7  }
0x30: {  	s20 =	sadd.s32 s19, s4;
	s26 =	sshrl.u32 s24, $0x3;
	[dreg:$0x1d] =	wrdreg s21  }
0x31: {  	s12 =	sadd.s32 $0xC1C0, s5;
	s7 =	sadd.s32 s18, s4;
	[dreg:$0x1e] =	wrdreg s23  }
0x32: {  	s29 =	sadd.s32 s8, s4;
	s31 =	sadd.s32 s30, s4;
	[smem:$0x7A4] =	sst s13  }
0x33: {  	s8 =	sshrl.u32 s1, $0x3;
	s15 =	sshrl.u32 s14, $0x3;
	[smem:$0x7A7] =	sst s20  }
0x34: {  	s21 =	sadd.s32 $0xF3C0, s5;
	s23 =	sadd.s32 $0xED80, s5;
	[dreg:$0x1c] =	wrdreg s7  }
0x35: {  	s28 =	sadd.s32 s26, s4;
	s1 =	sadd.s32 $0xD480, s5;
	[smem:$0x7A0] =	sst s29  }
0x36: {  	s26 =	sadd.s32 $0x9C40, s5;
	s7 =	sadd.s32 s25, s4;
	[smem:$0x7A1] =	sst s31  }
0x37: {  	s22 =	sshrl.u32 s21, $0x3;
	s29 =	sadd.s32 $0xE100, s5;
	[smem:$0x7AA] =	sst s28  }
0x38: {  	s28 =	sshrl.u32 s26, $0x3;
	s26 =	simm.s32 $0x12C0;
	[dreg:$0x1f] =	wrdreg s7  }
0x39: {  	s31 =	sadd.s32 $0xDAC0, s5;
	s7 =	sadd.s32 s8, s4;
	[smem:$0x7C2] =	sst s26  }
0x3a: {  	s8 =	sshrl.u32 s9, $0x3;
	s26 =	simm.s32 $0xBB80;
	[smem:$0x7A2] =	sst s7  }
0x3b: {  	s10 =	sshrl.u32 s1, $0x3;
	s11 =	sadd.s32 s8, s4;
	[smem:$0x7DC] =	sst s26  }
0x3c: {  	s30 =	sshrl.u32 s29, $0x3;
	s7 =	sadd.s32 s15, s4;
	[smem:$0x7A3] =	sst s11  }
0x3d: {  	s8 =	sshrl.u32 s16, $0x3;
	s26 =	simm.s32 $0x13240;
	[smem:$0x7A5] =	sst s7  }
0x3e: {  	s15 =	sadd.s32 $0xB540, s5;
	s18 =	sadd.s32 s8, s4;
	[smem:$0x7EE] =	sst s26  }
0x3f: {  	s7 =	sadd.s32 s22, s4;
	s8 =	sshrl.u32 s23, $0x3;
	[smem:$0x7A6] =	sst s18  }
0x40: {  	s11 =	sadd.s32 s10, s4;
	s17 =	sshrl.u32 s15, $0x3;
	[smem:$0x7A8] =	sst s7  }
0x41: {  	s22 =	sadd.s32 $0xA280, s5;
	s25 =	sadd.s32 s8, s4;
	[smem:$0x7AD] =	sst s11  }
0x42: {  	s10 =	sadd.s32 $0x8980, s5;
	s7 =	sadd.s32 s30, s4;
	[smem:$0x7A9] =	sst s25  }
0x43: {  	s8 =	sshrl.u32 s31, $0x3;
	s18 =	sadd.s32 s17, s4;
	[smem:$0x7AB] =	sst s7  }
0x44: {  	s24 =	sshrl.u32 s22, $0x3;
	s22 =	simm.s32 $0x1A380;
	[smem:$0x7B0] =	sst s18  }
0x45: {  	s11 =	sshrl.u32 s10, $0x3;
	s10 =	simm.s32 $0x5140;
	[smem:$0x7BE] =	sst s22  }
0x46: {  	s13 =	sshrl.u32 s12, $0x3;
	s8 =	sadd.s32 s8, s4;
	[smem:$0x7CC] =	sst s10  }
0x47: {  	s19 =	sadd.s32 $0xAF00, s5;
	s7 =	sadd.s32 s13, s4;
	[smem:$0x7AC] =	sst s8  }
0x48: {  	s30 =	sadd.s32 $0x8FC0, s5;
	s25 =	sadd.s32 s24, s4;
	[smem:$0x7AE] =	sst s7  }
0x49: {  	s17 =	sor.u32 $0x76C0, s5;
	s24 =	simm.s32 $0x640;
	[smem:$0x7B3] =	sst s25  }
0x4a: {  	s1 =	sshrl.u32 s30, $0x3;
	s30 =	simm.s32 $0x2580;
	[smem:$0x7C0] =	sst s24  }
0x4b: {  	s18 =	sshrl.u32 s17, $0x3;
	s17 =	simm.s32 $0x8340;
	[smem:$0x7C5] =	sst s30  }
0x4c: {  	s20 =	sshrl.u32 s19, $0x3;
	s22 =	simm.s32 $0xA280;
	[smem:$0x7D3] =	sst s17  }
0x4d: {  	s7 =	sadd.s32 s20, s4;
	[smem:$0x7D8] =	sst s22  }
0x4e: {  	s9 =	sadd.s32 s1, s4;
	[smem:$0x7B1] =	sst s7  }
0x4f: {  	s25 =	simm.s32 $0x960;
	[smem:$0x7B6] =	sst s9  }
0x50: {  	s13 =	sor.u32 $0x7D00, s5;
	s1 =	simm.s32 $0x3200;
	[smem:$0x7C1] =	sst s25  }
0x51: {  	s15 =	sshrl.u32 s13, $0x3;
	s13 =	simm.s32 $0x6400;
	[smem:$0x7C7] =	sst s1  }
0x52: {  	s24 =	simm.s32 $0xAF00;
	[smem:$0x7CF] =	sst s13  }
0x53: {  	s14 =	sadd.s32 $0xBB80, s5;
	s30 =	simm.s32 $0xCE40;
	[smem:$0x7DA] =	sst s24  }
0x54: {  	s8 =	sshrl.u32 s14, $0x3;
	s17 =	simm.s32 $0x10040;
	[smem:$0x7DF] =	sst s30  }
0x55: {  	s16 =	sadd.s32 s8, s4;
	[smem:$0x7E6] =	sst s17  }
0x56: {  	s21 =	sadd.s32 $0xA8C0, s5;
	s7 =	sadd.s32 s28, s4;
	[smem:$0x7AF] =	sst s16  }
0x57: {  	s8 =	sshrl.u32 s21, $0x3;
	s21 =	simm.s32 $0x1A000;
	[smem:$0x7B4] =	sst s7  }
0x58: {  	s28 =	simm.s32 $0x1900;
	[smem:$0x7BD] =	sst s21  }
0x59: {  	s9 =	simm.s32 $0x4B00;
	[smem:$0x7C3] =	sst s28  }
0x5a: {  	s25 =	simm.s32 $0xB540;
	[smem:$0x7CB] =	sst s9  }
0x5b: {  	s1 =	simm.s32 $0xDAC0;
	[smem:$0x7DB] =	sst s25  }
0x5c: {  	s13 =	simm.s32 $0xED80;
	[smem:$0x7E0] =	sst s1  }
0x5d: {  	s24 =	simm.s32 $0x125C0;
	[smem:$0x7E3] =	sst s13  }
0x5e: {  	s30 =	simm.s32 $0x14B40;
	[smem:$0x7EC] =	sst s24  }
0x5f: {  	s17 =	simm.s32 $0x17700;
	[smem:$0x7F1] =	sst s30  }
0x60: {  	s23 =	sadd.s32 s8, s4;
	[smem:$0x7F8] =	sst s17  }
0x61: {  	s7 =	sadd.s32 s11, s4;
	[smem:$0x7B2] =	sst s23  }
0x62: {  	s29 =	sadd.s32 $0x9600, s5;
	s16 =	sadd.s32 s15, s4;
	[smem:$0x7B7] =	sst s7  }
0x63: {  	s8 =	sshrl.u32 s29, $0x3;
	s29 =	simm.s32 $0x1F40;
	[smem:$0x7B9] =	sst s16  }
0x64: {  	s11 =	simm.s32 $0x5780;
	[smem:$0x7C4] =	sst s29  }
0x65: {  	s15 =	simm.s32 $0x76C0;
	[smem:$0x7CD] =	sst s11  }
0x66: {  	s21 =	simm.s32 $0x9C40;
	[smem:$0x7D1] =	sst s15  }
0x67: {  	s28 =	simm.s32 $0xC1C0;
	[smem:$0x7D7] =	sst s21  }
0x68: {  	s25 =	simm.s32 $0x12C00;
	[smem:$0x7DD] =	sst s28  }
0x69: {  	s13 =	simm.s32 $0x15E00;
	[smem:$0x7ED] =	sst s25  }
0x6a: {  	s31 =	sadd.s32 s8, s4;
	[smem:$0x7F4] =	sst s13  }
0x6b: {  	s7 =	sadd.s32 s18, s4;
	[smem:$0x7B5] =	sst s31  }
0x6c: {  	s12 =	sadd.s32 $0x8340, s5;
	s23 =	simm.s32 $0x1A700;
	[smem:$0x7BA] =	sst s7  }
0x6d: {  	s8 =	sshrl.u32 s12, $0x3;
	s12 =	simm.s32 $0x5DC0;
	[smem:$0x7BF] =	sst s23  }
0x6e: {  	s16 =	simm.s32 $0x7D00;
	[smem:$0x7CE] =	sst s12  }
0x6f: {  	s18 =	simm.s32 $0x8980;
	[smem:$0x7D2] =	sst s16  }
0x70: {  	s29 =	simm.s32 $0xC800;
	[smem:$0x7D4] =	sst s18  }
0x71: {  	s11 =	simm.s32 $0xE740;
	[smem:$0x7DE] =	sst s29  }
0x72: {  	s15 =	simm.s32 $0xF3C0;
	[smem:$0x7E2] =	sst s11  }
0x73: {  	s21 =	simm.s32 $0x11940;
	[smem:$0x7E4] =	sst s15  }
0x74: {  	s28 =	simm.s32 $0x13EC0;
	[smem:$0x7EA] =	sst s21  }
0x75: {  	s19 =	sor.u32 $0x7080, s5;
	s14 =	sadd.s32 s8, s4;
	[smem:$0x7EF] =	sst s28  }
0x76: {  	s5 =	sor.u32 $0x6A40, s5;
	s31 =	simm.s32 $0x2BC0;
	[smem:$0x7B8] =	sst s14  }
0x77: {  	s10 =	sshll.u32 s6, $0x9;
	s7 =	simm.s32 $0x3E80;
	[smem:$0x7C6] =	sst s31  }
0x78: {  	s8 =	sshrl.u32 s19, $0x3;
	s19 =	simm.s32 $0x8FC0;
	[smem:$0x7C9] =	sst s7  }
0x79: {  	s5 =	sshrl.u32 s5, $0x3;
	s23 =	simm.s32 $0xA8C0;
	[smem:$0x7D5] =	sst s19  }
0x7a: {  	s22 =	smul.u32 $0x1C00, s0;
	s16 =	simm.s32 $0xFA00;
	[smem:$0x7D9] =	sst s23  }
0x7b: {  	s17 =	simm.s32 $0x5;
	s18 =	simm.s32 $0x10680;
	[smem:$0x7E5] =	sst s16  }
0x7c: {  	s24 =	simm.s32 $0xC;
	s29 =	simm.s32 $0x14500;
	[smem:$0x7E7] =	sst s18  }
0x7d: {  	s13 =	simm.s32 $0x3;
	s11 =	simm.s32 $0x15180;
	[smem:$0x7F0] =	sst s29  }
0x7e: {  	s25 =	simm.s32 $0x0;
	s15 =	simm.s32 $0x16A80;
	[smem:$0x7F2] =	sst s11  }
0x7f: {  	s21 =	simm.s32 $0x19000;
	s20 =	sadd.s32 s8, s4;
	[smem:$0x7F6] =	sst s15  }
0x80: {  	s4 =	sadd.s32 s5, s4;
	s5 =	simm.s32 $0x3840;
	[smem:$0x7FC] =	sst s21  }
0x81: {  	s8 =	simm.s32 $0x44C0;
	s14 =	simm.s32 $0x6A40;
	[smem:$0x7BB] =	sst s20  }
0x82: {  	s31 =	sadd.s32 $0xA00, s3;
	s3 =	sadd.s32 $0xF42E00, s3;
	[smem:$0x7BC] =	sst s4  }
0x83: {  	s19 =	simm.s32 $0x10CC0;
	s23 =	simm.s32 $0x11F80;
	[smem:$0x7C8] =	sst s5  }
0x84: {  	s11 =	simm.s32 $0x2;
	s16 =	simm.s32 $0x170C0;
	[smem:$0x7CA] =	sst s8  }
0x85: {  	s15 =	simm.s32 $0x4;
	s18 =	simm.s32 $0x17D40;
	[smem:$0x7D0] =	sst s14  }
0x86: {  	s21 =	simm.s32 $0x9;
	s20 =	simm.s32 $0x9600;
	[smem:$0x7E8] =	sst s19  }
0x87: {  	s5 =	simm.s32 $0xE100;
	s8 =	ssub.s32 $0x2, s6;
	[smem:$0x7EB] =	sst s23  }
0x88: {  	s14 =	sshll.u32 s0, $0xA;
	s6 =	smul.u32 $0xE00, s6;
	[smem:$0x7F7] =	sst s16  }
0x89: {  	s7 =	sadd.s32 s22, s31;
	s16 =	simm.s32 $0x13880;
	[smem:$0x7F9] =	sst s18  }
0x8a: {  	s19 =	simm.s32 $0x18380;
	s18 =	simm.s32 $0x6;
	[smem:$0x7D6] =	sst s20  }
0x8b: {  	s22 =	simm.s32 $0xA;
	s23 =	simm.s32 $0xB;
	[smem:$0x7E1] =	sst s5  }
0x8c: {  	s12 =	sshrl.u32 s8, $0x1;
	s9 =	sor.u32 s10, s14;
	s20 =	simm.s32 $0x11300  }
0x8d: {  	s10 =	simm.s32 $0xC80;
	s14 =	simm.s32 $0x16440;
	[smem:$0x7FA] =	sst s19  }
0x8e: {  	s19 =	simm.s32 $0x7;
	s9 =	smul.u32 $0x7, s9;
	s5 =	ssub.s32 s8, s12  }
0x8f: {  	[smem:$0x7E9] =	sst s20;
	s6 =	sadd.s32 s6, s7;
	s7 =	simm.s32 $0x19C80  }
0x90: {  	s8 =	simm.s32 $0x1;
	s12 =	simm.s32 $0x157C0;
	[smem:$0x7F5] =	sst s14  }
0x91: {  	s14 =	simm.s32 $0xD480;
	s20 =	simm.s32 $0x189C0;
	s5 =	smax.u32 s5, $0x1  }
0x92: {  	s6 =	sadd.s32 $0xE0, s6;
	[smem:$0x7F3] =	sst s12;
	s12 =	simm.s32 $0x7080  }
0x93: {  	[smem:$0x7FB] =	sst s20;
	s4 =	sadd.s32 s31, s9;
	s31 =	simm.s32 $0x19640  }
0x94: {  	s20 =	simm.s32 $0x8;
	s9 =	simm.s32 $0x320;
	[smem:$0x7FD] =	sst s31  }
.LBB2_1:
0x95: {  	[tilespmem:s7], [sflag:$0x1] =	stream.linear.gather [hbm4b:s4+s2], $0x380, $0x38;
	[tilespmem:$0x1AA80] =	vst v63  }
0x96: {  	s26 =	smov.u32 s6;
	s28 =	simm.s32 $0x0  }
.LBB2_2:
0x97: {  	s29 =	sld [smem:$0x7BD];
	_ =	sdelay $0x1  }
0x98: {  	s30 =	sadd.s32 $0xFFFFFF90, s26;
	s31 =	sld [smem:$0x7BE]  }
0x99: {  	[tilespmem:s29], [sflag:$0x2] =	stream.linear.gather [hbm4b:s30+s2], $0x380, $0x38;
	[tilespmem:$0x1AA80] =	vst v63  }
0x9a: {  	s1 =	sld [smem:$0x7BF]  }
0x9b: {  	[tilespmem:s31], [sflag:$0x3] =	stream.linear.gather [hbm4b:s26+s2], $0x380, $0x38;
	[tilespmem:$0x1AA80] =	vst v63  }
0x9c: {  	s31 =	sadd.s32 $0x70, s26  }
0x9d: {  	[tilespmem:s1], [sflag:$0x4] =	stream.linear.gather [hbm4b:s31+s2], $0x380, $0x38;
	[tilespmem:$0x1AA80] =	vst v63  }
0x9e: {  	_ =	swait.ge [sflag:s8], $0x380  }
0x9f: {  	[sflag:s8] =	ssyncset.done $0x0  }
0xa0: {  	[sflag:s8] =	ssyncadd.s32 $0xFFFFFC80  }
0xa1: {  	v0 =	vld [tilespmem:$0x19C80]  }
0xa2: {  	v1 =	vld [tilespmem:$0x19C90]  }
0xa3: {  	v2 =	vld [tilespmem:$0x19CA0]  }
0xa4: {  	v4 =	vld [tilespmem:$0x19CB8]  }
0xa5: {  	v38 =	vld [tilespmem:$0x19CC8]  }
0xa6: {  	v39 =	vld [tilespmem:$0x19CD8];
	[tilespmem:$0x0] =	vst v0  }
0xa7: {  	v41 =	vld [tilespmem:$0x19CF0];
	[tilespmem:$0x10] =	vst v1  }
0xa8: {  	v42 =	vld [tilespmem:$0x19D00];
	[tilespmem:$0x20] =	vst v2  }
0xa9: {  	v43 =	vld [tilespmem:$0x19D10];
	[tilespmem:$0x32] =	vst v4  }
0xaa: {  	v45 =	vld [tilespmem:$0x19D28];
	[tilespmem:$0x42] =	vst v38  }
0xab: {  	v46 =	vld [tilespmem:$0x19D38];
	[tilespmem:$0x52] =	vst v39  }
0xac: {  	v47 =	vld [tilespmem:$0x19D48];
	[tilespmem:$0x64] =	vst v41  }
0xad: {  	v49 =	vld [tilespmem:$0x19D60];
	[tilespmem:$0x74] =	vst v42  }
0xae: {  	v50 =	vld [tilespmem:$0x19D70];
	[tilespmem:$0x84] =	vst v43  }
0xaf: {  	v51 =	vld [tilespmem:$0x19D80];
	[tilespmem:$0x96] =	vst v45  }
0xb0: {  	v53 =	vld [tilespmem:$0x19D98];
	[tilespmem:$0xA6] =	vst v46  }
0xb1: {  	v54 =	vld [tilespmem:$0x19DA8];
	[tilespmem:$0xB6] =	vst v47  }
0xb2: {  	v55 =	vld [tilespmem:$0x19DB8];
	[tilespmem:$0xC8] =	vst v49  }
0xb3: {  	v57 =	vld [tilespmem:$0x19DD0];
	[tilespmem:$0xD8] =	vst v50  }
0xb4: {  	v58 =	vld [tilespmem:$0x19DE0];
	[tilespmem:$0xE8] =	vst v51  }
0xb5: {  	v59 =	vld [tilespmem:$0x19DF0];
	[tilespmem:$0xFA] =	vst v53  }
0xb6: {  	v61 =	vld [tilespmem:$0x19E08];
	[tilespmem:$0x10A] =	vst v54  }
0xb7: {  	v62 =	vld [tilespmem:$0x19E18];
	[tilespmem:$0x11A] =	vst v55  }
0xb8: {  	v63 =	vld [tilespmem:$0x19E28];
	[tilespmem:$0x12C] =	vst v57  }
0xb9: {  	v9 =	vld [tilespmem:$0x19E40];
	[tilespmem:$0x13C] =	vst v58  }
0xba: {  	v10 =	vld [tilespmem:$0x19E50];
	[tilespmem:$0x14C] =	vst v59  }
0xbb: {  	v11 =	vld [tilespmem:$0x19E60];
	[tilespmem:$0x15E] =	vst v61  }
0xbc: {  	v13 =	vld [tilespmem:$0x19E78];
	[tilespmem:$0x16E] =	vst v62  }
0xbd: {  	v14 =	vld [tilespmem:$0x19E88];
	[tilespmem:$0x17E] =	vst v63  }
0xbe: {  	v15 =	vld [tilespmem:$0x19E98];
	[tilespmem:$0x190] =	vst v9  }
0xbf: {  	v17 =	vld [tilespmem:$0x19EB0];
	[tilespmem:$0x1A0] =	vst v10  }
0xc0: {  	v18 =	vld [tilespmem:$0x19EC0];
	[tilespmem:$0x1B0] =	vst v11  }
0xc1: {  	v19 =	vld [tilespmem:$0x19ED0];
	[tilespmem:$0x1C2] =	vst v13  }
0xc2: {  	v21 =	vld [tilespmem:$0x19EE8];
	[tilespmem:$0x1D2] =	vst v14  }
0xc3: {  	v22 =	vld [tilespmem:$0x19EF8];
	[tilespmem:$0x1E2] =	vst v15  }
0xc4: {  	v23 =	vld [tilespmem:$0x19F08];
	[tilespmem:$0x1F4] =	vst v17  }
0xc5: {  	v25 =	vld [tilespmem:$0x19F20];
	[tilespmem:$0x204] =	vst v18  }
0xc6: {  	v26 =	vld [tilespmem:$0x19F30];
	[tilespmem:$0x214] =	vst v19  }
0xc7: {  	v27 =	vld [tilespmem:$0x19F40];
	[tilespmem:$0x226] =	vst v21  }
0xc8: {  	v29 =	vld [tilespmem:$0x19F58];
	[tilespmem:$0x236] =	vst v22  }
0xc9: {  	v30 =	vld [tilespmem:$0x19F68];
	[tilespmem:$0x246] =	vst v23  }
0xca: {  	v31 =	vld [tilespmem:$0x19F78];
	[tilespmem:$0x258] =	vst v25  }
0xcb: {  	v33 =	vld [tilespmem:$0x19F90];
	[tilespmem:$0x268] =	vst v26  }
0xcc: {  	v34 =	vld [tilespmem:$0x19FA0];
	[tilespmem:$0x278] =	vst v27  }
0xcd: {  	v35 =	vld [tilespmem:$0x19FB0];
	[tilespmem:$0x28A] =	vst v29  }
0xce: {  	v37 =	vld [tilespmem:$0x19FC8];
	[tilespmem:$0x29A] =	vst v30  }
0xcf: {  	v3 =	vld [tilespmem:$0x19CA2];
	[tilespmem:$0x2AA] =	vst v31  }
0xd0: {  	v40 =	vld [tilespmem:$0x19CDA];
	[tilespmem:$0x2BC] =	vst v33  }
0xd1: {  	v44 =	vld [tilespmem:$0x19D12];
	[tilespmem:$0x2CC] =	vst v34  }
0xd2: {  	v48 =	vld [tilespmem:$0x19D4A];
	[tilespmem:$0x2DC] =	vst v35  }
0xd3: {  	v52 =	vld [tilespmem:$0x19D82];
	[tilespmem:$0x2EE] =	vst v37  }
0xd4: {  	v56 =	vld [tilespmem:$0x19DBA];
	[tilespmem:$0x22] =	vst v3  }
0xd5: {  	v60 =	vld [tilespmem:$0x19DF2];
	[tilespmem:$0x54] =	vst v40  }
0xd6: {  	v8 =	vld [tilespmem:$0x19E2A];
	[tilespmem:$0x86] =	vst v44  }
0xd7: {  	v12 =	vld [tilespmem:$0x19E62];
	[tilespmem:$0xB8] =	vst v48  }
0xd8: {  	v16 =	vld [tilespmem:$0x19E9A];
	[tilespmem:$0xEA] =	vst v52  }
0xd9: {  	v20 =	vld [tilespmem:$0x19ED2];
	[tilespmem:$0x11C] =	vst v56  }
0xda: {  	v24 =	vld [tilespmem:$0x19F0A];
	[tilespmem:$0x14E] =	vst v60  }
0xdb: {  	v28 =	vld [tilespmem:$0x19F42];
	[tilespmem:$0x180] =	vst v8  }
0xdc: {  	v32 =	vld [tilespmem:$0x19F7A];
	[tilespmem:$0x1B2] =	vst v12  }
0xdd: {  	v36 =	vld [tilespmem:$0x19FB2];
	[tilespmem:$0x1E4] =	vst v16  }
0xde: {  	v38 =	vld [tilespmem:$0x19FD8];
	[tilespmem:$0x216] =	vst v20  }
0xdf: {  	v39 =	vld [tilespmem:$0x19FE8];
	[tilespmem:$0x248] =	vst v24  }
0xe0: {  	[tilespmem:$0x27A] =	vst v28;
	v40 =	vld [tilespmem:$0x19FEA]  }
0xe1: {  	[tilespmem:$0x2AC] =	vst v32  }
0xe2: {  	[tilespmem:$0x2DE] =	vst v36  }
0xe3: {  	[tilespmem:$0x2FE] =	vst v38  }
0xe4: {  	p0 =	seq.s32 s28, $0x0;
	[tilespmem:$0x30E] =	vst v39  }
0xe5: {  	s29 =	simm.s32 @!p0 $0x9;
	[tilespmem:$0x310] =	vst v40  }
0xe6: {  	_ =	swait.ge @!p0 [sflag:s29], $0x6400  }
0xe7: {  	[sflag:s29] =	ssyncset.done @!p0 $0x0  }
0xe8: {  	[sflag:s29] =	ssyncadd.s32 @!p0 $0xFFFF9C00  }
0xe9: {  	[tilespmem:s10], [sflag:$0x5] =	stream.indirect.gather [hbm4b:s3+s9], $0x20, s2, s9, $0xb8;
	[tilespmem:$0x1AA80] =	vst v63  }
0xea: {  	_ =	swait.ge [sflag:s11], $0x380  }
0xeb: {  	[sflag:s11] =	ssyncset.done $0x0  }
0xec: {  	[sflag:s11] =	ssyncadd.s32 $0xFFFFFC80  }
0xed: {  	v41 =	vld [tilespmem:$0x1A000]  }
0xee: {  	v42 =	vld [tilespmem:$0x1A010]  }
0xef: {  	v43 =	vld [tilespmem:$0x1A020]  }
0xf0: {  	v45 =	vld [tilespmem:$0x1A038]  }
0xf1: {  	v46 =	vld [tilespmem:$0x1A048]  }
0xf2: {  	v47 =	vld [tilespmem:$0x1A058];
	[tilespmem:$0x320] =	vst v41  }
0xf3: {  	v49 =	vld [tilespmem:$0x1A070];
	[tilespmem:$0x330] =	vst v42  }
0xf4: {  	v50 =	vld [tilespmem:$0x1A080];
	[tilespmem:$0x340] =	vst v43  }
0xf5: {  	v51 =	vld [tilespmem:$0x1A090];
	[tilespmem:$0x352] =	vst v45  }
0xf6: {  	v53 =	vld [tilespmem:$0x1A0A8];
	[tilespmem:$0x362] =	vst v46  }
0xf7: {  	v54 =	vld [tilespmem:$0x1A0B8];
	[tilespmem:$0x372] =	vst v47  }
0xf8: {  	v55 =	vld [tilespmem:$0x1A0C8];
	[tilespmem:$0x384] =	vst v49  }
0xf9: {  	v57 =	vld [tilespmem:$0x1A0E0];
	[tilespmem:$0x394] =	vst v50  }
0xfa: {  	v58 =	vld [tilespmem:$0x1A0F0];
	[tilespmem:$0x3A4] =	vst v51  }
0xfb: {  	v59 =	vld [tilespmem:$0x1A100];
	[tilespmem:$0x3B6] =	vst v53  }
0xfc: {  	v61 =	vld [tilespmem:$0x1A118];
	[tilespmem:$0x3C6] =	vst v54  }
0xfd: {  	v62 =	vld [tilespmem:$0x1A128];
	[tilespmem:$0x3D6] =	vst v55  }
0xfe: {  	v63 =	vld [tilespmem:$0x1A138];
	[tilespmem:$0x3E8] =	vst v57  }
0xff: {  	v9 =	vld [tilespmem:$0x1A150];
	[tilespmem:$0x3F8] =	vst v58  }
0x100: {  	v10 =	vld [tilespmem:$0x1A160];
	[tilespmem:$0x408] =	vst v59  }
0x101: {  	v11 =	vld [tilespmem:$0x1A170];
	[tilespmem:$0x41A] =	vst v61  }
0x102: {  	v13 =	vld [tilespmem:$0x1A188];
	[tilespmem:$0x42A] =	vst v62  }
0x103: {  	v14 =	vld [tilespmem:$0x1A198];
	[tilespmem:$0x43A] =	vst v63  }
0x104: {  	v15 =	vld [tilespmem:$0x1A1A8];
	[tilespmem:$0x44C] =	vst v9  }
0x105: {  	v17 =	vld [tilespmem:$0x1A1C0];
	[tilespmem:$0x45C] =	vst v10  }
0x106: {  	v18 =	vld [tilespmem:$0x1A1D0];
	[tilespmem:$0x46C] =	vst v11  }
0x107: {  	v19 =	vld [tilespmem:$0x1A1E0];
	[tilespmem:$0x47E] =	vst v13  }
0x108: {  	v21 =	vld [tilespmem:$0x1A1F8];
	[tilespmem:$0x48E] =	vst v14  }
0x109: {  	v22 =	vld [tilespmem:$0x1A208];
	[tilespmem:$0x49E] =	vst v15  }
0x10a: {  	v23 =	vld [tilespmem:$0x1A218];
	[tilespmem:$0x4B0] =	vst v17  }
0x10b: {  	v25 =	vld [tilespmem:$0x1A230];
	[tilespmem:$0x4C0] =	vst v18  }
0x10c: {  	v26 =	vld [tilespmem:$0x1A240];
	[tilespmem:$0x4D0] =	vst v19  }
0x10d: {  	v27 =	vld [tilespmem:$0x1A250];
	[tilespmem:$0x4E2] =	vst v21  }
0x10e: {  	v29 =	vld [tilespmem:$0x1A268];
	[tilespmem:$0x4F2] =	vst v22  }
0x10f: {  	v44 =	vld [tilespmem:$0x1A022];
	[tilespmem:$0x502] =	vst v23  }
0x110: {  	v48 =	vld [tilespmem:$0x1A05A];
	[tilespmem:$0x514] =	vst v25  }
0x111: {  	v52 =	vld [tilespmem:$0x1A092];
	[tilespmem:$0x524] =	vst v26  }
0x112: {  	v56 =	vld [tilespmem:$0x1A0CA];
	[tilespmem:$0x534] =	vst v27  }
0x113: {  	v60 =	vld [tilespmem:$0x1A102];
	[tilespmem:$0x546] =	vst v29  }
0x114: {  	v8 =	vld [tilespmem:$0x1A13A];
	[tilespmem:$0x342] =	vst v44  }
0x115: {  	v12 =	vld [tilespmem:$0x1A172];
	[tilespmem:$0x374] =	vst v48  }
0x116: {  	v16 =	vld [tilespmem:$0x1A1AA];
	[tilespmem:$0x3A6] =	vst v52  }
0x117: {  	v20 =	vld [tilespmem:$0x1A1E2];
	[tilespmem:$0x3D8] =	vst v56  }
0x118: {  	v24 =	vld [tilespmem:$0x1A21A];
	[tilespmem:$0x40A] =	vst v60  }
0x119: {  	v28 =	vld [tilespmem:$0x1A252];
	[tilespmem:$0x43C] =	vst v8  }
0x11a: {  	[tilespmem:$0x46E] =	vst v12  }
0x11b: {  	[tilespmem:$0x4A0] =	vst v16  }
0x11c: {  	[tilespmem:$0x4D2] =	vst v20  }
0x11d: {  	[tilespmem:$0x504] =	vst v24  }
0x11e: {  	[tilespmem:$0x536] =	vst v28  }
0x11f: {  	v0 =	vld [tilespmem:$0x1A278]  }
0x120: {  	v30 =	vld [tilespmem:$0x1A288]  }
0x121: {  	v32 =	vld [tilespmem:$0x1A2A0]  }
0x122: {  	v33 =	vld [tilespmem:$0x1A2B0]  }
0x123: {  	v34 =	vld [tilespmem:$0x1A2C0]  }
0x124: {  	v36 =	vld [tilespmem:$0x1A2D8];
	[tilespmem:$0x556] =	vst v0  }
0x125: {  	v37 =	vld [tilespmem:$0x1A2E8];
	[tilespmem:$0x566] =	vst v30  }
0x126: {  	v38 =	vld [tilespmem:$0x1A2F8];
	[tilespmem:$0x578] =	vst v32  }
0x127: {  	v40 =	vld [tilespmem:$0x1A310];
	[tilespmem:$0x588] =	vst v33  }
0x128: {  	v41 =	vld [tilespmem:$0x1A320];
	[tilespmem:$0x598] =	vst v34  }
0x129: {  	v42 =	vld [tilespmem:$0x1A330];
	[tilespmem:$0x5AA] =	vst v36  }
0x12a: {  	v44 =	vld [tilespmem:$0x1A348];
	[tilespmem:$0x5BA] =	vst v37  }
0x12b: {  	v45 =	vld [tilespmem:$0x1A358];
	[tilespmem:$0x5CA] =	vst v38  }
0x12c: {  	v46 =	vld [tilespmem:$0x1A368];
	[tilespmem:$0x5DC] =	vst v40  }
0x12d: {  	v31 =	vld [tilespmem:$0x1A28A];
	[tilespmem:$0x5EC] =	vst v41  }
0x12e: {  	v35 =	vld [tilespmem:$0x1A2C2];
	[tilespmem:$0x5FC] =	vst v42  }
0x12f: {  	v39 =	vld [tilespmem:$0x1A2FA];
	[tilespmem:$0x60E] =	vst v44  }
0x130: {  	v43 =	vld [tilespmem:$0x1A332];
	[tilespmem:$0x61E] =	vst v45  }
0x131: {  	v47 =	vld [tilespmem:$0x1A36A];
	[tilespmem:$0x62E] =	vst v46  }
0x132: {  	[tilespmem:$0x568] =	vst v31  }
0x133: {  	[tilespmem:$0x59A] =	vst v35  }
0x134: {  	[tilespmem:$0x5CC] =	vst v39  }
0x135: {  	[tilespmem:$0x5FE] =	vst v43  }
0x136: {  	s29 =	simm.s32 @!p0 $0xA;
	[tilespmem:$0x630] =	vst v47  }
0x137: {  	_ =	swait.ge @!p0 [sflag:s29], $0x6400  }
0x138: {  	[sflag:s29] =	ssyncset.done @!p0 $0x0  }
0x139: {  	[sflag:s29] =	ssyncadd.s32 @!p0 $0xFFFF9C00  }
0x13a: {  	[tilespmem:s12], [sflag:$0x6] =	stream.indirect.gather [hbm4b:s3+s9], $0x20, s9, s9, $0xb8;
	[tilespmem:$0x1AA80] =	vst v63  }
0x13b: {  	_ =	swait.ge [sflag:s13], $0x380  }
0x13c: {  	[sflag:s13] =	ssyncset.done $0x0  }
0x13d: {  	[sflag:s13] =	ssyncadd.s32 $0xFFFFFC80  }
0x13e: {  	v48 =	vld [tilespmem:$0x1A380]  }
0x13f: {  	v49 =	vld [tilespmem:$0x1A390]  }
0x140: {  	v50 =	vld [tilespmem:$0x1A3A0]  }
0x141: {  	v52 =	vld [tilespmem:$0x1A3B8]  }
0x142: {  	v53 =	vld [tilespmem:$0x1A3C8]  }
0x143: {  	v54 =	vld [tilespmem:$0x1A3D8];
	[tilespmem:$0x640] =	vst v48  }
0x144: {  	v56 =	vld [tilespmem:$0x1A3F0];
	[tilespmem:$0x650] =	vst v49  }
0x145: {  	v57 =	vld [tilespmem:$0x1A400];
	[tilespmem:$0x660] =	vst v50  }
0x146: {  	v58 =	vld [tilespmem:$0x1A410];
	[tilespmem:$0x672] =	vst v52  }
0x147: {  	v60 =	vld [tilespmem:$0x1A428];
	[tilespmem:$0x682] =	vst v53  }
0x148: {  	v61 =	vld [tilespmem:$0x1A438];
	[tilespmem:$0x692] =	vst v54  }
0x149: {  	v62 =	vld [tilespmem:$0x1A448];
	[tilespmem:$0x6A4] =	vst v56  }
0x14a: {  	v8 =	vld [tilespmem:$0x1A460];
	[tilespmem:$0x6B4] =	vst v57  }
0x14b: {  	v9 =	vld [tilespmem:$0x1A470];
	[tilespmem:$0x6C4] =	vst v58  }
0x14c: {  	v10 =	vld [tilespmem:$0x1A480];
	[tilespmem:$0x6D6] =	vst v60  }
0x14d: {  	v12 =	vld [tilespmem:$0x1A498];
	[tilespmem:$0x6E6] =	vst v61  }
0x14e: {  	v13 =	vld [tilespmem:$0x1A4A8];
	[tilespmem:$0x6F6] =	vst v62  }
0x14f: {  	v14 =	vld [tilespmem:$0x1A4B8];
	[tilespmem:$0x708] =	vst v8  }
0x150: {  	v16 =	vld [tilespmem:$0x1A4D0];
	[tilespmem:$0x718] =	vst v9  }
0x151: {  	v17 =	vld [tilespmem:$0x1A4E0];
	[tilespmem:$0x728] =	vst v10  }
0x152: {  	v18 =	vld [tilespmem:$0x1A4F0];
	[tilespmem:$0x73A] =	vst v12  }
0x153: {  	v20 =	vld [tilespmem:$0x1A508];
	[tilespmem:$0x74A] =	vst v13  }
0x154: {  	v21 =	vld [tilespmem:$0x1A518];
	[tilespmem:$0x75A] =	vst v14  }
0x155: {  	v22 =	vld [tilespmem:$0x1A528];
	[tilespmem:$0x76C] =	vst v16  }
0x156: {  	v24 =	vld [tilespmem:$0x1A540];
	[tilespmem:$0x77C] =	vst v17  }
0x157: {  	v25 =	vld [tilespmem:$0x1A550];
	[tilespmem:$0x78C] =	vst v18  }
0x158: {  	v26 =	vld [tilespmem:$0x1A560];
	[tilespmem:$0x79E] =	vst v20  }
0x159: {  	v28 =	vld [tilespmem:$0x1A578];
	[tilespmem:$0x7AE] =	vst v21  }
0x15a: {  	v29 =	vld [tilespmem:$0x1A588];
	[tilespmem:$0x7BE] =	vst v22  }
0x15b: {  	v30 =	vld [tilespmem:$0x1A598];
	[tilespmem:$0x7D0] =	vst v24  }
0x15c: {  	v32 =	vld [tilespmem:$0x1A5B0];
	[tilespmem:$0x7E0] =	vst v25  }
0x15d: {  	v33 =	vld [tilespmem:$0x1A5C0];
	[tilespmem:$0x7F0] =	vst v26  }
0x15e: {  	v34 =	vld [tilespmem:$0x1A5D0];
	[tilespmem:$0x802] =	vst v28  }
0x15f: {  	v36 =	vld [tilespmem:$0x1A5E8];
	[tilespmem:$0x812] =	vst v29  }
0x160: {  	v37 =	vld [tilespmem:$0x1A5F8];
	[tilespmem:$0x822] =	vst v30  }
0x161: {  	v38 =	vld [tilespmem:$0x1A608];
	[tilespmem:$0x834] =	vst v32  }
0x162: {  	v40 =	vld [tilespmem:$0x1A620];
	[tilespmem:$0x844] =	vst v33  }
0x163: {  	v41 =	vld [tilespmem:$0x1A630];
	[tilespmem:$0x854] =	vst v34  }
0x164: {  	v42 =	vld [tilespmem:$0x1A640];
	[tilespmem:$0x866] =	vst v36  }
0x165: {  	v44 =	vld [tilespmem:$0x1A658];
	[tilespmem:$0x876] =	vst v37  }
0x166: {  	v45 =	vld [tilespmem:$0x1A668];
	[tilespmem:$0x886] =	vst v38  }
0x167: {  	v46 =	vld [tilespmem:$0x1A678];
	[tilespmem:$0x898] =	vst v40  }
0x168: {  	v51 =	vld [tilespmem:$0x1A3A2];
	[tilespmem:$0x8A8] =	vst v41  }
0x169: {  	v55 =	vld [tilespmem:$0x1A3DA];
	[tilespmem:$0x8B8] =	vst v42  }
0x16a: {  	v59 =	vld [tilespmem:$0x1A412];
	[tilespmem:$0x8CA] =	vst v44  }
0x16b: {  	v63 =	vld [tilespmem:$0x1A44A];
	[tilespmem:$0x8DA] =	vst v45  }
0x16c: {  	v11 =	vld [tilespmem:$0x1A482];
	[tilespmem:$0x8EA] =	vst v46  }
0x16d: {  	v15 =	vld [tilespmem:$0x1A4BA];
	[tilespmem:$0x662] =	vst v51  }
0x16e: {  	v19 =	vld [tilespmem:$0x1A4F2];
	[tilespmem:$0x694] =	vst v55  }
0x16f: {  	v23 =	vld [tilespmem:$0x1A52A];
	[tilespmem:$0x6C6] =	vst v59  }
0x170: {  	v27 =	vld [tilespmem:$0x1A562];
	[tilespmem:$0x6F8] =	vst v63  }
0x171: {  	v31 =	vld [tilespmem:$0x1A59A];
	[tilespmem:$0x72A] =	vst v11  }
0x172: {  	v35 =	vld [tilespmem:$0x1A5D2];
	[tilespmem:$0x75C] =	vst v15  }
0x173: {  	v39 =	vld [tilespmem:$0x1A60A];
	[tilespmem:$0x78E] =	vst v19  }
0x174: {  	v43 =	vld [tilespmem:$0x1A642];
	[tilespmem:$0x7C0] =	vst v23  }
0x175: {  	v47 =	vld [tilespmem:$0x1A67A];
	[tilespmem:$0x7F2] =	vst v27  }
0x176: {  	v48 =	vld [tilespmem:$0x1A690];
	[tilespmem:$0x824] =	vst v31  }
0x177: {  	v49 =	vld [tilespmem:$0x1A6A0];
	[tilespmem:$0x856] =	vst v35  }
0x178: {  	v50 =	vld [tilespmem:$0x1A6B0];
	[tilespmem:$0x888] =	vst v39  }
0x179: {  	v52 =	vld [tilespmem:$0x1A6C8];
	[tilespmem:$0x8BA] =	vst v43  }
0x17a: {  	v53 =	vld [tilespmem:$0x1A6D8];
	[tilespmem:$0x8EC] =	vst v47  }
0x17b: {  	v54 =	vld [tilespmem:$0x1A6E8];
	[tilespmem:$0x8FC] =	vst v48  }
0x17c: {  	v51 =	vld [tilespmem:$0x1A6B2];
	[tilespmem:$0x90C] =	vst v49  }
0x17d: {  	v55 =	vld [tilespmem:$0x1A6EA];
	[tilespmem:$0x91C] =	vst v50  }
0x17e: {  	[tilespmem:$0x92E] =	vst v52  }
0x17f: {  	[tilespmem:$0x93E] =	vst v53  }
0x180: {  	[tilespmem:$0x94E] =	vst v54  }
0x181: {  	[tilespmem:$0x91E] =	vst v51  }
0x182: {  	s29 =	simm.s32 @!p0 $0xB;
	[tilespmem:$0x950] =	vst v55  }
0x183: {  	_ =	swait.ge @!p0 [sflag:s29], $0x6400  }
0x184: {  	s0 =	sld [smem:$0x7C0]  }
0x185: {  	[sflag:s29] =	ssyncset.done @!p0 $0x0  }
0x186: {  	[sflag:s29] =	ssyncadd.s32 @!p0 $0xFFFF9C00  }
0x187: {  	[tilespmem:s14], [sflag:$0x7] =	stream.indirect.gather [hbm4b:s3+s9], $0x20, s0, s9, $0xb8;
	[tilespmem:$0x1AA80] =	vst v63  }
0x188: {  	_ =	swait.ge [sflag:s15], $0x380  }
0x189: {  	[sflag:s15] =	ssyncset.done $0x0  }
0x18a: {  	[sflag:s15] =	ssyncadd.s32 $0xFFFFFC80  }
0x18b: {  	v56 =	vld [tilespmem:$0x1A700]  }
0x18c: {  	v57 =	vld [tilespmem:$0x1A710]  }
0x18d: {  	v58 =	vld [tilespmem:$0x1A720]  }
0x18e: {  	v60 =	vld [tilespmem:$0x1A738]  }
0x18f: {  	v61 =	vld [tilespmem:$0x1A748]  }
0x190: {  	v62 =	vld [tilespmem:$0x1A758];
	[tilespmem:$0x960] =	vst v56  }
0x191: {  	v8 =	vld [tilespmem:$0x1A770];
	[tilespmem:$0x970] =	vst v57  }
0x192: {  	v9 =	vld [tilespmem:$0x1A780];
	[tilespmem:$0x980] =	vst v58  }
0x193: {  	v10 =	vld [tilespmem:$0x1A790];
	[tilespmem:$0x992] =	vst v60  }
0x194: {  	v12 =	vld [tilespmem:$0x1A7A8];
	[tilespmem:$0x9A2] =	vst v61  }
0x195: {  	v13 =	vld [tilespmem:$0x1A7B8];
	[tilespmem:$0x9B2] =	vst v62  }
0x196: {  	v14 =	vld [tilespmem:$0x1A7C8];
	[tilespmem:$0x9C4] =	vst v8  }
0x197: {  	v16 =	vld [tilespmem:$0x1A7E0];
	[tilespmem:$0x9D4] =	vst v9  }
0x198: {  	v17 =	vld [tilespmem:$0x1A7F0];
	[tilespmem:$0x9E4] =	vst v10  }
0x199: {  	v18 =	vld [tilespmem:$0x1A800];
	[tilespmem:$0x9F6] =	vst v12  }
0x19a: {  	v20 =	vld [tilespmem:$0x1A818];
	[tilespmem:$0xA06] =	vst v13  }
0x19b: {  	v21 =	vld [tilespmem:$0x1A828];
	[tilespmem:$0xA16] =	vst v14  }
0x19c: {  	v22 =	vld [tilespmem:$0x1A838];
	[tilespmem:$0xA28] =	vst v16  }
0x19d: {  	v24 =	vld [tilespmem:$0x1A850];
	[tilespmem:$0xA38] =	vst v17  }
0x19e: {  	v25 =	vld [tilespmem:$0x1A860];
	[tilespmem:$0xA48] =	vst v18  }
0x19f: {  	v26 =	vld [tilespmem:$0x1A870];
	[tilespmem:$0xA5A] =	vst v20  }
0x1a0: {  	v28 =	vld [tilespmem:$0x1A888];
	[tilespmem:$0xA6A] =	vst v21  }
0x1a1: {  	v29 =	vld [tilespmem:$0x1A898];
	[tilespmem:$0xA7A] =	vst v22  }
0x1a2: {  	v30 =	vld [tilespmem:$0x1A8A8];
	[tilespmem:$0xA8C] =	vst v24  }
0x1a3: {  	v32 =	vld [tilespmem:$0x1A8C0];
	[tilespmem:$0xA9C] =	vst v25  }
0x1a4: {  	v33 =	vld [tilespmem:$0x1A8D0];
	[tilespmem:$0xAAC] =	vst v26  }
0x1a5: {  	v34 =	vld [tilespmem:$0x1A8E0];
	[tilespmem:$0xABE] =	vst v28  }
0x1a6: {  	v36 =	vld [tilespmem:$0x1A8F8];
	[tilespmem:$0xACE] =	vst v29  }
0x1a7: {  	v37 =	vld [tilespmem:$0x1A908];
	[tilespmem:$0xADE] =	vst v30  }
0x1a8: {  	v38 =	vld [tilespmem:$0x1A918];
	[tilespmem:$0xAF0] =	vst v32  }
0x1a9: {  	v40 =	vld [tilespmem:$0x1A930];
	[tilespmem:$0xB00] =	vst v33  }
0x1aa: {  	v41 =	vld [tilespmem:$0x1A940];
	[tilespmem:$0xB10] =	vst v34  }
0x1ab: {  	v42 =	vld [tilespmem:$0x1A950];
	[tilespmem:$0xB22] =	vst v36  }
0x1ac: {  	v44 =	vld [tilespmem:$0x1A968];
	[tilespmem:$0xB32] =	vst v37  }
0x1ad: {  	v45 =	vld [tilespmem:$0x1A978];
	[tilespmem:$0xB42] =	vst v38  }
0x1ae: {  	v46 =	vld [tilespmem:$0x1A988];
	[tilespmem:$0xB54] =	vst v40  }
0x1af: {  	v48 =	vld [tilespmem:$0x1A9A0];
	[tilespmem:$0xB64] =	vst v41  }
0x1b0: {  	v49 =	vld [tilespmem:$0x1A9B0];
	[tilespmem:$0xB74] =	vst v42  }
0x1b1: {  	v50 =	vld [tilespmem:$0x1A9C0];
	[tilespmem:$0xB86] =	vst v44  }
0x1b2: {  	v52 =	vld [tilespmem:$0x1A9D8];
	[tilespmem:$0xB96] =	vst v45  }
0x1b3: {  	v53 =	vld [tilespmem:$0x1A9E8];
	[tilespmem:$0xBA6] =	vst v46  }
0x1b4: {  	v54 =	vld [tilespmem:$0x1A9F8];
	[tilespmem:$0xBB8] =	vst v48  }
0x1b5: {  	v59 =	vld [tilespmem:$0x1A722];
	[tilespmem:$0xBC8] =	vst v49  }
0x1b6: {  	v63 =	vld [tilespmem:$0x1A75A];
	[tilespmem:$0xBD8] =	vst v50  }
0x1b7: {  	v11 =	vld [tilespmem:$0x1A792];
	[tilespmem:$0xBEA] =	vst v52  }
0x1b8: {  	v15 =	vld [tilespmem:$0x1A7CA];
	[tilespmem:$0xBFA] =	vst v53  }
0x1b9: {  	v19 =	vld [tilespmem:$0x1A802];
	[tilespmem:$0xC0A] =	vst v54  }
0x1ba: {  	v23 =	vld [tilespmem:$0x1A83A];
	[tilespmem:$0x982] =	vst v59  }
0x1bb: {  	v27 =	vld [tilespmem:$0x1A872];
	[tilespmem:$0x9B4] =	vst v63  }
0x1bc: {  	v31 =	vld [tilespmem:$0x1A8AA];
	[tilespmem:$0x9E6] =	vst v11  }
0x1bd: {  	v35 =	vld [tilespmem:$0x1A8E2];
	[tilespmem:$0xA18] =	vst v15  }
0x1be: {  	v39 =	vld [tilespmem:$0x1A91A];
	[tilespmem:$0xA4A] =	vst v19  }
0x1bf: {  	v43 =	vld [tilespmem:$0x1A952];
	[tilespmem:$0xA7C] =	vst v23  }
0x1c0: {  	v47 =	vld [tilespmem:$0x1A98A];
	[tilespmem:$0xAAE] =	vst v27  }
0x1c1: {  	v51 =	vld [tilespmem:$0x1A9C2];
	[tilespmem:$0xAE0] =	vst v31  }
0x1c2: {  	v55 =	vld [tilespmem:$0x1A9FA];
	[tilespmem:$0xB12] =	vst v35  }
0x1c3: {  	v56 =	vld [tilespmem:$0x1AA10];
	[tilespmem:$0xB44] =	vst v39  }
0x1c4: {  	v57 =	vld [tilespmem:$0x1AA20];
	[tilespmem:$0xB76] =	vst v43  }
0x1c5: {  	v58 =	vld [tilespmem:$0x1AA30];
	[tilespmem:$0xBA8] =	vst v47  }
0x1c6: {  	v60 =	vld [tilespmem:$0x1AA48];
	[tilespmem:$0xBDA] =	vst v51  }
0x1c7: {  	v61 =	vld [tilespmem:$0x1AA58];
	[tilespmem:$0xC0C] =	vst v55  }
0x1c8: {  	v62 =	vld [tilespmem:$0x1AA68];
	[tilespmem:$0xC1C] =	vst v56  }
0x1c9: {  	v59 =	vld [tilespmem:$0x1AA32];
	[tilespmem:$0xC2C] =	vst v57  }
0x1ca: {  	v63 =	vld [tilespmem:$0x1AA6A];
	[tilespmem:$0xC3C] =	vst v58  }
0x1cb: {  	[tilespmem:$0xC4E] =	vst v60  }
0x1cc: {  	[tilespmem:$0xC5E] =	vst v61  }
0x1cd: {  	[tilespmem:$0xC6E] =	vst v62  }
0x1ce: {  	[tilespmem:$0xC3E] =	vst v59  }
0x1cf: {  	s29 =	simm.s32 @!p0 $0xC;
	[tilespmem:$0xC70] =	vst v63  }
0x1d0: {  	_ =	swait.ge @!p0 [sflag:s29], $0x6400  }
0x1d1: {  	s1 =	sld [smem:$0x7C1]  }
0x1d2: {  	[sflag:s29] =	ssyncset.done @!p0 $0x0  }
0x1d3: {  	[sflag:s29] =	ssyncadd.s32 @!p0 $0xFFFF9C00  }
0x1d4: {  	[tilespmem:s16], [sflag:$0x8] =	stream.indirect.gather [hbm4b:s3+s9], $0x20, s1, s9, $0xb8;
	[tilespmem:$0x1AA80] =	vst v63  }
0x1d5: {  	_ =	swait.ge [sflag:s17], $0x6400  }
0x1d6: {  	s31 =	rddreg [dreg:$0x10]  }
0x1d7: {  	[sflag:s17] =	ssyncset.done $0x0;
	s0 =	sld [smem:$0x7C2]  }
0x1d8: {  	s30 =	sld [smem:$0x7C3];
	[sflag:s17] =	ssyncadd.s32 $0xFFFF9C00;
	s29 =	sadd.s32 s28, s31  }
0x1d9: {  	[hbm4b:s29+s2] =	stream.linear.scatter [tilespmem:s10], [sflag:$0x9], $0x640, $0x38;
	[tilespmem:$0x1AA80] =	vst v63  }
0x1da: {  	s31 =	rddreg [dreg:$0xf];
	s1 =	sadd.s32 $0xC8, s29  }
0x1db: {  	[hbm4b:s1+s2] =	stream.linear.scatter [tilespmem:s0], [sflag:$0x9], $0x640, $0x38;
	[tilespmem:$0x1AA80] =	vst v63  }
0x1dc: {  	s1 =	sadd.s32 $0x190, s29;
	s0 =	sld [smem:$0x7C4]  }
0x1dd: {  	[hbm4b:s1+s2] =	stream.linear.scatter [tilespmem:s30], [sflag:$0x9], $0x640, $0x38;
	[tilespmem:$0x1AA80] =	vst v63  }
0x1de: {  	s30 =	sadd.s32 s28, s31;
	s31 =	rddreg [dreg:$0xe]  }
0x1df: {  	s1 =	sld [smem:$0x7C5]  }
0x1e0: {  	[hbm4b:s30+s2] =	stream.linear.scatter [tilespmem:s0], [sflag:$0x9], $0x640, $0x38;
	[tilespmem:$0x1AA80] =	vst v63  }
0x1e1: {  	s30 =	rddreg [dreg:$0xd]  }
0x1e2: {  	s0 =	sadd.s32 s28, s31;
	s31 =	sld [smem:$0x7C6]  }
0x1e3: {  	[hbm4b:s0+s2] =	stream.linear.scatter [tilespmem:s1], [sflag:$0x9], $0x640, $0x38;
	[tilespmem:$0x1AA80] =	vst v63  }
0x1e4: {  	s30 =	sadd.s32 s28, s30;
	s1 =	sld [smem:$0x7C7]  }
0x1e5: {  	[hbm4b:s30+s2] =	stream.linear.scatter [tilespmem:s31], [sflag:$0x9], $0x640, $0x38;
	[tilespmem:$0x1AA80] =	vst v63  }
0x1e6: {  	s31 =	rddreg [dreg:$0xc]  }
0x1e7: {  	s30 =	rddreg [dreg:$0xb]  }
0x1e8: {  	s0 =	sadd.s32 s28, s31;
	s31 =	sld [smem:$0x7C8]  }
0x1e9: {  	[hbm4b:s0+s2] =	stream.linear.scatter [tilespmem:s1], [sflag:$0x9], $0x640, $0x38;
	[tilespmem:$0x1AA80] =	vst v63  }
0x1ea: {  	s30 =	sadd.s32 s28, s30;
	s1 =	sld [smem:$0x7C9]  }
0x1eb: {  	[hbm4b:s30+s2] =	stream.linear.scatter [tilespmem:s31], [sflag:$0x9], $0x640, $0x38;
	[tilespmem:$0x1AA80] =	vst v63  }
0x1ec: {  	s31 =	rddreg [dreg:$0xa]  }
0x1ed: {  	s30 =	rddreg [dreg:$0x9]  }
0x1ee: {  	s0 =	sadd.s32 s28, s31;
	s31 =	sld [smem:$0x7CA]  }
0x1ef: {  	[hbm4b:s0+s2] =	stream.linear.scatter [tilespmem:s1], [sflag:$0x9], $0x640, $0x38;
	[tilespmem:$0x1AA80] =	vst v63  }
0x1f0: {  	s30 =	sadd.s32 s28, s30;
	s1 =	sld [smem:$0x7CB]  }
0x1f1: {  	[hbm4b:s30+s2] =	stream.linear.scatter [tilespmem:s31], [sflag:$0x9], $0x640, $0x38;
	[tilespmem:$0x1AA80] =	vst v63  }
0x1f2: {  	s31 =	rddreg [dreg:$0x8]  }
0x1f3: {  	s30 =	rddreg [dreg:$0x7]  }
0x1f4: {  	s0 =	sadd.s32 s28, s31;
	s31 =	sld [smem:$0x7CC]  }
0x1f5: {  	[hbm4b:s0+s2] =	stream.linear.scatter [tilespmem:s1], [sflag:$0x9], $0x640, $0x38;
	[tilespmem:$0x1AA80] =	vst v63  }
0x1f6: {  	s30 =	sadd.s32 s28, s30;
	s1 =	sld [smem:$0x7CD]  }
0x1f7: {  	[hbm4b:s30+s2] =	stream.linear.scatter [tilespmem:s31], [sflag:$0x9], $0x640, $0x38;
	[tilespmem:$0x1AA80] =	vst v63  }
0x1f8: {  	s31 =	rddreg [dreg:$0x6]  }
0x1f9: {  	s30 =	rddreg [dreg:$0x5]  }
0x1fa: {  	s0 =	sadd.s32 s28, s31;
	s31 =	sld [smem:$0x7CE]  }
0x1fb: {  	[hbm4b:s0+s2] =	stream.linear.scatter [tilespmem:s1], [sflag:$0x9], $0x640, $0x38;
	[tilespmem:$0x1AA80] =	vst v63  }
0x1fc: {  	s30 =	sadd.s32 s28, s30;
	s1 =	sld [smem:$0x7CF]  }
0x1fd: {  	[hbm4b:s30+s2] =	stream.linear.scatter [tilespmem:s31], [sflag:$0x9], $0x640, $0x38;
	[tilespmem:$0x1AA80] =	vst v63  }
0x1fe: {  	s31 =	rddreg [dreg:$0x4]  }
0x1ff: {  	s30 =	rddreg [dreg:$0x3]  }
0x200: {  	s0 =	sadd.s32 s28, s31;
	s31 =	sld [smem:$0x7D0]  }
0x201: {  	[hbm4b:s0+s2] =	stream.linear.scatter [tilespmem:s1], [sflag:$0x9], $0x640, $0x38;
	[tilespmem:$0x1AA80] =	vst v63  }
0x202: {  	p0 =	seq.s32 s28, $0x15E00;
	s30 =	sadd.s32 s28, s30  }
0x203: {  	[hbm4b:s30+s2] =	stream.linear.scatter [tilespmem:s31], [sflag:$0x9], $0x640, $0x38;
	[tilespmem:$0x1AA80] =	vst v63  }
0x204: {  	s0 =	sadd.s32 @!p0 $0xE0, s26;
	s1 =	simm.s32 @!p0 $0x0;
	s30 =	simm.s32 @!p0 $0x19C80  }
0x205: {  	[tilespmem:s30], [sflag:$0x1] =	stream.linear.gather @!p0 [hbm4b:s0+s1], $0x380, $0x38;
	[tilespmem:$0x1AA80] =	vst v63  }
0x206: {  	_ =	swait.ge [sflag:s18], $0x6400  }
0x207: {  	[sflag:s18] =	ssyncset.done $0x0;
	s0 =	sld [smem:$0x7BC]  }
0x208: {  	s1 =	sadd.s32 $0xC80, s29;
	s31 =	sld [smem:$0x7D1];
	[sflag:s18] =	ssyncadd.s32 $0xFFFF9C00  }
0x209: {  	[hbm4b:s1+s2] =	stream.linear.scatter [tilespmem:s12], [sflag:$0xA], $0x640, $0x38;
	[tilespmem:$0x1AA80] =	vst v63  }
0x20a: {  	s0 =	sadd.s32 s28, s0  }
0x20b: {  	[hbm4b:s0+s2] =	stream.linear.scatter [tilespmem:s31], [sflag:$0xA], $0x640, $0x38;
	[tilespmem:$0x1AA80] =	vst v63  }
0x20c: {  	s31 =	sld [smem:$0x7BB]  }
0x20d: {  	s1 =	sld [smem:$0x7D2]  }
0x20e: {  	s30 =	sld [smem:$0x7BA]  }
0x20f: {  	s0 =	sadd.s32 s28, s31;
	s31 =	sld [smem:$0x7D3]  }
0x210: {  	[hbm4b:s0+s2] =	stream.linear.scatter [tilespmem:s1], [sflag:$0xA], $0x640, $0x38;
	[tilespmem:$0x1AA80] =	vst v63  }
0x211: {  	s30 =	sadd.s32 s28, s30  }
0x212: {  	[hbm4b:s30+s2] =	stream.linear.scatter [tilespmem:s31], [sflag:$0xA], $0x640, $0x38;
	[tilespmem:$0x1AA80] =	vst v63  }
0x213: {  	s31 =	sld [smem:$0x7B9]  }
0x214: {  	s1 =	sld [smem:$0x7D4]  }
0x215: {  	s30 =	sld [smem:$0x7B8]  }
0x216: {  	s0 =	sadd.s32 s28, s31;
	s31 =	sld [smem:$0x7D5]  }
0x217: {  	[hbm4b:s0+s2] =	stream.linear.scatter [tilespmem:s1], [sflag:$0xA], $0x640, $0x38;
	[tilespmem:$0x1AA80] =	vst v63  }
0x218: {  	s30 =	sadd.s32 s28, s30  }
0x219: {  	[hbm4b:s30+s2] =	stream.linear.scatter [tilespmem:s31], [sflag:$0xA], $0x640, $0x38;
	[tilespmem:$0x1AA80] =	vst v63  }
0x21a: {  	s31 =	sld [smem:$0x7B7]  }
0x21b: {  	s1 =	sld [smem:$0x7D6]  }
0x21c: {  	s30 =	sld [smem:$0x7B6]  }
0x21d: {  	s0 =	sadd.s32 s28, s31;
	s31 =	sld [smem:$0x7D7]  }
0x21e: {  	[hbm4b:s0+s2] =	stream.linear.scatter [tilespmem:s1], [sflag:$0xA], $0x640, $0x38;
	[tilespmem:$0x1AA80] =	vst v63  }
0x21f: {  	s30 =	sadd.s32 s28, s30  }
0x220: {  	[hbm4b:s30+s2] =	stream.linear.scatter [tilespmem:s31], [sflag:$0xA], $0x640, $0x38;
	[tilespmem:$0x1AA80] =	vst v63  }
0x221: {  	s31 =	sld [smem:$0x7B5]  }
0x222: {  	s1 =	sld [smem:$0x7D8]  }
0x223: {  	s30 =	sld [smem:$0x7B4]  }
0x224: {  	s0 =	sadd.s32 s28, s31;
	s31 =	sld [smem:$0x7D9]  }
0x225: {  	[hbm4b:s0+s2] =	stream.linear.scatter [tilespmem:s1], [sflag:$0xA], $0x640, $0x38;
	[tilespmem:$0x1AA80] =	vst v63  }
0x226: {  	s30 =	sadd.s32 s28, s30  }
0x227: {  	[hbm4b:s30+s2] =	stream.linear.scatter [tilespmem:s31], [sflag:$0xA], $0x640, $0x38;
	[tilespmem:$0x1AA80] =	vst v63  }
0x228: {  	s31 =	sld [smem:$0x7B3]  }
0x229: {  	s1 =	sld [smem:$0x7DA]  }
0x22a: {  	s30 =	sld [smem:$0x7B2]  }
0x22b: {  	s0 =	sadd.s32 s28, s31;
	s31 =	sld [smem:$0x7DB]  }
0x22c: {  	[hbm4b:s0+s2] =	stream.linear.scatter [tilespmem:s1], [sflag:$0xA], $0x640, $0x38;
	[tilespmem:$0x1AA80] =	vst v63  }
0x22d: {  	s30 =	sadd.s32 s28, s30  }
0x22e: {  	[hbm4b:s30+s2] =	stream.linear.scatter [tilespmem:s31], [sflag:$0xA], $0x640, $0x38;
	[tilespmem:$0x1AA80] =	vst v63  }
0x22f: {  	s31 =	sld [smem:$0x7B1]  }
0x230: {  	s1 =	sld [smem:$0x7DC]  }
0x231: {  	s30 =	sld [smem:$0x7B0]  }
0x232: {  	s0 =	sadd.s32 s28, s31;
	s31 =	sld [smem:$0x7DD]  }
0x233: {  	[hbm4b:s0+s2] =	stream.linear.scatter [tilespmem:s1], [sflag:$0xA], $0x640, $0x38;
	[tilespmem:$0x1AA80] =	vst v63  }
0x234: {  	s30 =	sadd.s32 s28, s30  }
0x235: {  	[hbm4b:s30+s2] =	stream.linear.scatter [tilespmem:s31], [sflag:$0xA], $0x640, $0x38;
	[tilespmem:$0x1AA80] =	vst v63  }
0x236: {  	s31 =	sld [smem:$0x7AF]  }
0x237: {  	s1 =	sld [smem:$0x7DE]  }
0x238: {  	s30 =	sld [smem:$0x7AE]  }
0x239: {  	s0 =	sadd.s32 s28, s31;
	s31 =	sld [smem:$0x7DF]  }
0x23a: {  	[hbm4b:s0+s2] =	stream.linear.scatter [tilespmem:s1], [sflag:$0xA], $0x640, $0x38;
	[tilespmem:$0x1AA80] =	vst v63  }
0x23b: {  	s1 =	sadd.s32 s28, s30  }
0x23c: {  	[hbm4b:s1+s2] =	stream.linear.scatter [tilespmem:s31], [sflag:$0xA], $0x640, $0x38;
	[tilespmem:$0x1AA80] =	vst v63  }
0x23d: {  	_ =	swait.ge [sflag:s19], $0x6400  }
0x23e: {  	[sflag:s19] =	ssyncset.done $0x0  }
0x23f: {  	s30 =	sadd.s32 $0x1900, s29;
	s31 =	sld [smem:$0x7E0];
	[sflag:s19] =	ssyncadd.s32 $0xFFFF9C00  }
0x240: {  	[hbm4b:s30+s2] =	stream.linear.scatter [tilespmem:s14], [sflag:$0xB], $0x640, $0x38;
	[tilespmem:$0x1AA80] =	vst v63  }
0x241: {  	s30 =	sadd.s32 $0x19C8, s29  }
0x242: {  	[hbm4b:s30+s2] =	stream.linear.scatter [tilespmem:s31], [sflag:$0xB], $0x640, $0x38;
	[tilespmem:$0x1AA80] =	vst v63  }
0x243: {  	s31 =	sld [smem:$0x7AD]  }
0x244: {  	s1 =	sld [smem:$0x7E1]  }
0x245: {  	s30 =	sld [smem:$0x7AC]  }
0x246: {  	s0 =	sadd.s32 s28, s31;
	s31 =	sld [smem:$0x7E2]  }
0x247: {  	[hbm4b:s0+s2] =	stream.linear.scatter [tilespmem:s1], [sflag:$0xB], $0x640, $0x38;
	[tilespmem:$0x1AA80] =	vst v63  }
0x248: {  	s30 =	sadd.s32 s28, s30  }
0x249: {  	[hbm4b:s30+s2] =	stream.linear.scatter [tilespmem:s31], [sflag:$0xB], $0x640, $0x38;
	[tilespmem:$0x1AA80] =	vst v63  }
0x24a: {  	s31 =	sld [smem:$0x7AB]  }
0x24b: {  	s1 =	sld [smem:$0x7E3]  }
0x24c: {  	s30 =	sld [smem:$0x7AA]  }
0x24d: {  	s0 =	sadd.s32 s28, s31;
	s31 =	sld [smem:$0x7E4]  }
0x24e: {  	[hbm4b:s0+s2] =	stream.linear.scatter [tilespmem:s1], [sflag:$0xB], $0x640, $0x38;
	[tilespmem:$0x1AA80] =	vst v63  }
0x24f: {  	s30 =	sadd.s32 s28, s30  }
0x250: {  	[hbm4b:s30+s2] =	stream.linear.scatter [tilespmem:s31], [sflag:$0xB], $0x640, $0x38;
	[tilespmem:$0x1AA80] =	vst v63  }
0x251: {  	s31 =	sld [smem:$0x7A9]  }
0x252: {  	s1 =	sld [smem:$0x7E5]  }
0x253: {  	s30 =	sld [smem:$0x7A8]  }
0x254: {  	s0 =	sadd.s32 s28, s31;
	s31 =	sld [smem:$0x7E6]  }
0x255: {  	[hbm4b:s0+s2] =	stream.linear.scatter [tilespmem:s1], [sflag:$0xB], $0x640, $0x38;
	[tilespmem:$0x1AA80] =	vst v63  }
0x256: {  	s30 =	sadd.s32 s28, s30  }
0x257: {  	[hbm4b:s30+s2] =	stream.linear.scatter [tilespmem:s31], [sflag:$0xB], $0x640, $0x38;
	[tilespmem:$0x1AA80] =	vst v63  }
0x258: {  	s31 =	sld [smem:$0x7A7]  }
0x259: {  	s1 =	sld [smem:$0x7E7]  }
0x25a: {  	s30 =	sld [smem:$0x7A6]  }
0x25b: {  	s0 =	sadd.s32 s28, s31;
	s31 =	sld [smem:$0x7E8]  }
0x25c: {  	[hbm4b:s0+s2] =	stream.linear.scatter [tilespmem:s1], [sflag:$0xB], $0x640, $0x38;
	[tilespmem:$0x1AA80] =	vst v63  }
0x25d: {  	s30 =	sadd.s32 s28, s30  }
0x25e: {  	[hbm4b:s30+s2] =	stream.linear.scatter [tilespmem:s31], [sflag:$0xB], $0x640, $0x38;
	[tilespmem:$0x1AA80] =	vst v63  }
0x25f: {  	s31 =	sld [smem:$0x7A5]  }
0x260: {  	s1 =	sld [smem:$0x7E9]  }
0x261: {  	s30 =	sld [smem:$0x7A4]  }
0x262: {  	s0 =	sadd.s32 s28, s31;
	s31 =	sld [smem:$0x7EA]  }
0x263: {  	[hbm4b:s0+s2] =	stream.linear.scatter [tilespmem:s1], [sflag:$0xB], $0x640, $0x38;
	[tilespmem:$0x1AA80] =	vst v63  }
0x264: {  	s30 =	sadd.s32 s28, s30  }
0x265: {  	[hbm4b:s30+s2] =	stream.linear.scatter [tilespmem:s31], [sflag:$0xB], $0x640, $0x38;
	[tilespmem:$0x1AA80] =	vst v63  }
0x266: {  	s31 =	sld [smem:$0x7A3]  }
0x267: {  	s1 =	sld [smem:$0x7EB]  }
0x268: {  	s30 =	sld [smem:$0x7A2]  }
0x269: {  	s0 =	sadd.s32 s28, s31;
	s31 =	sld [smem:$0x7EC]  }
0x26a: {  	[hbm4b:s0+s2] =	stream.linear.scatter [tilespmem:s1], [sflag:$0xB], $0x640, $0x38;
	[tilespmem:$0x1AA80] =	vst v63  }
0x26b: {  	s30 =	sadd.s32 s28, s30  }
0x26c: {  	[hbm4b:s30+s2] =	stream.linear.scatter [tilespmem:s31], [sflag:$0xB], $0x640, $0x38;
	[tilespmem:$0x1AA80] =	vst v63  }
0x26d: {  	s31 =	sld [smem:$0x7A1]  }
0x26e: {  	s1 =	sld [smem:$0x7ED]  }
0x26f: {  	s30 =	sld [smem:$0x7A0]  }
0x270: {  	s0 =	sadd.s32 s28, s31;
	s31 =	sld [smem:$0x7EE]  }
0x271: {  	[hbm4b:s0+s2] =	stream.linear.scatter [tilespmem:s1], [sflag:$0xB], $0x640, $0x38;
	[tilespmem:$0x1AA80] =	vst v63  }
0x272: {  	s1 =	sadd.s32 s28, s30  }
0x273: {  	[hbm4b:s1+s2] =	stream.linear.scatter [tilespmem:s31], [sflag:$0xB], $0x640, $0x38;
	[tilespmem:$0x1AA80] =	vst v63  }
0x274: {  	_ =	swait.ge [sflag:s20], $0x6400  }
0x275: {  	s0 =	rddreg [dreg:$0x1f]  }
0x276: {  	s31 =	sld [smem:$0x7EF]  }
0x277: {  	[sflag:s20] =	ssyncset.done $0x0;
	s1 =	sld [smem:$0x7F0]  }
0x278: {  	s30 =	sadd.s32 $0x2580, s29;
	s29 =	rddreg [dreg:$0x1d];
	[sflag:s20] =	ssyncadd.s32 $0xFFFF9C00  }
0x279: {  	[hbm4b:s30+s2] =	stream.linear.scatter [tilespmem:s16], [sflag:$0xC], $0x640, $0x38;
	[tilespmem:$0x1AA80] =	vst v63  }
0x27a: {  	s0 =	sadd.s32 s28, s0;
	s30 =	rddreg [dreg:$0x1e]  }
0x27b: {  	[hbm4b:s0+s2] =	stream.linear.scatter [tilespmem:s31], [sflag:$0xC], $0x640, $0x38;
	[tilespmem:$0x1AA80] =	vst v63  }
0x27c: {  	s31 =	sld [smem:$0x7F1]  }
0x27d: {  	s0 =	sadd.s32 s28, s30;
	s30 =	rddreg [dreg:$0x1c]  }
0x27e: {  	[hbm4b:s0+s2] =	stream.linear.scatter [tilespmem:s1], [sflag:$0xC], $0x640, $0x38;
	[tilespmem:$0x1AA80] =	vst v63  }
0x27f: {  	s1 =	sld [smem:$0x7F2]  }
0x280: {  	s29 =	sadd.s32 s28, s29;
	s0 =	sadd.s32 s28, s30;
	s30 =	rddreg [dreg:$0x1a]  }
0x281: {  	[hbm4b:s29+s2] =	stream.linear.scatter [tilespmem:s31], [sflag:$0xC], $0x640, $0x38;
	[tilespmem:$0x1AA80] =	vst v63  }
0x282: {  	s29 =	rddreg [dreg:$0x1b]  }
0x283: {  	s31 =	sld [smem:$0x7F3]  }
0x284: {  	[hbm4b:s0+s2] =	stream.linear.scatter [tilespmem:s1], [sflag:$0xC], $0x640, $0x38;
	[tilespmem:$0x1AA80] =	vst v63  }
0x285: {  	s1 =	sld [smem:$0x7F4]  }
0x286: {  	s29 =	sadd.s32 s28, s29;
	s0 =	sadd.s32 s28, s30;
	s30 =	rddreg [dreg:$0x18]  }
0x287: {  	[hbm4b:s29+s2] =	stream.linear.scatter [tilespmem:s31], [sflag:$0xC], $0x640, $0x38;
	[tilespmem:$0x1AA80] =	vst v63  }
0x288: {  	s29 =	rddreg [dreg:$0x19]  }
0x289: {  	s31 =	sld [smem:$0x7F5]  }
0x28a: {  	[hbm4b:s0+s2] =	stream.linear.scatter [tilespmem:s1], [sflag:$0xC], $0x640, $0x38;
	[tilespmem:$0x1AA80] =	vst v63  }
0x28b: {  	s1 =	sld [smem:$0x7F6]  }
0x28c: {  	s29 =	sadd.s32 s28, s29;
	s0 =	sadd.s32 s28, s30;
	s30 =	rddreg [dreg:$0x16]  }
0x28d: {  	[hbm4b:s29+s2] =	stream.linear.scatter [tilespmem:s31], [sflag:$0xC], $0x640, $0x38;
	[tilespmem:$0x1AA80] =	vst v63  }
0x28e: {  	s29 =	rddreg [dreg:$0x17]  }
0x28f: {  	s31 =	sld [smem:$0x7F7]  }
0x290: {  	[hbm4b:s0+s2] =	stream.linear.scatter [tilespmem:s1], [sflag:$0xC], $0x640, $0x38;
	[tilespmem:$0x1AA80] =	vst v63  }
0x291: {  	s1 =	sld [smem:$0x7F8]  }
0x292: {  	s29 =	sadd.s32 s28, s29;
	s0 =	sadd.s32 s28, s30;
	s30 =	rddreg [dreg:$0x14]  }
0x293: {  	[hbm4b:s29+s2] =	stream.linear.scatter [tilespmem:s31], [sflag:$0xC], $0x640, $0x38;
	[tilespmem:$0x1AA80] =	vst v63  }
0x294: {  	s29 =	rddreg [dreg:$0x15]  }
0x295: {  	s31 =	sld [smem:$0x7F9]  }
0x296: {  	[hbm4b:s0+s2] =	stream.linear.scatter [tilespmem:s1], [sflag:$0xC], $0x640, $0x38;
	[tilespmem:$0x1AA80] =	vst v63  }
0x297: {  	s29 =	sadd.s32 s28, s29;
	s1 =	sld [smem:$0x7FA]  }
0x298: {  	[hbm4b:s29+s2] =	stream.linear.scatter [tilespmem:s31], [sflag:$0xC], $0x640, $0x38;
	[tilespmem:$0x1AA80] =	vst v63  }
0x299: {  	s29 =	rddreg [dreg:$0x13]  }
0x29a: {  	s0 =	sadd.s32 s28, s30;
	s31 =	sld [smem:$0x7FB]  }
0x29b: {  	[hbm4b:s0+s2] =	stream.linear.scatter [tilespmem:s1], [sflag:$0xC], $0x640, $0x38;
	[tilespmem:$0x1AA80] =	vst v63  }
0x29c: {  	s30 =	rddreg [dreg:$0x12];
	s29 =	sadd.s32 s28, s29  }
0x29d: {  	[hbm4b:s29+s2] =	stream.linear.scatter [tilespmem:s31], [sflag:$0xC], $0x640, $0x38;
	[tilespmem:$0x1AA80] =	vst v63  }
0x29e: {  	s31 =	rddreg [dreg:$0x11]  }
0x29f: {  	s0 =	sadd.s32 s28, s30;
	s31 =	sadd.s32 s28, s31;
	s28 =	sadd.s32 $0x3200, s28  }
0x2a0: {  	s1 =	sld [smem:$0x7FC];
	p0 =	sne.s32 s28, $0x19000  }
.Ltmp0:
0x2a1: {  	_ = 	snop;
	(pc) =	sbr.rel @p0 .LBB2_2-.Ltmp0, $4  }
0x2a2: {  	s30 =	sld [smem:$0x7FD]  }
0x2a3: {  	[hbm4b:s0+s2] =	stream.linear.scatter [tilespmem:s1], [sflag:$0xC], $0x640, $0x38;
	[tilespmem:$0x1AA80] =	vst v63  }
0x2a4: {  	s26 =	sadd.s32 $0x1C0, s26  }
0x2a5: {  	[hbm4b:s31+s2] =	stream.linear.scatter [tilespmem:s30], [sflag:$0xC], $0x640, $0x38;
	[tilespmem:$0x1AA80] =	vst v63  }
0x2a6: {  	_ =	swait.ge [sflag:s21], $0x6400  }
0x2a7: {  	[sflag:s21] =	ssyncset.done $0x0  }
0x2a8: {  	[sflag:s21] =	ssyncadd.s32 $0xFFFF9C00  }
0x2a9: {  	_ =	swait.ge [sflag:s22], $0x6400  }
0x2aa: {  	[sflag:s22] =	ssyncset.done $0x0  }
0x2ab: {  	s25 =	sadd.s32 $0x1, s25;
	[sflag:s22] =	ssyncadd.s32 $0xFFFF9C00  }
0x2ac: {  	p0 =	sne.s32 s25, s5;
	_ =	swait.ge [sflag:s23], $0x6400  }
.Ltmp1:
0x2ad: {  	[sflag:s23] =	ssyncset.done $0x0;
	(pc) =	sbr.rel @p0 .LBB2_1-.Ltmp1, $4  }
0x2ae: {  	[sflag:s23] =	ssyncadd.s32 $0xFFFF9C00  }
0x2af: {  	_ =	swait.ge [sflag:s24], $0x6400  }
0x2b0: {  	[sflag:s24] =	ssyncset.done $0x0  }
0x2b1: {  	[sflag:s24] =	ssyncadd.s32 $0xFFFF9C00  }
0x2b2: {  	_ =	sfence.sel $0x180000  }
0x2b3: {  	[bflag:$0x0] =	sbarrier.arrive $0xFFFF  }
0x2b4: {  	_ =	strace $0x90000047  }
0x2b5: {  	s0 =	stileid.u32;
	[bflag:$0x2] =	sbarrier.arrive $0xFFFF  }
0x2b6: {  	p0 =	sne.s32 s0, $0x0;
	s0 =	rddreg [dreg:$0x2]  }
0x2b7: {  	s0 =	sadd.s32 @!p0 $0x100000, s0  }
0x2b8: {  	[sflag:s0] =	ssyncadd.tile.s32 @!p0 $0x1;
	_ =	shalt  }
.Lfunc_end2:
_tile_overlayer_lowered:
.L_overlay_start_2:
0x2b9: {  	(tag) =	ssettag $0x2  }
0x2ba: {  	s0 =	rddreg [dreg:$0x0];
	s2 =	stileid.u32  }
0x2bb: {  	s1 =	rddreg [dreg:$0x1];
	p0 =	sne.s32 s2, $0x0  }
0x2bc: {  	s3 =	rddreg [dreg:$0x2];
	[bflag:$0x3] =	sbarrier.arrive $0xFFFF;
	s2 =	simm.s32 @!p0 $0x1C0D  }
0x2bd: {  	[timem:s3], [sflag:s2] =	dma.local @!p0 [hbm:s0], s1  }
0x2be: {  	s0 =	simm.s32 @!p0 $0xD  }
0x2bf: {  	_ =	swait.ge @!p0 [sflag:s0], s1  }
0x2c0: {  	s1 =	ssub.s32 @!p0 $0x0, s1;
	[sflag:s0] =	ssyncset.done @!p0 $0x0  }
0x2c1: {  	[sflag:s0] =	ssyncadd.s32 @!p0 s1  }
0x2c2: {  	[bflag:$0x3] =	sbarrier.arrive $0xFFFF  }
0x2c3: {  	_ =	shalt  }

// kernel: sparse-core-data-format-call.cloned.1.call-start
scs
called_computation_lowered:
.L_overlay_start_0:
0x0: {  	s2 =	sld [smem:$0x3FD9]  }
0x1: {  	s3 =	sld [smem:$0x3FFE];
	_ =	sdelay $0x1  }
0x2: {  	s1 =	srdreg.scid  }
0x3: {  	s0 =	sand.u32 $0x1, s1  }
0x4: {  	s18 =	sshll.u32 s0, $0xA;
	s2 =	sadd.s32 s3, s2  }
0x5: {  	s2 =	sadd.s32 s2, s18  }
0x6: {  	[smem:$0x3FC6] =	sst s2  }
0x7: {  	_ = 	snop  }
0x8: {  	s2 =	sld [smem:$0x3FD0];
	(tm) =	ssettm $0x1  }
0x9: {  	s19 =	sld [smem:$0x3FFB];
	_ =	sdelay $0x3  }
0xa: {  	_ =	strace s19  }
0xb: {  	s3 =	sld [smem:$0x3FFC];
	_ =	sdelay $0x3  }
0xc: {  	_ =	strace s3  }
0xd: {  	s3 =	sld [smem:$0x3FFD];
	_ =	sdelay $0x3  }
0xe: {  	_ =	strace s3  }
0xf: {  	_ =	strace $0x8FFFFFFF  }
0x10: {  	s20 =	sld [smem:$0x3FDB];
	_ =	sdelay $0x1  }
0x11: {  	s4 =	simm.s32 $_scs_section_size  }
0x12: {  	s5 =	simm.s32 $_size__tile_overlayer_lowered;
	s6 =	simm.s32 $_tile_overlayer_lowered  }
0x13: {  	s23 =	simm.s32 $0x1BFF;
	s22 =	sshll.u32 s6, $0x1;
	s3 =	sadd.s32 s4, s20  }
0x14: {  	s7 =	simm.s32 $0x0;
	s21 =	sshll.u32 s5, $0x1;
	s5 =	sadd.s32 s22, s3  }
0x15: {  	[timem:s7], [sflag:s23] =	dma.local [hbm:s5], s21  }
0x16: {  	_ =	swait.ge [sflag:s23], s21  }
0x17: {  	s4 =	ssub.s32 $0x0, s21;
	[sflag:s23] =	ssyncset.done $0x0  }
0x18: {  	[sflag:s23] =	ssyncadd.s32 s4;
	_ =	sdelay $0x1  }
0x19: {  	s24 =	simm.s32 $0x1B8B  }
0x1a: {  	_ =	swait.ge [sflag:s24], $0x1  }
0x1b: {  	[sflag:s24] =	ssyncset.done $0x0  }
0x1c: {  	s26 =	simm.s32 $0x1B8E;
	s25 =	sld [smem:$0x3FFE];
	[sflag:s24] =	ssyncadd.s32 $0xFFFFFFFF  }
0x1d: {  	s27 =	simm.s32 $execute0_lowered;
	[smem:$0x3FD2] =	sst s26  }
0x1e: {  	s5 =	sshll.u32 s27, $0x1;
	_ =	strace $0x80000049;
	[dreg:$0x1] =	wrdreg $0xFFFFFFFF  }
0x1f: {  	s28 =	simm.s32 $_size_execute0_lowered;
	s3 =	sadd.s32 s3, s5;
	[dreg:$0x0] =	wrdreg $0x0  }
0x20: {  	s5 =	sshll.u32 s28, $0x1;
	[dreg:$0x2] =	wrdreg s3  }
0x21: {  	[dreg:$0x3] =	wrdreg s5  }
0x22: {  	[dreg:$0x4] =	wrdreg $0xC0  }
0x23: {  	_ =	task [dreg:s7], $0x5FFFF  }
0x24: {  	[dreg:$0x1] =	wrdreg $0xFFFFFFFF  }
0x25: {  	[dreg:$0x0] =	wrdreg $0x60  }
0x26: {  	[dreg:$0x2] =	wrdreg s25  }
0x27: {  	[dreg:$0x3] =	wrdreg s2  }
0x28: {  	[dreg:$0x4] =	wrdreg $0x9  }
0x29: {  	_ =	task.clear_ibuf [dreg:s7], $0x5FFFF;
	_ =	strace $0x90000049  }
0x2a: {  	s29 =	simm.s32 $0x9;
	_ =	strace $0x8000004B  }
0x2b: {  	_ =	swait.ge [sflag:s29], $0x1  }
0x2c: {  	[sflag:s29] =	ssyncadd.s32 $0xFFFFFFFF  }
0x2d: {  	_ =	strace $0x9000004B  }
0x2e: {  	_ =	sfence  }
0x2f: {  	s30 =	sld [smem:$0x0];
	_ =	sdelay $0x2  }
0x30: {  	s31 =	sshll.u32 s1, $0xD;
	s1 =	sshrl.u32 s1, $0x2  }
0x31: {  	s3 =	sand.u32 $0x4000, s31;
	s1 =	sadd.s32 s1, s30  }
0x32: {  	s0 =	sor.u32 s3, s0;
	s1 =	sshll.u32 s1, $0x11  }
0x33: {  	s0 =	sor.u32 s1, s0  }
0x34: {  	s0 =	sadd.s32 $0x8F2B, s0  }
0x35: {  	[sflag:s0] =	ssyncadd.remote.s32 $0x1  }
0x36: {  	_ =	sfence.sel $0xFFFF  }
0x37: {  	[dreg:$0x0] =	wrdreg $0xFFFFFFFF;
	(pc) =	sbr.abs _section_cstart, $3  }
0x38: {  	[dreg:$0x1] =	wrdreg $0xFFFFFFFF  }
0x39: {  	_ =	task.clear_ibuf [dreg:s7], $0x2FFFF;
	_ =	strace $0x9FFFFFFF  }
0x3a: {  	(tm) =	ssettm $0x7FFFFFFF  }
0x3b: {  	_ =	shalt  }
tec
execute0_lowered:
.L_overlay_start_1:
0x0: {  	(tag) =	ssettag $0x1  }
0x1: {  	s0 =	srdreg.scid  }
0x2: {  	s1 =	sshll.u32 s0, $0x4  }
0x3: {  	s0 =	stileid.u32;
	s1 =	sand.u32 $0x10, s1  }
0x4: {  	s1 =	sor.u32 s0, s1  }
0x5: {  	s6 =	rddreg [dreg:$0x0];
	s4 =	simm.s32 $0x1;
	s2 =	sshll.u32 s1, $0x7  }
0x6: {  	s7 =	simm.s32 $0x2;
	s12 =	simm.s32 $0x0;
	s1 =	ssub.s32 $0x4000, s2  }
0x7: {  	s8 =	simm.s32 $0x20000;
	s13 =	simm.s32 $0x0;
	s3 =	sand.u32 $0xF80, s1  }
0x8: {  	s9 =	simm.s32 $0x0;
	s5 =	sshrl.u32 s1, $0xC;
	p0 =	sne.s32 s3, $0x0  }
.Ltmp0:
0x9: {  	s1 =	rddreg [dreg:$0x2];
	s4 =	simm.s32 @!p0 $0x0;
	(pc) =	sbr.rel .LBB1_1-.Ltmp0, $4  }
0xa: {  	s11 =	simm.s32 $0x0;
	s3 =	rddreg [dreg:$0x1];
	s5 =	sadd.s32 s4, s5  }
0xb: {  	_ =	strace $0x8000004A;
	s4 =	simm.s32 $0x1;
	s5 =	smul.u32 $0x32, s5  }
0xc: {  	s6 =	sadd.s32 $0xA00, s6;
	s10 =	smov.u32 s2;
	[sflag:s4] =	ssyncpa.u1 $0x0  }
0xd: {  	p0 =	por $0x0, $0x0;
	[sflag:s7] =	ssyncpa.u1 $0x0;
	s7 =	sor.u32 $0x1, s5  }
.LBB1_4:
0xe: {  	s16 =	sshll.u32 s13, $0x3;
	s17 =	sand.u32 $0x78, s13  }
0xf: {  	s30 =	sand.u32 $0xF800, s13;
	s12 =	sshll.u32 s12, $0x10;
	s16 =	sand.u32 $0x3C00, s16  }
0x10: {  	s31 =	sand.u32 $0x7, s13;
	s16 =	sor.u32 s17, s16;
	s17 =	sadd.s32 s3, s30  }
0x11: {  	s13 =	sshll.u32 s31, $0x12;
	s16 =	sshrl.u32 s16, $0x3;
	s12 =	sadd.s32 s12, s17  }
0x12: {  	[tilespmem:s15+$0x0 ss:$0x81] =	vst.msk $0xffff, v0;
	s13 =	sor.u32 $0x400, s13;
	s12 =	sadd.s32 s16, s12  }
0x13: {  	[hbm4b:s12+s13] =	stream.strided.scatter [tilespmem:s14], [sflag:$0x2], $0x1000, s8, s13, $0x20;
	[tilespmem:$0x4040] =	vst v63  }
.LBB1_5:
0x14: {  	s14 =	sadd.s32 $0x1, s9  }
0x15: {  	s12 =	sadd.s32 $0x1000, s10;
	s16 =	smov.u32 s10;
	p2 =	sgt.s32 s14, $0x31  }
0x16: {  	s16 =	smov.u32 @p2 s12  }
0x17: {  	s14 =	simm.s32 @p2 $0x0;
	p2 =	sgt.s32 s16, $0x3FFF  }
0x18: {  	s16 =	smov.u32 @p2 s2;
	p2 =	sne.s32 s11, s7  }
.Ltmp1:
0x19: {  	p1 =	slt.u32 s11, $0x2;
	(pc) =	sbr.rel @!p2 .LBB1_6-.Ltmp1, $4  }
0x1a: {  	s15 =	simm.s32 @!p1 $0x2  }
0x1b: {  	s13 =	smov.u32 s10;
	p0 =	por !p0, !p0;
	_ =	swait.ge @!p1 [sflag:s15], $0x1000  }
0x1c: {  	s12 =	smov.u32 s9;
	[sflag:s15] =	ssyncset.done @!p1 $0x0;
	s9 =	smov.u32 s14  }
0x1d: {  	s11 =	sadd.s32 $0x1, s11;
	[sflag:s15] =	ssyncadd.s32 @!p1 $0xFFFFF000;
	s10 =	smov.u32 s16  }
.LBB1_1:
0x1e: {  	p1 =	sge.u32 s11, s5  }
0x1f: {  	s14 =	sand.u32 @!p1 $0x1FFFFFF, s9  }
0x20: {  	s15 =	smulhi.u32 @!p1 $0x4924925, s14;
	_ =	sdelay $0x1  }
0x21: {  	s15 =	smul.u32 @!p1 $0x38, s15  }
0x22: {  	s16 =	sxor.u32 @!p1 $0xFFFFFFFF, s11;
	s17 =	smul.u32 @!p1 $0x380, s10  }
0x23: {  	s31 =	sadd.s32 $0xFFFFFFFF, s11;
	s16 =	sshll.u32 @!p1 s16, $0xC;
	s14 =	ssub.s32 @!p1 s14, s15  }
0x24: {  	s15 =	sand.u32 @!p1 $0x1000, s16;
	s16 =	sadd.s32 @!p1 s6, s17;
	s14 =	sshll.u32 @!p1 s14, $0x4  }
0x25: {  	s17 =	simm.s32 @!p1 $0x1C00;
	s14 =	sadd.s32 @!p1 s14, s16;
	s16 =	simm.s32 @!p1 $0x20  }
0x26: {  	[tilespmem:s15], [sflag:$0x1] =	stream.strided.gather @!p1 [hbm4b:s14+s16], $0x1000, s17, s16, $0x38;
	[tilespmem:$0x4040] =	vst v63  }
0x27: {  	p1 =	sge.u32 s31, s5  }
.Ltmp2:
0x28: {  	_ = 	snop;
	(pc) =	sbr.rel @p1 .LBB1_5-.Ltmp2, $1  }
0x29: {  	_ =	sdelay $0x3  }
0x2a: {  	s14 =	simm.s32 $0x1  }
0x2b: {  	_ =	swait.ge [sflag:s4], $0x1000;
	s14 =	simm.s32 @!p0 $0x0  }
0x2c: {  	[sflag:s4] =	ssyncset.done $0x0;
	s15 =	sshll.u32 s14, $0xC  }
0x2d: {  	[sflag:s4] =	ssyncadd.s32 $0xFFFFF000;
	s18 =	sor.u32 $0x10, s15  }
0x2e: {  	s14 =	smul.u32 $0x4080, s14;
	v1 =	vld [tilespmem:s18+$0x0]  }
0x2f: {  	s30 =	sand.u32 $0x1, s11;
	v0 =	vld [tilespmem:s18+$0xFFFFFFF0]  }
0x30: {  	s15 =	smul.u32 $0x4080, s30;
	s14 =	sshrl.u32 s14, $0x2  }
0x31: {  	s16 =	sor.u32 $0x2000, s14  }
0x32: {  	s31 =	sshrl.u32 s15, $0x2;
	s15 =	sadd.s32 $0x0, s16  }
0x33: {  	s17 =	simm.s32 $0x4;
	s18 =	sadd.s32 $0x20, s18;
	s14 =	sor.u32 $0x2000, s31;
	[tilespmem:s15+$0x810 ss:$0x81] =	vst.msk $0xffff, v1  }
.LBB1_3:
0x34: {  	v1 =	vld [tilespmem:s18+$0x0];
	p1 =	sne.s32 s17, $0x1FC;
	[tilespmem:s15+$0x0 ss:$0x81] =	vst.msk $0xffff, v0;
	s15 =	smov.u32 s17;
	s17 =	sadd.s32 $0x4, s17  }
.Ltmp3:
0x35: {  	v0 =	vld [tilespmem:s18+$0xFFFFFFF0];
	(pc) =	sbr.rel @p1 .LBB1_3-.Ltmp3, $4  }
0x36: {  	_ = 	snop  }
0x37: {  	s15 =	sshra.s32 s15, $0x2  }
0x38: {  	s15 =	sadd.s32 s15, s16  }
0x39: {  	s18 =	sadd.s32 $0x20, s18;
	[tilespmem:s15+$0x810 ss:$0x81] =	vst.msk $0xffff, v1  }
.Ltmp4:
0x3a: {  	_ = 	snop;
	(pc) =	sbr.rel .LBB1_4-.Ltmp4, $1  }
0x3b: {  	_ =	sdelay $0x3  }
.LBB1_6:
0x3c: {  	_ =	sfence.sel $0x180000  }
0x3d: {  	s2 =	simm.s32 $0x1;
	[bflag:$0x0] =	sbarrier.arrive $0xFFFF  }
0x3e: {  	s31 =	simm.s32 $0x2;
	[sflag:s2] =	ssyncpa.u1 $0x1  }
0x3f: {  	[sflag:s31] =	ssyncpa.u1 $0x1  }
0x40: {  	p0 =	sne.s32 s0, $0x0;
	_ =	strace $0x9000004A  }
0x41: {  	s0 =	sadd.s32 @!p0 $0x100000, s1;
	[bflag:$0x2] =	sbarrier.arrive $0xFFFF  }
0x42: {  	[sflag:s0] =	ssyncadd.tile.s32 @!p0 $0x1;
	_ =	shalt  }
.Lfunc_end1:
_tile_overlayer_lowered:
.L_overlay_start_2:
0x43: {  	(tag) =	ssettag $0x2  }
0x44: {  	s0 =	rddreg [dreg:$0x0];
	s2 =	stileid.u32  }
0x45: {  	s1 =	rddreg [dreg:$0x1];
	p0 =	sne.s32 s2, $0x0  }
0x46: {  	s3 =	rddreg [dreg:$0x2];
	[bflag:$0x3] =	sbarrier.arrive $0xFFFF;
	s2 =	simm.s32 @!p0 $0x1C01  }
0x47: {  	[timem:s3], [sflag:s2] =	dma.local @!p0 [hbm:s0], s1  }
0x48: {  	s0 =	simm.s32 @!p0 $0x1  }
0x49: {  	_ =	swait.ge @!p0 [sflag:s0], s1  }
0x4a: {  	s1 =	ssub.s32 @!p0 $0x0, s1;
	[sflag:s0] =	ssyncset.done @!p0 $0x0  }
0x4b: {  	[sflag:s0] =	ssyncadd.s32 @!p0 s1  }
0x4c: {  	[bflag:$0x3] =	sbarrier.arrive $0xFFFF  }
0x4d: {  	_ =	shalt  }

</sc_bundles>
